<compile_context>
chip_gen: v7x
topology: tpu7x:2x2x1
jax: 0.10.2.dev20260603
libtpu: 0.0.44.dev20260713+nightly
codegen_flags: <defaults>
</compile_context>

<pallas_src>
import functools

import jax
import jax.numpy as jnp
from jax import lax
from jax.experimental import pallas as pl
from jax.experimental.pallas import tpu as pltpu
from jax.experimental.pallas import tpu_sc as plsc

_B = 32
_T = 512
_K = 64
_START = 62
_END = 63
_LN2 = 0.6931471805599453

_NC = 2
_NS = 16
_NW = _NC * _NS
_L = 16
_GATHER_CHUNK = 128


def _gold_body(scores_hbm, targets_hbm, lengths_hbm, out_hbm,
               tgt_v, idx_v, val_v, len_v, acc_v, sem):
    w = lax.axis_index("s") * _NC + lax.axis_index("c")
    pltpu.sync_copy(targets_hbm.at[w], tgt_v)
    pltpu.sync_copy(lengths_hbm.at[w], len_v)
    lb = len_v[...]

    base = w * (_T * _K * _K)
    for c in range(_T // _L):
        tvec = lax.iota(jnp.int32, _L) + (c * _L)
        tgt = tgt_v[pl.ds(c * _L, _L)]
        idx_v[pl.ds(c * _L, _L)] = base + tvec * (_K * _K) + tgt

    descs = []
    for j in range(_T // _GATHER_CHUNK):
        sl = pl.ds(j * _GATHER_CHUNK, _GATHER_CHUNK)
        descs.append(pltpu.async_copy(scores_hbm.at[idx_v.at[sl]],
                                      val_v.at[sl], sem))
    for d in descs:
        d.wait()

    acc = jnp.zeros((_L,), jnp.float32)
    for c in range(_T // _L):
        tvec = lax.iota(jnp.int32, _L) + (c * _L)
        v = val_v[pl.ds(c * _L, _L)]
        acc = acc + jnp.where(tvec < lb, v, 0.0)
    acc_v[...] = acc
    pltpu.sync_copy(acc_v, out_hbm.at[w])


@functools.cache
def _gold_partials():
    return pl.kernel(
        _gold_body,
        out_type=jax.ShapeDtypeStruct((_NW, _L), jnp.float32),
        mesh=plsc.VectorSubcoreMesh(core_axis_name="c", subcore_axis_name="s",
                                    num_cores=_NC, num_subcores=_NS),
        scratch_types=[
            pltpu.VMEM((_T,), jnp.int32),
            pltpu.VMEM((_T,), jnp.int32),
            pltpu.VMEM((_T,), jnp.float32),
            pltpu.VMEM((_L,), jnp.int32),
            pltpu.VMEM((_L,), jnp.float32),
            pltpu.SemaphoreType.DMA,
        ],
    )


_C = 8
_TT = 8
_NCHUNK = _B // _C
_KH = _K // 2


def _fwd_body(len_smem, len2d_ref, scores_hbm, out_ref,
              buf_ref, p_ref, off_ref, sem):
    c = pl.program_id(0)
    lmax = len_smem[c * _C]
    ngrp = (lmax + _TT - 1) // _TT

    def row_dma(g, slot, r):
        return pltpu.make_async_copy(
            scores_hbm.at[pl.ds(c * _C + r, 1), pl.ds(g * _TT, _TT)],
            buf_ref.at[slot, pl.ds(r, 1)], sem.at[slot])

    def dma_start(g, slot):
        for r in range(_C):
            @pl.when(g * _TT < len_smem[c * _C + r])
            def _go():
                row_dma(g, slot, r).start()

    def dma_wait(g, slot):
        for r in range(_C):
            @pl.when(g * _TT < len_smem[c * _C + r])
            def _go():
                row_dma(g, slot, r).wait()

    dma_start(0, 0)

    def group(g, carry):
        slot = lax.rem(g, 2)

        @pl.when(g + 1 < ngrp)
        def _prefetch():
            dma_start(g + 1, lax.rem(g + 1, 2))

        dma_wait(g, slot)

        @pl.when(g == 0)
        def _init():
            a0 = buf_ref[slot, :, 0, _START, :]
            p_ref[...] = jnp.exp(a0)
            off_ref[...] = jnp.zeros((_C, _K), jnp.float32)

        for tt in range(_TT):
            t = g * _TT + tt
            e = jnp.exp(buf_ref[slot, :, tt])
            p = p_ref[...]
            pb = jnp.broadcast_to(p[:, :, None], (_C, _K, _K))
            pnew = jnp.sum(e * pb, axis=1)
            eb = (lax.bitcast_convert_type(pnew[:, 0:1], jnp.int32)
                  >> 23) & 0xFF
            scale = lax.bitcast_convert_type((254 - eb) << 23, jnp.float32)
            act = (len2d_ref[...] > t) & (t > 0)
            p_ref[...] = jnp.where(act, pnew * scale, p)
            off_ref[...] = jnp.where(
                act, off_ref[...] + (eb - 127).astype(jnp.float32) * _LN2,
                off_ref[...])
        return carry

    lax.fori_loop(0, ngrp, group, 0)
    alpha = jnp.log(p_ref[...]) + off_ref[...]
    partial = jnp.sum(alpha[:, _END])

    @pl.when(c == 0)
    def _first():
        out_ref[0, 0] = partial

    @pl.when(c > 0)
    def _rest():
        out_ref[0, 0] = out_ref[0, 0] + partial


def _forward(scores4, lengths, lengths2d):
    return pl.pallas_call(
        _fwd_body,
        grid=(_NCHUNK,),
        in_specs=[
            pl.BlockSpec(memory_space=pltpu.SMEM),
            pl.BlockSpec((_C, _K), lambda c: (c, 0)),
            pl.BlockSpec(memory_space=pl.ANY),
        ],
        out_specs=pl.BlockSpec(memory_space=pltpu.SMEM),
        out_shape=jax.ShapeDtypeStruct((1, 1), jnp.float32),
        scratch_shapes=[
            pltpu.VMEM((2, _C, _TT, _K, _K), jnp.float32),
            pltpu.VMEM((_C, _K), jnp.float32),
            pltpu.VMEM((_C, _K), jnp.float32),
            pltpu.SemaphoreType.DMA((2,)),
        ],
    )(lengths, lengths2d, scores4)


@jax.jit
def kernel(scores, targets, lengths):
    flat = scores.reshape(-1)
    len_splat = jnp.broadcast_to(lengths.astype(jnp.int32)[:, None], (_B, _L))
    gold = jnp.sum(_gold_partials()(flat, targets.astype(jnp.int32), len_splat))
    lengths2d = jnp.broadcast_to(lengths.astype(jnp.int32)[:, None], (_B, _K))
    scoresn = flat.reshape(_B, _T, _K, _K)
    all_paths = _forward(scoresn, lengths.astype(jnp.int32), lengths2d)[0, 0]
    return (all_paths - gold) / _B

# --- scband reference (transcript-rebuilt; emitter-appended) ---
"""Pipeline reference for scband-viterbi-loss-30279519437537 (READ-ONLY COPY).

The authoritative reference and input builder live on the scoring server;
editing this copy changes nothing except your own understanding.
"""

import jax, jax.numpy as jnp
import numpy as np

B = 32
T = 512
TAGSET = 64
START_TAG = 62
END_TAG = 63


def log_sum_exp(x, axis):
    m = jnp.max(x, axis=axis, keepdims=True)
    return jnp.squeeze(m, axis) + jnp.log(jnp.sum(jnp.exp(x - m), axis=axis))


def setup_inputs(seed: int = 0) -> dict:
    key = jax.random.key(seed)
    k1, k2, k3 = jax.random.split(key, 3)
    scores = jax.random.normal(k1, (B, T, TAGSET, TAGSET), dtype=jnp.float32)
    targets = jax.random.randint(k2, (B, T), 0, TAGSET * TAGSET)
    # lengths must be sorted descending (pack_padded_sequence semantics) and >= 1
    lengths = jnp.flip(jnp.sort(jax.random.randint(k3, (B,), 1, T + 1)))
    return {"scores": scores, "targets": targets, "lengths": lengths}


def reference(scores, targets, lengths):
    Bs, Ts = scores.shape[0], scores.shape[1]
    # gold score: gather target-path scores, masked sum over valid timesteps
    flat = scores.reshape(Bs, Ts, -1)
    s_at_t = jnp.take_along_axis(flat, targets[:, :, None], axis=2)[:, :, 0]
    valid = jnp.arange(Ts)[None, :] < lengths[:, None]
    gold_score = jnp.sum(jnp.where(valid, s_at_t, 0.0))
    # forward (alpha) recurrence over time, masked by per-sequence lengths
    scores_upto_0 = jnp.where((lengths > 0)[:, None], scores[:, 0, START_TAG, :], 0.0)
    scores_tfirst = jnp.swapaxes(scores, 0, 1)  # [T, B, TAGSET, TAGSET]

    def step(carry, xs):
        s_t, t = xs
        new = log_sum_exp(s_t + carry[:, :, None], axis=1)
        active = (lengths > t)[:, None]
        return jnp.where(active, new, carry), None

    final, _ = jax.lax.scan(step, scores_upto_0, (scores_tfirst[1:], jnp.arange(1, Ts)))
    all_paths_scores = jnp.sum(final[:, END_TAG])
    viterbi_loss = (all_paths_scores - gold_score) / Bs
    return viterbi_loss


if False:  # reference __main__ guard neutralized (emitter)
    out = reference(**setup_inputs())
    print(out)

if __name__ == "__main__":
    import jax
    _d = setup_inputs()
    print(jax.jit(kernel)(*tuple(_d.values())))

</pallas_src>

<mosaic_0001>
#map = affine_map<(d0, d1) -> (0)>
#map1 = affine_map<(d0, d1) -> (0, 0)>
module attributes {stable_mosaic.version = 14 : i64} {
  func.func @_gold_body(%arg0: i32, %arg1: i32, %arg2: memref<67108864xf32, #tpu.memory_space<hbm>>, %arg3: memref<32x512xi32, #tpu.memory_space<hbm>>, %arg4: memref<32x16xi32, #tpu.memory_space<hbm>>, %arg5: memref<32x16xf32, #tpu.memory_space<hbm>>, %arg6: memref<512xi32, #tpu.memory_space<vmem>>, %arg7: memref<512xi32, #tpu.memory_space<vmem>>, %arg8: memref<512xf32, #tpu.memory_space<vmem>>, %arg9: memref<16xi32, #tpu.memory_space<vmem>>, %arg10: memref<16xf32, #tpu.memory_space<vmem>>, %arg11: memref<!tpu.dma_semaphore, #tpu.memory_space<semaphore_mem>>) attributes {dimension_semantics = [#tpu.dimension_semantics<core_parallel>, #tpu.dimension_semantics<subcore_parallel>], iteration_bounds = array<i64: 2, 16>, scalar_prefetch = 0 : i64, scratch_operands = 6 : i64, tpu.core_type = #tpu.core_type<sc_vector_subcore>, window_params = [{transform_indices = #map}, {transform_indices = #map1}, {transform_indices = #map1}, {transform_indices = #map1}]} {
    %mul3A = arith.constant 2 : i32
    %mul3A_0 = arith.muli %arg1, %mul3A : i32
    %add3A = arith.addi %mul3A_0, %arg0 : i32
    "tpu.region"() ({
      %run_scoped3A = tpu.sem_alloc : memref<!tpu.dma_semaphore, #tpu.memory_space<semaphore_mem>>
      %dma_start3A_979 = arith.constant 0 : i32
      %dma_start3A_980 = tpu.memref_slice %arg3[%add3A, %dma_start3A_979] : memref<32x512xi32, #tpu.memory_space<hbm>> -> memref<1x512xi32, #tpu.memory_space<hbm>>
      %dma_start3A_981 = tpu.memref_squeeze %dma_start3A_980 : memref<1x512xi32, #tpu.memory_space<hbm>> -> memref<512xi32, #tpu.memory_space<hbm>>
      %dma_start3A_982 = arith.constant 0 : i32
      %dma_start3A_983 = tpu.memref_slice %arg3[%add3A, %dma_start3A_982] : memref<32x512xi32, #tpu.memory_space<hbm>> -> memref<1x512xi32, #tpu.memory_space<hbm>>
      %dma_start3A_984 = tpu.memref_squeeze %dma_start3A_983 : memref<1x512xi32, #tpu.memory_space<hbm>> -> memref<512xi32, #tpu.memory_space<hbm>>
      tpu.enqueue_dma source(%dma_start3A_984 : memref<512xi32, #tpu.memory_space<hbm>>) target(%arg6 : memref<512xi32, #tpu.memory_space<vmem>>) target_semaphore(%run_scoped3A : memref<!tpu.dma_semaphore, #tpu.memory_space<semaphore_mem>>)
      %dma_wait3A_985 = arith.constant 0 : i32
      %dma_wait3A_986 = tpu.memref_slice %arg3[%add3A, %dma_wait3A_985] : memref<32x512xi32, #tpu.memory_space<hbm>> -> memref<1x512xi32, #tpu.memory_space<hbm>>
      %dma_wait3A_987 = tpu.memref_squeeze %dma_wait3A_986 : memref<1x512xi32, #tpu.memory_space<hbm>> -> memref<512xi32, #tpu.memory_space<hbm>>
      %dma_wait3A_988 = arith.constant 0 : i32
      %dma_wait3A_989 = tpu.memref_slice %arg3[%add3A, %dma_wait3A_988] : memref<32x512xi32, #tpu.memory_space<hbm>> -> memref<1x512xi32, #tpu.memory_space<hbm>>
      %dma_wait3A_990 = tpu.memref_squeeze %dma_wait3A_989 : memref<1x512xi32, #tpu.memory_space<hbm>> -> memref<512xi32, #tpu.memory_space<hbm>>
      tpu.wait_dma2 semaphore(%run_scoped3A : memref<!tpu.dma_semaphore, #tpu.memory_space<semaphore_mem>>) src(%dma_wait3A_990 : memref<512xi32, #tpu.memory_space<hbm>>) dst(%arg6 : memref<512xi32, #tpu.memory_space<vmem>>)
      tpu.yield
    }) : () -> ()
    "tpu.region"() ({
      %run_scoped3A = tpu.sem_alloc : memref<!tpu.dma_semaphore, #tpu.memory_space<semaphore_mem>>
      %dma_start3A_979 = arith.constant 0 : i32
      %dma_start3A_980 = tpu.memref_slice %arg4[%add3A, %dma_start3A_979] : memref<32x16xi32, #tpu.memory_space<hbm>> -> memref<1x16xi32, #tpu.memory_space<hbm>>
      %dma_start3A_981 = tpu.memref_squeeze %dma_start3A_980 : memref<1x16xi32, #tpu.memory_space<hbm>> -> memref<16xi32, #tpu.memory_space<hbm>>
      %dma_start3A_982 = arith.constant 0 : i32
      %dma_start3A_983 = tpu.memref_slice %arg4[%add3A, %dma_start3A_982] : memref<32x16xi32, #tpu.memory_space<hbm>> -> memref<1x16xi32, #tpu.memory_space<hbm>>
      %dma_start3A_984 = tpu.memref_squeeze %dma_start3A_983 : memref<1x16xi32, #tpu.memory_space<hbm>> -> memref<16xi32, #tpu.memory_space<hbm>>
      tpu.enqueue_dma source(%dma_start3A_984 : memref<16xi32, #tpu.memory_space<hbm>>) target(%arg9 : memref<16xi32, #tpu.memory_space<vmem>>) target_semaphore(%run_scoped3A : memref<!tpu.dma_semaphore, #tpu.memory_space<semaphore_mem>>)
      %dma_wait3A_985 = arith.constant 0 : i32
      %dma_wait3A_986 = tpu.memref_slice %arg4[%add3A, %dma_wait3A_985] : memref<32x16xi32, #tpu.memory_space<hbm>> -> memref<1x16xi32, #tpu.memory_space<hbm>>
      %dma_wait3A_987 = tpu.memref_squeeze %dma_wait3A_986 : memref<1x16xi32, #tpu.memory_space<hbm>> -> memref<16xi32, #tpu.memory_space<hbm>>
      %dma_wait3A_988 = arith.constant 0 : i32
      %dma_wait3A_989 = tpu.memref_slice %arg4[%add3A, %dma_wait3A_988] : memref<32x16xi32, #tpu.memory_space<hbm>> -> memref<1x16xi32, #tpu.memory_space<hbm>>
      %dma_wait3A_990 = tpu.memref_squeeze %dma_wait3A_989 : memref<1x16xi32, #tpu.memory_space<hbm>> -> memref<16xi32, #tpu.memory_space<hbm>>
      tpu.wait_dma2 semaphore(%run_scoped3A : memref<!tpu.dma_semaphore, #tpu.memory_space<semaphore_mem>>) src(%dma_wait3A_990 : memref<16xi32, #tpu.memory_space<hbm>>) dst(%arg9 : memref<16xi32, #tpu.memory_space<vmem>>)
      tpu.yield
    }) : () -> ()
    %get3A = arith.constant 0 : index
    %get3A_1 = tpu.vector_load %arg9[%get3A] {strides = array<i32>} : memref<16xi32, #tpu.memory_space<vmem>>, vector<16xi32>,
    %get3A_2 = vector.shape_cast %get3A_1 : vector<16xi32> to vector<16xi32>
    %mul3A_3 = arith.constant 2097152 : i32
    %mul3A_4 = arith.muli %add3A, %mul3A_3 : i32
    %iota3A = tpu.iota {dimensions = array<i32: 0>} : vector<16xi32>
    %add3A_5 = arith.constant 0 : i32
    %add3A_6 = vector.broadcast %add3A_5 : i32 to vector<16xi32>
    %add3A_7 = arith.addi %iota3A, %add3A_6 : vector<16xi32>
    %get3A_8 = arith.constant 0 : index
    %get3A_9 = tpu.vector_load %arg6[%get3A_8] {strides = array<i32>} : memref<512xi32, #tpu.memory_space<vmem>>, vector<16xi32>,
    %get3A_10 = vector.shape_cast %get3A_9 : vector<16xi32> to vector<16xi32>
    %mul3A_11 = arith.constant 4096 : i32
    %mul3A_12 = vector.broadcast %mul3A_11 : i32 to vector<16xi32>
    %mul3A_13 = arith.muli %add3A_7, %mul3A_12 : vector<16xi32>
    %add3A_14 = vector.broadcast %mul3A_4 : i32 to vector<16xi32>
    %add3A_15 = arith.addi %add3A_14, %mul3A_13 : vector<16xi32>
    %add3A_16 = arith.addi %add3A_15, %get3A_10 : vector<16xi32>
    %swap3A = arith.constant 0 : index
    %swap3A_17 = tpu.vector_load %arg7[%swap3A] {strides = array<i32>} : memref<512xi32, #tpu.memory_space<vmem>>, vector<16xi32>,
    %swap3A_18 = vector.shape_cast %swap3A_17 : vector<16xi32> to vector<16xi32>
    %swap3A_19 = vector.shape_cast %add3A_16 : vector<16xi32> to vector<16xi32>
    tpu.vector_store %arg7[%swap3A], %swap3A_19 {strides = array<i32>} : memref<512xi32, #tpu.memory_space<vmem>>, vector<16xi32>,
    %iota3A_20 = tpu.iota {dimensions = array<i32: 0>} : vector<16xi32>
    %add3A_21 = arith.constant 16 : i32
    %add3A_22 = vector.broadcast %add3A_21 : i32 to vector<16xi32>
    %add3A_23 = arith.addi %iota3A_20, %add3A_22 : vector<16xi32>
    %get3A_24 = arith.constant 16 : index
    %get3A_25 = tpu.vector_load %arg6[%get3A_24] {strides = array<i32>} : memref<512xi32, #tpu.memory_space<vmem>>, vector<16xi32>,
    %get3A_26 = vector.shape_cast %get3A_25 : vector<16xi32> to vector<16xi32>
    %mul3A_27 = arith.constant 4096 : i32
    %mul3A_28 = vector.broadcast %mul3A_27 : i32 to vector<16xi32>
    %mul3A_29 = arith.muli %add3A_23, %mul3A_28 : vector<16xi32>
    %add3A_30 = vector.broadcast %mul3A_4 : i32 to vector<16xi32>
    %add3A_31 = arith.addi %add3A_30, %mul3A_29 : vector<16xi32>
    %add3A_32 = arith.addi %add3A_31, %get3A_26 : vector<16xi32>
    %swap3A_33 = arith.constant 16 : index
    %swap3A_34 = tpu.vector_load %arg7[%swap3A_33] {strides = array<i32>} : memref<512xi32, #tpu.memory_space<vmem>>, vector<16xi32>,
    %swap3A_35 = vector.shape_cast %swap3A_34 : vector<16xi32> to vector<16xi32>
    %swap3A_36 = vector.shape_cast %add3A_32 : vector<16xi32> to vector<16xi32>
    tpu.vector_store %arg7[%swap3A_33], %swap3A_36 {strides = array<i32>} : memref<512xi32, #tpu.memory_space<vmem>>, vector<16xi32>,
    %iota3A_37 = tpu.iota {dimensions = array<i32: 0>} : vector<16xi32>
    %add3A_38 = arith.constant 32 : i32
    %add3A_39 = vector.broadcast %add3A_38 : i32 to vector<16xi32>
    %add3A_40 = arith.addi %iota3A_37, %add3A_39 : vector<16xi32>
    %get3A_41 = arith.constant 32 : index
    %get3A_42 = tpu.vector_load %arg6[%get3A_41] {strides = array<i32>} : memref<512xi32, #tpu.memory_space<vmem>>, vector<16xi32>,
    %get3A_43 = vector.shape_cast %get3A_42 : vector<16xi32> to vector<16xi32>
    %mul3A_44 = arith.constant 4096 : i32
    %mul3A_45 = vector.broadcast %mul3A_44 : i32 to vector<16xi32>
    %mul3A_46 = arith.muli %add3A_40, %mul3A_45 : vector<16xi32>
    %add3A_47 = vector.broadcast %mul3A_4 : i32 to vector<16xi32>
    %add3A_48 = arith.addi %add3A_47, %mul3A_46 : vector<16xi32>
    %add3A_49 = arith.addi %add3A_48, %get3A_43 : vector<16xi32>
    %swap3A_50 = arith.constant 32 : index
    %swap3A_51 = tpu.vector_load %arg7[%swap3A_50] {strides = array<i32>} : memref<512xi32, #tpu.memory_space<vmem>>, vector<16xi32>,
    %swap3A_52 = vector.shape_cast %swap3A_51 : vector<16xi32> to vector<16xi32>
    %swap3A_53 = vector.shape_cast %add3A_49 : vector<16xi32> to vector<16xi32>
    tpu.vector_store %arg7[%swap3A_50], %swap3A_53 {strides = array<i32>} : memref<512xi32, #tpu.memory_space<vmem>>, vector<16xi32>,
    %iota3A_54 = tpu.iota {dimensions = array<i32: 0>} : vector<16xi32>
    %add3A_55 = arith.constant 48 : i32
    %add3A_56 = vector.broadcast %add3A_55 : i32 to vector<16xi32>
    %add3A_57 = arith.addi %iota3A_54, %add3A_56 : vector<16xi32>
    %get3A_58 = arith.constant 48 : index
    %get3A_59 = tpu.vector_load %arg6[%get3A_58] {strides = array<i32>} : memref<512xi32, #tpu.memory_space<vmem>>, vector<16xi32>,
    %get3A_60 = vector.shape_cast %get3A_59 : vector<16xi32> to vector<16xi32>
    %mul3A_61 = arith.constant 4096 : i32
    %mul3A_62 = vector.broadcast %mul3A_61 : i32 to vector<16xi32>
    %mul3A_63 = arith.muli %add3A_57, %mul3A_62 : vector<16xi32>
    %add3A_64 = vector.broadcast %mul3A_4 : i32 to vector<16xi32>
    %add3A_65 = arith.addi %add3A_64, %mul3A_63 : vector<16xi32>
    %add3A_66 = arith.addi %add3A_65, %get3A_60 : vector<16xi32>
    %swap3A_67 = arith.constant 48 : index
    %swap3A_68 = tpu.vector_load %arg7[%swap3A_67] {strides = array<i32>} : memref<512xi32, #tpu.memory_space<vmem>>, vector<16xi32>,
    %swap3A_69 = vector.shape_cast %swap3A_68 : vector<16xi32> to vector<16xi32>
    %swap3A_70 = vector.shape_cast %add3A_66 : vector<16xi32> to vector<16xi32>
    tpu.vector_store %arg7[%swap3A_67], %swap3A_70 {strides = array<i32>} : memref<512xi32, #tpu.memory_space<vmem>>, vector<16xi32>,
    %iota3A_71 = tpu.iota {dimensions = array<i32: 0>} : vector<16xi32>
    %add3A_72 = arith.constant 64 : i32
    %add3A_73 = vector.broadcast %add3A_72 : i32 to vector<16xi32>
    %add3A_74 = arith.addi %iota3A_71, %add3A_73 : vector<16xi32>
    %get3A_75 = arith.constant 64 : index
    %get3A_76 = tpu.vector_load %arg6[%get3A_75] {strides = array<i32>} : memref<512xi32, #tpu.memory_space<vmem>>, vector<16xi32>,
    %get3A_77 = vector.shape_cast %get3A_76 : vector<16xi32> to vector<16xi32>
    %mul3A_78 = arith.constant 4096 : i32
    %mul3A_79 = vector.broadcast %mul3A_78 : i32 to vector<16xi32>
    %mul3A_80 = arith.muli %add3A_74, %mul3A_79 : vector<16xi32>
    %add3A_81 = vector.broadcast %mul3A_4 : i32 to vector<16xi32>
    %add3A_82 = arith.addi %add3A_81, %mul3A_80 : vector<16xi32>
    %add3A_83 = arith.addi %add3A_82, %get3A_77 : vector<16xi32>
    %swap3A_84 = arith.constant 64 : index
    %swap3A_85 = tpu.vector_load %arg7[%swap3A_84] {strides = array<i32>} : memref<512xi32, #tpu.memory_space<vmem>>, vector<16xi32>,
    %swap3A_86 = vector.shape_cast %swap3A_85 : vector<16xi32> to vector<16xi32>
    %swap3A_87 = vector.shape_cast %add3A_83 : vector<16xi32> to vector<16xi32>
    tpu.vector_store %arg7[%swap3A_84], %swap3A_87 {strides = array<i32>} : memref<512xi32, #tpu.memory_space<vmem>>, vector<16xi32>,
    %iota3A_88 = tpu.iota {dimensions = array<i32: 0>} : vector<16xi32>
    %add3A_89 = arith.constant 80 : i32
    %add3A_90 = vector.broadcast %add3A_89 : i32 to vector<16xi32>
    %add3A_91 = arith.addi %iota3A_88, %add3A_90 : vector<16xi32>
    %get3A_92 = arith.constant 80 : index
    %get3A_93 = tpu.vector_load %arg6[%get3A_92] {strides = array<i32>} : memref<512xi32, #tpu.memory_space<vmem>>, vector<16xi32>,
    %get3A_94 = vector.shape_cast %get3A_93 : vector<16xi32> to vector<16xi32>
    %mul3A_95 = arith.constant 4096 : i32
    %mul3A_96 = vector.broadcast %mul3A_95 : i32 to vector<16xi32>
    %mul3A_97 = arith.muli %add3A_91, %mul3A_96 : vector<16xi32>
    %add3A_98 = vector.broadcast %mul3A_4 : i32 to vector<16xi32>
    %add3A_99 = arith.addi %add3A_98, %mul3A_97 : vector<16xi32>
    %add3A_100 = arith.addi %add3A_99, %get3A_94 : vector<16xi32>
    %swap3A_101 = arith.constant 80 : index
    %swap3A_102 = tpu.vector_load %arg7[%swap3A_101] {strides = array<i32>} : memref<512xi32, #tpu.memory_space<vmem>>, vector<16xi32>,
    %swap3A_103 = vector.shape_cast %swap3A_102 : vector<16xi32> to vector<16xi32>
    %swap3A_104 = vector.shape_cast %add3A_100 : vector<16xi32> to vector<16xi32>
    tpu.vector_store %arg7[%swap3A_101], %swap3A_104 {strides = array<i32>} : memref<512xi32, #tpu.memory_space<vmem>>, vector<16xi32>,
    %iota3A_105 = tpu.iota {dimensions = array<i32: 0>} : vector<16xi32>
    %add3A_106 = arith.constant 96 : i32
    %add3A_107 = vector.broadcast %add3A_106 : i32 to vector<16xi32>
    %add3A_108 = arith.addi %iota3A_105, %add3A_107 : vector<16xi32>
    %get3A_109 = arith.constant 96 : index
    %get3A_110 = tpu.vector_load %arg6[%get3A_109] {strides = array<i32>} : memref<512xi32, #tpu.memory_space<vmem>>, vector<16xi32>,
    %get3A_111 = vector.shape_cast %get3A_110 : vector<16xi32> to vector<16xi32>
    %mul3A_112 = arith.constant 4096 : i32
    %mul3A_113 = vector.broadcast %mul3A_112 : i32 to vector<16xi32>
    %mul3A_114 = arith.muli %add3A_108, %mul3A_113 : vector<16xi32>
    %add3A_115 = vector.broadcast %mul3A_4 : i32 to vector<16xi32>
    %add3A_116 = arith.addi %add3A_115, %mul3A_114 : vector<16xi32>
    %add3A_117 = arith.addi %add3A_116, %get3A_111 : vector<16xi32>
    %swap3A_118 = arith.constant 96 : index
    %swap3A_119 = tpu.vector_load %arg7[%swap3A_118] {strides = array<i32>} : memref<512xi32, #tpu.memory_space<vmem>>, vector<16xi32>,
    %swap3A_120 = vector.shape_cast %swap3A_119 : vector<16xi32> to vector<16xi32>
    %swap3A_121 = vector.shape_cast %add3A_117 : vector<16xi32> to vector<16xi32>
    tpu.vector_store %arg7[%swap3A_118], %swap3A_121 {strides = array<i32>} : memref<512xi32, #tpu.memory_space<vmem>>, vector<16xi32>,
    %iota3A_122 = tpu.iota {dimensions = array<i32: 0>} : vector<16xi32>
    %add3A_123 = arith.constant 112 : i32
    %add3A_124 = vector.broadcast %add3A_123 : i32 to vector<16xi32>
    %add3A_125 = arith.addi %iota3A_122, %add3A_124 : vector<16xi32>
    %get3A_126 = arith.constant 112 : index
    %get3A_127 = tpu.vector_load %arg6[%get3A_126] {strides = array<i32>} : memref<512xi32, #tpu.memory_space<vmem>>, vector<16xi32>,
    %get3A_128 = vector.shape_cast %get3A_127 : vector<16xi32> to vector<16xi32>
    %mul3A_129 = arith.constant 4096 : i32
    %mul3A_130 = vector.broadcast %mul3A_129 : i32 to vector<16xi32>
    %mul3A_131 = arith.muli %add3A_125, %mul3A_130 : vector<16xi32>
    %add3A_132 = vector.broadcast %mul3A_4 : i32 to vector<16xi32>
    %add3A_133 = arith.addi %add3A_132, %mul3A_131 : vector<16xi32>
    %add3A_134 = arith.addi %add3A_133, %get3A_128 : vector<16xi32>
    %swap3A_135 = arith.constant 112 : index
    %swap3A_136 = tpu.vector_load %arg7[%swap3A_135] {strides = array<i32>} : memref<512xi32, #tpu.memory_space<vmem>>, vector<16xi32>,
    %swap3A_137 = vector.shape_cast %swap3A_136 : vector<16xi32> to vector<16xi32>
    %swap3A_138 = vector.shape_cast %add3A_134 : vector<16xi32> to vector<16xi32>
    tpu.vector_store %arg7[%swap3A_135], %swap3A_138 {strides = array<i32>} : memref<512xi32, #tpu.memory_space<vmem>>, vector<16xi32>,
    %iota3A_139 = tpu.iota {dimensions = array<i32: 0>} : vector<16xi32>
    %add3A_140 = arith.constant 128 : i32
    %add3A_141 = vector.broadcast %add3A_140 : i32 to vector<16xi32>
    %add3A_142 = arith.addi %iota3A_139, %add3A_141 : vector<16xi32>
    %get3A_143 = arith.constant 128 : index
    %get3A_144 = tpu.vector_load %arg6[%get3A_143] {strides = array<i32>} : memref<512xi32, #tpu.memory_space<vmem>>, vector<16xi32>,
    %get3A_145 = vector.shape_cast %get3A_144 : vector<16xi32> to vector<16xi32>
    %mul3A_146 = arith.constant 4096 : i32
    %mul3A_147 = vector.broadcast %mul3A_146 : i32 to vector<16xi32>
    %mul3A_148 = arith.muli %add3A_142, %mul3A_147 : vector<16xi32>
    %add3A_149 = vector.broadcast %mul3A_4 : i32 to vector<16xi32>
    %add3A_150 = arith.addi %add3A_149, %mul3A_148 : vector<16xi32>
    %add3A_151 = arith.addi %add3A_150, %get3A_145 : vector<16xi32>
    %swap3A_152 = arith.constant 128 : index
    %swap3A_153 = tpu.vector_load %arg7[%swap3A_152] {strides = array<i32>} : memref<512xi32, #tpu.memory_space<vmem>>, vector<16xi32>,
    %swap3A_154 = vector.shape_cast %swap3A_153 : vector<16xi32> to vector<16xi32>
    %swap3A_155 = vector.shape_cast %add3A_151 : vector<16xi32> to vector<16xi32>
    tpu.vector_store %arg7[%swap3A_152], %swap3A_155 {strides = array<i32>} : memref<512xi32, #tpu.memory_space<vmem>>, vector<16xi32>,
    %iota3A_156 = tpu.iota {dimensions = array<i32: 0>} : vector<16xi32>
    %add3A_157 = arith.constant 144 : i32
    %add3A_158 = vector.broadcast %add3A_157 : i32 to vector<16xi32>
    %add3A_159 = arith.addi %iota3A_156, %add3A_158 : vector<16xi32>
    %get3A_160 = arith.constant 144 : index
    %get3A_161 = tpu.vector_load %arg6[%get3A_160] {strides = array<i32>} : memref<512xi32, #tpu.memory_space<vmem>>, vector<16xi32>,
    %get3A_162 = vector.shape_cast %get3A_161 : vector<16xi32> to vector<16xi32>
    %mul3A_163 = arith.constant 4096 : i32
    %mul3A_164 = vector.broadcast %mul3A_163 : i32 to vector<16xi32>
    %mul3A_165 = arith.muli %add3A_159, %mul3A_164 : vector<16xi32>
    %add3A_166 = vector.broadcast %mul3A_4 : i32 to vector<16xi32>
    %add3A_167 = arith.addi %add3A_166, %mul3A_165 : vector<16xi32>
    %add3A_168 = arith.addi %add3A_167, %get3A_162 : vector<16xi32>
    %swap3A_169 = arith.constant 144 : index
    %swap3A_170 = tpu.vector_load %arg7[%swap3A_169] {strides = array<i32>} : memref<512xi32, #tpu.memory_space<vmem>>, vector<16xi32>,
    %swap3A_171 = vector.shape_cast %swap3A_170 : vector<16xi32> to vector<16xi32>
    %swap3A_172 = vector.shape_cast %add3A_168 : vector<16xi32> to vector<16xi32>
    tpu.vector_store %arg7[%swap3A_169], %swap3A_172 {strides = array<i32>} : memref<512xi32, #tpu.memory_space<vmem>>, vector<16xi32>,
    %iota3A_173 = tpu.iota {dimensions = array<i32: 0>} : vector<16xi32>
    %add3A_174 = arith.constant 160 : i32
    %add3A_175 = vector.broadcast %add3A_174 : i32 to vector<16xi32>
    %add3A_176 = arith.addi %iota3A_173, %add3A_175 : vector<16xi32>
    %get3A_177 = arith.constant 160 : index
    %get3A_178 = tpu.vector_load %arg6[%get3A_177] {strides = array<i32>} : memref<512xi32, #tpu.memory_space<vmem>>, vector<16xi32>,
    %get3A_179 = vector.shape_cast %get3A_178 : vector<16xi32> to vector<16xi32>
    %mul3A_180 = arith.constant 4096 : i32
    %mul3A_181 = vector.broadcast %mul3A_180 : i32 to vector<16xi32>
    %mul3A_182 = arith.muli %add3A_176, %mul3A_181 : vector<16xi32>
    %add3A_183 = vector.broadcast %mul3A_4 : i32 to vector<16xi32>
    %add3A_184 = arith.addi %add3A_183, %mul3A_182 : vector<16xi32>
    %add3A_185 = arith.addi %add3A_184, %get3A_179 : vector<16xi32>
    %swap3A_186 = arith.constant 160 : index
    %swap3A_187 = tpu.vector_load %arg7[%swap3A_186] {strides = array<i32>} : memref<512xi32, #tpu.memory_space<vmem>>, vector<16xi32>,
    %swap3A_188 = vector.shape_cast %swap3A_187 : vector<16xi32> to vector<16xi32>
    %swap3A_189 = vector.shape_cast %add3A_185 : vector<16xi32> to vector<16xi32>
    tpu.vector_store %arg7[%swap3A_186], %swap3A_189 {strides = array<i32>} : memref<512xi32, #tpu.memory_space<vmem>>, vector<16xi32>,
    %iota3A_190 = tpu.iota {dimensions = array<i32: 0>} : vector<16xi32>
    %add3A_191 = arith.constant 176 : i32
    %add3A_192 = vector.broadcast %add3A_191 : i32 to vector<16xi32>
    %add3A_193 = arith.addi %iota3A_190, %add3A_192 : vector<16xi32>
    %get3A_194 = arith.constant 176 : index
    %get3A_195 = tpu.vector_load %arg6[%get3A_194] {strides = array<i32>} : memref<512xi32, #tpu.memory_space<vmem>>, vector<16xi32>,
    %get3A_196 = vector.shape_cast %get3A_195 : vector<16xi32> to vector<16xi32>
    %mul3A_197 = arith.constant 4096 : i32
    %mul3A_198 = vector.broadcast %mul3A_197 : i32 to vector<16xi32>
    %mul3A_199 = arith.muli %add3A_193, %mul3A_198 : vector<16xi32>
    %add3A_200 = vector.broadcast %mul3A_4 : i32 to vector<16xi32>
    %add3A_201 = arith.addi %add3A_200, %mul3A_199 : vector<16xi32>
    %add3A_202 = arith.addi %add3A_201, %get3A_196 : vector<16xi32>
    %swap3A_203 = arith.constant 176 : index
    %swap3A_204 = tpu.vector_load %arg7[%swap3A_203] {strides = array<i32>} : memref<512xi32, #tpu.memory_space<vmem>>, vector<16xi32>,
    %swap3A_205 = vector.shape_cast %swap3A_204 : vector<16xi32> to vector<16xi32>
    %swap3A_206 = vector.shape_cast %add3A_202 : vector<16xi32> to vector<16xi32>
    tpu.vector_store %arg7[%swap3A_203], %swap3A_206 {strides = array<i32>} : memref<512xi32, #tpu.memory_space<vmem>>, vector<16xi32>,
    %iota3A_207 = tpu.iota {dimensions = array<i32: 0>} : vector<16xi32>
    %add3A_208 = arith.constant 192 : i32
    %add3A_209 = vector.broadcast %add3A_208 : i32 to vector<16xi32>
    %add3A_210 = arith.addi %iota3A_207, %add3A_209 : vector<16xi32>
    %get3A_211 = arith.constant 192 : index
    %get3A_212 = tpu.vector_load %arg6[%get3A_211] {strides = array<i32>} : memref<512xi32, #tpu.memory_space<vmem>>, vector<16xi32>,
    %get3A_213 = vector.shape_cast %get3A_212 : vector<16xi32> to vector<16xi32>
    %mul3A_214 = arith.constant 4096 : i32
    %mul3A_215 = vector.broadcast %mul3A_214 : i32 to vector<16xi32>
    %mul3A_216 = arith.muli %add3A_210, %mul3A_215 : vector<16xi32>
    %add3A_217 = vector.broadcast %mul3A_4 : i32 to vector<16xi32>
    %add3A_218 = arith.addi %add3A_217, %mul3A_216 : vector<16xi32>
    %add3A_219 = arith.addi %add3A_218, %get3A_213 : vector<16xi32>
    %swap3A_220 = arith.constant 192 : index
    %swap3A_221 = tpu.vector_load %arg7[%swap3A_220] {strides = array<i32>} : memref<512xi32, #tpu.memory_space<vmem>>, vector<16xi32>,
    %swap3A_222 = vector.shape_cast %swap3A_221 : vector<16xi32> to vector<16xi32>
    %swap3A_223 = vector.shape_cast %add3A_219 : vector<16xi32> to vector<16xi32>
    tpu.vector_store %arg7[%swap3A_220], %swap3A_223 {strides = array<i32>} : memref<512xi32, #tpu.memory_space<vmem>>, vector<16xi32>,
    %iota3A_224 = tpu.iota {dimensions = array<i32: 0>} : vector<16xi32>
    %add3A_225 = arith.constant 208 : i32
    %add3A_226 = vector.broadcast %add3A_225 : i32 to vector<16xi32>
    %add3A_227 = arith.addi %iota3A_224, %add3A_226 : vector<16xi32>
    %get3A_228 = arith.constant 208 : index
    %get3A_229 = tpu.vector_load %arg6[%get3A_228] {strides = array<i32>} : memref<512xi32, #tpu.memory_space<vmem>>, vector<16xi32>,
    %get3A_230 = vector.shape_cast %get3A_229 : vector<16xi32> to vector<16xi32>
    %mul3A_231 = arith.constant 4096 : i32
    %mul3A_232 = vector.broadcast %mul3A_231 : i32 to vector<16xi32>
    %mul3A_233 = arith.muli %add3A_227, %mul3A_232 : vector<16xi32>
    %add3A_234 = vector.broadcast %mul3A_4 : i32 to vector<16xi32>
    %add3A_235 = arith.addi %add3A_234, %mul3A_233 : vector<16xi32>
    %add3A_236 = arith.addi %add3A_235, %get3A_230 : vector<16xi32>
    %swap3A_237 = arith.constant 208 : index
    %swap3A_238 = tpu.vector_load %arg7[%swap3A_237] {strides = array<i32>} : memref<512xi32, #tpu.memory_space<vmem>>, vector<16xi32>,
    %swap3A_239 = vector.shape_cast %swap3A_238 : vector<16xi32> to vector<16xi32>
    %swap3A_240 = vector.shape_cast %add3A_236 : vector<16xi32> to vector<16xi32>
    tpu.vector_store %arg7[%swap3A_237], %swap3A_240 {strides = array<i32>} : memref<512xi32, #tpu.memory_space<vmem>>, vector<16xi32>,
    %iota3A_241 = tpu.iota {dimensions = array<i32: 0>} : vector<16xi32>
    %add3A_242 = arith.constant 224 : i32
    %add3A_243 = vector.broadcast %add3A_242 : i32 to vector<16xi32>
    %add3A_244 = arith.addi %iota3A_241, %add3A_243 : vector<16xi32>
    %get3A_245 = arith.constant 224 : index
    %get3A_246 = tpu.vector_load %arg6[%get3A_245] {strides = array<i32>} : memref<512xi32, #tpu.memory_space<vmem>>, vector<16xi32>,
    %get3A_247 = vector.shape_cast %get3A_246 : vector<16xi32> to vector<16xi32>
    %mul3A_248 = arith.constant 4096 : i32
    %mul3A_249 = vector.broadcast %mul3A_248 : i32 to vector<16xi32>
    %mul3A_250 = arith.muli %add3A_244, %mul3A_249 : vector<16xi32>
    %add3A_251 = vector.broadcast %mul3A_4 : i32 to vector<16xi32>
    %add3A_252 = arith.addi %add3A_251, %mul3A_250 : vector<16xi32>
    %add3A_253 = arith.addi %add3A_252, %get3A_247 : vector<16xi32>
    %swap3A_254 = arith.constant 224 : index
    %swap3A_255 = tpu.vector_load %arg7[%swap3A_254] {strides = array<i32>} : memref<512xi32, #tpu.memory_space<vmem>>, vector<16xi32>,
    %swap3A_256 = vector.shape_cast %swap3A_255 : vector<16xi32> to vector<16xi32>
    %swap3A_257 = vector.shape_cast %add3A_253 : vector<16xi32> to vector<16xi32>
    tpu.vector_store %arg7[%swap3A_254], %swap3A_257 {strides = array<i32>} : memref<512xi32, #tpu.memory_space<vmem>>, vector<16xi32>,
    %iota3A_258 = tpu.iota {dimensions = array<i32: 0>} : vector<16xi32>
    %add3A_259 = arith.constant 240 : i32
    %add3A_260 = vector.broadcast %add3A_259 : i32 to vector<16xi32>
    %add3A_261 = arith.addi %iota3A_258, %add3A_260 : vector<16xi32>
    %get3A_262 = arith.constant 240 : index
    %get3A_263 = tpu.vector_load %arg6[%get3A_262] {strides = array<i32>} : memref<512xi32, #tpu.memory_space<vmem>>, vector<16xi32>,
    %get3A_264 = vector.shape_cast %get3A_263 : vector<16xi32> to vector<16xi32>
    %mul3A_265 = arith.constant 4096 : i32
    %mul3A_266 = vector.broadcast %mul3A_265 : i32 to vector<16xi32>
    %mul3A_267 = arith.muli %add3A_261, %mul3A_266 : vector<16xi32>
    %add3A_268 = vector.broadcast %mul3A_4 : i32 to vector<16xi32>
    %add3A_269 = arith.addi %add3A_268, %mul3A_267 : vector<16xi32>
    %add3A_270 = arith.addi %add3A_269, %get3A_264 : vector<16xi32>
    %swap3A_271 = arith.constant 240 : index
    %swap3A_272 = tpu.vector_load %arg7[%swap3A_271] {strides = array<i32>} : memref<512xi32, #tpu.memory_space<vmem>>, vector<16xi32>,
    %swap3A_273 = vector.shape_cast %swap3A_272 : vector<16xi32> to vector<16xi32>
    %swap3A_274 = vector.shape_cast %add3A_270 : vector<16xi32> to vector<16xi32>
    tpu.vector_store %arg7[%swap3A_271], %swap3A_274 {strides = array<i32>} : memref<512xi32, #tpu.memory_space<vmem>>, vector<16xi32>,
    %iota3A_275 = tpu.iota {dimensions = array<i32: 0>} : vector<16xi32>
    %add3A_276 = arith.constant 256 : i32
    %add3A_277 = vector.broadcast %add3A_276 : i32 to vector<16xi32>
    %add3A_278 = arith.addi %iota3A_275, %add3A_277 : vector<16xi32>
    %get3A_279 = arith.constant 256 : index
    %get3A_280 = tpu.vector_load %arg6[%get3A_279] {strides = array<i32>} : memref<512xi32, #tpu.memory_space<vmem>>, vector<16xi32>,
    %get3A_281 = vector.shape_cast %get3A_280 : vector<16xi32> to vector<16xi32>
    %mul3A_282 = arith.constant 4096 : i32
    %mul3A_283 = vector.broadcast %mul3A_282 : i32 to vector<16xi32>
    %mul3A_284 = arith.muli %add3A_278, %mul3A_283 : vector<16xi32>
    %add3A_285 = vector.broadcast %mul3A_4 : i32 to vector<16xi32>
    %add3A_286 = arith.addi %add3A_285, %mul3A_284 : vector<16xi32>
    %add3A_287 = arith.addi %add3A_286, %get3A_281 : vector<16xi32>
    %swap3A_288 = arith.constant 256 : index
    %swap3A_289 = tpu.vector_load %arg7[%swap3A_288] {strides = array<i32>} : memref<512xi32, #tpu.memory_space<vmem>>, vector<16xi32>,
    %swap3A_290 = vector.shape_cast %swap3A_289 : vector<16xi32> to vector<16xi32>
    %swap3A_291 = vector.shape_cast %add3A_287 : vector<16xi32> to vector<16xi32>
    tpu.vector_store %arg7[%swap3A_288], %swap3A_291 {strides = array<i32>} : memref<512xi32, #tpu.memory_space<vmem>>, vector<16xi32>,
    %iota3A_292 = tpu.iota {dimensions = array<i32: 0>} : vector<16xi32>
    %add3A_293 = arith.constant 272 : i32
    %add3A_294 = vector.broadcast %add3A_293 : i32 to vector<16xi32>
    %add3A_295 = arith.addi %iota3A_292, %add3A_294 : vector<16xi32>
    %get3A_296 = arith.constant 272 : index
    %get3A_297 = tpu.vector_load %arg6[%get3A_296] {strides = array<i32>} : memref<512xi32, #tpu.memory_space<vmem>>, vector<16xi32>,
    %get3A_298 = vector.shape_cast %get3A_297 : vector<16xi32> to vector<16xi32>
    %mul3A_299 = arith.constant 4096 : i32
    %mul3A_300 = vector.broadcast %mul3A_299 : i32 to vector<16xi32>
    %mul3A_301 = arith.muli %add3A_295, %mul3A_300 : vector<16xi32>
    %add3A_302 = vector.broadcast %mul3A_4 : i32 to vector<16xi32>
    %add3A_303 = arith.addi %add3A_302, %mul3A_301 : vector<16xi32>
    %add3A_304 = arith.addi %add3A_303, %get3A_298 : vector<16xi32>
    %swap3A_305 = arith.constant 272 : index
    %swap3A_306 = tpu.vector_load %arg7[%swap3A_305] {strides = array<i32>} : memref<512xi32, #tpu.memory_space<vmem>>, vector<16xi32>,
    %swap3A_307 = vector.shape_cast %swap3A_306 : vector<16xi32> to vector<16xi32>
    %swap3A_308 = vector.shape_cast %add3A_304 : vector<16xi32> to vector<16xi32>
    tpu.vector_store %arg7[%swap3A_305], %swap3A_308 {strides = array<i32>} : memref<512xi32, #tpu.memory_space<vmem>>, vector<16xi32>,
    %iota3A_309 = tpu.iota {dimensions = array<i32: 0>} : vector<16xi32>
    %add3A_310 = arith.constant 288 : i32
    %add3A_311 = vector.broadcast %add3A_310 : i32 to vector<16xi32>
    %add3A_312 = arith.addi %iota3A_309, %add3A_311 : vector<16xi32>
    %get3A_313 = arith.constant 288 : index
    %get3A_314 = tpu.vector_load %arg6[%get3A_313] {strides = array<i32>} : memref<512xi32, #tpu.memory_space<vmem>>, vector<16xi32>,
    %get3A_315 = vector.shape_cast %get3A_314 : vector<16xi32> to vector<16xi32>
    %mul3A_316 = arith.constant 4096 : i32
    %mul3A_317 = vector.broadcast %mul3A_316 : i32 to vector<16xi32>
    %mul3A_318 = arith.muli %add3A_312, %mul3A_317 : vector<16xi32>
    %add3A_319 = vector.broadcast %mul3A_4 : i32 to vector<16xi32>
    %add3A_320 = arith.addi %add3A_319, %mul3A_318 : vector<16xi32>
    %add3A_321 = arith.addi %add3A_320, %get3A_315 : vector<16xi32>
    %swap3A_322 = arith.constant 288 : index
    %swap3A_323 = tpu.vector_load %arg7[%swap3A_322] {strides = array<i32>} : memref<512xi32, #tpu.memory_space<vmem>>, vector<16xi32>,
    %swap3A_324 = vector.shape_cast %swap3A_323 : vector<16xi32> to vector<16xi32>
    %swap3A_325 = vector.shape_cast %add3A_321 : vector<16xi32> to vector<16xi32>
    tpu.vector_store %arg7[%swap3A_322], %swap3A_325 {strides = array<i32>} : memref<512xi32, #tpu.memory_space<vmem>>, vector<16xi32>,
    %iota3A_326 = tpu.iota {dimensions = array<i32: 0>} : vector<16xi32>
    %add3A_327 = arith.constant 304 : i32
    %add3A_328 = vector.broadcast %add3A_327 : i32 to vector<16xi32>
    %add3A_329 = arith.addi %iota3A_326, %add3A_328 : vector<16xi32>
    %get3A_330 = arith.constant 304 : index
    %get3A_331 = tpu.vector_load %arg6[%get3A_330] {strides = array<i32>} : memref<512xi32, #tpu.memory_space<vmem>>, vector<16xi32>,
    %get3A_332 = vector.shape_cast %get3A_331 : vector<16xi32> to vector<16xi32>
    %mul3A_333 = arith.constant 4096 : i32
    %mul3A_334 = vector.broadcast %mul3A_333 : i32 to vector<16xi32>
    %mul3A_335 = arith.muli %add3A_329, %mul3A_334 : vector<16xi32>
    %add3A_336 = vector.broadcast %mul3A_4 : i32 to vector<16xi32>
    %add3A_337 = arith.addi %add3A_336, %mul3A_335 : vector<16xi32>
    %add3A_338 = arith.addi %add3A_337, %get3A_332 : vector<16xi32>
    %swap3A_339 = arith.constant 304 : index
    %swap3A_340 = tpu.vector_load %arg7[%swap3A_339] {strides = array<i32>} : memref<512xi32, #tpu.memory_space<vmem>>, vector<16xi32>,
    %swap3A_341 = vector.shape_cast %swap3A_340 : vector<16xi32> to vector<16xi32>
    %swap3A_342 = vector.shape_cast %add3A_338 : vector<16xi32> to vector<16xi32>
    tpu.vector_store %arg7[%swap3A_339], %swap3A_342 {strides = array<i32>} : memref<512xi32, #tpu.memory_space<vmem>>, vector<16xi32>,
    %iota3A_343 = tpu.iota {dimensions = array<i32: 0>} : vector<16xi32>
    %add3A_344 = arith.constant 320 : i32
    %add3A_345 = vector.broadcast %add3A_344 : i32 to vector<16xi32>
    %add3A_346 = arith.addi %iota3A_343, %add3A_345 : vector<16xi32>
    %get3A_347 = arith.constant 320 : index
    %get3A_348 = tpu.vector_load %arg6[%get3A_347] {strides = array<i32>} : memref<512xi32, #tpu.memory_space<vmem>>, vector<16xi32>,
    %get3A_349 = vector.shape_cast %get3A_348 : vector<16xi32> to vector<16xi32>
    %mul3A_350 = arith.constant 4096 : i32
    %mul3A_351 = vector.broadcast %mul3A_350 : i32 to vector<16xi32>
    %mul3A_352 = arith.muli %add3A_346, %mul3A_351 : vector<16xi32>
    %add3A_353 = vector.broadcast %mul3A_4 : i32 to vector<16xi32>
    %add3A_354 = arith.addi %add3A_353, %mul3A_352 : vector<16xi32>
    %add3A_355 = arith.addi %add3A_354, %get3A_349 : vector<16xi32>
    %swap3A_356 = arith.constant 320 : index
    %swap3A_357 = tpu.vector_load %arg7[%swap3A_356] {strides = array<i32>} : memref<512xi32, #tpu.memory_space<vmem>>, vector<16xi32>,
    %swap3A_358 = vector.shape_cast %swap3A_357 : vector<16xi32> to vector<16xi32>
    %swap3A_359 = vector.shape_cast %add3A_355 : vector<16xi32> to vector<16xi32>
    tpu.vector_store %arg7[%swap3A_356], %swap3A_359 {strides = array<i32>} : memref<512xi32, #tpu.memory_space<vmem>>, vector<16xi32>,
    %iota3A_360 = tpu.iota {dimensions = array<i32: 0>} : vector<16xi32>
    %add3A_361 = arith.constant 336 : i32
    %add3A_362 = vector.broadcast %add3A_361 : i32 to vector<16xi32>
    %add3A_363 = arith.addi %iota3A_360, %add3A_362 : vector<16xi32>
    %get3A_364 = arith.constant 336 : index
    %get3A_365 = tpu.vector_load %arg6[%get3A_364] {strides = array<i32>} : memref<512xi32, #tpu.memory_space<vmem>>, vector<16xi32>,
    %get3A_366 = vector.shape_cast %get3A_365 : vector<16xi32> to vector<16xi32>
    %mul3A_367 = arith.constant 4096 : i32
    %mul3A_368 = vector.broadcast %mul3A_367 : i32 to vector<16xi32>
    %mul3A_369 = arith.muli %add3A_363, %mul3A_368 : vector<16xi32>
    %add3A_370 = vector.broadcast %mul3A_4 : i32 to vector<16xi32>
    %add3A_371 = arith.addi %add3A_370, %mul3A_369 : vector<16xi32>
    %add3A_372 = arith.addi %add3A_371, %get3A_366 : vector<16xi32>
    %swap3A_373 = arith.constant 336 : index
    %swap3A_374 = tpu.vector_load %arg7[%swap3A_373] {strides = array<i32>} : memref<512xi32, #tpu.memory_space<vmem>>, vector<16xi32>,
    %swap3A_375 = vector.shape_cast %swap3A_374 : vector<16xi32> to vector<16xi32>
    %swap3A_376 = vector.shape_cast %add3A_372 : vector<16xi32> to vector<16xi32>
    tpu.vector_store %arg7[%swap3A_373], %swap3A_376 {strides = array<i32>} : memref<512xi32, #tpu.memory_space<vmem>>, vector<16xi32>,
    %iota3A_377 = tpu.iota {dimensions = array<i32: 0>} : vector<16xi32>
    %add3A_378 = arith.constant 352 : i32
    %add3A_379 = vector.broadcast %add3A_378 : i32 to vector<16xi32>
    %add3A_380 = arith.addi %iota3A_377, %add3A_379 : vector<16xi32>
    %get3A_381 = arith.constant 352 : index
    %get3A_382 = tpu.vector_load %arg6[%get3A_381] {strides = array<i32>} : memref<512xi32, #tpu.memory_space<vmem>>, vector<16xi32>,
    %get3A_383 = vector.shape_cast %get3A_382 : vector<16xi32> to vector<16xi32>
    %mul3A_384 = arith.constant 4096 : i32
    %mul3A_385 = vector.broadcast %mul3A_384 : i32 to vector<16xi32>
    %mul3A_386 = arith.muli %add3A_380, %mul3A_385 : vector<16xi32>
    %add3A_387 = vector.broadcast %mul3A_4 : i32 to vector<16xi32>
    %add3A_388 = arith.addi %add3A_387, %mul3A_386 : vector<16xi32>
    %add3A_389 = arith.addi %add3A_388, %get3A_383 : vector<16xi32>
    %swap3A_390 = arith.constant 352 : index
    %swap3A_391 = tpu.vector_load %arg7[%swap3A_390] {strides = array<i32>} : memref<512xi32, #tpu.memory_space<vmem>>, vector<16xi32>,
    %swap3A_392 = vector.shape_cast %swap3A_391 : vector<16xi32> to vector<16xi32>
    %swap3A_393 = vector.shape_cast %add3A_389 : vector<16xi32> to vector<16xi32>
    tpu.vector_store %arg7[%swap3A_390], %swap3A_393 {strides = array<i32>} : memref<512xi32, #tpu.memory_space<vmem>>, vector<16xi32>,
    %iota3A_394 = tpu.iota {dimensions = array<i32: 0>} : vector<16xi32>
    %add3A_395 = arith.constant 368 : i32
    %add3A_396 = vector.broadcast %add3A_395 : i32 to vector<16xi32>
    %add3A_397 = arith.addi %iota3A_394, %add3A_396 : vector<16xi32>
    %get3A_398 = arith.constant 368 : index
    %get3A_399 = tpu.vector_load %arg6[%get3A_398] {strides = array<i32>} : memref<512xi32, #tpu.memory_space<vmem>>, vector<16xi32>,
    %get3A_400 = vector.shape_cast %get3A_399 : vector<16xi32> to vector<16xi32>
    %mul3A_401 = arith.constant 4096 : i32
    %mul3A_402 = vector.broadcast %mul3A_401 : i32 to vector<16xi32>
    %mul3A_403 = arith.muli %add3A_397, %mul3A_402 : vector<16xi32>
    %add3A_404 = vector.broadcast %mul3A_4 : i32 to vector<16xi32>
    %add3A_405 = arith.addi %add3A_404, %mul3A_403 : vector<16xi32>
    %add3A_406 = arith.addi %add3A_405, %get3A_400 : vector<16xi32>
    %swap3A_407 = arith.constant 368 : index
    %swap3A_408 = tpu.vector_load %arg7[%swap3A_407] {strides = array<i32>} : memref<512xi32, #tpu.memory_space<vmem>>, vector<16xi32>,
    %swap3A_409 = vector.shape_cast %swap3A_408 : vector<16xi32> to vector<16xi32>
    %swap3A_410 = vector.shape_cast %add3A_406 : vector<16xi32> to vector<16xi32>
    tpu.vector_store %arg7[%swap3A_407], %swap3A_410 {strides = array<i32>} : memref<512xi32, #tpu.memory_space<vmem>>, vector<16xi32>,
    %iota3A_411 = tpu.iota {dimensions = array<i32: 0>} : vector<16xi32>
    %add3A_412 = arith.constant 384 : i32
    %add3A_413 = vector.broadcast %add3A_412 : i32 to vector<16xi32>
    %add3A_414 = arith.addi %iota3A_411, %add3A_413 : vector<16xi32>
    %get3A_415 = arith.constant 384 : index
    %get3A_416 = tpu.vector_load %arg6[%get3A_415] {strides = array<i32>} : memref<512xi32, #tpu.memory_space<vmem>>, vector<16xi32>,
    %get3A_417 = vector.shape_cast %get3A_416 : vector<16xi32> to vector<16xi32>
    %mul3A_418 = arith.constant 4096 : i32
    %mul3A_419 = vector.broadcast %mul3A_418 : i32 to vector<16xi32>
    %mul3A_420 = arith.muli %add3A_414, %mul3A_419 : vector<16xi32>
    %add3A_421 = vector.broadcast %mul3A_4 : i32 to vector<16xi32>
    %add3A_422 = arith.addi %add3A_421, %mul3A_420 : vector<16xi32>
    %add3A_423 = arith.addi %add3A_422, %get3A_417 : vector<16xi32>
    %swap3A_424 = arith.constant 384 : index
    %swap3A_425 = tpu.vector_load %arg7[%swap3A_424] {strides = array<i32>} : memref<512xi32, #tpu.memory_space<vmem>>, vector<16xi32>,
    %swap3A_426 = vector.shape_cast %swap3A_425 : vector<16xi32> to vector<16xi32>
    %swap3A_427 = vector.shape_cast %add3A_423 : vector<16xi32> to vector<16xi32>
    tpu.vector_store %arg7[%swap3A_424], %swap3A_427 {strides = array<i32>} : memref<512xi32, #tpu.memory_space<vmem>>, vector<16xi32>,
    %iota3A_428 = tpu.iota {dimensions = array<i32: 0>} : vector<16xi32>
    %add3A_429 = arith.constant 400 : i32
    %add3A_430 = vector.broadcast %add3A_429 : i32 to vector<16xi32>
    %add3A_431 = arith.addi %iota3A_428, %add3A_430 : vector<16xi32>
    %get3A_432 = arith.constant 400 : index
    %get3A_433 = tpu.vector_load %arg6[%get3A_432] {strides = array<i32>} : memref<512xi32, #tpu.memory_space<vmem>>, vector<16xi32>,
    %get3A_434 = vector.shape_cast %get3A_433 : vector<16xi32> to vector<16xi32>
    %mul3A_435 = arith.constant 4096 : i32
    %mul3A_436 = vector.broadcast %mul3A_435 : i32 to vector<16xi32>
    %mul3A_437 = arith.muli %add3A_431, %mul3A_436 : vector<16xi32>
    %add3A_438 = vector.broadcast %mul3A_4 : i32 to vector<16xi32>
    %add3A_439 = arith.addi %add3A_438, %mul3A_437 : vector<16xi32>
    %add3A_440 = arith.addi %add3A_439, %get3A_434 : vector<16xi32>
    %swap3A_441 = arith.constant 400 : index
    %swap3A_442 = tpu.vector_load %arg7[%swap3A_441] {strides = array<i32>} : memref<512xi32, #tpu.memory_space<vmem>>, vector<16xi32>,
    %swap3A_443 = vector.shape_cast %swap3A_442 : vector<16xi32> to vector<16xi32>
    %swap3A_444 = vector.shape_cast %add3A_440 : vector<16xi32> to vector<16xi32>
    tpu.vector_store %arg7[%swap3A_441], %swap3A_444 {strides = array<i32>} : memref<512xi32, #tpu.memory_space<vmem>>, vector<16xi32>,
    %iota3A_445 = tpu.iota {dimensions = array<i32: 0>} : vector<16xi32>
    %add3A_446 = arith.constant 416 : i32
    %add3A_447 = vector.broadcast %add3A_446 : i32 to vector<16xi32>
    %add3A_448 = arith.addi %iota3A_445, %add3A_447 : vector<16xi32>
    %get3A_449 = arith.constant 416 : index
    %get3A_450 = tpu.vector_load %arg6[%get3A_449] {strides = array<i32>} : memref<512xi32, #tpu.memory_space<vmem>>, vector<16xi32>,
    %get3A_451 = vector.shape_cast %get3A_450 : vector<16xi32> to vector<16xi32>
    %mul3A_452 = arith.constant 4096 : i32
    %mul3A_453 = vector.broadcast %mul3A_452 : i32 to vector<16xi32>
    %mul3A_454 = arith.muli %add3A_448, %mul3A_453 : vector<16xi32>
    %add3A_455 = vector.broadcast %mul3A_4 : i32 to vector<16xi32>
    %add3A_456 = arith.addi %add3A_455, %mul3A_454 : vector<16xi32>
    %add3A_457 = arith.addi %add3A_456, %get3A_451 : vector<16xi32>
    %swap3A_458 = arith.constant 416 : index
    %swap3A_459 = tpu.vector_load %arg7[%swap3A_458] {strides = array<i32>} : memref<512xi32, #tpu.memory_space<vmem>>, vector<16xi32>,
    %swap3A_460 = vector.shape_cast %swap3A_459 : vector<16xi32> to vector<16xi32>
    %swap3A_461 = vector.shape_cast %add3A_457 : vector<16xi32> to vector<16xi32>
    tpu.vector_store %arg7[%swap3A_458], %swap3A_461 {strides = array<i32>} : memref<512xi32, #tpu.memory_space<vmem>>, vector<16xi32>,
    %iota3A_462 = tpu.iota {dimensions = array<i32: 0>} : vector<16xi32>
    %add3A_463 = arith.constant 432 : i32
    %add3A_464 = vector.broadcast %add3A_463 : i32 to vector<16xi32>
    %add3A_465 = arith.addi %iota3A_462, %add3A_464 : vector<16xi32>
    %get3A_466 = arith.constant 432 : index
    %get3A_467 = tpu.vector_load %arg6[%get3A_466] {strides = array<i32>} : memref<512xi32, #tpu.memory_space<vmem>>, vector<16xi32>,
    %get3A_468 = vector.shape_cast %get3A_467 : vector<16xi32> to vector<16xi32>
    %mul3A_469 = arith.constant 4096 : i32
    %mul3A_470 = vector.broadcast %mul3A_469 : i32 to vector<16xi32>
    %mul3A_471 = arith.muli %add3A_465, %mul3A_470 : vector<16xi32>
    %add3A_472 = vector.broadcast %mul3A_4 : i32 to vector<16xi32>
    %add3A_473 = arith.addi %add3A_472, %mul3A_471 : vector<16xi32>
    %add3A_474 = arith.addi %add3A_473, %get3A_468 : vector<16xi32>
    %swap3A_475 = arith.constant 432 : index
    %swap3A_476 = tpu.vector_load %arg7[%swap3A_475] {strides = array<i32>} : memref<512xi32, #tpu.memory_space<vmem>>, vector<16xi32>,
    %swap3A_477 = vector.shape_cast %swap3A_476 : vector<16xi32> to vector<16xi32>
    %swap3A_478 = vector.shape_cast %add3A_474 : vector<16xi32> to vector<16xi32>
    tpu.vector_store %arg7[%swap3A_475], %swap3A_478 {strides = array<i32>} : memref<512xi32, #tpu.memory_space<vmem>>, vector<16xi32>,
    %iota3A_479 = tpu.iota {dimensions = array<i32: 0>} : vector<16xi32>
    %add3A_480 = arith.constant 448 : i32
    %add3A_481 = vector.broadcast %add3A_480 : i32 to vector<16xi32>
    %add3A_482 = arith.addi %iota3A_479, %add3A_481 : vector<16xi32>
    %get3A_483 = arith.constant 448 : index
    %get3A_484 = tpu.vector_load %arg6[%get3A_483] {strides = array<i32>} : memref<512xi32, #tpu.memory_space<vmem>>, vector<16xi32>,
    %get3A_485 = vector.shape_cast %get3A_484 : vector<16xi32> to vector<16xi32>
    %mul3A_486 = arith.constant 4096 : i32
    %mul3A_487 = vector.broadcast %mul3A_486 : i32 to vector<16xi32>
    %mul3A_488 = arith.muli %add3A_482, %mul3A_487 : vector<16xi32>
    %add3A_489 = vector.broadcast %mul3A_4 : i32 to vector<16xi32>
    %add3A_490 = arith.addi %add3A_489, %mul3A_488 : vector<16xi32>
    %add3A_491 = arith.addi %add3A_490, %get3A_485 : vector<16xi32>
    %swap3A_492 = arith.constant 448 : index
    %swap3A_493 = tpu.vector_load %arg7[%swap3A_492] {strides = array<i32>} : memref<512xi32, #tpu.memory_space<vmem>>, vector<16xi32>,
    %swap3A_494 = vector.shape_cast %swap3A_493 : vector<16xi32> to vector<16xi32>
    %swap3A_495 = vector.shape_cast %add3A_491 : vector<16xi32> to vector<16xi32>
    tpu.vector_store %arg7[%swap3A_492], %swap3A_495 {strides = array<i32>} : memref<512xi32, #tpu.memory_space<vmem>>, vector<16xi32>,
    %iota3A_496 = tpu.iota {dimensions = array<i32: 0>} : vector<16xi32>
    %add3A_497 = arith.constant 464 : i32
    %add3A_498 = vector.broadcast %add3A_497 : i32 to vector<16xi32>
    %add3A_499 = arith.addi %iota3A_496, %add3A_498 : vector<16xi32>
    %get3A_500 = arith.constant 464 : index
    %get3A_501 = tpu.vector_load %arg6[%get3A_500] {strides = array<i32>} : memref<512xi32, #tpu.memory_space<vmem>>, vector<16xi32>,
    %get3A_502 = vector.shape_cast %get3A_501 : vector<16xi32> to vector<16xi32>
    %mul3A_503 = arith.constant 4096 : i32
    %mul3A_504 = vector.broadcast %mul3A_503 : i32 to vector<16xi32>
    %mul3A_505 = arith.muli %add3A_499, %mul3A_504 : vector<16xi32>
    %add3A_506 = vector.broadcast %mul3A_4 : i32 to vector<16xi32>
    %add3A_507 = arith.addi %add3A_506, %mul3A_505 : vector<16xi32>
    %add3A_508 = arith.addi %add3A_507, %get3A_502 : vector<16xi32>
    %swap3A_509 = arith.constant 464 : index
    %swap3A_510 = tpu.vector_load %arg7[%swap3A_509] {strides = array<i32>} : memref<512xi32, #tpu.memory_space<vmem>>, vector<16xi32>,
    %swap3A_511 = vector.shape_cast %swap3A_510 : vector<16xi32> to vector<16xi32>
    %swap3A_512 = vector.shape_cast %add3A_508 : vector<16xi32> to vector<16xi32>
    tpu.vector_store %arg7[%swap3A_509], %swap3A_512 {strides = array<i32>} : memref<512xi32, #tpu.memory_space<vmem>>, vector<16xi32>,
    %iota3A_513 = tpu.iota {dimensions = array<i32: 0>} : vector<16xi32>
    %add3A_514 = arith.constant 480 : i32
    %add3A_515 = vector.broadcast %add3A_514 : i32 to vector<16xi32>
    %add3A_516 = arith.addi %iota3A_513, %add3A_515 : vector<16xi32>
    %get3A_517 = arith.constant 480 : index
    %get3A_518 = tpu.vector_load %arg6[%get3A_517] {strides = array<i32>} : memref<512xi32, #tpu.memory_space<vmem>>, vector<16xi32>,
    %get3A_519 = vector.shape_cast %get3A_518 : vector<16xi32> to vector<16xi32>
    %mul3A_520 = arith.constant 4096 : i32
    %mul3A_521 = vector.broadcast %mul3A_520 : i32 to vector<16xi32>
    %mul3A_522 = arith.muli %add3A_516, %mul3A_521 : vector<16xi32>
    %add3A_523 = vector.broadcast %mul3A_4 : i32 to vector<16xi32>
    %add3A_524 = arith.addi %add3A_523, %mul3A_522 : vector<16xi32>
    %add3A_525 = arith.addi %add3A_524, %get3A_519 : vector<16xi32>
    %swap3A_526 = arith.constant 480 : index
    %swap3A_527 = tpu.vector_load %arg7[%swap3A_526] {strides = array<i32>} : memref<512xi32, #tpu.memory_space<vmem>>, vector<16xi32>,
    %swap3A_528 = vector.shape_cast %swap3A_527 : vector<16xi32> to vector<16xi32>
    %swap3A_529 = vector.shape_cast %add3A_525 : vector<16xi32> to vector<16xi32>
    tpu.vector_store %arg7[%swap3A_526], %swap3A_529 {strides = array<i32>} : memref<512xi32, #tpu.memory_space<vmem>>, vector<16xi32>,
    %iota3A_530 = tpu.iota {dimensions = array<i32: 0>} : vector<16xi32>
    %add3A_531 = arith.constant 496 : i32
    %add3A_532 = vector.broadcast %add3A_531 : i32 to vector<16xi32>
    %add3A_533 = arith.addi %iota3A_530, %add3A_532 : vector<16xi32>
    %get3A_534 = arith.constant 496 : index
    %get3A_535 = tpu.vector_load %arg6[%get3A_534] {strides = array<i32>} : memref<512xi32, #tpu.memory_space<vmem>>, vector<16xi32>,
    %get3A_536 = vector.shape_cast %get3A_535 : vector<16xi32> to vector<16xi32>
    %mul3A_537 = arith.constant 4096 : i32
    %mul3A_538 = vector.broadcast %mul3A_537 : i32 to vector<16xi32>
    %mul3A_539 = arith.muli %add3A_533, %mul3A_538 : vector<16xi32>
    %add3A_540 = vector.broadcast %mul3A_4 : i32 to vector<16xi32>
    %add3A_541 = arith.addi %add3A_540, %mul3A_539 : vector<16xi32>
    %add3A_542 = arith.addi %add3A_541, %get3A_536 : vector<16xi32>
    %swap3A_543 = arith.constant 496 : index
    %swap3A_544 = tpu.vector_load %arg7[%swap3A_543] {strides = array<i32>} : memref<512xi32, #tpu.memory_space<vmem>>, vector<16xi32>,
    %swap3A_545 = vector.shape_cast %swap3A_544 : vector<16xi32> to vector<16xi32>
    %swap3A_546 = vector.shape_cast %add3A_542 : vector<16xi32> to vector<16xi32>
    tpu.vector_store %arg7[%swap3A_543], %swap3A_546 {strides = array<i32>} : memref<512xi32, #tpu.memory_space<vmem>>, vector<16xi32>,
    %dma_start3A = arith.constant 0 : i32
    %dma_start3A_547 = tpu.memref_slice %arg8[%dma_start3A] : memref<512xf32, #tpu.memory_space<vmem>> -> memref<128xf32, #tpu.memory_space<vmem>>
    %dma_start3A_548 = arith.constant 0 : i32
    %dma_start3A_549 = tpu.memref_slice %arg7[%dma_start3A_548] : memref<512xi32, #tpu.memory_space<vmem>> -> memref<128xi32, #tpu.memory_space<vmem>>
    %dma_start3A_550 = arith.constant 0 : i32
    %dma_start3A_551 = tpu.memref_slice %arg2[%dma_start3A_550] : memref<67108864xf32, #tpu.memory_space<hbm>> -> memref<67108864xf32, #tpu.memory_space<hbm>>
    tpu.enqueue_indirect_dma source(%dma_start3A_551 : memref<67108864xf32, #tpu.memory_space<hbm>>) target(%dma_start3A_547 : memref<128xf32, #tpu.memory_space<vmem>>) offsets(%dma_start3A_549 : memref<128xi32, #tpu.memory_space<vmem>>) semaphore(%arg11 : memref<!tpu.dma_semaphore, #tpu.memory_space<semaphore_mem>>)
    %dma_start3A_552 = arith.constant 128 : i32
    %dma_start3A_553 = tpu.memref_slice %arg8[%dma_start3A_552] : memref<512xf32, #tpu.memory_space<vmem>> -> memref<128xf32, #tpu.memory_space<vmem>>
    %dma_start3A_554 = arith.constant 128 : i32
    %dma_start3A_555 = tpu.memref_slice %arg7[%dma_start3A_554] : memref<512xi32, #tpu.memory_space<vmem>> -> memref<128xi32, #tpu.memory_space<vmem>>
    %dma_start3A_556 = arith.constant 0 : i32
    %dma_start3A_557 = tpu.memref_slice %arg2[%dma_start3A_556] : memref<67108864xf32, #tpu.memory_space<hbm>> -> memref<67108864xf32, #tpu.memory_space<hbm>>
    tpu.enqueue_indirect_dma source(%dma_start3A_557 : memref<67108864xf32, #tpu.memory_space<hbm>>) target(%dma_start3A_553 : memref<128xf32, #tpu.memory_space<vmem>>) offsets(%dma_start3A_555 : memref<128xi32, #tpu.memory_space<vmem>>) semaphore(%arg11 : memref<!tpu.dma_semaphore, #tpu.memory_space<semaphore_mem>>)
    %dma_start3A_558 = arith.constant 256 : i32
    %dma_start3A_559 = tpu.memref_slice %arg8[%dma_start3A_558] : memref<512xf32, #tpu.memory_space<vmem>> -> memref<128xf32, #tpu.memory_space<vmem>>
    %dma_start3A_560 = arith.constant 256 : i32
    %dma_start3A_561 = tpu.memref_slice %arg7[%dma_start3A_560] : memref<512xi32, #tpu.memory_space<vmem>> -> memref<128xi32, #tpu.memory_space<vmem>>
    %dma_start3A_562 = arith.constant 0 : i32
    %dma_start3A_563 = tpu.memref_slice %arg2[%dma_start3A_562] : memref<67108864xf32, #tpu.memory_space<hbm>> -> memref<67108864xf32, #tpu.memory_space<hbm>>
    tpu.enqueue_indirect_dma source(%dma_start3A_563 : memref<67108864xf32, #tpu.memory_space<hbm>>) target(%dma_start3A_559 : memref<128xf32, #tpu.memory_space<vmem>>) offsets(%dma_start3A_561 : memref<128xi32, #tpu.memory_space<vmem>>) semaphore(%arg11 : memref<!tpu.dma_semaphore, #tpu.memory_space<semaphore_mem>>)
    %dma_start3A_564 = arith.constant 384 : i32
    %dma_start3A_565 = tpu.memref_slice %arg8[%dma_start3A_564] : memref<512xf32, #tpu.memory_space<vmem>> -> memref<128xf32, #tpu.memory_space<vmem>>
    %dma_start3A_566 = arith.constant 384 : i32
    %dma_start3A_567 = tpu.memref_slice %arg7[%dma_start3A_566] : memref<512xi32, #tpu.memory_space<vmem>> -> memref<128xi32, #tpu.memory_space<vmem>>
    %dma_start3A_568 = arith.constant 0 : i32
    %dma_start3A_569 = tpu.memref_slice %arg2[%dma_start3A_568] : memref<67108864xf32, #tpu.memory_space<hbm>> -> memref<67108864xf32, #tpu.memory_space<hbm>>
    tpu.enqueue_indirect_dma source(%dma_start3A_569 : memref<67108864xf32, #tpu.memory_space<hbm>>) target(%dma_start3A_565 : memref<128xf32, #tpu.memory_space<vmem>>) offsets(%dma_start3A_567 : memref<128xi32, #tpu.memory_space<vmem>>) semaphore(%arg11 : memref<!tpu.dma_semaphore, #tpu.memory_space<semaphore_mem>>)
    %dma_wait3A = arith.constant 0 : i32
    %dma_wait3A_570 = tpu.memref_slice %arg8[%dma_wait3A] : memref<512xf32, #tpu.memory_space<vmem>> -> memref<128xf32, #tpu.memory_space<vmem>>
    %dma_wait3A_571 = arith.constant 0 : i32
    %dma_wait3A_572 = tpu.memref_slice %arg7[%dma_wait3A_571] : memref<512xi32, #tpu.memory_space<vmem>> -> memref<128xi32, #tpu.memory_space<vmem>>
    %dma_wait3A_573 = arith.constant 0 : i32
    %dma_wait3A_574 = tpu.memref_slice %arg2[%dma_wait3A_573] : memref<67108864xf32, #tpu.memory_space<hbm>> -> memref<67108864xf32, #tpu.memory_space<hbm>>
    tpu.wait_indirect_dma semaphore(%arg11 : memref<!tpu.dma_semaphore, #tpu.memory_space<semaphore_mem>>) src(%dma_wait3A_574 : memref<67108864xf32, #tpu.memory_space<hbm>>) dst(%dma_wait3A_570 : memref<128xf32, #tpu.memory_space<vmem>>)
    %dma_wait3A_575 = arith.constant 128 : i32
    %dma_wait3A_576 = tpu.memref_slice %arg8[%dma_wait3A_575] : memref<512xf32, #tpu.memory_space<vmem>> -> memref<128xf32, #tpu.memory_space<vmem>>
    %dma_wait3A_577 = arith.constant 128 : i32
    %dma_wait3A_578 = tpu.memref_slice %arg7[%dma_wait3A_577] : memref<512xi32, #tpu.memory_space<vmem>> -> memref<128xi32, #tpu.memory_space<vmem>>
    %dma_wait3A_579 = arith.constant 0 : i32
    %dma_wait3A_580 = tpu.memref_slice %arg2[%dma_wait3A_579] : memref<67108864xf32, #tpu.memory_space<hbm>> -> memref<67108864xf32, #tpu.memory_space<hbm>>
    tpu.wait_indirect_dma semaphore(%arg11 : memref<!tpu.dma_semaphore, #tpu.memory_space<semaphore_mem>>) src(%dma_wait3A_580 : memref<67108864xf32, #tpu.memory_space<hbm>>) dst(%dma_wait3A_576 : memref<128xf32, #tpu.memory_space<vmem>>)
    %dma_wait3A_581 = arith.constant 256 : i32
    %dma_wait3A_582 = tpu.memref_slice %arg8[%dma_wait3A_581] : memref<512xf32, #tpu.memory_space<vmem>> -> memref<128xf32, #tpu.memory_space<vmem>>
    %dma_wait3A_583 = arith.constant 256 : i32
    %dma_wait3A_584 = tpu.memref_slice %arg7[%dma_wait3A_583] : memref<512xi32, #tpu.memory_space<vmem>> -> memref<128xi32, #tpu.memory_space<vmem>>
    %dma_wait3A_585 = arith.constant 0 : i32
    %dma_wait3A_586 = tpu.memref_slice %arg2[%dma_wait3A_585] : memref<67108864xf32, #tpu.memory_space<hbm>> -> memref<67108864xf32, #tpu.memory_space<hbm>>
    tpu.wait_indirect_dma semaphore(%arg11 : memref<!tpu.dma_semaphore, #tpu.memory_space<semaphore_mem>>) src(%dma_wait3A_586 : memref<67108864xf32, #tpu.memory_space<hbm>>) dst(%dma_wait3A_582 : memref<128xf32, #tpu.memory_space<vmem>>)
    %dma_wait3A_587 = arith.constant 384 : i32
    %dma_wait3A_588 = tpu.memref_slice %arg8[%dma_wait3A_587] : memref<512xf32, #tpu.memory_space<vmem>> -> memref<128xf32, #tpu.memory_space<vmem>>
    %dma_wait3A_589 = arith.constant 384 : i32
    %dma_wait3A_590 = tpu.memref_slice %arg7[%dma_wait3A_589] : memref<512xi32, #tpu.memory_space<vmem>> -> memref<128xi32, #tpu.memory_space<vmem>>
    %dma_wait3A_591 = arith.constant 0 : i32
    %dma_wait3A_592 = tpu.memref_slice %arg2[%dma_wait3A_591] : memref<67108864xf32, #tpu.memory_space<hbm>> -> memref<67108864xf32, #tpu.memory_space<hbm>>
    tpu.wait_indirect_dma semaphore(%arg11 : memref<!tpu.dma_semaphore, #tpu.memory_space<semaphore_mem>>) src(%dma_wait3A_592 : memref<67108864xf32, #tpu.memory_space<hbm>>) dst(%dma_wait3A_588 : memref<128xf32, #tpu.memory_space<vmem>>)
    %broadcast_in_dim3A = arith.constant 0.000000e+00 : f32
    %broadcast_in_dim3A_593 = vector.broadcast %broadcast_in_dim3A : f32 to vector<16xf32>
    %iota3A_594 = tpu.iota {dimensions = array<i32: 0>} : vector<16xi32>
    %add3A_595 = arith.constant 0 : i32
    %add3A_596 = vector.broadcast %add3A_595 : i32 to vector<16xi32>
    %add3A_597 = arith.addi %iota3A_594, %add3A_596 : vector<16xi32>
    %get3A_598 = arith.constant 0 : index
    %get3A_599 = tpu.vector_load %arg8[%get3A_598] {strides = array<i32>} : memref<512xf32, #tpu.memory_space<vmem>>, vector<16xf32>,
    %get3A_600 = vector.shape_cast %get3A_599 : vector<16xf32> to vector<16xf32>
    %lt3A = arith.cmpi slt, %add3A_597, %get3A_2 : vector<16xi32>
    %jit3A = arith.constant 0.000000e+00 : f32
    %broadcast_in_dim3A_601 = vector.broadcast %jit3A : f32 to vector<16xf32>
    %select_n3A = arith.select %lt3A, %get3A_600, %broadcast_in_dim3A_601 : vector<16xi1>, vector<16xf32>
    %add3A_602 = arith.addf %broadcast_in_dim3A_593, %select_n3A : vector<16xf32>
    %iota3A_603 = tpu.iota {dimensions = array<i32: 0>} : vector<16xi32>
    %add3A_604 = arith.constant 16 : i32
    %add3A_605 = vector.broadcast %add3A_604 : i32 to vector<16xi32>
    %add3A_606 = arith.addi %iota3A_603, %add3A_605 : vector<16xi32>
    %get3A_607 = arith.constant 16 : index
    %get3A_608 = tpu.vector_load %arg8[%get3A_607] {strides = array<i32>} : memref<512xf32, #tpu.memory_space<vmem>>, vector<16xf32>,
    %get3A_609 = vector.shape_cast %get3A_608 : vector<16xf32> to vector<16xf32>
    %lt3A_610 = arith.cmpi slt, %add3A_606, %get3A_2 : vector<16xi32>
    %jit3A_611 = arith.constant 0.000000e+00 : f32
    %broadcast_in_dim3A_612 = vector.broadcast %jit3A_611 : f32 to vector<16xf32>
    %select_n3A_613 = arith.select %lt3A_610, %get3A_609, %broadcast_in_dim3A_612 : vector<16xi1>, vector<16xf32>
    %add3A_614 = arith.addf %add3A_602, %select_n3A_613 : vector<16xf32>
    %iota3A_615 = tpu.iota {dimensions = array<i32: 0>} : vector<16xi32>
    %add3A_616 = arith.constant 32 : i32
    %add3A_617 = vector.broadcast %add3A_616 : i32 to vector<16xi32>
    %add3A_618 = arith.addi %iota3A_615, %add3A_617 : vector<16xi32>
    %get3A_619 = arith.constant 32 : index
    %get3A_620 = tpu.vector_load %arg8[%get3A_619] {strides = array<i32>} : memref<512xf32, #tpu.memory_space<vmem>>, vector<16xf32>,
    %get3A_621 = vector.shape_cast %get3A_620 : vector<16xf32> to vector<16xf32>
    %lt3A_622 = arith.cmpi slt, %add3A_618, %get3A_2 : vector<16xi32>
    %jit3A_623 = arith.constant 0.000000e+00 : f32
    %broadcast_in_dim3A_624 = vector.broadcast %jit3A_623 : f32 to vector<16xf32>
    %select_n3A_625 = arith.select %lt3A_622, %get3A_621, %broadcast_in_dim3A_624 : vector<16xi1>, vector<16xf32>
    %add3A_626 = arith.addf %add3A_614, %select_n3A_625 : vector<16xf32>
    %iota3A_627 = tpu.iota {dimensions = array<i32: 0>} : vector<16xi32>
    %add3A_628 = arith.constant 48 : i32
    %add3A_629 = vector.broadcast %add3A_628 : i32 to vector<16xi32>
    %add3A_630 = arith.addi %iota3A_627, %add3A_629 : vector<16xi32>
    %get3A_631 = arith.constant 48 : index
    %get3A_632 = tpu.vector_load %arg8[%get3A_631] {strides = array<i32>} : memref<512xf32, #tpu.memory_space<vmem>>, vector<16xf32>,
    %get3A_633 = vector.shape_cast %get3A_632 : vector<16xf32> to vector<16xf32>
    %lt3A_634 = arith.cmpi slt, %add3A_630, %get3A_2 : vector<16xi32>
    %jit3A_635 = arith.constant 0.000000e+00 : f32
    %broadcast_in_dim3A_636 = vector.broadcast %jit3A_635 : f32 to vector<16xf32>
    %select_n3A_637 = arith.select %lt3A_634, %get3A_633, %broadcast_in_dim3A_636 : vector<16xi1>, vector<16xf32>
    %add3A_638 = arith.addf %add3A_626, %select_n3A_637 : vector<16xf32>
    %iota3A_639 = tpu.iota {dimensions = array<i32: 0>} : vector<16xi32>
    %add3A_640 = arith.constant 64 : i32
    %add3A_641 = vector.broadcast %add3A_640 : i32 to vector<16xi32>
    %add3A_642 = arith.addi %iota3A_639, %add3A_641 : vector<16xi32>
    %get3A_643 = arith.constant 64 : index
    %get3A_644 = tpu.vector_load %arg8[%get3A_643] {strides = array<i32>} : memref<512xf32, #tpu.memory_space<vmem>>, vector<16xf32>,
    %get3A_645 = vector.shape_cast %get3A_644 : vector<16xf32> to vector<16xf32>
    %lt3A_646 = arith.cmpi slt, %add3A_642, %get3A_2 : vector<16xi32>
    %jit3A_647 = arith.constant 0.000000e+00 : f32
    %broadcast_in_dim3A_648 = vector.broadcast %jit3A_647 : f32 to vector<16xf32>
    %select_n3A_649 = arith.select %lt3A_646, %get3A_645, %broadcast_in_dim3A_648 : vector<16xi1>, vector<16xf32>
    %add3A_650 = arith.addf %add3A_638, %select_n3A_649 : vector<16xf32>
    %iota3A_651 = tpu.iota {dimensions = array<i32: 0>} : vector<16xi32>
    %add3A_652 = arith.constant 80 : i32
    %add3A_653 = vector.broadcast %add3A_652 : i32 to vector<16xi32>
    %add3A_654 = arith.addi %iota3A_651, %add3A_653 : vector<16xi32>
    %get3A_655 = arith.constant 80 : index
    %get3A_656 = tpu.vector_load %arg8[%get3A_655] {strides = array<i32>} : memref<512xf32, #tpu.memory_space<vmem>>, vector<16xf32>,
    %get3A_657 = vector.shape_cast %get3A_656 : vector<16xf32> to vector<16xf32>
    %lt3A_658 = arith.cmpi slt, %add3A_654, %get3A_2 : vector<16xi32>
    %jit3A_659 = arith.constant 0.000000e+00 : f32
    %broadcast_in_dim3A_660 = vector.broadcast %jit3A_659 : f32 to vector<16xf32>
    %select_n3A_661 = arith.select %lt3A_658, %get3A_657, %broadcast_in_dim3A_660 : vector<16xi1>, vector<16xf32>
    %add3A_662 = arith.addf %add3A_650, %select_n3A_661 : vector<16xf32>
    %iota3A_663 = tpu.iota {dimensions = array<i32: 0>} : vector<16xi32>
    %add3A_664 = arith.constant 96 : i32
    %add3A_665 = vector.broadcast %add3A_664 : i32 to vector<16xi32>
    %add3A_666 = arith.addi %iota3A_663, %add3A_665 : vector<16xi32>
    %get3A_667 = arith.constant 96 : index
    %get3A_668 = tpu.vector_load %arg8[%get3A_667] {strides = array<i32>} : memref<512xf32, #tpu.memory_space<vmem>>, vector<16xf32>,
    %get3A_669 = vector.shape_cast %get3A_668 : vector<16xf32> to vector<16xf32>
    %lt3A_670 = arith.cmpi slt, %add3A_666, %get3A_2 : vector<16xi32>
    %jit3A_671 = arith.constant 0.000000e+00 : f32
    %broadcast_in_dim3A_672 = vector.broadcast %jit3A_671 : f32 to vector<16xf32>
    %select_n3A_673 = arith.select %lt3A_670, %get3A_669, %broadcast_in_dim3A_672 : vector<16xi1>, vector<16xf32>
    %add3A_674 = arith.addf %add3A_662, %select_n3A_673 : vector<16xf32>
    %iota3A_675 = tpu.iota {dimensions = array<i32: 0>} : vector<16xi32>
    %add3A_676 = arith.constant 112 : i32
    %add3A_677 = vector.broadcast %add3A_676 : i32 to vector<16xi32>
    %add3A_678 = arith.addi %iota3A_675, %add3A_677 : vector<16xi32>
    %get3A_679 = arith.constant 112 : index
    %get3A_680 = tpu.vector_load %arg8[%get3A_679] {strides = array<i32>} : memref<512xf32, #tpu.memory_space<vmem>>, vector<16xf32>,
    %get3A_681 = vector.shape_cast %get3A_680 : vector<16xf32> to vector<16xf32>
    %lt3A_682 = arith.cmpi slt, %add3A_678, %get3A_2 : vector<16xi32>
    %jit3A_683 = arith.constant 0.000000e+00 : f32
    %broadcast_in_dim3A_684 = vector.broadcast %jit3A_683 : f32 to vector<16xf32>
    %select_n3A_685 = arith.select %lt3A_682, %get3A_681, %broadcast_in_dim3A_684 : vector<16xi1>, vector<16xf32>
    %add3A_686 = arith.addf %add3A_674, %select_n3A_685 : vector<16xf32>
    %iota3A_687 = tpu.iota {dimensions = array<i32: 0>} : vector<16xi32>
    %add3A_688 = arith.constant 128 : i32
    %add3A_689 = vector.broadcast %add3A_688 : i32 to vector<16xi32>
    %add3A_690 = arith.addi %iota3A_687, %add3A_689 : vector<16xi32>
    %get3A_691 = arith.constant 128 : index
    %get3A_692 = tpu.vector_load %arg8[%get3A_691] {strides = array<i32>} : memref<512xf32, #tpu.memory_space<vmem>>, vector<16xf32>,
    %get3A_693 = vector.shape_cast %get3A_692 : vector<16xf32> to vector<16xf32>
    %lt3A_694 = arith.cmpi slt, %add3A_690, %get3A_2 : vector<16xi32>
    %jit3A_695 = arith.constant 0.000000e+00 : f32
    %broadcast_in_dim3A_696 = vector.broadcast %jit3A_695 : f32 to vector<16xf32>
    %select_n3A_697 = arith.select %lt3A_694, %get3A_693, %broadcast_in_dim3A_696 : vector<16xi1>, vector<16xf32>
    %add3A_698 = arith.addf %add3A_686, %select_n3A_697 : vector<16xf32>
    %iota3A_699 = tpu.iota {dimensions = array<i32: 0>} : vector<16xi32>
    %add3A_700 = arith.constant 144 : i32
    %add3A_701 = vector.broadcast %add3A_700 : i32 to vector<16xi32>
    %add3A_702 = arith.addi %iota3A_699, %add3A_701 : vector<16xi32>
    %get3A_703 = arith.constant 144 : index
    %get3A_704 = tpu.vector_load %arg8[%get3A_703] {strides = array<i32>} : memref<512xf32, #tpu.memory_space<vmem>>, vector<16xf32>,
    %get3A_705 = vector.shape_cast %get3A_704 : vector<16xf32> to vector<16xf32>
    %lt3A_706 = arith.cmpi slt, %add3A_702, %get3A_2 : vector<16xi32>
    %jit3A_707 = arith.constant 0.000000e+00 : f32
    %broadcast_in_dim3A_708 = vector.broadcast %jit3A_707 : f32 to vector<16xf32>
    %select_n3A_709 = arith.select %lt3A_706, %get3A_705, %broadcast_in_dim3A_708 : vector<16xi1>, vector<16xf32>
    %add3A_710 = arith.addf %add3A_698, %select_n3A_709 : vector<16xf32>
    %iota3A_711 = tpu.iota {dimensions = array<i32: 0>} : vector<16xi32>
    %add3A_712 = arith.constant 160 : i32
    %add3A_713 = vector.broadcast %add3A_712 : i32 to vector<16xi32>
    %add3A_714 = arith.addi %iota3A_711, %add3A_713 : vector<16xi32>
    %get3A_715 = arith.constant 160 : index
    %get3A_716 = tpu.vector_load %arg8[%get3A_715] {strides = array<i32>} : memref<512xf32, #tpu.memory_space<vmem>>, vector<16xf32>,
    %get3A_717 = vector.shape_cast %get3A_716 : vector<16xf32> to vector<16xf32>
    %lt3A_718 = arith.cmpi slt, %add3A_714, %get3A_2 : vector<16xi32>
    %jit3A_719 = arith.constant 0.000000e+00 : f32
    %broadcast_in_dim3A_720 = vector.broadcast %jit3A_719 : f32 to vector<16xf32>
    %select_n3A_721 = arith.select %lt3A_718, %get3A_717, %broadcast_in_dim3A_720 : vector<16xi1>, vector<16xf32>
    %add3A_722 = arith.addf %add3A_710, %select_n3A_721 : vector<16xf32>
    %iota3A_723 = tpu.iota {dimensions = array<i32: 0>} : vector<16xi32>
    %add3A_724 = arith.constant 176 : i32
    %add3A_725 = vector.broadcast %add3A_724 : i32 to vector<16xi32>
    %add3A_726 = arith.addi %iota3A_723, %add3A_725 : vector<16xi32>
    %get3A_727 = arith.constant 176 : index
    %get3A_728 = tpu.vector_load %arg8[%get3A_727] {strides = array<i32>} : memref<512xf32, #tpu.memory_space<vmem>>, vector<16xf32>,
    %get3A_729 = vector.shape_cast %get3A_728 : vector<16xf32> to vector<16xf32>
    %lt3A_730 = arith.cmpi slt, %add3A_726, %get3A_2 : vector<16xi32>
    %jit3A_731 = arith.constant 0.000000e+00 : f32
    %broadcast_in_dim3A_732 = vector.broadcast %jit3A_731 : f32 to vector<16xf32>
    %select_n3A_733 = arith.select %lt3A_730, %get3A_729, %broadcast_in_dim3A_732 : vector<16xi1>, vector<16xf32>
    %add3A_734 = arith.addf %add3A_722, %select_n3A_733 : vector<16xf32>
    %iota3A_735 = tpu.iota {dimensions = array<i32: 0>} : vector<16xi32>
    %add3A_736 = arith.constant 192 : i32
    %add3A_737 = vector.broadcast %add3A_736 : i32 to vector<16xi32>
    %add3A_738 = arith.addi %iota3A_735, %add3A_737 : vector<16xi32>
    %get3A_739 = arith.constant 192 : index
    %get3A_740 = tpu.vector_load %arg8[%get3A_739] {strides = array<i32>} : memref<512xf32, #tpu.memory_space<vmem>>, vector<16xf32>,
    %get3A_741 = vector.shape_cast %get3A_740 : vector<16xf32> to vector<16xf32>
    %lt3A_742 = arith.cmpi slt, %add3A_738, %get3A_2 : vector<16xi32>
    %jit3A_743 = arith.constant 0.000000e+00 : f32
    %broadcast_in_dim3A_744 = vector.broadcast %jit3A_743 : f32 to vector<16xf32>
    %select_n3A_745 = arith.select %lt3A_742, %get3A_741, %broadcast_in_dim3A_744 : vector<16xi1>, vector<16xf32>
    %add3A_746 = arith.addf %add3A_734, %select_n3A_745 : vector<16xf32>
    %iota3A_747 = tpu.iota {dimensions = array<i32: 0>} : vector<16xi32>
    %add3A_748 = arith.constant 208 : i32
    %add3A_749 = vector.broadcast %add3A_748 : i32 to vector<16xi32>
    %add3A_750 = arith.addi %iota3A_747, %add3A_749 : vector<16xi32>
    %get3A_751 = arith.constant 208 : index
    %get3A_752 = tpu.vector_load %arg8[%get3A_751] {strides = array<i32>} : memref<512xf32, #tpu.memory_space<vmem>>, vector<16xf32>,
    %get3A_753 = vector.shape_cast %get3A_752 : vector<16xf32> to vector<16xf32>
    %lt3A_754 = arith.cmpi slt, %add3A_750, %get3A_2 : vector<16xi32>
    %jit3A_755 = arith.constant 0.000000e+00 : f32
    %broadcast_in_dim3A_756 = vector.broadcast %jit3A_755 : f32 to vector<16xf32>
    %select_n3A_757 = arith.select %lt3A_754, %get3A_753, %broadcast_in_dim3A_756 : vector<16xi1>, vector<16xf32>
    %add3A_758 = arith.addf %add3A_746, %select_n3A_757 : vector<16xf32>
    %iota3A_759 = tpu.iota {dimensions = array<i32: 0>} : vector<16xi32>
    %add3A_760 = arith.constant 224 : i32
    %add3A_761 = vector.broadcast %add3A_760 : i32 to vector<16xi32>
    %add3A_762 = arith.addi %iota3A_759, %add3A_761 : vector<16xi32>
    %get3A_763 = arith.constant 224 : index
    %get3A_764 = tpu.vector_load %arg8[%get3A_763] {strides = array<i32>} : memref<512xf32, #tpu.memory_space<vmem>>, vector<16xf32>,
    %get3A_765 = vector.shape_cast %get3A_764 : vector<16xf32> to vector<16xf32>
    %lt3A_766 = arith.cmpi slt, %add3A_762, %get3A_2 : vector<16xi32>
    %jit3A_767 = arith.constant 0.000000e+00 : f32
    %broadcast_in_dim3A_768 = vector.broadcast %jit3A_767 : f32 to vector<16xf32>
    %select_n3A_769 = arith.select %lt3A_766, %get3A_765, %broadcast_in_dim3A_768 : vector<16xi1>, vector<16xf32>
    %add3A_770 = arith.addf %add3A_758, %select_n3A_769 : vector<16xf32>
    %iota3A_771 = tpu.iota {dimensions = array<i32: 0>} : vector<16xi32>
    %add3A_772 = arith.constant 240 : i32
    %add3A_773 = vector.broadcast %add3A_772 : i32 to vector<16xi32>
    %add3A_774 = arith.addi %iota3A_771, %add3A_773 : vector<16xi32>
    %get3A_775 = arith.constant 240 : index
    %get3A_776 = tpu.vector_load %arg8[%get3A_775] {strides = array<i32>} : memref<512xf32, #tpu.memory_space<vmem>>, vector<16xf32>,
    %get3A_777 = vector.shape_cast %get3A_776 : vector<16xf32> to vector<16xf32>
    %lt3A_778 = arith.cmpi slt, %add3A_774, %get3A_2 : vector<16xi32>
    %jit3A_779 = arith.constant 0.000000e+00 : f32
    %broadcast_in_dim3A_780 = vector.broadcast %jit3A_779 : f32 to vector<16xf32>
    %select_n3A_781 = arith.select %lt3A_778, %get3A_777, %broadcast_in_dim3A_780 : vector<16xi1>, vector<16xf32>
    %add3A_782 = arith.addf %add3A_770, %select_n3A_781 : vector<16xf32>
    %iota3A_783 = tpu.iota {dimensions = array<i32: 0>} : vector<16xi32>
    %add3A_784 = arith.constant 256 : i32
    %add3A_785 = vector.broadcast %add3A_784 : i32 to vector<16xi32>
    %add3A_786 = arith.addi %iota3A_783, %add3A_785 : vector<16xi32>
    %get3A_787 = arith.constant 256 : index
    %get3A_788 = tpu.vector_load %arg8[%get3A_787] {strides = array<i32>} : memref<512xf32, #tpu.memory_space<vmem>>, vector<16xf32>,
    %get3A_789 = vector.shape_cast %get3A_788 : vector<16xf32> to vector<16xf32>
    %lt3A_790 = arith.cmpi slt, %add3A_786, %get3A_2 : vector<16xi32>
    %jit3A_791 = arith.constant 0.000000e+00 : f32
    %broadcast_in_dim3A_792 = vector.broadcast %jit3A_791 : f32 to vector<16xf32>
    %select_n3A_793 = arith.select %lt3A_790, %get3A_789, %broadcast_in_dim3A_792 : vector<16xi1>, vector<16xf32>
    %add3A_794 = arith.addf %add3A_782, %select_n3A_793 : vector<16xf32>
    %iota3A_795 = tpu.iota {dimensions = array<i32: 0>} : vector<16xi32>
    %add3A_796 = arith.constant 272 : i32
    %add3A_797 = vector.broadcast %add3A_796 : i32 to vector<16xi32>
    %add3A_798 = arith.addi %iota3A_795, %add3A_797 : vector<16xi32>
    %get3A_799 = arith.constant 272 : index
    %get3A_800 = tpu.vector_load %arg8[%get3A_799] {strides = array<i32>} : memref<512xf32, #tpu.memory_space<vmem>>, vector<16xf32>,
    %get3A_801 = vector.shape_cast %get3A_800 : vector<16xf32> to vector<16xf32>
    %lt3A_802 = arith.cmpi slt, %add3A_798, %get3A_2 : vector<16xi32>
    %jit3A_803 = arith.constant 0.000000e+00 : f32
    %broadcast_in_dim3A_804 = vector.broadcast %jit3A_803 : f32 to vector<16xf32>
    %select_n3A_805 = arith.select %lt3A_802, %get3A_801, %broadcast_in_dim3A_804 : vector<16xi1>, vector<16xf32>
    %add3A_806 = arith.addf %add3A_794, %select_n3A_805 : vector<16xf32>
    %iota3A_807 = tpu.iota {dimensions = array<i32: 0>} : vector<16xi32>
    %add3A_808 = arith.constant 288 : i32
    %add3A_809 = vector.broadcast %add3A_808 : i32 to vector<16xi32>
    %add3A_810 = arith.addi %iota3A_807, %add3A_809 : vector<16xi32>
    %get3A_811 = arith.constant 288 : index
    %get3A_812 = tpu.vector_load %arg8[%get3A_811] {strides = array<i32>} : memref<512xf32, #tpu.memory_space<vmem>>, vector<16xf32>,
    %get3A_813 = vector.shape_cast %get3A_812 : vector<16xf32> to vector<16xf32>
    %lt3A_814 = arith.cmpi slt, %add3A_810, %get3A_2 : vector<16xi32>
    %jit3A_815 = arith.constant 0.000000e+00 : f32
    %broadcast_in_dim3A_816 = vector.broadcast %jit3A_815 : f32 to vector<16xf32>
    %select_n3A_817 = arith.select %lt3A_814, %get3A_813, %broadcast_in_dim3A_816 : vector<16xi1>, vector<16xf32>
    %add3A_818 = arith.addf %add3A_806, %select_n3A_817 : vector<16xf32>
    %iota3A_819 = tpu.iota {dimensions = array<i32: 0>} : vector<16xi32>
    %add3A_820 = arith.constant 304 : i32
    %add3A_821 = vector.broadcast %add3A_820 : i32 to vector<16xi32>
    %add3A_822 = arith.addi %iota3A_819, %add3A_821 : vector<16xi32>
    %get3A_823 = arith.constant 304 : index
    %get3A_824 = tpu.vector_load %arg8[%get3A_823] {strides = array<i32>} : memref<512xf32, #tpu.memory_space<vmem>>, vector<16xf32>,
    %get3A_825 = vector.shape_cast %get3A_824 : vector<16xf32> to vector<16xf32>
    %lt3A_826 = arith.cmpi slt, %add3A_822, %get3A_2 : vector<16xi32>
    %jit3A_827 = arith.constant 0.000000e+00 : f32
    %broadcast_in_dim3A_828 = vector.broadcast %jit3A_827 : f32 to vector<16xf32>
    %select_n3A_829 = arith.select %lt3A_826, %get3A_825, %broadcast_in_dim3A_828 : vector<16xi1>, vector<16xf32>
    %add3A_830 = arith.addf %add3A_818, %select_n3A_829 : vector<16xf32>
    %iota3A_831 = tpu.iota {dimensions = array<i32: 0>} : vector<16xi32>
    %add3A_832 = arith.constant 320 : i32
    %add3A_833 = vector.broadcast %add3A_832 : i32 to vector<16xi32>
    %add3A_834 = arith.addi %iota3A_831, %add3A_833 : vector<16xi32>
    %get3A_835 = arith.constant 320 : index
    %get3A_836 = tpu.vector_load %arg8[%get3A_835] {strides = array<i32>} : memref<512xf32, #tpu.memory_space<vmem>>, vector<16xf32>,
    %get3A_837 = vector.shape_cast %get3A_836 : vector<16xf32> to vector<16xf32>
    %lt3A_838 = arith.cmpi slt, %add3A_834, %get3A_2 : vector<16xi32>
    %jit3A_839 = arith.constant 0.000000e+00 : f32
    %broadcast_in_dim3A_840 = vector.broadcast %jit3A_839 : f32 to vector<16xf32>
    %select_n3A_841 = arith.select %lt3A_838, %get3A_837, %broadcast_in_dim3A_840 : vector<16xi1>, vector<16xf32>
    %add3A_842 = arith.addf %add3A_830, %select_n3A_841 : vector<16xf32>
    %iota3A_843 = tpu.iota {dimensions = array<i32: 0>} : vector<16xi32>
    %add3A_844 = arith.constant 336 : i32
    %add3A_845 = vector.broadcast %add3A_844 : i32 to vector<16xi32>
    %add3A_846 = arith.addi %iota3A_843, %add3A_845 : vector<16xi32>
    %get3A_847 = arith.constant 336 : index
    %get3A_848 = tpu.vector_load %arg8[%get3A_847] {strides = array<i32>} : memref<512xf32, #tpu.memory_space<vmem>>, vector<16xf32>,
    %get3A_849 = vector.shape_cast %get3A_848 : vector<16xf32> to vector<16xf32>
    %lt3A_850 = arith.cmpi slt, %add3A_846, %get3A_2 : vector<16xi32>
    %jit3A_851 = arith.constant 0.000000e+00 : f32
    %broadcast_in_dim3A_852 = vector.broadcast %jit3A_851 : f32 to vector<16xf32>
    %select_n3A_853 = arith.select %lt3A_850, %get3A_849, %broadcast_in_dim3A_852 : vector<16xi1>, vector<16xf32>
    %add3A_854 = arith.addf %add3A_842, %select_n3A_853 : vector<16xf32>
    %iota3A_855 = tpu.iota {dimensions = array<i32: 0>} : vector<16xi32>
    %add3A_856 = arith.constant 352 : i32
    %add3A_857 = vector.broadcast %add3A_856 : i32 to vector<16xi32>
    %add3A_858 = arith.addi %iota3A_855, %add3A_857 : vector<16xi32>
    %get3A_859 = arith.constant 352 : index
    %get3A_860 = tpu.vector_load %arg8[%get3A_859] {strides = array<i32>} : memref<512xf32, #tpu.memory_space<vmem>>, vector<16xf32>,
    %get3A_861 = vector.shape_cast %get3A_860 : vector<16xf32> to vector<16xf32>
    %lt3A_862 = arith.cmpi slt, %add3A_858, %get3A_2 : vector<16xi32>
    %jit3A_863 = arith.constant 0.000000e+00 : f32
    %broadcast_in_dim3A_864 = vector.broadcast %jit3A_863 : f32 to vector<16xf32>
    %select_n3A_865 = arith.select %lt3A_862, %get3A_861, %broadcast_in_dim3A_864 : vector<16xi1>, vector<16xf32>
    %add3A_866 = arith.addf %add3A_854, %select_n3A_865 : vector<16xf32>
    %iota3A_867 = tpu.iota {dimensions = array<i32: 0>} : vector<16xi32>
    %add3A_868 = arith.constant 368 : i32
    %add3A_869 = vector.broadcast %add3A_868 : i32 to vector<16xi32>
    %add3A_870 = arith.addi %iota3A_867, %add3A_869 : vector<16xi32>
    %get3A_871 = arith.constant 368 : index
    %get3A_872 = tpu.vector_load %arg8[%get3A_871] {strides = array<i32>} : memref<512xf32, #tpu.memory_space<vmem>>, vector<16xf32>,
    %get3A_873 = vector.shape_cast %get3A_872 : vector<16xf32> to vector<16xf32>
    %lt3A_874 = arith.cmpi slt, %add3A_870, %get3A_2 : vector<16xi32>
    %jit3A_875 = arith.constant 0.000000e+00 : f32
    %broadcast_in_dim3A_876 = vector.broadcast %jit3A_875 : f32 to vector<16xf32>
    %select_n3A_877 = arith.select %lt3A_874, %get3A_873, %broadcast_in_dim3A_876 : vector<16xi1>, vector<16xf32>
    %add3A_878 = arith.addf %add3A_866, %select_n3A_877 : vector<16xf32>
    %iota3A_879 = tpu.iota {dimensions = array<i32: 0>} : vector<16xi32>
    %add3A_880 = arith.constant 384 : i32
    %add3A_881 = vector.broadcast %add3A_880 : i32 to vector<16xi32>
    %add3A_882 = arith.addi %iota3A_879, %add3A_881 : vector<16xi32>
    %get3A_883 = arith.constant 384 : index
    %get3A_884 = tpu.vector_load %arg8[%get3A_883] {strides = array<i32>} : memref<512xf32, #tpu.memory_space<vmem>>, vector<16xf32>,
    %get3A_885 = vector.shape_cast %get3A_884 : vector<16xf32> to vector<16xf32>
    %lt3A_886 = arith.cmpi slt, %add3A_882, %get3A_2 : vector<16xi32>
    %jit3A_887 = arith.constant 0.000000e+00 : f32
    %broadcast_in_dim3A_888 = vector.broadcast %jit3A_887 : f32 to vector<16xf32>
    %select_n3A_889 = arith.select %lt3A_886, %get3A_885, %broadcast_in_dim3A_888 : vector<16xi1>, vector<16xf32>
    %add3A_890 = arith.addf %add3A_878, %select_n3A_889 : vector<16xf32>
    %iota3A_891 = tpu.iota {dimensions = array<i32: 0>} : vector<16xi32>
    %add3A_892 = arith.constant 400 : i32
    %add3A_893 = vector.broadcast %add3A_892 : i32 to vector<16xi32>
    %add3A_894 = arith.addi %iota3A_891, %add3A_893 : vector<16xi32>
    %get3A_895 = arith.constant 400 : index
    %get3A_896 = tpu.vector_load %arg8[%get3A_895] {strides = array<i32>} : memref<512xf32, #tpu.memory_space<vmem>>, vector<16xf32>,
    %get3A_897 = vector.shape_cast %get3A_896 : vector<16xf32> to vector<16xf32>
    %lt3A_898 = arith.cmpi slt, %add3A_894, %get3A_2 : vector<16xi32>
    %jit3A_899 = arith.constant 0.000000e+00 : f32
    %broadcast_in_dim3A_900 = vector.broadcast %jit3A_899 : f32 to vector<16xf32>
    %select_n3A_901 = arith.select %lt3A_898, %get3A_897, %broadcast_in_dim3A_900 : vector<16xi1>, vector<16xf32>
    %add3A_902 = arith.addf %add3A_890, %select_n3A_901 : vector<16xf32>
    %iota3A_903 = tpu.iota {dimensions = array<i32: 0>} : vector<16xi32>
    %add3A_904 = arith.constant 416 : i32
    %add3A_905 = vector.broadcast %add3A_904 : i32 to vector<16xi32>
    %add3A_906 = arith.addi %iota3A_903, %add3A_905 : vector<16xi32>
    %get3A_907 = arith.constant 416 : index
    %get3A_908 = tpu.vector_load %arg8[%get3A_907] {strides = array<i32>} : memref<512xf32, #tpu.memory_space<vmem>>, vector<16xf32>,
    %get3A_909 = vector.shape_cast %get3A_908 : vector<16xf32> to vector<16xf32>
    %lt3A_910 = arith.cmpi slt, %add3A_906, %get3A_2 : vector<16xi32>
    %jit3A_911 = arith.constant 0.000000e+00 : f32
    %broadcast_in_dim3A_912 = vector.broadcast %jit3A_911 : f32 to vector<16xf32>
    %select_n3A_913 = arith.select %lt3A_910, %get3A_909, %broadcast_in_dim3A_912 : vector<16xi1>, vector<16xf32>
    %add3A_914 = arith.addf %add3A_902, %select_n3A_913 : vector<16xf32>
    %iota3A_915 = tpu.iota {dimensions = array<i32: 0>} : vector<16xi32>
    %add3A_916 = arith.constant 432 : i32
    %add3A_917 = vector.broadcast %add3A_916 : i32 to vector<16xi32>
    %add3A_918 = arith.addi %iota3A_915, %add3A_917 : vector<16xi32>
    %get3A_919 = arith.constant 432 : index
    %get3A_920 = tpu.vector_load %arg8[%get3A_919] {strides = array<i32>} : memref<512xf32, #tpu.memory_space<vmem>>, vector<16xf32>,
    %get3A_921 = vector.shape_cast %get3A_920 : vector<16xf32> to vector<16xf32>
    %lt3A_922 = arith.cmpi slt, %add3A_918, %get3A_2 : vector<16xi32>
    %jit3A_923 = arith.constant 0.000000e+00 : f32
    %broadcast_in_dim3A_924 = vector.broadcast %jit3A_923 : f32 to vector<16xf32>
    %select_n3A_925 = arith.select %lt3A_922, %get3A_921, %broadcast_in_dim3A_924 : vector<16xi1>, vector<16xf32>
    %add3A_926 = arith.addf %add3A_914, %select_n3A_925 : vector<16xf32>
    %iota3A_927 = tpu.iota {dimensions = array<i32: 0>} : vector<16xi32>
    %add3A_928 = arith.constant 448 : i32
    %add3A_929 = vector.broadcast %add3A_928 : i32 to vector<16xi32>
    %add3A_930 = arith.addi %iota3A_927, %add3A_929 : vector<16xi32>
    %get3A_931 = arith.constant 448 : index
    %get3A_932 = tpu.vector_load %arg8[%get3A_931] {strides = array<i32>} : memref<512xf32, #tpu.memory_space<vmem>>, vector<16xf32>,
    %get3A_933 = vector.shape_cast %get3A_932 : vector<16xf32> to vector<16xf32>
    %lt3A_934 = arith.cmpi slt, %add3A_930, %get3A_2 : vector<16xi32>
    %jit3A_935 = arith.constant 0.000000e+00 : f32
    %broadcast_in_dim3A_936 = vector.broadcast %jit3A_935 : f32 to vector<16xf32>
    %select_n3A_937 = arith.select %lt3A_934, %get3A_933, %broadcast_in_dim3A_936 : vector<16xi1>, vector<16xf32>
    %add3A_938 = arith.addf %add3A_926, %select_n3A_937 : vector<16xf32>
    %iota3A_939 = tpu.iota {dimensions = array<i32: 0>} : vector<16xi32>
    %add3A_940 = arith.constant 464 : i32
    %add3A_941 = vector.broadcast %add3A_940 : i32 to vector<16xi32>
    %add3A_942 = arith.addi %iota3A_939, %add3A_941 : vector<16xi32>
    %get3A_943 = arith.constant 464 : index
    %get3A_944 = tpu.vector_load %arg8[%get3A_943] {strides = array<i32>} : memref<512xf32, #tpu.memory_space<vmem>>, vector<16xf32>,
    %get3A_945 = vector.shape_cast %get3A_944 : vector<16xf32> to vector<16xf32>
    %lt3A_946 = arith.cmpi slt, %add3A_942, %get3A_2 : vector<16xi32>
    %jit3A_947 = arith.constant 0.000000e+00 : f32
    %broadcast_in_dim3A_948 = vector.broadcast %jit3A_947 : f32 to vector<16xf32>
    %select_n3A_949 = arith.select %lt3A_946, %get3A_945, %broadcast_in_dim3A_948 : vector<16xi1>, vector<16xf32>
    %add3A_950 = arith.addf %add3A_938, %select_n3A_949 : vector<16xf32>
    %iota3A_951 = tpu.iota {dimensions = array<i32: 0>} : vector<16xi32>
    %add3A_952 = arith.constant 480 : i32
    %add3A_953 = vector.broadcast %add3A_952 : i32 to vector<16xi32>
    %add3A_954 = arith.addi %iota3A_951, %add3A_953 : vector<16xi32>
    %get3A_955 = arith.constant 480 : index
    %get3A_956 = tpu.vector_load %arg8[%get3A_955] {strides = array<i32>} : memref<512xf32, #tpu.memory_space<vmem>>, vector<16xf32>,
    %get3A_957 = vector.shape_cast %get3A_956 : vector<16xf32> to vector<16xf32>
    %lt3A_958 = arith.cmpi slt, %add3A_954, %get3A_2 : vector<16xi32>
    %jit3A_959 = arith.constant 0.000000e+00 : f32
    %broadcast_in_dim3A_960 = vector.broadcast %jit3A_959 : f32 to vector<16xf32>
    %select_n3A_961 = arith.select %lt3A_958, %get3A_957, %broadcast_in_dim3A_960 : vector<16xi1>, vector<16xf32>
    %add3A_962 = arith.addf %add3A_950, %select_n3A_961 : vector<16xf32>
    %iota3A_963 = tpu.iota {dimensions = array<i32: 0>} : vector<16xi32>
    %add3A_964 = arith.constant 496 : i32
    %add3A_965 = vector.broadcast %add3A_964 : i32 to vector<16xi32>
    %add3A_966 = arith.addi %iota3A_963, %add3A_965 : vector<16xi32>
    %get3A_967 = arith.constant 496 : index
    %get3A_968 = tpu.vector_load %arg8[%get3A_967] {strides = array<i32>} : memref<512xf32, #tpu.memory_space<vmem>>, vector<16xf32>,
    %get3A_969 = vector.shape_cast %get3A_968 : vector<16xf32> to vector<16xf32>
    %lt3A_970 = arith.cmpi slt, %add3A_966, %get3A_2 : vector<16xi32>
    %jit3A_971 = arith.constant 0.000000e+00 : f32
    %broadcast_in_dim3A_972 = vector.broadcast %jit3A_971 : f32 to vector<16xf32>
    %select_n3A_973 = arith.select %lt3A_970, %get3A_969, %broadcast_in_dim3A_972 : vector<16xi1>, vector<16xf32>
    %add3A_974 = arith.addf %add3A_962, %select_n3A_973 : vector<16xf32>
    %swap3A_975 = arith.constant 0 : index
    %swap3A_976 = tpu.vector_load %arg10[%swap3A_975] {strides = array<i32>} : memref<16xf32, #tpu.memory_space<vmem>>, vector<16xf32>,
    %swap3A_977 = vector.shape_cast %swap3A_976 : vector<16xf32> to vector<16xf32>
    %swap3A_978 = vector.shape_cast %add3A_974 : vector<16xf32> to vector<16xf32>
    tpu.vector_store %arg10[%swap3A_975], %swap3A_978 {strides = array<i32>} : memref<16xf32, #tpu.memory_space<vmem>>, vector<16xf32>,
    "tpu.region"() ({
      %run_scoped3A = tpu.sem_alloc : memref<!tpu.dma_semaphore, #tpu.memory_space<semaphore_mem>>
      %dma_start3A_979 = arith.constant 0 : i32
      %dma_start3A_980 = tpu.memref_slice %arg5[%add3A, %dma_start3A_979] : memref<32x16xf32, #tpu.memory_space<hbm>> -> memref<1x16xf32, #tpu.memory_space<hbm>>
      %dma_start3A_981 = tpu.memref_squeeze %dma_start3A_980 : memref<1x16xf32, #tpu.memory_space<hbm>> -> memref<16xf32, #tpu.memory_space<hbm>>
      %dma_start3A_982 = arith.constant 0 : i32
      %dma_start3A_983 = tpu.memref_slice %arg5[%add3A, %dma_start3A_982] : memref<32x16xf32, #tpu.memory_space<hbm>> -> memref<1x16xf32, #tpu.memory_space<hbm>>
      %dma_start3A_984 = tpu.memref_squeeze %dma_start3A_983 : memref<1x16xf32, #tpu.memory_space<hbm>> -> memref<16xf32, #tpu.memory_space<hbm>>
      tpu.enqueue_dma source(%arg10 : memref<16xf32, #tpu.memory_space<vmem>>) target(%dma_start3A_984 : memref<16xf32, #tpu.memory_space<hbm>>) target_semaphore(%run_scoped3A : memref<!tpu.dma_semaphore, #tpu.memory_space<semaphore_mem>>)
      %dma_wait3A_985 = arith.constant 0 : i32
      %dma_wait3A_986 = tpu.memref_slice %arg5[%add3A, %dma_wait3A_985] : memref<32x16xf32, #tpu.memory_space<hbm>> -> memref<1x16xf32, #tpu.memory_space<hbm>>
      %dma_wait3A_987 = tpu.memref_squeeze %dma_wait3A_986 : memref<1x16xf32, #tpu.memory_space<hbm>> -> memref<16xf32, #tpu.memory_space<hbm>>
      %dma_wait3A_988 = arith.constant 0 : i32
      %dma_wait3A_989 = tpu.memref_slice %arg5[%add3A, %dma_wait3A_988] : memref<32x16xf32, #tpu.memory_space<hbm>> -> memref<1x16xf32, #tpu.memory_space<hbm>>
      %dma_wait3A_990 = tpu.memref_squeeze %dma_wait3A_989 : memref<1x16xf32, #tpu.memory_space<hbm>> -> memref<16xf32, #tpu.memory_space<hbm>>
      tpu.wait_dma2 semaphore(%run_scoped3A : memref<!tpu.dma_semaphore, #tpu.memory_space<semaphore_mem>>) src(%arg10 : memref<16xf32, #tpu.memory_space<vmem>>) dst(%dma_wait3A_990 : memref<16xf32, #tpu.memory_space<hbm>>)
      tpu.yield
    }) : () -> ()
    return
  }
}

module attributes {stable_mosaic.version = 14 : i64} {
  func.func @_fwd_body(%arg0: i32, %arg1: memref<32xi32, #tpu.memory_space<smem>>, %arg2: memref<8x64xi32, #tpu.memory_space<vmem>>, %arg3: memref<32x512x64x64xf32, #tpu.memory_space<any>>, %arg4: memref<1x1xf32, #tpu.memory_space<smem>>, %arg5: memref<2x8x8x64x64xf32, #tpu.memory_space<vmem>>, %arg6: memref<8x64xf32, #tpu.memory_space<vmem>>, %arg7: memref<8x64xf32, #tpu.memory_space<vmem>>, %arg8: memref<2x!tpu.dma_semaphore, #tpu.memory_space<semaphore_mem>>) attributes {dimension_semantics = [#tpu.dimension_semantics<arbitrary>], iteration_bounds = array<i64: 4>, scalar_prefetch = 0 : i64, scratch_operands = 4 : i64, tpu.core_type = #tpu.core_type<tc>, window_params = [{transform_indices = @transform_0, window_bounds = array<i64: 32>}, {transform_indices = @transform_1, window_bounds = array<i64: 8, 64>}, {}, {transform_indices = @transform_3, window_bounds = array<i64: 1, 1>}]} {
    %mul3A = arith.constant 8 : i32
    %mul3A_0 = arith.muli %arg0, %mul3A : i32
    %get3A = arith.index_cast %mul3A_0 : i32 to index
    %get3A_1 = memref.load %arg1[%get3A] : memref<32xi32, #tpu.memory_space<smem>>
    %add3A = arith.constant 8 : i32
    %add3A_2 = arith.addi %get3A_1, %add3A : i32
    %sub3A = arith.constant 1 : i32
    %sub3A_3 = arith.subi %add3A_2, %sub3A : i32
    %jit3A = arith.constant 8 : i32
    %div3A = arith.divsi %sub3A_3, %jit3A : i32
    %sign3A = arith.constant 0 : i32
    %sign3A_4 = arith.cmpi sgt, %sub3A_3, %sign3A : i32
    %sign3A_5 = arith.extui %sign3A_4 : i1 to i32
    %sign3A_6 = arith.constant 0 : i32
    %sign3A_7 = arith.cmpi slt, %sub3A_3, %sign3A_6 : i32
    %sign3A_8 = arith.extui %sign3A_7 : i1 to i32
    %sign3A_9 = arith.subi %sign3A_5, %sign3A_8 : i32
    %sign3A_10 = arith.constant 0 : i32
    %sign3A_11 = arith.cmpi sgt, %jit3A, %sign3A_10 : i32
    %sign3A_12 = arith.extui %sign3A_11 : i1 to i32
    %sign3A_13 = arith.constant 0 : i32
    %sign3A_14 = arith.cmpi slt, %jit3A, %sign3A_13 : i32
    %sign3A_15 = arith.extui %sign3A_14 : i1 to i32
    %sign3A_16 = arith.subi %sign3A_12, %sign3A_15 : i32
    %ne3A = arith.cmpi ne, %sign3A_9, %sign3A_16 : i32
    %rem3A = arith.remsi %sub3A_3, %jit3A : i32
    %ne3A_17 = arith.constant 0 : i32
    %ne3A_18 = arith.cmpi ne, %rem3A, %ne3A_17 : i32
    %and3A = arith.andi %ne3A, %ne3A_18 : i1
    %sub3A_19 = arith.constant 1 : i32
    %sub3A_20 = arith.subi %div3A, %sub3A_19 : i32
    %select_n3A = arith.select %and3A, %sub3A_20, %div3A : i32
    %mul3A_21 = arith.constant 8 : i32
    %mul3A_22 = arith.muli %arg0, %mul3A_21 : i32
    %add3A_23 = arith.constant 0 : i32
    %add3A_24 = arith.addi %mul3A_22, %add3A_23 : i32
    %get3A_25 = arith.index_cast %add3A_24 : i32 to index
    %get3A_26 = memref.load %arg1[%get3A_25] : memref<32xi32, #tpu.memory_space<smem>>
    %gt3A = arith.constant 0 : i32
    %gt3A_27 = arith.cmpi sgt, %get3A_26, %gt3A : i32
    %convert_element_type3A = arith.extui %gt3A_27 : i1 to i32
    %cond3A = arith.constant 0 : i32
    %cond3A_28 = arith.cmpi ne, %convert_element_type3A, %cond3A : i32
    scf.if %cond3A_28 {
      %mul3A_135 = arith.constant 8 : i32
      %mul3A_136 = arith.muli %arg0, %mul3A_135 : i32
      %add3A_137 = arith.constant 0 : i32
      %add3A_138 = arith.addi %mul3A_136, %add3A_137 : i32
      %dma_start3A = arith.constant 0 : i32
      %dma_start3A_139 = arith.constant 0 : i32
      %dma_start3A_140 = tpu.memref_slice %arg8[%dma_start3A_139] : memref<2x!tpu.dma_semaphore, #tpu.memory_space<semaphore_mem>> -> memref<1x!tpu.dma_semaphore, #tpu.memory_space<semaphore_mem>>
      %dma_start3A_141 = tpu.memref_squeeze %dma_start3A_140 : memref<1x!tpu.dma_semaphore, #tpu.memory_space<semaphore_mem>> -> memref<!tpu.dma_semaphore, #tpu.memory_space<semaphore_mem>>
      %dma_start3A_142 = arith.constant 0 : i32
      %dma_start3A_143 = arith.constant 0 : i32
      %dma_start3A_144 = arith.constant 0 : i32
      %dma_start3A_145 = arith.constant 0 : i32
      %dma_start3A_146 = tpu.memref_slice %arg5[%dma_start3A, %dma_start3A_142, %dma_start3A_143, %dma_start3A_144, %dma_start3A_145] : memref<2x8x8x64x64xf32, #tpu.memory_space<vmem>> -> memref<1x1x8x64x64xf32, #tpu.memory_space<vmem>>
      %dma_start3A_147 = tpu.memref_squeeze %dma_start3A_146 : memref<1x1x8x64x64xf32, #tpu.memory_space<vmem>> -> memref<1x8x64x64xf32, #tpu.memory_space<vmem>>
      %dma_start3A_148 = arith.constant 0 : i32
      %dma_start3A_149 = arith.constant 0 : i32
      %dma_start3A_150 = arith.constant 0 : i32
      %dma_start3A_151 = tpu.memref_slice %arg3[%add3A_138, %dma_start3A_148, %dma_start3A_149, %dma_start3A_150] : memref<32x512x64x64xf32, #tpu.memory_space<any>> -> memref<1x8x64x64xf32, #tpu.memory_space<any>>
      tpu.enqueue_dma source(%dma_start3A_151 : memref<1x8x64x64xf32, #tpu.memory_space<any>>) target(%dma_start3A_147 : memref<1x8x64x64xf32, #tpu.memory_space<vmem>>) target_semaphore(%dma_start3A_141 : memref<!tpu.dma_semaphore, #tpu.memory_space<semaphore_mem>>)
    } else {
    }
    %mul3A_29 = arith.constant 8 : i32
    %mul3A_30 = arith.muli %arg0, %mul3A_29 : i32
    %add3A_31 = arith.constant 1 : i32
    %add3A_32 = arith.addi %mul3A_30, %add3A_31 : i32
    %get3A_33 = arith.index_cast %add3A_32 : i32 to index
    %get3A_34 = memref.load %arg1[%get3A_33] : memref<32xi32, #tpu.memory_space<smem>>
    %gt3A_35 = arith.constant 0 : i32
    %gt3A_36 = arith.cmpi sgt, %get3A_34, %gt3A_35 : i32
    %convert_element_type3A_37 = arith.extui %gt3A_36 : i1 to i32
    %cond3A_38 = arith.constant 0 : i32
    %cond3A_39 = arith.cmpi ne, %convert_element_type3A_37, %cond3A_38 : i32
    scf.if %cond3A_39 {
      %mul3A_135 = arith.constant 8 : i32
      %mul3A_136 = arith.muli %arg0, %mul3A_135 : i32
      %add3A_137 = arith.constant 1 : i32
      %add3A_138 = arith.addi %mul3A_136, %add3A_137 : i32
      %dma_start3A = arith.constant 0 : i32
      %dma_start3A_139 = arith.constant 0 : i32
      %dma_start3A_140 = tpu.memref_slice %arg8[%dma_start3A_139] : memref<2x!tpu.dma_semaphore, #tpu.memory_space<semaphore_mem>> -> memref<1x!tpu.dma_semaphore, #tpu.memory_space<semaphore_mem>>
      %dma_start3A_141 = tpu.memref_squeeze %dma_start3A_140 : memref<1x!tpu.dma_semaphore, #tpu.memory_space<semaphore_mem>> -> memref<!tpu.dma_semaphore, #tpu.memory_space<semaphore_mem>>
      %dma_start3A_142 = arith.constant 1 : i32
      %dma_start3A_143 = arith.constant 0 : i32
      %dma_start3A_144 = arith.constant 0 : i32
      %dma_start3A_145 = arith.constant 0 : i32
      %dma_start3A_146 = tpu.memref_slice %arg5[%dma_start3A, %dma_start3A_142, %dma_start3A_143, %dma_start3A_144, %dma_start3A_145] : memref<2x8x8x64x64xf32, #tpu.memory_space<vmem>> -> memref<1x1x8x64x64xf32, #tpu.memory_space<vmem>>
      %dma_start3A_147 = tpu.memref_squeeze %dma_start3A_146 : memref<1x1x8x64x64xf32, #tpu.memory_space<vmem>> -> memref<1x8x64x64xf32, #tpu.memory_space<vmem>>
      %dma_start3A_148 = arith.constant 0 : i32
      %dma_start3A_149 = arith.constant 0 : i32
      %dma_start3A_150 = arith.constant 0 : i32
      %dma_start3A_151 = tpu.memref_slice %arg3[%add3A_138, %dma_start3A_148, %dma_start3A_149, %dma_start3A_150] : memref<32x512x64x64xf32, #tpu.memory_space<any>> -> memref<1x8x64x64xf32, #tpu.memory_space<any>>
      tpu.enqueue_dma source(%dma_start3A_151 : memref<1x8x64x64xf32, #tpu.memory_space<any>>) target(%dma_start3A_147 : memref<1x8x64x64xf32, #tpu.memory_space<vmem>>) target_semaphore(%dma_start3A_141 : memref<!tpu.dma_semaphore, #tpu.memory_space<semaphore_mem>>)
    } else {
    }
    %mul3A_40 = arith.constant 8 : i32
    %mul3A_41 = arith.muli %arg0, %mul3A_40 : i32
    %add3A_42 = arith.constant 2 : i32
    %add3A_43 = arith.addi %mul3A_41, %add3A_42 : i32
    %get3A_44 = arith.index_cast %add3A_43 : i32 to index
    %get3A_45 = memref.load %arg1[%get3A_44] : memref<32xi32, #tpu.memory_space<smem>>
    %gt3A_46 = arith.constant 0 : i32
    %gt3A_47 = arith.cmpi sgt, %get3A_45, %gt3A_46 : i32
    %convert_element_type3A_48 = arith.extui %gt3A_47 : i1 to i32
    %cond3A_49 = arith.constant 0 : i32
    %cond3A_50 = arith.cmpi ne, %convert_element_type3A_48, %cond3A_49 : i32
    scf.if %cond3A_50 {
      %mul3A_135 = arith.constant 8 : i32
      %mul3A_136 = arith.muli %arg0, %mul3A_135 : i32
      %add3A_137 = arith.constant 2 : i32
      %add3A_138 = arith.addi %mul3A_136, %add3A_137 : i32
      %dma_start3A = arith.constant 0 : i32
      %dma_start3A_139 = arith.constant 0 : i32
      %dma_start3A_140 = tpu.memref_slice %arg8[%dma_start3A_139] : memref<2x!tpu.dma_semaphore, #tpu.memory_space<semaphore_mem>> -> memref<1x!tpu.dma_semaphore, #tpu.memory_space<semaphore_mem>>
      %dma_start3A_141 = tpu.memref_squeeze %dma_start3A_140 : memref<1x!tpu.dma_semaphore, #tpu.memory_space<semaphore_mem>> -> memref<!tpu.dma_semaphore, #tpu.memory_space<semaphore_mem>>
      %dma_start3A_142 = arith.constant 2 : i32
      %dma_start3A_143 = arith.constant 0 : i32
      %dma_start3A_144 = arith.constant 0 : i32
      %dma_start3A_145 = arith.constant 0 : i32
      %dma_start3A_146 = tpu.memref_slice %arg5[%dma_start3A, %dma_start3A_142, %dma_start3A_143, %dma_start3A_144, %dma_start3A_145] : memref<2x8x8x64x64xf32, #tpu.memory_space<vmem>> -> memref<1x1x8x64x64xf32, #tpu.memory_space<vmem>>
      %dma_start3A_147 = tpu.memref_squeeze %dma_start3A_146 : memref<1x1x8x64x64xf32, #tpu.memory_space<vmem>> -> memref<1x8x64x64xf32, #tpu.memory_space<vmem>>
      %dma_start3A_148 = arith.constant 0 : i32
      %dma_start3A_149 = arith.constant 0 : i32
      %dma_start3A_150 = arith.constant 0 : i32
      %dma_start3A_151 = tpu.memref_slice %arg3[%add3A_138, %dma_start3A_148, %dma_start3A_149, %dma_start3A_150] : memref<32x512x64x64xf32, #tpu.memory_space<any>> -> memref<1x8x64x64xf32, #tpu.memory_space<any>>
      tpu.enqueue_dma source(%dma_start3A_151 : memref<1x8x64x64xf32, #tpu.memory_space<any>>) target(%dma_start3A_147 : memref<1x8x64x64xf32, #tpu.memory_space<vmem>>) target_semaphore(%dma_start3A_141 : memref<!tpu.dma_semaphore, #tpu.memory_space<semaphore_mem>>)
    } else {
    }
    %mul3A_51 = arith.constant 8 : i32
    %mul3A_52 = arith.muli %arg0, %mul3A_51 : i32
    %add3A_53 = arith.constant 3 : i32
    %add3A_54 = arith.addi %mul3A_52, %add3A_53 : i32
    %get3A_55 = arith.index_cast %add3A_54 : i32 to index
    %get3A_56 = memref.load %arg1[%get3A_55] : memref<32xi32, #tpu.memory_space<smem>>
    %gt3A_57 = arith.constant 0 : i32
    %gt3A_58 = arith.cmpi sgt, %get3A_56, %gt3A_57 : i32
    %convert_element_type3A_59 = arith.extui %gt3A_58 : i1 to i32
    %cond3A_60 = arith.constant 0 : i32
    %cond3A_61 = arith.cmpi ne, %convert_element_type3A_59, %cond3A_60 : i32
    scf.if %cond3A_61 {
      %mul3A_135 = arith.constant 8 : i32
      %mul3A_136 = arith.muli %arg0, %mul3A_135 : i32
      %add3A_137 = arith.constant 3 : i32
      %add3A_138 = arith.addi %mul3A_136, %add3A_137 : i32
      %dma_start3A = arith.constant 0 : i32
      %dma_start3A_139 = arith.constant 0 : i32
      %dma_start3A_140 = tpu.memref_slice %arg8[%dma_start3A_139] : memref<2x!tpu.dma_semaphore, #tpu.memory_space<semaphore_mem>> -> memref<1x!tpu.dma_semaphore, #tpu.memory_space<semaphore_mem>>
      %dma_start3A_141 = tpu.memref_squeeze %dma_start3A_140 : memref<1x!tpu.dma_semaphore, #tpu.memory_space<semaphore_mem>> -> memref<!tpu.dma_semaphore, #tpu.memory_space<semaphore_mem>>
      %dma_start3A_142 = arith.constant 3 : i32
      %dma_start3A_143 = arith.constant 0 : i32
      %dma_start3A_144 = arith.constant 0 : i32
      %dma_start3A_145 = arith.constant 0 : i32
      %dma_start3A_146 = tpu.memref_slice %arg5[%dma_start3A, %dma_start3A_142, %dma_start3A_143, %dma_start3A_144, %dma_start3A_145] : memref<2x8x8x64x64xf32, #tpu.memory_space<vmem>> -> memref<1x1x8x64x64xf32, #tpu.memory_space<vmem>>
      %dma_start3A_147 = tpu.memref_squeeze %dma_start3A_146 : memref<1x1x8x64x64xf32, #tpu.memory_space<vmem>> -> memref<1x8x64x64xf32, #tpu.memory_space<vmem>>
      %dma_start3A_148 = arith.constant 0 : i32
      %dma_start3A_149 = arith.constant 0 : i32
      %dma_start3A_150 = arith.constant 0 : i32
      %dma_start3A_151 = tpu.memref_slice %arg3[%add3A_138, %dma_start3A_148, %dma_start3A_149, %dma_start3A_150] : memref<32x512x64x64xf32, #tpu.memory_space<any>> -> memref<1x8x64x64xf32, #tpu.memory_space<any>>
      tpu.enqueue_dma source(%dma_start3A_151 : memref<1x8x64x64xf32, #tpu.memory_space<any>>) target(%dma_start3A_147 : memref<1x8x64x64xf32, #tpu.memory_space<vmem>>) target_semaphore(%dma_start3A_141 : memref<!tpu.dma_semaphore, #tpu.memory_space<semaphore_mem>>)
    } else {
    }
    %mul3A_62 = arith.constant 8 : i32
    %mul3A_63 = arith.muli %arg0, %mul3A_62 : i32
    %add3A_64 = arith.constant 4 : i32
    %add3A_65 = arith.addi %mul3A_63, %add3A_64 : i32
    %get3A_66 = arith.index_cast %add3A_65 : i32 to index
    %get3A_67 = memref.load %arg1[%get3A_66] : memref<32xi32, #tpu.memory_space<smem>>
    %gt3A_68 = arith.constant 0 : i32
    %gt3A_69 = arith.cmpi sgt, %get3A_67, %gt3A_68 : i32
    %convert_element_type3A_70 = arith.extui %gt3A_69 : i1 to i32
    %cond3A_71 = arith.constant 0 : i32
    %cond3A_72 = arith.cmpi ne, %convert_element_type3A_70, %cond3A_71 : i32
    scf.if %cond3A_72 {
      %mul3A_135 = arith.constant 8 : i32
      %mul3A_136 = arith.muli %arg0, %mul3A_135 : i32
      %add3A_137 = arith.constant 4 : i32
      %add3A_138 = arith.addi %mul3A_136, %add3A_137 : i32
      %dma_start3A = arith.constant 0 : i32
      %dma_start3A_139 = arith.constant 0 : i32
      %dma_start3A_140 = tpu.memref_slice %arg8[%dma_start3A_139] : memref<2x!tpu.dma_semaphore, #tpu.memory_space<semaphore_mem>> -> memref<1x!tpu.dma_semaphore, #tpu.memory_space<semaphore_mem>>
      %dma_start3A_141 = tpu.memref_squeeze %dma_start3A_140 : memref<1x!tpu.dma_semaphore, #tpu.memory_space<semaphore_mem>> -> memref<!tpu.dma_semaphore, #tpu.memory_space<semaphore_mem>>
      %dma_start3A_142 = arith.constant 4 : i32
      %dma_start3A_143 = arith.constant 0 : i32
      %dma_start3A_144 = arith.constant 0 : i32
      %dma_start3A_145 = arith.constant 0 : i32
      %dma_start3A_146 = tpu.memref_slice %arg5[%dma_start3A, %dma_start3A_142, %dma_start3A_143, %dma_start3A_144, %dma_start3A_145] : memref<2x8x8x64x64xf32, #tpu.memory_space<vmem>> -> memref<1x1x8x64x64xf32, #tpu.memory_space<vmem>>
      %dma_start3A_147 = tpu.memref_squeeze %dma_start3A_146 : memref<1x1x8x64x64xf32, #tpu.memory_space<vmem>> -> memref<1x8x64x64xf32, #tpu.memory_space<vmem>>
      %dma_start3A_148 = arith.constant 0 : i32
      %dma_start3A_149 = arith.constant 0 : i32
      %dma_start3A_150 = arith.constant 0 : i32
      %dma_start3A_151 = tpu.memref_slice %arg3[%add3A_138, %dma_start3A_148, %dma_start3A_149, %dma_start3A_150] : memref<32x512x64x64xf32, #tpu.memory_space<any>> -> memref<1x8x64x64xf32, #tpu.memory_space<any>>
      tpu.enqueue_dma source(%dma_start3A_151 : memref<1x8x64x64xf32, #tpu.memory_space<any>>) target(%dma_start3A_147 : memref<1x8x64x64xf32, #tpu.memory_space<vmem>>) target_semaphore(%dma_start3A_141 : memref<!tpu.dma_semaphore, #tpu.memory_space<semaphore_mem>>)
    } else {
    }
    %mul3A_73 = arith.constant 8 : i32
    %mul3A_74 = arith.muli %arg0, %mul3A_73 : i32
    %add3A_75 = arith.constant 5 : i32
    %add3A_76 = arith.addi %mul3A_74, %add3A_75 : i32
    %get3A_77 = arith.index_cast %add3A_76 : i32 to index
    %get3A_78 = memref.load %arg1[%get3A_77] : memref<32xi32, #tpu.memory_space<smem>>
    %gt3A_79 = arith.constant 0 : i32
    %gt3A_80 = arith.cmpi sgt, %get3A_78, %gt3A_79 : i32
    %convert_element_type3A_81 = arith.extui %gt3A_80 : i1 to i32
    %cond3A_82 = arith.constant 0 : i32
    %cond3A_83 = arith.cmpi ne, %convert_element_type3A_81, %cond3A_82 : i32
    scf.if %cond3A_83 {
      %mul3A_135 = arith.constant 8 : i32
      %mul3A_136 = arith.muli %arg0, %mul3A_135 : i32
      %add3A_137 = arith.constant 5 : i32
      %add3A_138 = arith.addi %mul3A_136, %add3A_137 : i32
      %dma_start3A = arith.constant 0 : i32
      %dma_start3A_139 = arith.constant 0 : i32
      %dma_start3A_140 = tpu.memref_slice %arg8[%dma_start3A_139] : memref<2x!tpu.dma_semaphore, #tpu.memory_space<semaphore_mem>> -> memref<1x!tpu.dma_semaphore, #tpu.memory_space<semaphore_mem>>
      %dma_start3A_141 = tpu.memref_squeeze %dma_start3A_140 : memref<1x!tpu.dma_semaphore, #tpu.memory_space<semaphore_mem>> -> memref<!tpu.dma_semaphore, #tpu.memory_space<semaphore_mem>>
      %dma_start3A_142 = arith.constant 5 : i32
      %dma_start3A_143 = arith.constant 0 : i32
      %dma_start3A_144 = arith.constant 0 : i32
      %dma_start3A_145 = arith.constant 0 : i32
      %dma_start3A_146 = tpu.memref_slice %arg5[%dma_start3A, %dma_start3A_142, %dma_start3A_143, %dma_start3A_144, %dma_start3A_145] : memref<2x8x8x64x64xf32, #tpu.memory_space<vmem>> -> memref<1x1x8x64x64xf32, #tpu.memory_space<vmem>>
      %dma_start3A_147 = tpu.memref_squeeze %dma_start3A_146 : memref<1x1x8x64x64xf32, #tpu.memory_space<vmem>> -> memref<1x8x64x64xf32, #tpu.memory_space<vmem>>
      %dma_start3A_148 = arith.constant 0 : i32
      %dma_start3A_149 = arith.constant 0 : i32
      %dma_start3A_150 = arith.constant 0 : i32
      %dma_start3A_151 = tpu.memref_slice %arg3[%add3A_138, %dma_start3A_148, %dma_start3A_149, %dma_start3A_150] : memref<32x512x64x64xf32, #tpu.memory_space<any>> -> memref<1x8x64x64xf32, #tpu.memory_space<any>>
      tpu.enqueue_dma source(%dma_start3A_151 : memref<1x8x64x64xf32, #tpu.memory_space<any>>) target(%dma_start3A_147 : memref<1x8x64x64xf32, #tpu.memory_space<vmem>>) target_semaphore(%dma_start3A_141 : memref<!tpu.dma_semaphore, #tpu.memory_space<semaphore_mem>>)
    } else {
    }
    %mul3A_84 = arith.constant 8 : i32
    %mul3A_85 = arith.muli %arg0, %mul3A_84 : i32
    %add3A_86 = arith.constant 6 : i32
    %add3A_87 = arith.addi %mul3A_85, %add3A_86 : i32
    %get3A_88 = arith.index_cast %add3A_87 : i32 to index
    %get3A_89 = memref.load %arg1[%get3A_88] : memref<32xi32, #tpu.memory_space<smem>>
    %gt3A_90 = arith.constant 0 : i32
    %gt3A_91 = arith.cmpi sgt, %get3A_89, %gt3A_90 : i32
    %convert_element_type3A_92 = arith.extui %gt3A_91 : i1 to i32
    %cond3A_93 = arith.constant 0 : i32
    %cond3A_94 = arith.cmpi ne, %convert_element_type3A_92, %cond3A_93 : i32
    scf.if %cond3A_94 {
      %mul3A_135 = arith.constant 8 : i32
      %mul3A_136 = arith.muli %arg0, %mul3A_135 : i32
      %add3A_137 = arith.constant 6 : i32
      %add3A_138 = arith.addi %mul3A_136, %add3A_137 : i32
      %dma_start3A = arith.constant 0 : i32
      %dma_start3A_139 = arith.constant 0 : i32
      %dma_start3A_140 = tpu.memref_slice %arg8[%dma_start3A_139] : memref<2x!tpu.dma_semaphore, #tpu.memory_space<semaphore_mem>> -> memref<1x!tpu.dma_semaphore, #tpu.memory_space<semaphore_mem>>
      %dma_start3A_141 = tpu.memref_squeeze %dma_start3A_140 : memref<1x!tpu.dma_semaphore, #tpu.memory_space<semaphore_mem>> -> memref<!tpu.dma_semaphore, #tpu.memory_space<semaphore_mem>>
      %dma_start3A_142 = arith.constant 6 : i32
      %dma_start3A_143 = arith.constant 0 : i32
      %dma_start3A_144 = arith.constant 0 : i32
      %dma_start3A_145 = arith.constant 0 : i32
      %dma_start3A_146 = tpu.memref_slice %arg5[%dma_start3A, %dma_start3A_142, %dma_start3A_143, %dma_start3A_144, %dma_start3A_145] : memref<2x8x8x64x64xf32, #tpu.memory_space<vmem>> -> memref<1x1x8x64x64xf32, #tpu.memory_space<vmem>>
      %dma_start3A_147 = tpu.memref_squeeze %dma_start3A_146 : memref<1x1x8x64x64xf32, #tpu.memory_space<vmem>> -> memref<1x8x64x64xf32, #tpu.memory_space<vmem>>
      %dma_start3A_148 = arith.constant 0 : i32
      %dma_start3A_149 = arith.constant 0 : i32
      %dma_start3A_150 = arith.constant 0 : i32
      %dma_start3A_151 = tpu.memref_slice %arg3[%add3A_138, %dma_start3A_148, %dma_start3A_149, %dma_start3A_150] : memref<32x512x64x64xf32, #tpu.memory_space<any>> -> memref<1x8x64x64xf32, #tpu.memory_space<any>>
      tpu.enqueue_dma source(%dma_start3A_151 : memref<1x8x64x64xf32, #tpu.memory_space<any>>) target(%dma_start3A_147 : memref<1x8x64x64xf32, #tpu.memory_space<vmem>>) target_semaphore(%dma_start3A_141 : memref<!tpu.dma_semaphore, #tpu.memory_space<semaphore_mem>>)
    } else {
    }
    %mul3A_95 = arith.constant 8 : i32
    %mul3A_96 = arith.muli %arg0, %mul3A_95 : i32
    %add3A_97 = arith.constant 7 : i32
    %add3A_98 = arith.addi %mul3A_96, %add3A_97 : i32
    %get3A_99 = arith.index_cast %add3A_98 : i32 to index
    %get3A_100 = memref.load %arg1[%get3A_99] : memref<32xi32, #tpu.memory_space<smem>>
    %gt3A_101 = arith.constant 0 : i32
    %gt3A_102 = arith.cmpi sgt, %get3A_100, %gt3A_101 : i32
    %convert_element_type3A_103 = arith.extui %gt3A_102 : i1 to i32
    %cond3A_104 = arith.constant 0 : i32
    %cond3A_105 = arith.cmpi ne, %convert_element_type3A_103, %cond3A_104 : i32
    scf.if %cond3A_105 {
      %mul3A_135 = arith.constant 8 : i32
      %mul3A_136 = arith.muli %arg0, %mul3A_135 : i32
      %add3A_137 = arith.constant 7 : i32
      %add3A_138 = arith.addi %mul3A_136, %add3A_137 : i32
      %dma_start3A = arith.constant 0 : i32
      %dma_start3A_139 = arith.constant 0 : i32
      %dma_start3A_140 = tpu.memref_slice %arg8[%dma_start3A_139] : memref<2x!tpu.dma_semaphore, #tpu.memory_space<semaphore_mem>> -> memref<1x!tpu.dma_semaphore, #tpu.memory_space<semaphore_mem>>
      %dma_start3A_141 = tpu.memref_squeeze %dma_start3A_140 : memref<1x!tpu.dma_semaphore, #tpu.memory_space<semaphore_mem>> -> memref<!tpu.dma_semaphore, #tpu.memory_space<semaphore_mem>>
      %dma_start3A_142 = arith.constant 7 : i32
      %dma_start3A_143 = arith.constant 0 : i32
      %dma_start3A_144 = arith.constant 0 : i32
      %dma_start3A_145 = arith.constant 0 : i32
      %dma_start3A_146 = tpu.memref_slice %arg5[%dma_start3A, %dma_start3A_142, %dma_start3A_143, %dma_start3A_144, %dma_start3A_145] : memref<2x8x8x64x64xf32, #tpu.memory_space<vmem>> -> memref<1x1x8x64x64xf32, #tpu.memory_space<vmem>>
      %dma_start3A_147 = tpu.memref_squeeze %dma_start3A_146 : memref<1x1x8x64x64xf32, #tpu.memory_space<vmem>> -> memref<1x8x64x64xf32, #tpu.memory_space<vmem>>
      %dma_start3A_148 = arith.constant 0 : i32
      %dma_start3A_149 = arith.constant 0 : i32
      %dma_start3A_150 = arith.constant 0 : i32
      %dma_start3A_151 = tpu.memref_slice %arg3[%add3A_138, %dma_start3A_148, %dma_start3A_149, %dma_start3A_150] : memref<32x512x64x64xf32, #tpu.memory_space<any>> -> memref<1x8x64x64xf32, #tpu.memory_space<any>>
      tpu.enqueue_dma source(%dma_start3A_151 : memref<1x8x64x64xf32, #tpu.memory_space<any>>) target(%dma_start3A_147 : memref<1x8x64x64xf32, #tpu.memory_space<vmem>>) target_semaphore(%dma_start3A_141 : memref<!tpu.dma_semaphore, #tpu.memory_space<semaphore_mem>>)
    } else {
    }
    %while3A = arith.constant 0 : i32
    %while3A_106 = arith.constant 0 : i32
    %while3A_107 = arith.subi %select_n3A, %while3A_106 : i32
    %while3A_108 = arith.addi %while3A_106, %while3A_107 : i32
    %while3A_109 = arith.constant 1 : i32
    %while3A_110 = arith.divsi %while3A_107, %while3A_109 : i32
    %while3A_111 = arith.muli %while3A_110, %while3A_109 : i32
    %while3A_112 = arith.addi %while3A_106, %while3A_111 : i32
    %while3A_113 = arith.constant 1 : i32
    scf.for %while3A_135 = %while3A_106 to %while3A_112 step %while3A_113  : i32 {
      %rem3A_136 = arith.constant 2 : i32
      %rem3A_137 = arith.remsi %while3A_135, %rem3A_136 : i32
      %add3A_138 = arith.constant 1 : i32
      %add3A_139 = arith.addi %while3A_135, %add3A_138 : i32
      %lt3A = arith.cmpi slt, %add3A_139, %select_n3A : i32
      %convert_element_type3A_140 = arith.extui %lt3A : i1 to i32
      %cond3A_141 = arith.constant 0 : i32
      %cond3A_142 = arith.cmpi ne, %convert_element_type3A_140, %cond3A_141 : i32
      scf.if %cond3A_142 {
        %add3A_798 = arith.constant 1 : i32
        %add3A_799 = arith.addi %while3A_135, %add3A_798 : i32
        %add3A_800 = arith.constant 1 : i32
        %add3A_801 = arith.addi %while3A_135, %add3A_800 : i32
        %rem3A_802 = arith.constant 2 : i32
        %rem3A_803 = arith.remsi %add3A_801, %rem3A_802 : i32
        %mul3A_804 = arith.constant 8 : i32
        %mul3A_805 = arith.muli %add3A_799, %mul3A_804 : i32
        %mul3A_806 = arith.constant 8 : i32
        %mul3A_807 = arith.muli %arg0, %mul3A_806 : i32
        %add3A_808 = arith.constant 0 : i32
        %add3A_809 = arith.addi %mul3A_807, %add3A_808 : i32
        %get3A_810 = arith.index_cast %add3A_809 : i32 to index
        %get3A_811 = memref.load %arg1[%get3A_810] : memref<32xi32, #tpu.memory_space<smem>>
        %lt3A_812 = arith.cmpi slt, %mul3A_805, %get3A_811 : i32
        %convert_element_type3A_813 = arith.extui %lt3A_812 : i1 to i32
        %cond3A_814 = arith.constant 0 : i32
        %cond3A_815 = arith.cmpi ne, %convert_element_type3A_813, %cond3A_814 : i32
        scf.if %cond3A_815 {
          %mul3A_900 = arith.constant 8 : i32
          %mul3A_901 = arith.muli %arg0, %mul3A_900 : i32
          %add3A_902 = arith.constant 0 : i32
          %add3A_903 = arith.addi %mul3A_901, %add3A_902 : i32
          %mul3A_904 = arith.constant 8 : i32
          %mul3A_905 = arith.muli %add3A_799, %mul3A_904 : i32
          %dma_start3A = tpu.memref_slice %arg8[%rem3A_803] : memref<2x!tpu.dma_semaphore, #tpu.memory_space<semaphore_mem>> -> memref<1x!tpu.dma_semaphore, #tpu.memory_space<semaphore_mem>>
          %dma_start3A_906 = tpu.memref_squeeze %dma_start3A : memref<1x!tpu.dma_semaphore, #tpu.memory_space<semaphore_mem>> -> memref<!tpu.dma_semaphore, #tpu.memory_space<semaphore_mem>>
          %dma_start3A_907 = arith.constant 0 : i32
          %dma_start3A_908 = arith.constant 0 : i32
          %dma_start3A_909 = arith.constant 0 : i32
          %dma_start3A_910 = arith.constant 0 : i32
          %dma_start3A_911 = tpu.memref_slice %arg5[%rem3A_803, %dma_start3A_907, %dma_start3A_908, %dma_start3A_909, %dma_start3A_910] : memref<2x8x8x64x64xf32, #tpu.memory_space<vmem>> -> memref<1x1x8x64x64xf32, #tpu.memory_space<vmem>>
          %dma_start3A_912 = tpu.memref_squeeze %dma_start3A_911 : memref<1x1x8x64x64xf32, #tpu.memory_space<vmem>> -> memref<1x8x64x64xf32, #tpu.memory_space<vmem>>
          %dma_start3A_913 = arith.constant 0 : i32
          %dma_start3A_914 = arith.constant 0 : i32
          %dma_start3A_915 = tpu.memref_slice %arg3[%add3A_903, %mul3A_905, %dma_start3A_913, %dma_start3A_914] : memref<32x512x64x64xf32, #tpu.memory_space<any>> -> memref<1x8x64x64xf32, #tpu.memory_space<any>>
          tpu.enqueue_dma source(%dma_start3A_915 : memref<1x8x64x64xf32, #tpu.memory_space<any>>) target(%dma_start3A_912 : memref<1x8x64x64xf32, #tpu.memory_space<vmem>>) target_semaphore(%dma_start3A_906 : memref<!tpu.dma_semaphore, #tpu.memory_space<semaphore_mem>>)
        } else {
        }
        %mul3A_816 = arith.constant 8 : i32
        %mul3A_817 = arith.muli %add3A_799, %mul3A_816 : i32
        %mul3A_818 = arith.constant 8 : i32
        %mul3A_819 = arith.muli %arg0, %mul3A_818 : i32
        %add3A_820 = arith.constant 1 : i32
        %add3A_821 = arith.addi %mul3A_819, %add3A_820 : i32
        %get3A_822 = arith.index_cast %add3A_821 : i32 to index
        %get3A_823 = memref.load %arg1[%get3A_822] : memref<32xi32, #tpu.memory_space<smem>>
        %lt3A_824 = arith.cmpi slt, %mul3A_817, %get3A_823 : i32
        %convert_element_type3A_825 = arith.extui %lt3A_824 : i1 to i32
        %cond3A_826 = arith.constant 0 : i32
        %cond3A_827 = arith.cmpi ne, %convert_element_type3A_825, %cond3A_826 : i32
        scf.if %cond3A_827 {
          %mul3A_900 = arith.constant 8 : i32
          %mul3A_901 = arith.muli %arg0, %mul3A_900 : i32
          %add3A_902 = arith.constant 1 : i32
          %add3A_903 = arith.addi %mul3A_901, %add3A_902 : i32
          %mul3A_904 = arith.constant 8 : i32
          %mul3A_905 = arith.muli %add3A_799, %mul3A_904 : i32
          %dma_start3A = tpu.memref_slice %arg8[%rem3A_803] : memref<2x!tpu.dma_semaphore, #tpu.memory_space<semaphore_mem>> -> memref<1x!tpu.dma_semaphore, #tpu.memory_space<semaphore_mem>>
          %dma_start3A_906 = tpu.memref_squeeze %dma_start3A : memref<1x!tpu.dma_semaphore, #tpu.memory_space<semaphore_mem>> -> memref<!tpu.dma_semaphore, #tpu.memory_space<semaphore_mem>>
          %dma_start3A_907 = arith.constant 1 : i32
          %dma_start3A_908 = arith.constant 0 : i32
          %dma_start3A_909 = arith.constant 0 : i32
          %dma_start3A_910 = arith.constant 0 : i32
          %dma_start3A_911 = tpu.memref_slice %arg5[%rem3A_803, %dma_start3A_907, %dma_start3A_908, %dma_start3A_909, %dma_start3A_910] : memref<2x8x8x64x64xf32, #tpu.memory_space<vmem>> -> memref<1x1x8x64x64xf32, #tpu.memory_space<vmem>>
          %dma_start3A_912 = tpu.memref_squeeze %dma_start3A_911 : memref<1x1x8x64x64xf32, #tpu.memory_space<vmem>> -> memref<1x8x64x64xf32, #tpu.memory_space<vmem>>
          %dma_start3A_913 = arith.constant 0 : i32
          %dma_start3A_914 = arith.constant 0 : i32
          %dma_start3A_915 = tpu.memref_slice %arg3[%add3A_903, %mul3A_905, %dma_start3A_913, %dma_start3A_914] : memref<32x512x64x64xf32, #tpu.memory_space<any>> -> memref<1x8x64x64xf32, #tpu.memory_space<any>>
          tpu.enqueue_dma source(%dma_start3A_915 : memref<1x8x64x64xf32, #tpu.memory_space<any>>) target(%dma_start3A_912 : memref<1x8x64x64xf32, #tpu.memory_space<vmem>>) target_semaphore(%dma_start3A_906 : memref<!tpu.dma_semaphore, #tpu.memory_space<semaphore_mem>>)
        } else {
        }
        %mul3A_828 = arith.constant 8 : i32
        %mul3A_829 = arith.muli %add3A_799, %mul3A_828 : i32
        %mul3A_830 = arith.constant 8 : i32
        %mul3A_831 = arith.muli %arg0, %mul3A_830 : i32
        %add3A_832 = arith.constant 2 : i32
        %add3A_833 = arith.addi %mul3A_831, %add3A_832 : i32
        %get3A_834 = arith.index_cast %add3A_833 : i32 to index
        %get3A_835 = memref.load %arg1[%get3A_834] : memref<32xi32, #tpu.memory_space<smem>>
        %lt3A_836 = arith.cmpi slt, %mul3A_829, %get3A_835 : i32
        %convert_element_type3A_837 = arith.extui %lt3A_836 : i1 to i32
        %cond3A_838 = arith.constant 0 : i32
        %cond3A_839 = arith.cmpi ne, %convert_element_type3A_837, %cond3A_838 : i32
        scf.if %cond3A_839 {
          %mul3A_900 = arith.constant 8 : i32
          %mul3A_901 = arith.muli %arg0, %mul3A_900 : i32
          %add3A_902 = arith.constant 2 : i32
          %add3A_903 = arith.addi %mul3A_901, %add3A_902 : i32
          %mul3A_904 = arith.constant 8 : i32
          %mul3A_905 = arith.muli %add3A_799, %mul3A_904 : i32
          %dma_start3A = tpu.memref_slice %arg8[%rem3A_803] : memref<2x!tpu.dma_semaphore, #tpu.memory_space<semaphore_mem>> -> memref<1x!tpu.dma_semaphore, #tpu.memory_space<semaphore_mem>>
          %dma_start3A_906 = tpu.memref_squeeze %dma_start3A : memref<1x!tpu.dma_semaphore, #tpu.memory_space<semaphore_mem>> -> memref<!tpu.dma_semaphore, #tpu.memory_space<semaphore_mem>>
          %dma_start3A_907 = arith.constant 2 : i32
          %dma_start3A_908 = arith.constant 0 : i32
          %dma_start3A_909 = arith.constant 0 : i32
          %dma_start3A_910 = arith.constant 0 : i32
          %dma_start3A_911 = tpu.memref_slice %arg5[%rem3A_803, %dma_start3A_907, %dma_start3A_908, %dma_start3A_909, %dma_start3A_910] : memref<2x8x8x64x64xf32, #tpu.memory_space<vmem>> -> memref<1x1x8x64x64xf32, #tpu.memory_space<vmem>>
          %dma_start3A_912 = tpu.memref_squeeze %dma_start3A_911 : memref<1x1x8x64x64xf32, #tpu.memory_space<vmem>> -> memref<1x8x64x64xf32, #tpu.memory_space<vmem>>
          %dma_start3A_913 = arith.constant 0 : i32
          %dma_start3A_914 = arith.constant 0 : i32
          %dma_start3A_915 = tpu.memref_slice %arg3[%add3A_903, %mul3A_905, %dma_start3A_913, %dma_start3A_914] : memref<32x512x64x64xf32, #tpu.memory_space<any>> -> memref<1x8x64x64xf32, #tpu.memory_space<any>>
          tpu.enqueue_dma source(%dma_start3A_915 : memref<1x8x64x64xf32, #tpu.memory_space<any>>) target(%dma_start3A_912 : memref<1x8x64x64xf32, #tpu.memory_space<vmem>>) target_semaphore(%dma_start3A_906 : memref<!tpu.dma_semaphore, #tpu.memory_space<semaphore_mem>>)
        } else {
        }
        %mul3A_840 = arith.constant 8 : i32
        %mul3A_841 = arith.muli %add3A_799, %mul3A_840 : i32
        %mul3A_842 = arith.constant 8 : i32
        %mul3A_843 = arith.muli %arg0, %mul3A_842 : i32
        %add3A_844 = arith.constant 3 : i32
        %add3A_845 = arith.addi %mul3A_843, %add3A_844 : i32
        %get3A_846 = arith.index_cast %add3A_845 : i32 to index
        %get3A_847 = memref.load %arg1[%get3A_846] : memref<32xi32, #tpu.memory_space<smem>>
        %lt3A_848 = arith.cmpi slt, %mul3A_841, %get3A_847 : i32
        %convert_element_type3A_849 = arith.extui %lt3A_848 : i1 to i32
        %cond3A_850 = arith.constant 0 : i32
        %cond3A_851 = arith.cmpi ne, %convert_element_type3A_849, %cond3A_850 : i32
        scf.if %cond3A_851 {
          %mul3A_900 = arith.constant 8 : i32
          %mul3A_901 = arith.muli %arg0, %mul3A_900 : i32
          %add3A_902 = arith.constant 3 : i32
          %add3A_903 = arith.addi %mul3A_901, %add3A_902 : i32
          %mul3A_904 = arith.constant 8 : i32
          %mul3A_905 = arith.muli %add3A_799, %mul3A_904 : i32
          %dma_start3A = tpu.memref_slice %arg8[%rem3A_803] : memref<2x!tpu.dma_semaphore, #tpu.memory_space<semaphore_mem>> -> memref<1x!tpu.dma_semaphore, #tpu.memory_space<semaphore_mem>>
          %dma_start3A_906 = tpu.memref_squeeze %dma_start3A : memref<1x!tpu.dma_semaphore, #tpu.memory_space<semaphore_mem>> -> memref<!tpu.dma_semaphore, #tpu.memory_space<semaphore_mem>>
          %dma_start3A_907 = arith.constant 3 : i32
          %dma_start3A_908 = arith.constant 0 : i32
          %dma_start3A_909 = arith.constant 0 : i32
          %dma_start3A_910 = arith.constant 0 : i32
          %dma_start3A_911 = tpu.memref_slice %arg5[%rem3A_803, %dma_start3A_907, %dma_start3A_908, %dma_start3A_909, %dma_start3A_910] : memref<2x8x8x64x64xf32, #tpu.memory_space<vmem>> -> memref<1x1x8x64x64xf32, #tpu.memory_space<vmem>>
          %dma_start3A_912 = tpu.memref_squeeze %dma_start3A_911 : memref<1x1x8x64x64xf32, #tpu.memory_space<vmem>> -> memref<1x8x64x64xf32, #tpu.memory_space<vmem>>
          %dma_start3A_913 = arith.constant 0 : i32
          %dma_start3A_914 = arith.constant 0 : i32
          %dma_start3A_915 = tpu.memref_slice %arg3[%add3A_903, %mul3A_905, %dma_start3A_913, %dma_start3A_914] : memref<32x512x64x64xf32, #tpu.memory_space<any>> -> memref<1x8x64x64xf32, #tpu.memory_space<any>>
          tpu.enqueue_dma source(%dma_start3A_915 : memref<1x8x64x64xf32, #tpu.memory_space<any>>) target(%dma_start3A_912 : memref<1x8x64x64xf32, #tpu.memory_space<vmem>>) target_semaphore(%dma_start3A_906 : memref<!tpu.dma_semaphore, #tpu.memory_space<semaphore_mem>>)
        } else {
        }
        %mul3A_852 = arith.constant 8 : i32
        %mul3A_853 = arith.muli %add3A_799, %mul3A_852 : i32
        %mul3A_854 = arith.constant 8 : i32
        %mul3A_855 = arith.muli %arg0, %mul3A_854 : i32
        %add3A_856 = arith.constant 4 : i32
        %add3A_857 = arith.addi %mul3A_855, %add3A_856 : i32
        %get3A_858 = arith.index_cast %add3A_857 : i32 to index
        %get3A_859 = memref.load %arg1[%get3A_858] : memref<32xi32, #tpu.memory_space<smem>>
        %lt3A_860 = arith.cmpi slt, %mul3A_853, %get3A_859 : i32
        %convert_element_type3A_861 = arith.extui %lt3A_860 : i1 to i32
        %cond3A_862 = arith.constant 0 : i32
        %cond3A_863 = arith.cmpi ne, %convert_element_type3A_861, %cond3A_862 : i32
        scf.if %cond3A_863 {
          %mul3A_900 = arith.constant 8 : i32
          %mul3A_901 = arith.muli %arg0, %mul3A_900 : i32
          %add3A_902 = arith.constant 4 : i32
          %add3A_903 = arith.addi %mul3A_901, %add3A_902 : i32
          %mul3A_904 = arith.constant 8 : i32
          %mul3A_905 = arith.muli %add3A_799, %mul3A_904 : i32
          %dma_start3A = tpu.memref_slice %arg8[%rem3A_803] : memref<2x!tpu.dma_semaphore, #tpu.memory_space<semaphore_mem>> -> memref<1x!tpu.dma_semaphore, #tpu.memory_space<semaphore_mem>>
          %dma_start3A_906 = tpu.memref_squeeze %dma_start3A : memref<1x!tpu.dma_semaphore, #tpu.memory_space<semaphore_mem>> -> memref<!tpu.dma_semaphore, #tpu.memory_space<semaphore_mem>>
          %dma_start3A_907 = arith.constant 4 : i32
          %dma_start3A_908 = arith.constant 0 : i32
          %dma_start3A_909 = arith.constant 0 : i32
          %dma_start3A_910 = arith.constant 0 : i32
          %dma_start3A_911 = tpu.memref_slice %arg5[%rem3A_803, %dma_start3A_907, %dma_start3A_908, %dma_start3A_909, %dma_start3A_910] : memref<2x8x8x64x64xf32, #tpu.memory_space<vmem>> -> memref<1x1x8x64x64xf32, #tpu.memory_space<vmem>>
          %dma_start3A_912 = tpu.memref_squeeze %dma_start3A_911 : memref<1x1x8x64x64xf32, #tpu.memory_space<vmem>> -> memref<1x8x64x64xf32, #tpu.memory_space<vmem>>
          %dma_start3A_913 = arith.constant 0 : i32
          %dma_start3A_914 = arith.constant 0 : i32
          %dma_start3A_915 = tpu.memref_slice %arg3[%add3A_903, %mul3A_905, %dma_start3A_913, %dma_start3A_914] : memref<32x512x64x64xf32, #tpu.memory_space<any>> -> memref<1x8x64x64xf32, #tpu.memory_space<any>>
          tpu.enqueue_dma source(%dma_start3A_915 : memref<1x8x64x64xf32, #tpu.memory_space<any>>) target(%dma_start3A_912 : memref<1x8x64x64xf32, #tpu.memory_space<vmem>>) target_semaphore(%dma_start3A_906 : memref<!tpu.dma_semaphore, #tpu.memory_space<semaphore_mem>>)
        } else {
        }
        %mul3A_864 = arith.constant 8 : i32
        %mul3A_865 = arith.muli %add3A_799, %mul3A_864 : i32
        %mul3A_866 = arith.constant 8 : i32
        %mul3A_867 = arith.muli %arg0, %mul3A_866 : i32
        %add3A_868 = arith.constant 5 : i32
        %add3A_869 = arith.addi %mul3A_867, %add3A_868 : i32
        %get3A_870 = arith.index_cast %add3A_869 : i32 to index
        %get3A_871 = memref.load %arg1[%get3A_870] : memref<32xi32, #tpu.memory_space<smem>>
        %lt3A_872 = arith.cmpi slt, %mul3A_865, %get3A_871 : i32
        %convert_element_type3A_873 = arith.extui %lt3A_872 : i1 to i32
        %cond3A_874 = arith.constant 0 : i32
        %cond3A_875 = arith.cmpi ne, %convert_element_type3A_873, %cond3A_874 : i32
        scf.if %cond3A_875 {
          %mul3A_900 = arith.constant 8 : i32
          %mul3A_901 = arith.muli %arg0, %mul3A_900 : i32
          %add3A_902 = arith.constant 5 : i32
          %add3A_903 = arith.addi %mul3A_901, %add3A_902 : i32
          %mul3A_904 = arith.constant 8 : i32
          %mul3A_905 = arith.muli %add3A_799, %mul3A_904 : i32
          %dma_start3A = tpu.memref_slice %arg8[%rem3A_803] : memref<2x!tpu.dma_semaphore, #tpu.memory_space<semaphore_mem>> -> memref<1x!tpu.dma_semaphore, #tpu.memory_space<semaphore_mem>>
          %dma_start3A_906 = tpu.memref_squeeze %dma_start3A : memref<1x!tpu.dma_semaphore, #tpu.memory_space<semaphore_mem>> -> memref<!tpu.dma_semaphore, #tpu.memory_space<semaphore_mem>>
          %dma_start3A_907 = arith.constant 5 : i32
          %dma_start3A_908 = arith.constant 0 : i32
          %dma_start3A_909 = arith.constant 0 : i32
          %dma_start3A_910 = arith.constant 0 : i32
          %dma_start3A_911 = tpu.memref_slice %arg5[%rem3A_803, %dma_start3A_907, %dma_start3A_908, %dma_start3A_909, %dma_start3A_910] : memref<2x8x8x64x64xf32, #tpu.memory_space<vmem>> -> memref<1x1x8x64x64xf32, #tpu.memory_space<vmem>>
          %dma_start3A_912 = tpu.memref_squeeze %dma_start3A_911 : memref<1x1x8x64x64xf32, #tpu.memory_space<vmem>> -> memref<1x8x64x64xf32, #tpu.memory_space<vmem>>
          %dma_start3A_913 = arith.constant 0 : i32
          %dma_start3A_914 = arith.constant 0 : i32
          %dma_start3A_915 = tpu.memref_slice %arg3[%add3A_903, %mul3A_905, %dma_start3A_913, %dma_start3A_914] : memref<32x512x64x64xf32, #tpu.memory_space<any>> -> memref<1x8x64x64xf32, #tpu.memory_space<any>>
          tpu.enqueue_dma source(%dma_start3A_915 : memref<1x8x64x64xf32, #tpu.memory_space<any>>) target(%dma_start3A_912 : memref<1x8x64x64xf32, #tpu.memory_space<vmem>>) target_semaphore(%dma_start3A_906 : memref<!tpu.dma_semaphore, #tpu.memory_space<semaphore_mem>>)
        } else {
        }
        %mul3A_876 = arith.constant 8 : i32
        %mul3A_877 = arith.muli %add3A_799, %mul3A_876 : i32
        %mul3A_878 = arith.constant 8 : i32
        %mul3A_879 = arith.muli %arg0, %mul3A_878 : i32
        %add3A_880 = arith.constant 6 : i32
        %add3A_881 = arith.addi %mul3A_879, %add3A_880 : i32
        %get3A_882 = arith.index_cast %add3A_881 : i32 to index
        %get3A_883 = memref.load %arg1[%get3A_882] : memref<32xi32, #tpu.memory_space<smem>>
        %lt3A_884 = arith.cmpi slt, %mul3A_877, %get3A_883 : i32
        %convert_element_type3A_885 = arith.extui %lt3A_884 : i1 to i32
        %cond3A_886 = arith.constant 0 : i32
        %cond3A_887 = arith.cmpi ne, %convert_element_type3A_885, %cond3A_886 : i32
        scf.if %cond3A_887 {
          %mul3A_900 = arith.constant 8 : i32
          %mul3A_901 = arith.muli %arg0, %mul3A_900 : i32
          %add3A_902 = arith.constant 6 : i32
          %add3A_903 = arith.addi %mul3A_901, %add3A_902 : i32
          %mul3A_904 = arith.constant 8 : i32
          %mul3A_905 = arith.muli %add3A_799, %mul3A_904 : i32
          %dma_start3A = tpu.memref_slice %arg8[%rem3A_803] : memref<2x!tpu.dma_semaphore, #tpu.memory_space<semaphore_mem>> -> memref<1x!tpu.dma_semaphore, #tpu.memory_space<semaphore_mem>>
          %dma_start3A_906 = tpu.memref_squeeze %dma_start3A : memref<1x!tpu.dma_semaphore, #tpu.memory_space<semaphore_mem>> -> memref<!tpu.dma_semaphore, #tpu.memory_space<semaphore_mem>>
          %dma_start3A_907 = arith.constant 6 : i32
          %dma_start3A_908 = arith.constant 0 : i32
          %dma_start3A_909 = arith.constant 0 : i32
          %dma_start3A_910 = arith.constant 0 : i32
          %dma_start3A_911 = tpu.memref_slice %arg5[%rem3A_803, %dma_start3A_907, %dma_start3A_908, %dma_start3A_909, %dma_start3A_910] : memref<2x8x8x64x64xf32, #tpu.memory_space<vmem>> -> memref<1x1x8x64x64xf32, #tpu.memory_space<vmem>>
          %dma_start3A_912 = tpu.memref_squeeze %dma_start3A_911 : memref<1x1x8x64x64xf32, #tpu.memory_space<vmem>> -> memref<1x8x64x64xf32, #tpu.memory_space<vmem>>
          %dma_start3A_913 = arith.constant 0 : i32
          %dma_start3A_914 = arith.constant 0 : i32
          %dma_start3A_915 = tpu.memref_slice %arg3[%add3A_903, %mul3A_905, %dma_start3A_913, %dma_start3A_914] : memref<32x512x64x64xf32, #tpu.memory_space<any>> -> memref<1x8x64x64xf32, #tpu.memory_space<any>>
          tpu.enqueue_dma source(%dma_start3A_915 : memref<1x8x64x64xf32, #tpu.memory_space<any>>) target(%dma_start3A_912 : memref<1x8x64x64xf32, #tpu.memory_space<vmem>>) target_semaphore(%dma_start3A_906 : memref<!tpu.dma_semaphore, #tpu.memory_space<semaphore_mem>>)
        } else {
        }
        %mul3A_888 = arith.constant 8 : i32
        %mul3A_889 = arith.muli %add3A_799, %mul3A_888 : i32
        %mul3A_890 = arith.constant 8 : i32
        %mul3A_891 = arith.muli %arg0, %mul3A_890 : i32
        %add3A_892 = arith.constant 7 : i32
        %add3A_893 = arith.addi %mul3A_891, %add3A_892 : i32
        %get3A_894 = arith.index_cast %add3A_893 : i32 to index
        %get3A_895 = memref.load %arg1[%get3A_894] : memref<32xi32, #tpu.memory_space<smem>>
        %lt3A_896 = arith.cmpi slt, %mul3A_889, %get3A_895 : i32
        %convert_element_type3A_897 = arith.extui %lt3A_896 : i1 to i32
        %cond3A_898 = arith.constant 0 : i32
        %cond3A_899 = arith.cmpi ne, %convert_element_type3A_897, %cond3A_898 : i32
        scf.if %cond3A_899 {
          %mul3A_900 = arith.constant 8 : i32
          %mul3A_901 = arith.muli %arg0, %mul3A_900 : i32
          %add3A_902 = arith.constant 7 : i32
          %add3A_903 = arith.addi %mul3A_901, %add3A_902 : i32
          %mul3A_904 = arith.constant 8 : i32
          %mul3A_905 = arith.muli %add3A_799, %mul3A_904 : i32
          %dma_start3A = tpu.memref_slice %arg8[%rem3A_803] : memref<2x!tpu.dma_semaphore, #tpu.memory_space<semaphore_mem>> -> memref<1x!tpu.dma_semaphore, #tpu.memory_space<semaphore_mem>>
          %dma_start3A_906 = tpu.memref_squeeze %dma_start3A : memref<1x!tpu.dma_semaphore, #tpu.memory_space<semaphore_mem>> -> memref<!tpu.dma_semaphore, #tpu.memory_space<semaphore_mem>>
          %dma_start3A_907 = arith.constant 7 : i32
          %dma_start3A_908 = arith.constant 0 : i32
          %dma_start3A_909 = arith.constant 0 : i32
          %dma_start3A_910 = arith.constant 0 : i32
          %dma_start3A_911 = tpu.memref_slice %arg5[%rem3A_803, %dma_start3A_907, %dma_start3A_908, %dma_start3A_909, %dma_start3A_910] : memref<2x8x8x64x64xf32, #tpu.memory_space<vmem>> -> memref<1x1x8x64x64xf32, #tpu.memory_space<vmem>>
          %dma_start3A_912 = tpu.memref_squeeze %dma_start3A_911 : memref<1x1x8x64x64xf32, #tpu.memory_space<vmem>> -> memref<1x8x64x64xf32, #tpu.memory_space<vmem>>
          %dma_start3A_913 = arith.constant 0 : i32
          %dma_start3A_914 = arith.constant 0 : i32
          %dma_start3A_915 = tpu.memref_slice %arg3[%add3A_903, %mul3A_905, %dma_start3A_913, %dma_start3A_914] : memref<32x512x64x64xf32, #tpu.memory_space<any>> -> memref<1x8x64x64xf32, #tpu.memory_space<any>>
          tpu.enqueue_dma source(%dma_start3A_915 : memref<1x8x64x64xf32, #tpu.memory_space<any>>) target(%dma_start3A_912 : memref<1x8x64x64xf32, #tpu.memory_space<vmem>>) target_semaphore(%dma_start3A_906 : memref<!tpu.dma_semaphore, #tpu.memory_space<semaphore_mem>>)
        } else {
        }
      } else {
      }
      %mul3A_143 = arith.constant 8 : i32
      %mul3A_144 = arith.muli %while3A_135, %mul3A_143 : i32
      %mul3A_145 = arith.constant 8 : i32
      %mul3A_146 = arith.muli %arg0, %mul3A_145 : i32
      %add3A_147 = arith.constant 0 : i32
      %add3A_148 = arith.addi %mul3A_146, %add3A_147 : i32
      %get3A_149 = arith.index_cast %add3A_148 : i32 to index
      %get3A_150 = memref.load %arg1[%get3A_149] : memref<32xi32, #tpu.memory_space<smem>>
      %lt3A_151 = arith.cmpi slt, %mul3A_144, %get3A_150 : i32
      %convert_element_type3A_152 = arith.extui %lt3A_151 : i1 to i32
      %cond3A_153 = arith.constant 0 : i32
      %cond3A_154 = arith.cmpi ne, %convert_element_type3A_152, %cond3A_153 : i32
      scf.if %cond3A_154 {
        %mul3A_798 = arith.constant 8 : i32
        %mul3A_799 = arith.muli %arg0, %mul3A_798 : i32
        %add3A_800 = arith.constant 0 : i32
        %add3A_801 = arith.addi %mul3A_799, %add3A_800 : i32
        %mul3A_802 = arith.constant 8 : i32
        %mul3A_803 = arith.muli %while3A_135, %mul3A_802 : i32
        %dma_wait3A = tpu.memref_slice %arg8[%rem3A_137] : memref<2x!tpu.dma_semaphore, #tpu.memory_space<semaphore_mem>> -> memref<1x!tpu.dma_semaphore, #tpu.memory_space<semaphore_mem>>
        %dma_wait3A_804 = tpu.memref_squeeze %dma_wait3A : memref<1x!tpu.dma_semaphore, #tpu.memory_space<semaphore_mem>> -> memref<!tpu.dma_semaphore, #tpu.memory_space<semaphore_mem>>
        %dma_wait3A_805 = arith.constant 0 : i32
        %dma_wait3A_806 = arith.constant 0 : i32
        %dma_wait3A_807 = arith.constant 0 : i32
        %dma_wait3A_808 = arith.constant 0 : i32
        %dma_wait3A_809 = tpu.memref_slice %arg5[%rem3A_137, %dma_wait3A_805, %dma_wait3A_806, %dma_wait3A_807, %dma_wait3A_808] : memref<2x8x8x64x64xf32, #tpu.memory_space<vmem>> -> memref<1x1x8x64x64xf32, #tpu.memory_space<vmem>>
        %dma_wait3A_810 = tpu.memref_squeeze %dma_wait3A_809 : memref<1x1x8x64x64xf32, #tpu.memory_space<vmem>> -> memref<1x8x64x64xf32, #tpu.memory_space<vmem>>
        %dma_wait3A_811 = arith.constant 0 : i32
        %dma_wait3A_812 = arith.constant 0 : i32
        %dma_wait3A_813 = tpu.memref_slice %arg3[%add3A_801, %mul3A_803, %dma_wait3A_811, %dma_wait3A_812] : memref<32x512x64x64xf32, #tpu.memory_space<any>> -> memref<1x8x64x64xf32, #tpu.memory_space<any>>
        tpu.wait_dma2 semaphore(%dma_wait3A_804 : memref<!tpu.dma_semaphore, #tpu.memory_space<semaphore_mem>>) src(%dma_wait3A_813 : memref<1x8x64x64xf32, #tpu.memory_space<any>>) dst(%dma_wait3A_810 : memref<1x8x64x64xf32, #tpu.memory_space<vmem>>)
      } else {
      }
      %mul3A_155 = arith.constant 8 : i32
      %mul3A_156 = arith.muli %while3A_135, %mul3A_155 : i32
      %mul3A_157 = arith.constant 8 : i32
      %mul3A_158 = arith.muli %arg0, %mul3A_157 : i32
      %add3A_159 = arith.constant 1 : i32
      %add3A_160 = arith.addi %mul3A_158, %add3A_159 : i32
      %get3A_161 = arith.index_cast %add3A_160 : i32 to index
      %get3A_162 = memref.load %arg1[%get3A_161] : memref<32xi32, #tpu.memory_space<smem>>
      %lt3A_163 = arith.cmpi slt, %mul3A_156, %get3A_162 : i32
      %convert_element_type3A_164 = arith.extui %lt3A_163 : i1 to i32
      %cond3A_165 = arith.constant 0 : i32
      %cond3A_166 = arith.cmpi ne, %convert_element_type3A_164, %cond3A_165 : i32
      scf.if %cond3A_166 {
        %mul3A_798 = arith.constant 8 : i32
        %mul3A_799 = arith.muli %arg0, %mul3A_798 : i32
        %add3A_800 = arith.constant 1 : i32
        %add3A_801 = arith.addi %mul3A_799, %add3A_800 : i32
        %mul3A_802 = arith.constant 8 : i32
        %mul3A_803 = arith.muli %while3A_135, %mul3A_802 : i32
        %dma_wait3A = tpu.memref_slice %arg8[%rem3A_137] : memref<2x!tpu.dma_semaphore, #tpu.memory_space<semaphore_mem>> -> memref<1x!tpu.dma_semaphore, #tpu.memory_space<semaphore_mem>>
        %dma_wait3A_804 = tpu.memref_squeeze %dma_wait3A : memref<1x!tpu.dma_semaphore, #tpu.memory_space<semaphore_mem>> -> memref<!tpu.dma_semaphore, #tpu.memory_space<semaphore_mem>>
        %dma_wait3A_805 = arith.constant 1 : i32
        %dma_wait3A_806 = arith.constant 0 : i32
        %dma_wait3A_807 = arith.constant 0 : i32
        %dma_wait3A_808 = arith.constant 0 : i32
        %dma_wait3A_809 = tpu.memref_slice %arg5[%rem3A_137, %dma_wait3A_805, %dma_wait3A_806, %dma_wait3A_807, %dma_wait3A_808] : memref<2x8x8x64x64xf32, #tpu.memory_space<vmem>> -> memref<1x1x8x64x64xf32, #tpu.memory_space<vmem>>
        %dma_wait3A_810 = tpu.memref_squeeze %dma_wait3A_809 : memref<1x1x8x64x64xf32, #tpu.memory_space<vmem>> -> memref<1x8x64x64xf32, #tpu.memory_space<vmem>>
        %dma_wait3A_811 = arith.constant 0 : i32
        %dma_wait3A_812 = arith.constant 0 : i32
        %dma_wait3A_813 = tpu.memref_slice %arg3[%add3A_801, %mul3A_803, %dma_wait3A_811, %dma_wait3A_812] : memref<32x512x64x64xf32, #tpu.memory_space<any>> -> memref<1x8x64x64xf32, #tpu.memory_space<any>>
        tpu.wait_dma2 semaphore(%dma_wait3A_804 : memref<!tpu.dma_semaphore, #tpu.memory_space<semaphore_mem>>) src(%dma_wait3A_813 : memref<1x8x64x64xf32, #tpu.memory_space<any>>) dst(%dma_wait3A_810 : memref<1x8x64x64xf32, #tpu.memory_space<vmem>>)
      } else {
      }
      %mul3A_167 = arith.constant 8 : i32
      %mul3A_168 = arith.muli %while3A_135, %mul3A_167 : i32
      %mul3A_169 = arith.constant 8 : i32
      %mul3A_170 = arith.muli %arg0, %mul3A_169 : i32
      %add3A_171 = arith.constant 2 : i32
      %add3A_172 = arith.addi %mul3A_170, %add3A_171 : i32
      %get3A_173 = arith.index_cast %add3A_172 : i32 to index
      %get3A_174 = memref.load %arg1[%get3A_173] : memref<32xi32, #tpu.memory_space<smem>>
      %lt3A_175 = arith.cmpi slt, %mul3A_168, %get3A_174 : i32
      %convert_element_type3A_176 = arith.extui %lt3A_175 : i1 to i32
      %cond3A_177 = arith.constant 0 : i32
      %cond3A_178 = arith.cmpi ne, %convert_element_type3A_176, %cond3A_177 : i32
      scf.if %cond3A_178 {
        %mul3A_798 = arith.constant 8 : i32
        %mul3A_799 = arith.muli %arg0, %mul3A_798 : i32
        %add3A_800 = arith.constant 2 : i32
        %add3A_801 = arith.addi %mul3A_799, %add3A_800 : i32
        %mul3A_802 = arith.constant 8 : i32
        %mul3A_803 = arith.muli %while3A_135, %mul3A_802 : i32
        %dma_wait3A = tpu.memref_slice %arg8[%rem3A_137] : memref<2x!tpu.dma_semaphore, #tpu.memory_space<semaphore_mem>> -> memref<1x!tpu.dma_semaphore, #tpu.memory_space<semaphore_mem>>
        %dma_wait3A_804 = tpu.memref_squeeze %dma_wait3A : memref<1x!tpu.dma_semaphore, #tpu.memory_space<semaphore_mem>> -> memref<!tpu.dma_semaphore, #tpu.memory_space<semaphore_mem>>
        %dma_wait3A_805 = arith.constant 2 : i32
        %dma_wait3A_806 = arith.constant 0 : i32
        %dma_wait3A_807 = arith.constant 0 : i32
        %dma_wait3A_808 = arith.constant 0 : i32
        %dma_wait3A_809 = tpu.memref_slice %arg5[%rem3A_137, %dma_wait3A_805, %dma_wait3A_806, %dma_wait3A_807, %dma_wait3A_808] : memref<2x8x8x64x64xf32, #tpu.memory_space<vmem>> -> memref<1x1x8x64x64xf32, #tpu.memory_space<vmem>>
        %dma_wait3A_810 = tpu.memref_squeeze %dma_wait3A_809 : memref<1x1x8x64x64xf32, #tpu.memory_space<vmem>> -> memref<1x8x64x64xf32, #tpu.memory_space<vmem>>
        %dma_wait3A_811 = arith.constant 0 : i32
        %dma_wait3A_812 = arith.constant 0 : i32
        %dma_wait3A_813 = tpu.memref_slice %arg3[%add3A_801, %mul3A_803, %dma_wait3A_811, %dma_wait3A_812] : memref<32x512x64x64xf32, #tpu.memory_space<any>> -> memref<1x8x64x64xf32, #tpu.memory_space<any>>
        tpu.wait_dma2 semaphore(%dma_wait3A_804 : memref<!tpu.dma_semaphore, #tpu.memory_space<semaphore_mem>>) src(%dma_wait3A_813 : memref<1x8x64x64xf32, #tpu.memory_space<any>>) dst(%dma_wait3A_810 : memref<1x8x64x64xf32, #tpu.memory_space<vmem>>)
      } else {
      }
      %mul3A_179 = arith.constant 8 : i32
      %mul3A_180 = arith.muli %while3A_135, %mul3A_179 : i32
      %mul3A_181 = arith.constant 8 : i32
      %mul3A_182 = arith.muli %arg0, %mul3A_181 : i32
      %add3A_183 = arith.constant 3 : i32
      %add3A_184 = arith.addi %mul3A_182, %add3A_183 : i32
      %get3A_185 = arith.index_cast %add3A_184 : i32 to index
      %get3A_186 = memref.load %arg1[%get3A_185] : memref<32xi32, #tpu.memory_space<smem>>
      %lt3A_187 = arith.cmpi slt, %mul3A_180, %get3A_186 : i32
      %convert_element_type3A_188 = arith.extui %lt3A_187 : i1 to i32
      %cond3A_189 = arith.constant 0 : i32
      %cond3A_190 = arith.cmpi ne, %convert_element_type3A_188, %cond3A_189 : i32
      scf.if %cond3A_190 {
        %mul3A_798 = arith.constant 8 : i32
        %mul3A_799 = arith.muli %arg0, %mul3A_798 : i32
        %add3A_800 = arith.constant 3 : i32
        %add3A_801 = arith.addi %mul3A_799, %add3A_800 : i32
        %mul3A_802 = arith.constant 8 : i32
        %mul3A_803 = arith.muli %while3A_135, %mul3A_802 : i32
        %dma_wait3A = tpu.memref_slice %arg8[%rem3A_137] : memref<2x!tpu.dma_semaphore, #tpu.memory_space<semaphore_mem>> -> memref<1x!tpu.dma_semaphore, #tpu.memory_space<semaphore_mem>>
        %dma_wait3A_804 = tpu.memref_squeeze %dma_wait3A : memref<1x!tpu.dma_semaphore, #tpu.memory_space<semaphore_mem>> -> memref<!tpu.dma_semaphore, #tpu.memory_space<semaphore_mem>>
        %dma_wait3A_805 = arith.constant 3 : i32
        %dma_wait3A_806 = arith.constant 0 : i32
        %dma_wait3A_807 = arith.constant 0 : i32
        %dma_wait3A_808 = arith.constant 0 : i32
        %dma_wait3A_809 = tpu.memref_slice %arg5[%rem3A_137, %dma_wait3A_805, %dma_wait3A_806, %dma_wait3A_807, %dma_wait3A_808] : memref<2x8x8x64x64xf32, #tpu.memory_space<vmem>> -> memref<1x1x8x64x64xf32, #tpu.memory_space<vmem>>
        %dma_wait3A_810 = tpu.memref_squeeze %dma_wait3A_809 : memref<1x1x8x64x64xf32, #tpu.memory_space<vmem>> -> memref<1x8x64x64xf32, #tpu.memory_space<vmem>>
        %dma_wait3A_811 = arith.constant 0 : i32
        %dma_wait3A_812 = arith.constant 0 : i32
        %dma_wait3A_813 = tpu.memref_slice %arg3[%add3A_801, %mul3A_803, %dma_wait3A_811, %dma_wait3A_812] : memref<32x512x64x64xf32, #tpu.memory_space<any>> -> memref<1x8x64x64xf32, #tpu.memory_space<any>>
        tpu.wait_dma2 semaphore(%dma_wait3A_804 : memref<!tpu.dma_semaphore, #tpu.memory_space<semaphore_mem>>) src(%dma_wait3A_813 : memref<1x8x64x64xf32, #tpu.memory_space<any>>) dst(%dma_wait3A_810 : memref<1x8x64x64xf32, #tpu.memory_space<vmem>>)
      } else {
      }
      %mul3A_191 = arith.constant 8 : i32
      %mul3A_192 = arith.muli %while3A_135, %mul3A_191 : i32
      %mul3A_193 = arith.constant 8 : i32
      %mul3A_194 = arith.muli %arg0, %mul3A_193 : i32
      %add3A_195 = arith.constant 4 : i32
      %add3A_196 = arith.addi %mul3A_194, %add3A_195 : i32
      %get3A_197 = arith.index_cast %add3A_196 : i32 to index
      %get3A_198 = memref.load %arg1[%get3A_197] : memref<32xi32, #tpu.memory_space<smem>>
      %lt3A_199 = arith.cmpi slt, %mul3A_192, %get3A_198 : i32
      %convert_element_type3A_200 = arith.extui %lt3A_199 : i1 to i32
      %cond3A_201 = arith.constant 0 : i32
      %cond3A_202 = arith.cmpi ne, %convert_element_type3A_200, %cond3A_201 : i32
      scf.if %cond3A_202 {
        %mul3A_798 = arith.constant 8 : i32
        %mul3A_799 = arith.muli %arg0, %mul3A_798 : i32
        %add3A_800 = arith.constant 4 : i32
        %add3A_801 = arith.addi %mul3A_799, %add3A_800 : i32
        %mul3A_802 = arith.constant 8 : i32
        %mul3A_803 = arith.muli %while3A_135, %mul3A_802 : i32
        %dma_wait3A = tpu.memref_slice %arg8[%rem3A_137] : memref<2x!tpu.dma_semaphore, #tpu.memory_space<semaphore_mem>> -> memref<1x!tpu.dma_semaphore, #tpu.memory_space<semaphore_mem>>
        %dma_wait3A_804 = tpu.memref_squeeze %dma_wait3A : memref<1x!tpu.dma_semaphore, #tpu.memory_space<semaphore_mem>> -> memref<!tpu.dma_semaphore, #tpu.memory_space<semaphore_mem>>
        %dma_wait3A_805 = arith.constant 4 : i32
        %dma_wait3A_806 = arith.constant 0 : i32
        %dma_wait3A_807 = arith.constant 0 : i32
        %dma_wait3A_808 = arith.constant 0 : i32
        %dma_wait3A_809 = tpu.memref_slice %arg5[%rem3A_137, %dma_wait3A_805, %dma_wait3A_806, %dma_wait3A_807, %dma_wait3A_808] : memref<2x8x8x64x64xf32, #tpu.memory_space<vmem>> -> memref<1x1x8x64x64xf32, #tpu.memory_space<vmem>>
        %dma_wait3A_810 = tpu.memref_squeeze %dma_wait3A_809 : memref<1x1x8x64x64xf32, #tpu.memory_space<vmem>> -> memref<1x8x64x64xf32, #tpu.memory_space<vmem>>
        %dma_wait3A_811 = arith.constant 0 : i32
        %dma_wait3A_812 = arith.constant 0 : i32
        %dma_wait3A_813 = tpu.memref_slice %arg3[%add3A_801, %mul3A_803, %dma_wait3A_811, %dma_wait3A_812] : memref<32x512x64x64xf32, #tpu.memory_space<any>> -> memref<1x8x64x64xf32, #tpu.memory_space<any>>
        tpu.wait_dma2 semaphore(%dma_wait3A_804 : memref<!tpu.dma_semaphore, #tpu.memory_space<semaphore_mem>>) src(%dma_wait3A_813 : memref<1x8x64x64xf32, #tpu.memory_space<any>>) dst(%dma_wait3A_810 : memref<1x8x64x64xf32, #tpu.memory_space<vmem>>)
      } else {
      }
      %mul3A_203 = arith.constant 8 : i32
      %mul3A_204 = arith.muli %while3A_135, %mul3A_203 : i32
      %mul3A_205 = arith.constant 8 : i32
      %mul3A_206 = arith.muli %arg0, %mul3A_205 : i32
      %add3A_207 = arith.constant 5 : i32
      %add3A_208 = arith.addi %mul3A_206, %add3A_207 : i32
      %get3A_209 = arith.index_cast %add3A_208 : i32 to index
      %get3A_210 = memref.load %arg1[%get3A_209] : memref<32xi32, #tpu.memory_space<smem>>
      %lt3A_211 = arith.cmpi slt, %mul3A_204, %get3A_210 : i32
      %convert_element_type3A_212 = arith.extui %lt3A_211 : i1 to i32
      %cond3A_213 = arith.constant 0 : i32
      %cond3A_214 = arith.cmpi ne, %convert_element_type3A_212, %cond3A_213 : i32
      scf.if %cond3A_214 {
        %mul3A_798 = arith.constant 8 : i32
        %mul3A_799 = arith.muli %arg0, %mul3A_798 : i32
        %add3A_800 = arith.constant 5 : i32
        %add3A_801 = arith.addi %mul3A_799, %add3A_800 : i32
        %mul3A_802 = arith.constant 8 : i32
        %mul3A_803 = arith.muli %while3A_135, %mul3A_802 : i32
        %dma_wait3A = tpu.memref_slice %arg8[%rem3A_137] : memref<2x!tpu.dma_semaphore, #tpu.memory_space<semaphore_mem>> -> memref<1x!tpu.dma_semaphore, #tpu.memory_space<semaphore_mem>>
        %dma_wait3A_804 = tpu.memref_squeeze %dma_wait3A : memref<1x!tpu.dma_semaphore, #tpu.memory_space<semaphore_mem>> -> memref<!tpu.dma_semaphore, #tpu.memory_space<semaphore_mem>>
        %dma_wait3A_805 = arith.constant 5 : i32
        %dma_wait3A_806 = arith.constant 0 : i32
        %dma_wait3A_807 = arith.constant 0 : i32
        %dma_wait3A_808 = arith.constant 0 : i32
        %dma_wait3A_809 = tpu.memref_slice %arg5[%rem3A_137, %dma_wait3A_805, %dma_wait3A_806, %dma_wait3A_807, %dma_wait3A_808] : memref<2x8x8x64x64xf32, #tpu.memory_space<vmem>> -> memref<1x1x8x64x64xf32, #tpu.memory_space<vmem>>
        %dma_wait3A_810 = tpu.memref_squeeze %dma_wait3A_809 : memref<1x1x8x64x64xf32, #tpu.memory_space<vmem>> -> memref<1x8x64x64xf32, #tpu.memory_space<vmem>>
        %dma_wait3A_811 = arith.constant 0 : i32
        %dma_wait3A_812 = arith.constant 0 : i32
        %dma_wait3A_813 = tpu.memref_slice %arg3[%add3A_801, %mul3A_803, %dma_wait3A_811, %dma_wait3A_812] : memref<32x512x64x64xf32, #tpu.memory_space<any>> -> memref<1x8x64x64xf32, #tpu.memory_space<any>>
        tpu.wait_dma2 semaphore(%dma_wait3A_804 : memref<!tpu.dma_semaphore, #tpu.memory_space<semaphore_mem>>) src(%dma_wait3A_813 : memref<1x8x64x64xf32, #tpu.memory_space<any>>) dst(%dma_wait3A_810 : memref<1x8x64x64xf32, #tpu.memory_space<vmem>>)
      } else {
      }
      %mul3A_215 = arith.constant 8 : i32
      %mul3A_216 = arith.muli %while3A_135, %mul3A_215 : i32
      %mul3A_217 = arith.constant 8 : i32
      %mul3A_218 = arith.muli %arg0, %mul3A_217 : i32
      %add3A_219 = arith.constant 6 : i32
      %add3A_220 = arith.addi %mul3A_218, %add3A_219 : i32
      %get3A_221 = arith.index_cast %add3A_220 : i32 to index
      %get3A_222 = memref.load %arg1[%get3A_221] : memref<32xi32, #tpu.memory_space<smem>>
      %lt3A_223 = arith.cmpi slt, %mul3A_216, %get3A_222 : i32
      %convert_element_type3A_224 = arith.extui %lt3A_223 : i1 to i32
      %cond3A_225 = arith.constant 0 : i32
      %cond3A_226 = arith.cmpi ne, %convert_element_type3A_224, %cond3A_225 : i32
      scf.if %cond3A_226 {
        %mul3A_798 = arith.constant 8 : i32
        %mul3A_799 = arith.muli %arg0, %mul3A_798 : i32
        %add3A_800 = arith.constant 6 : i32
        %add3A_801 = arith.addi %mul3A_799, %add3A_800 : i32
        %mul3A_802 = arith.constant 8 : i32
        %mul3A_803 = arith.muli %while3A_135, %mul3A_802 : i32
        %dma_wait3A = tpu.memref_slice %arg8[%rem3A_137] : memref<2x!tpu.dma_semaphore, #tpu.memory_space<semaphore_mem>> -> memref<1x!tpu.dma_semaphore, #tpu.memory_space<semaphore_mem>>
        %dma_wait3A_804 = tpu.memref_squeeze %dma_wait3A : memref<1x!tpu.dma_semaphore, #tpu.memory_space<semaphore_mem>> -> memref<!tpu.dma_semaphore, #tpu.memory_space<semaphore_mem>>
        %dma_wait3A_805 = arith.constant 6 : i32
        %dma_wait3A_806 = arith.constant 0 : i32
        %dma_wait3A_807 = arith.constant 0 : i32
        %dma_wait3A_808 = arith.constant 0 : i32
        %dma_wait3A_809 = tpu.memref_slice %arg5[%rem3A_137, %dma_wait3A_805, %dma_wait3A_806, %dma_wait3A_807, %dma_wait3A_808] : memref<2x8x8x64x64xf32, #tpu.memory_space<vmem>> -> memref<1x1x8x64x64xf32, #tpu.memory_space<vmem>>
        %dma_wait3A_810 = tpu.memref_squeeze %dma_wait3A_809 : memref<1x1x8x64x64xf32, #tpu.memory_space<vmem>> -> memref<1x8x64x64xf32, #tpu.memory_space<vmem>>
        %dma_wait3A_811 = arith.constant 0 : i32
        %dma_wait3A_812 = arith.constant 0 : i32
        %dma_wait3A_813 = tpu.memref_slice %arg3[%add3A_801, %mul3A_803, %dma_wait3A_811, %dma_wait3A_812] : memref<32x512x64x64xf32, #tpu.memory_space<any>> -> memref<1x8x64x64xf32, #tpu.memory_space<any>>
        tpu.wait_dma2 semaphore(%dma_wait3A_804 : memref<!tpu.dma_semaphore, #tpu.memory_space<semaphore_mem>>) src(%dma_wait3A_813 : memref<1x8x64x64xf32, #tpu.memory_space<any>>) dst(%dma_wait3A_810 : memref<1x8x64x64xf32, #tpu.memory_space<vmem>>)
      } else {
      }
      %mul3A_227 = arith.constant 8 : i32
      %mul3A_228 = arith.muli %while3A_135, %mul3A_227 : i32
      %mul3A_229 = arith.constant 8 : i32
      %mul3A_230 = arith.muli %arg0, %mul3A_229 : i32
      %add3A_231 = arith.constant 7 : i32
      %add3A_232 = arith.addi %mul3A_230, %add3A_231 : i32
      %get3A_233 = arith.index_cast %add3A_232 : i32 to index
      %get3A_234 = memref.load %arg1[%get3A_233] : memref<32xi32, #tpu.memory_space<smem>>
      %lt3A_235 = arith.cmpi slt, %mul3A_228, %get3A_234 : i32
      %convert_element_type3A_236 = arith.extui %lt3A_235 : i1 to i32
      %cond3A_237 = arith.constant 0 : i32
      %cond3A_238 = arith.cmpi ne, %convert_element_type3A_236, %cond3A_237 : i32
      scf.if %cond3A_238 {
        %mul3A_798 = arith.constant 8 : i32
        %mul3A_799 = arith.muli %arg0, %mul3A_798 : i32
        %add3A_800 = arith.constant 7 : i32
        %add3A_801 = arith.addi %mul3A_799, %add3A_800 : i32
        %mul3A_802 = arith.constant 8 : i32
        %mul3A_803 = arith.muli %while3A_135, %mul3A_802 : i32
        %dma_wait3A = tpu.memref_slice %arg8[%rem3A_137] : memref<2x!tpu.dma_semaphore, #tpu.memory_space<semaphore_mem>> -> memref<1x!tpu.dma_semaphore, #tpu.memory_space<semaphore_mem>>
        %dma_wait3A_804 = tpu.memref_squeeze %dma_wait3A : memref<1x!tpu.dma_semaphore, #tpu.memory_space<semaphore_mem>> -> memref<!tpu.dma_semaphore, #tpu.memory_space<semaphore_mem>>
        %dma_wait3A_805 = arith.constant 7 : i32
        %dma_wait3A_806 = arith.constant 0 : i32
        %dma_wait3A_807 = arith.constant 0 : i32
        %dma_wait3A_808 = arith.constant 0 : i32
        %dma_wait3A_809 = tpu.memref_slice %arg5[%rem3A_137, %dma_wait3A_805, %dma_wait3A_806, %dma_wait3A_807, %dma_wait3A_808] : memref<2x8x8x64x64xf32, #tpu.memory_space<vmem>> -> memref<1x1x8x64x64xf32, #tpu.memory_space<vmem>>
        %dma_wait3A_810 = tpu.memref_squeeze %dma_wait3A_809 : memref<1x1x8x64x64xf32, #tpu.memory_space<vmem>> -> memref<1x8x64x64xf32, #tpu.memory_space<vmem>>
        %dma_wait3A_811 = arith.constant 0 : i32
        %dma_wait3A_812 = arith.constant 0 : i32
        %dma_wait3A_813 = tpu.memref_slice %arg3[%add3A_801, %mul3A_803, %dma_wait3A_811, %dma_wait3A_812] : memref<32x512x64x64xf32, #tpu.memory_space<any>> -> memref<1x8x64x64xf32, #tpu.memory_space<any>>
        tpu.wait_dma2 semaphore(%dma_wait3A_804 : memref<!tpu.dma_semaphore, #tpu.memory_space<semaphore_mem>>) src(%dma_wait3A_813 : memref<1x8x64x64xf32, #tpu.memory_space<any>>) dst(%dma_wait3A_810 : memref<1x8x64x64xf32, #tpu.memory_space<vmem>>)
      } else {
      }
      %eq3A_239 = arith.constant 0 : i32
      %eq3A_240 = arith.cmpi eq, %while3A_135, %eq3A_239 : i32
      %convert_element_type3A_241 = arith.extui %eq3A_240 : i1 to i32
      %cond3A_242 = arith.constant 0 : i32
      %cond3A_243 = arith.cmpi ne, %convert_element_type3A_241, %cond3A_242 : i32
      scf.if %cond3A_243 {
        %get3A_798 = arith.index_cast %rem3A_137 : i32 to index
        %get3A_799 = arith.constant 0 : index
        %get3A_800 = arith.constant 0 : index
        %get3A_801 = arith.constant 62 : index
        %get3A_802 = arith.constant 0 : index
        %get3A_803 = vector.load %arg5[%get3A_798, %get3A_799, %get3A_800, %get3A_801, %get3A_802] : memref<2x8x8x64x64xf32, #tpu.memory_space<vmem>>, vector<1x8x1x1x64xf32>
        %get3A_804 = vector.shape_cast %get3A_803 : vector<1x8x1x1x64xf32> to vector<8x64xf32>
        %exp3A_805 = math.exp %get3A_804 : vector<8x64xf32>
        %swap3A_806 = arith.constant 0 : index
        %swap3A_807 = arith.constant 0 : index
        %swap3A_808 = vector.load %arg6[%swap3A_806, %swap3A_807] : memref<8x64xf32, #tpu.memory_space<vmem>>, vector<8x64xf32>
        tpu.vector_store %arg6[%swap3A_806, %swap3A_807], %exp3A_805 {strides = array<i32>} : memref<8x64xf32, #tpu.memory_space<vmem>>, vector<8x64xf32>,
        %broadcast_in_dim3A_809 = arith.constant 0.000000e+00 : f32
        %broadcast_in_dim3A_810 = vector.broadcast %broadcast_in_dim3A_809 : f32 to vector<8x64xf32>
        %swap3A_811 = arith.constant 0 : index
        %swap3A_812 = arith.constant 0 : index
        %swap3A_813 = vector.load %arg7[%swap3A_811, %swap3A_812] : memref<8x64xf32, #tpu.memory_space<vmem>>, vector<8x64xf32>
        tpu.vector_store %arg7[%swap3A_811, %swap3A_812], %broadcast_in_dim3A_810 {strides = array<i32>} : memref<8x64xf32, #tpu.memory_space<vmem>>, vector<8x64xf32>,
      } else {
      }
      %mul3A_244 = arith.constant 8 : i32
      %mul3A_245 = arith.muli %while3A_135, %mul3A_244 : i32
      %add3A_246 = arith.constant 0 : i32
      %add3A_247 = arith.addi %mul3A_245, %add3A_246 : i32
      %get3A_248 = arith.index_cast %rem3A_137 : i32 to index
      %get3A_249 = arith.constant 0 : index
      %get3A_250 = arith.constant 0 : index
      %get3A_251 = arith.constant 0 : index
      %get3A_252 = arith.constant 0 : index
      %get3A_253 = vector.load %arg5[%get3A_248, %get3A_249, %get3A_250, %get3A_251, %get3A_252] : memref<2x8x8x64x64xf32, #tpu.memory_space<vmem>>, vector<1x8x1x64x64xf32>
      %get3A_254 = vector.shape_cast %get3A_253 : vector<1x8x1x64x64xf32> to vector<8x64x64xf32>
      %exp3A = math.exp %get3A_254 : vector<8x64x64xf32>
      %get3A_255 = arith.constant 0 : index
      %get3A_256 = arith.constant 0 : index
      %get3A_257 = vector.load %arg6[%get3A_255, %get3A_256] : memref<8x64xf32, #tpu.memory_space<vmem>>, vector<8x64xf32>
      %broadcast_in_dim3A = vector.shape_cast %get3A_257 : vector<8x64xf32> to vector<8x64x1xf32>
      %broadcast_in_dim3A_258 = vector.shape_cast %broadcast_in_dim3A : vector<8x64x1xf32> to vector<8x64x1xf32>
      %broadcast_in_dim3A_259 = vector.broadcast %broadcast_in_dim3A_258 : vector<8x64x1xf32> to vector<8x64x64xf32>
      %mul3A_260 = arith.mulf %exp3A, %broadcast_in_dim3A_259 : vector<8x64x64xf32>
      %reduce_sum3A_261 = arith.constant dense<0.000000e+00> : vector<8x64xf32>
      %reduce_sum3A_262 = vector.multi_reduction <add>, %mul3A_260, %reduce_sum3A_261 [1] : vector<8x64x64xf32> to vector<8x64xf32>
      %slice3A_263 = vector.extract_strided_slice %reduce_sum3A_262 {offsets = [0, 0], sizes = [8, 1], strides = [1, 1]} : vector<8x64xf32> to vector<8x1xf32>
      %bitcast_convert_type3A = tpu.bitcast %slice3A_263 : vector<8x1xf32> -> vector<8x1xi32>
      %shift_right_arithmetic3A = arith.constant 23 : i32
      %shift_right_arithmetic3A_264 = vector.broadcast %shift_right_arithmetic3A : i32 to vector<8x1xi32>
      %shift_right_arithmetic3A_265 = arith.shrsi %bitcast_convert_type3A, %shift_right_arithmetic3A_264 : vector<8x1xi32>
      %and3A_266 = arith.constant 255 : i32
      %and3A_267 = vector.broadcast %and3A_266 : i32 to vector<8x1xi32>
      %and3A_268 = arith.andi %shift_right_arithmetic3A_265, %and3A_267 : vector<8x1xi32>
      %sub3A_269 = arith.constant 254 : i32
      %sub3A_270 = vector.broadcast %sub3A_269 : i32 to vector<8x1xi32>
      %sub3A_271 = arith.subi %sub3A_270, %and3A_268 : vector<8x1xi32>
      %shift_left3A = arith.constant 23 : i32
      %shift_left3A_272 = vector.broadcast %shift_left3A : i32 to vector<8x1xi32>
      %shift_left3A_273 = arith.shli %sub3A_271, %shift_left3A_272 : vector<8x1xi32>
      %bitcast_convert_type3A_274 = tpu.bitcast %shift_left3A_273 : vector<8x1xi32> -> vector<8x1xf32>
      %get3A_275 = arith.constant 0 : index
      %get3A_276 = arith.constant 0 : index
      %get3A_277 = vector.load %arg2[%get3A_275, %get3A_276] : memref<8x64xi32, #tpu.memory_space<vmem>>, vector<8x64xi32>
      %gt3A_278 = vector.broadcast %add3A_247 : i32 to vector<8x64xi32>
      %gt3A_279 = arith.cmpi sgt, %get3A_277, %gt3A_278 : vector<8x64xi32>
      %gt3A_280 = arith.constant 0 : i32
      %gt3A_281 = arith.cmpi sgt, %add3A_247, %gt3A_280 : i32
      %and3A_282 = vector.broadcast %gt3A_281 : i1 to vector<8x64xi1>
      %and3A_283 = arith.andi %gt3A_279, %and3A_282 : vector<8x64xi1>
      %mul3A_284 = vector.broadcast %bitcast_convert_type3A_274 : vector<8x1xf32> to vector<8x64xf32>
      %mul3A_285 = arith.mulf %reduce_sum3A_262, %mul3A_284 : vector<8x64xf32>
      %select_n3A_286 = arith.select %and3A_283, %mul3A_285, %get3A_257 : vector<8x64xi1>, vector<8x64xf32>
      %swap3A = arith.constant 0 : index
      %swap3A_287 = arith.constant 0 : index
      %swap3A_288 = vector.load %arg6[%swap3A, %swap3A_287] : memref<8x64xf32, #tpu.memory_space<vmem>>, vector<8x64xf32>
      tpu.vector_store %arg6[%swap3A, %swap3A_287], %select_n3A_286 {strides = array<i32>} : memref<8x64xf32, #tpu.memory_space<vmem>>, vector<8x64xf32>,
      %get3A_289 = arith.constant 0 : index
      %get3A_290 = arith.constant 0 : index
      %get3A_291 = vector.load %arg7[%get3A_289, %get3A_290] : memref<8x64xf32, #tpu.memory_space<vmem>>, vector<8x64xf32>
      %sub3A_292 = arith.constant 127 : i32
      %sub3A_293 = vector.broadcast %sub3A_292 : i32 to vector<8x1xi32>
      %sub3A_294 = arith.subi %and3A_268, %sub3A_293 : vector<8x1xi32>
      %convert_element_type3A_295 = arith.sitofp %sub3A_294 : vector<8x1xi32> to vector<8x1xf32>
      %mul3A_296 = arith.constant 0.693147182 : f32
      %mul3A_297 = vector.broadcast %mul3A_296 : f32 to vector<8x1xf32>
      %mul3A_298 = arith.mulf %convert_element_type3A_295, %mul3A_297 : vector<8x1xf32>
      %add3A_299 = vector.broadcast %mul3A_298 : vector<8x1xf32> to vector<8x64xf32>
      %add3A_300 = arith.addf %get3A_291, %add3A_299 : vector<8x64xf32>
      %get3A_301 = arith.constant 0 : index
      %get3A_302 = arith.constant 0 : index
      %get3A_303 = vector.load %arg7[%get3A_301, %get3A_302] : memref<8x64xf32, #tpu.memory_space<vmem>>, vector<8x64xf32>
      %select_n3A_304 = arith.select %and3A_283, %add3A_300, %get3A_303 : vector<8x64xi1>, vector<8x64xf32>
      %swap3A_305 = arith.constant 0 : index
      %swap3A_306 = arith.constant 0 : index
      %swap3A_307 = vector.load %arg7[%swap3A_305, %swap3A_306] : memref<8x64xf32, #tpu.memory_space<vmem>>, vector<8x64xf32>
      tpu.vector_store %arg7[%swap3A_305, %swap3A_306], %select_n3A_304 {strides = array<i32>} : memref<8x64xf32, #tpu.memory_space<vmem>>, vector<8x64xf32>,
      %mul3A_308 = arith.constant 8 : i32
      %mul3A_309 = arith.muli %while3A_135, %mul3A_308 : i32
      %add3A_310 = arith.constant 1 : i32
      %add3A_311 = arith.addi %mul3A_309, %add3A_310 : i32
      %get3A_312 = arith.index_cast %rem3A_137 : i32 to index
      %get3A_313 = arith.constant 0 : index
      %get3A_314 = arith.constant 1 : index
      %get3A_315 = arith.constant 0 : index
      %get3A_316 = arith.constant 0 : index
      %get3A_317 = vector.load %arg5[%get3A_312, %get3A_313, %get3A_314, %get3A_315, %get3A_316] : memref<2x8x8x64x64xf32, #tpu.memory_space<vmem>>, vector<1x8x1x64x64xf32>
      %get3A_318 = vector.shape_cast %get3A_317 : vector<1x8x1x64x64xf32> to vector<8x64x64xf32>
      %exp3A_319 = math.exp %get3A_318 : vector<8x64x64xf32>
      %get3A_320 = arith.constant 0 : index
      %get3A_321 = arith.constant 0 : index
      %get3A_322 = vector.load %arg6[%get3A_320, %get3A_321] : memref<8x64xf32, #tpu.memory_space<vmem>>, vector<8x64xf32>
      %broadcast_in_dim3A_323 = vector.shape_cast %get3A_322 : vector<8x64xf32> to vector<8x64x1xf32>
      %broadcast_in_dim3A_324 = vector.shape_cast %broadcast_in_dim3A_323 : vector<8x64x1xf32> to vector<8x64x1xf32>
      %broadcast_in_dim3A_325 = vector.broadcast %broadcast_in_dim3A_324 : vector<8x64x1xf32> to vector<8x64x64xf32>
      %mul3A_326 = arith.mulf %exp3A_319, %broadcast_in_dim3A_325 : vector<8x64x64xf32>
      %reduce_sum3A_327 = arith.constant dense<0.000000e+00> : vector<8x64xf32>
      %reduce_sum3A_328 = vector.multi_reduction <add>, %mul3A_326, %reduce_sum3A_327 [1] : vector<8x64x64xf32> to vector<8x64xf32>
      %slice3A_329 = vector.extract_strided_slice %reduce_sum3A_328 {offsets = [0, 0], sizes = [8, 1], strides = [1, 1]} : vector<8x64xf32> to vector<8x1xf32>
      %bitcast_convert_type3A_330 = tpu.bitcast %slice3A_329 : vector<8x1xf32> -> vector<8x1xi32>
      %shift_right_arithmetic3A_331 = arith.constant 23 : i32
      %shift_right_arithmetic3A_332 = vector.broadcast %shift_right_arithmetic3A_331 : i32 to vector<8x1xi32>
      %shift_right_arithmetic3A_333 = arith.shrsi %bitcast_convert_type3A_330, %shift_right_arithmetic3A_332 : vector<8x1xi32>
      %and3A_334 = arith.constant 255 : i32
      %and3A_335 = vector.broadcast %and3A_334 : i32 to vector<8x1xi32>
      %and3A_336 = arith.andi %shift_right_arithmetic3A_333, %and3A_335 : vector<8x1xi32>
      %sub3A_337 = arith.constant 254 : i32
      %sub3A_338 = vector.broadcast %sub3A_337 : i32 to vector<8x1xi32>
      %sub3A_339 = arith.subi %sub3A_338, %and3A_336 : vector<8x1xi32>
      %shift_left3A_340 = arith.constant 23 : i32
      %shift_left3A_341 = vector.broadcast %shift_left3A_340 : i32 to vector<8x1xi32>
      %shift_left3A_342 = arith.shli %sub3A_339, %shift_left3A_341 : vector<8x1xi32>
      %bitcast_convert_type3A_343 = tpu.bitcast %shift_left3A_342 : vector<8x1xi32> -> vector<8x1xf32>
      %get3A_344 = arith.constant 0 : index
      %get3A_345 = arith.constant 0 : index
      %get3A_346 = vector.load %arg2[%get3A_344, %get3A_345] : memref<8x64xi32, #tpu.memory_space<vmem>>, vector<8x64xi32>
      %gt3A_347 = vector.broadcast %add3A_311 : i32 to vector<8x64xi32>
      %gt3A_348 = arith.cmpi sgt, %get3A_346, %gt3A_347 : vector<8x64xi32>
      %gt3A_349 = arith.constant 0 : i32
      %gt3A_350 = arith.cmpi sgt, %add3A_311, %gt3A_349 : i32
      %and3A_351 = vector.broadcast %gt3A_350 : i1 to vector<8x64xi1>
      %and3A_352 = arith.andi %gt3A_348, %and3A_351 : vector<8x64xi1>
      %mul3A_353 = vector.broadcast %bitcast_convert_type3A_343 : vector<8x1xf32> to vector<8x64xf32>
      %mul3A_354 = arith.mulf %reduce_sum3A_328, %mul3A_353 : vector<8x64xf32>
      %select_n3A_355 = arith.select %and3A_352, %mul3A_354, %get3A_322 : vector<8x64xi1>, vector<8x64xf32>
      %swap3A_356 = arith.constant 0 : index
      %swap3A_357 = arith.constant 0 : index
      %swap3A_358 = vector.load %arg6[%swap3A_356, %swap3A_357] : memref<8x64xf32, #tpu.memory_space<vmem>>, vector<8x64xf32>
      tpu.vector_store %arg6[%swap3A_356, %swap3A_357], %select_n3A_355 {strides = array<i32>} : memref<8x64xf32, #tpu.memory_space<vmem>>, vector<8x64xf32>,
      %get3A_359 = arith.constant 0 : index
      %get3A_360 = arith.constant 0 : index
      %get3A_361 = vector.load %arg7[%get3A_359, %get3A_360] : memref<8x64xf32, #tpu.memory_space<vmem>>, vector<8x64xf32>
      %sub3A_362 = arith.constant 127 : i32
      %sub3A_363 = vector.broadcast %sub3A_362 : i32 to vector<8x1xi32>
      %sub3A_364 = arith.subi %and3A_336, %sub3A_363 : vector<8x1xi32>
      %convert_element_type3A_365 = arith.sitofp %sub3A_364 : vector<8x1xi32> to vector<8x1xf32>
      %mul3A_366 = arith.constant 0.693147182 : f32
      %mul3A_367 = vector.broadcast %mul3A_366 : f32 to vector<8x1xf32>
      %mul3A_368 = arith.mulf %convert_element_type3A_365, %mul3A_367 : vector<8x1xf32>
      %add3A_369 = vector.broadcast %mul3A_368 : vector<8x1xf32> to vector<8x64xf32>
      %add3A_370 = arith.addf %get3A_361, %add3A_369 : vector<8x64xf32>
      %get3A_371 = arith.constant 0 : index
      %get3A_372 = arith.constant 0 : index
      %get3A_373 = vector.load %arg7[%get3A_371, %get3A_372] : memref<8x64xf32, #tpu.memory_space<vmem>>, vector<8x64xf32>
      %select_n3A_374 = arith.select %and3A_352, %add3A_370, %get3A_373 : vector<8x64xi1>, vector<8x64xf32>
      %swap3A_375 = arith.constant 0 : index
      %swap3A_376 = arith.constant 0 : index
      %swap3A_377 = vector.load %arg7[%swap3A_375, %swap3A_376] : memref<8x64xf32, #tpu.memory_space<vmem>>, vector<8x64xf32>
      tpu.vector_store %arg7[%swap3A_375, %swap3A_376], %select_n3A_374 {strides = array<i32>} : memref<8x64xf32, #tpu.memory_space<vmem>>, vector<8x64xf32>,
      %mul3A_378 = arith.constant 8 : i32
      %mul3A_379 = arith.muli %while3A_135, %mul3A_378 : i32
      %add3A_380 = arith.constant 2 : i32
      %add3A_381 = arith.addi %mul3A_379, %add3A_380 : i32
      %get3A_382 = arith.index_cast %rem3A_137 : i32 to index
      %get3A_383 = arith.constant 0 : index
      %get3A_384 = arith.constant 2 : index
      %get3A_385 = arith.constant 0 : index
      %get3A_386 = arith.constant 0 : index
      %get3A_387 = vector.load %arg5[%get3A_382, %get3A_383, %get3A_384, %get3A_385, %get3A_386] : memref<2x8x8x64x64xf32, #tpu.memory_space<vmem>>, vector<1x8x1x64x64xf32>
      %get3A_388 = vector.shape_cast %get3A_387 : vector<1x8x1x64x64xf32> to vector<8x64x64xf32>
      %exp3A_389 = math.exp %get3A_388 : vector<8x64x64xf32>
      %get3A_390 = arith.constant 0 : index
      %get3A_391 = arith.constant 0 : index
      %get3A_392 = vector.load %arg6[%get3A_390, %get3A_391] : memref<8x64xf32, #tpu.memory_space<vmem>>, vector<8x64xf32>
      %broadcast_in_dim3A_393 = vector.shape_cast %get3A_392 : vector<8x64xf32> to vector<8x64x1xf32>
      %broadcast_in_dim3A_394 = vector.shape_cast %broadcast_in_dim3A_393 : vector<8x64x1xf32> to vector<8x64x1xf32>
      %broadcast_in_dim3A_395 = vector.broadcast %broadcast_in_dim3A_394 : vector<8x64x1xf32> to vector<8x64x64xf32>
      %mul3A_396 = arith.mulf %exp3A_389, %broadcast_in_dim3A_395 : vector<8x64x64xf32>
      %reduce_sum3A_397 = arith.constant dense<0.000000e+00> : vector<8x64xf32>
      %reduce_sum3A_398 = vector.multi_reduction <add>, %mul3A_396, %reduce_sum3A_397 [1] : vector<8x64x64xf32> to vector<8x64xf32>
      %slice3A_399 = vector.extract_strided_slice %reduce_sum3A_398 {offsets = [0, 0], sizes = [8, 1], strides = [1, 1]} : vector<8x64xf32> to vector<8x1xf32>
      %bitcast_convert_type3A_400 = tpu.bitcast %slice3A_399 : vector<8x1xf32> -> vector<8x1xi32>
      %shift_right_arithmetic3A_401 = arith.constant 23 : i32
      %shift_right_arithmetic3A_402 = vector.broadcast %shift_right_arithmetic3A_401 : i32 to vector<8x1xi32>
      %shift_right_arithmetic3A_403 = arith.shrsi %bitcast_convert_type3A_400, %shift_right_arithmetic3A_402 : vector<8x1xi32>
      %and3A_404 = arith.constant 255 : i32
      %and3A_405 = vector.broadcast %and3A_404 : i32 to vector<8x1xi32>
      %and3A_406 = arith.andi %shift_right_arithmetic3A_403, %and3A_405 : vector<8x1xi32>
      %sub3A_407 = arith.constant 254 : i32
      %sub3A_408 = vector.broadcast %sub3A_407 : i32 to vector<8x1xi32>
      %sub3A_409 = arith.subi %sub3A_408, %and3A_406 : vector<8x1xi32>
      %shift_left3A_410 = arith.constant 23 : i32
      %shift_left3A_411 = vector.broadcast %shift_left3A_410 : i32 to vector<8x1xi32>
      %shift_left3A_412 = arith.shli %sub3A_409, %shift_left3A_411 : vector<8x1xi32>
      %bitcast_convert_type3A_413 = tpu.bitcast %shift_left3A_412 : vector<8x1xi32> -> vector<8x1xf32>
      %get3A_414 = arith.constant 0 : index
      %get3A_415 = arith.constant 0 : index
      %get3A_416 = vector.load %arg2[%get3A_414, %get3A_415] : memref<8x64xi32, #tpu.memory_space<vmem>>, vector<8x64xi32>
      %gt3A_417 = vector.broadcast %add3A_381 : i32 to vector<8x64xi32>
      %gt3A_418 = arith.cmpi sgt, %get3A_416, %gt3A_417 : vector<8x64xi32>
      %gt3A_419 = arith.constant 0 : i32
      %gt3A_420 = arith.cmpi sgt, %add3A_381, %gt3A_419 : i32
      %and3A_421 = vector.broadcast %gt3A_420 : i1 to vector<8x64xi1>
      %and3A_422 = arith.andi %gt3A_418, %and3A_421 : vector<8x64xi1>
      %mul3A_423 = vector.broadcast %bitcast_convert_type3A_413 : vector<8x1xf32> to vector<8x64xf32>
      %mul3A_424 = arith.mulf %reduce_sum3A_398, %mul3A_423 : vector<8x64xf32>
      %select_n3A_425 = arith.select %and3A_422, %mul3A_424, %get3A_392 : vector<8x64xi1>, vector<8x64xf32>
      %swap3A_426 = arith.constant 0 : index
      %swap3A_427 = arith.constant 0 : index
      %swap3A_428 = vector.load %arg6[%swap3A_426, %swap3A_427] : memref<8x64xf32, #tpu.memory_space<vmem>>, vector<8x64xf32>
      tpu.vector_store %arg6[%swap3A_426, %swap3A_427], %select_n3A_425 {strides = array<i32>} : memref<8x64xf32, #tpu.memory_space<vmem>>, vector<8x64xf32>,
      %get3A_429 = arith.constant 0 : index
      %get3A_430 = arith.constant 0 : index
      %get3A_431 = vector.load %arg7[%get3A_429, %get3A_430] : memref<8x64xf32, #tpu.memory_space<vmem>>, vector<8x64xf32>
      %sub3A_432 = arith.constant 127 : i32
      %sub3A_433 = vector.broadcast %sub3A_432 : i32 to vector<8x1xi32>
      %sub3A_434 = arith.subi %and3A_406, %sub3A_433 : vector<8x1xi32>
      %convert_element_type3A_435 = arith.sitofp %sub3A_434 : vector<8x1xi32> to vector<8x1xf32>
      %mul3A_436 = arith.constant 0.693147182 : f32
      %mul3A_437 = vector.broadcast %mul3A_436 : f32 to vector<8x1xf32>
      %mul3A_438 = arith.mulf %convert_element_type3A_435, %mul3A_437 : vector<8x1xf32>
      %add3A_439 = vector.broadcast %mul3A_438 : vector<8x1xf32> to vector<8x64xf32>
      %add3A_440 = arith.addf %get3A_431, %add3A_439 : vector<8x64xf32>
      %get3A_441 = arith.constant 0 : index
      %get3A_442 = arith.constant 0 : index
      %get3A_443 = vector.load %arg7[%get3A_441, %get3A_442] : memref<8x64xf32, #tpu.memory_space<vmem>>, vector<8x64xf32>
      %select_n3A_444 = arith.select %and3A_422, %add3A_440, %get3A_443 : vector<8x64xi1>, vector<8x64xf32>
      %swap3A_445 = arith.constant 0 : index
      %swap3A_446 = arith.constant 0 : index
      %swap3A_447 = vector.load %arg7[%swap3A_445, %swap3A_446] : memref<8x64xf32, #tpu.memory_space<vmem>>, vector<8x64xf32>
      tpu.vector_store %arg7[%swap3A_445, %swap3A_446], %select_n3A_444 {strides = array<i32>} : memref<8x64xf32, #tpu.memory_space<vmem>>, vector<8x64xf32>,
      %mul3A_448 = arith.constant 8 : i32
      %mul3A_449 = arith.muli %while3A_135, %mul3A_448 : i32
      %add3A_450 = arith.constant 3 : i32
      %add3A_451 = arith.addi %mul3A_449, %add3A_450 : i32
      %get3A_452 = arith.index_cast %rem3A_137 : i32 to index
      %get3A_453 = arith.constant 0 : index
      %get3A_454 = arith.constant 3 : index
      %get3A_455 = arith.constant 0 : index
      %get3A_456 = arith.constant 0 : index
      %get3A_457 = vector.load %arg5[%get3A_452, %get3A_453, %get3A_454, %get3A_455, %get3A_456] : memref<2x8x8x64x64xf32, #tpu.memory_space<vmem>>, vector<1x8x1x64x64xf32>
      %get3A_458 = vector.shape_cast %get3A_457 : vector<1x8x1x64x64xf32> to vector<8x64x64xf32>
      %exp3A_459 = math.exp %get3A_458 : vector<8x64x64xf32>
      %get3A_460 = arith.constant 0 : index
      %get3A_461 = arith.constant 0 : index
      %get3A_462 = vector.load %arg6[%get3A_460, %get3A_461] : memref<8x64xf32, #tpu.memory_space<vmem>>, vector<8x64xf32>
      %broadcast_in_dim3A_463 = vector.shape_cast %get3A_462 : vector<8x64xf32> to vector<8x64x1xf32>
      %broadcast_in_dim3A_464 = vector.shape_cast %broadcast_in_dim3A_463 : vector<8x64x1xf32> to vector<8x64x1xf32>
      %broadcast_in_dim3A_465 = vector.broadcast %broadcast_in_dim3A_464 : vector<8x64x1xf32> to vector<8x64x64xf32>
      %mul3A_466 = arith.mulf %exp3A_459, %broadcast_in_dim3A_465 : vector<8x64x64xf32>
      %reduce_sum3A_467 = arith.constant dense<0.000000e+00> : vector<8x64xf32>
      %reduce_sum3A_468 = vector.multi_reduction <add>, %mul3A_466, %reduce_sum3A_467 [1] : vector<8x64x64xf32> to vector<8x64xf32>
      %slice3A_469 = vector.extract_strided_slice %reduce_sum3A_468 {offsets = [0, 0], sizes = [8, 1], strides = [1, 1]} : vector<8x64xf32> to vector<8x1xf32>
      %bitcast_convert_type3A_470 = tpu.bitcast %slice3A_469 : vector<8x1xf32> -> vector<8x1xi32>
      %shift_right_arithmetic3A_471 = arith.constant 23 : i32
      %shift_right_arithmetic3A_472 = vector.broadcast %shift_right_arithmetic3A_471 : i32 to vector<8x1xi32>
      %shift_right_arithmetic3A_473 = arith.shrsi %bitcast_convert_type3A_470, %shift_right_arithmetic3A_472 : vector<8x1xi32>
      %and3A_474 = arith.constant 255 : i32
      %and3A_475 = vector.broadcast %and3A_474 : i32 to vector<8x1xi32>
      %and3A_476 = arith.andi %shift_right_arithmetic3A_473, %and3A_475 : vector<8x1xi32>
      %sub3A_477 = arith.constant 254 : i32
      %sub3A_478 = vector.broadcast %sub3A_477 : i32 to vector<8x1xi32>
      %sub3A_479 = arith.subi %sub3A_478, %and3A_476 : vector<8x1xi32>
      %shift_left3A_480 = arith.constant 23 : i32
      %shift_left3A_481 = vector.broadcast %shift_left3A_480 : i32 to vector<8x1xi32>
      %shift_left3A_482 = arith.shli %sub3A_479, %shift_left3A_481 : vector<8x1xi32>
      %bitcast_convert_type3A_483 = tpu.bitcast %shift_left3A_482 : vector<8x1xi32> -> vector<8x1xf32>
      %get3A_484 = arith.constant 0 : index
      %get3A_485 = arith.constant 0 : index
      %get3A_486 = vector.load %arg2[%get3A_484, %get3A_485] : memref<8x64xi32, #tpu.memory_space<vmem>>, vector<8x64xi32>
      %gt3A_487 = vector.broadcast %add3A_451 : i32 to vector<8x64xi32>
      %gt3A_488 = arith.cmpi sgt, %get3A_486, %gt3A_487 : vector<8x64xi32>
      %gt3A_489 = arith.constant 0 : i32
      %gt3A_490 = arith.cmpi sgt, %add3A_451, %gt3A_489 : i32
      %and3A_491 = vector.broadcast %gt3A_490 : i1 to vector<8x64xi1>
      %and3A_492 = arith.andi %gt3A_488, %and3A_491 : vector<8x64xi1>
      %mul3A_493 = vector.broadcast %bitcast_convert_type3A_483 : vector<8x1xf32> to vector<8x64xf32>
      %mul3A_494 = arith.mulf %reduce_sum3A_468, %mul3A_493 : vector<8x64xf32>
      %select_n3A_495 = arith.select %and3A_492, %mul3A_494, %get3A_462 : vector<8x64xi1>, vector<8x64xf32>
      %swap3A_496 = arith.constant 0 : index
      %swap3A_497 = arith.constant 0 : index
      %swap3A_498 = vector.load %arg6[%swap3A_496, %swap3A_497] : memref<8x64xf32, #tpu.memory_space<vmem>>, vector<8x64xf32>
      tpu.vector_store %arg6[%swap3A_496, %swap3A_497], %select_n3A_495 {strides = array<i32>} : memref<8x64xf32, #tpu.memory_space<vmem>>, vector<8x64xf32>,
      %get3A_499 = arith.constant 0 : index
      %get3A_500 = arith.constant 0 : index
      %get3A_501 = vector.load %arg7[%get3A_499, %get3A_500] : memref<8x64xf32, #tpu.memory_space<vmem>>, vector<8x64xf32>
      %sub3A_502 = arith.constant 127 : i32
      %sub3A_503 = vector.broadcast %sub3A_502 : i32 to vector<8x1xi32>
      %sub3A_504 = arith.subi %and3A_476, %sub3A_503 : vector<8x1xi32>
      %convert_element_type3A_505 = arith.sitofp %sub3A_504 : vector<8x1xi32> to vector<8x1xf32>
      %mul3A_506 = arith.constant 0.693147182 : f32
      %mul3A_507 = vector.broadcast %mul3A_506 : f32 to vector<8x1xf32>
      %mul3A_508 = arith.mulf %convert_element_type3A_505, %mul3A_507 : vector<8x1xf32>
      %add3A_509 = vector.broadcast %mul3A_508 : vector<8x1xf32> to vector<8x64xf32>
      %add3A_510 = arith.addf %get3A_501, %add3A_509 : vector<8x64xf32>
      %get3A_511 = arith.constant 0 : index
      %get3A_512 = arith.constant 0 : index
      %get3A_513 = vector.load %arg7[%get3A_511, %get3A_512] : memref<8x64xf32, #tpu.memory_space<vmem>>, vector<8x64xf32>
      %select_n3A_514 = arith.select %and3A_492, %add3A_510, %get3A_513 : vector<8x64xi1>, vector<8x64xf32>
      %swap3A_515 = arith.constant 0 : index
      %swap3A_516 = arith.constant 0 : index
      %swap3A_517 = vector.load %arg7[%swap3A_515, %swap3A_516] : memref<8x64xf32, #tpu.memory_space<vmem>>, vector<8x64xf32>
      tpu.vector_store %arg7[%swap3A_515, %swap3A_516], %select_n3A_514 {strides = array<i32>} : memref<8x64xf32, #tpu.memory_space<vmem>>, vector<8x64xf32>,
      %mul3A_518 = arith.constant 8 : i32
      %mul3A_519 = arith.muli %while3A_135, %mul3A_518 : i32
      %add3A_520 = arith.constant 4 : i32
      %add3A_521 = arith.addi %mul3A_519, %add3A_520 : i32
      %get3A_522 = arith.index_cast %rem3A_137 : i32 to index
      %get3A_523 = arith.constant 0 : index
      %get3A_524 = arith.constant 4 : index
      %get3A_525 = arith.constant 0 : index
      %get3A_526 = arith.constant 0 : index
      %get3A_527 = vector.load %arg5[%get3A_522, %get3A_523, %get3A_524, %get3A_525, %get3A_526] : memref<2x8x8x64x64xf32, #tpu.memory_space<vmem>>, vector<1x8x1x64x64xf32>
      %get3A_528 = vector.shape_cast %get3A_527 : vector<1x8x1x64x64xf32> to vector<8x64x64xf32>
      %exp3A_529 = math.exp %get3A_528 : vector<8x64x64xf32>
      %get3A_530 = arith.constant 0 : index
      %get3A_531 = arith.constant 0 : index
      %get3A_532 = vector.load %arg6[%get3A_530, %get3A_531] : memref<8x64xf32, #tpu.memory_space<vmem>>, vector<8x64xf32>
      %broadcast_in_dim3A_533 = vector.shape_cast %get3A_532 : vector<8x64xf32> to vector<8x64x1xf32>
      %broadcast_in_dim3A_534 = vector.shape_cast %broadcast_in_dim3A_533 : vector<8x64x1xf32> to vector<8x64x1xf32>
      %broadcast_in_dim3A_535 = vector.broadcast %broadcast_in_dim3A_534 : vector<8x64x1xf32> to vector<8x64x64xf32>
      %mul3A_536 = arith.mulf %exp3A_529, %broadcast_in_dim3A_535 : vector<8x64x64xf32>
      %reduce_sum3A_537 = arith.constant dense<0.000000e+00> : vector<8x64xf32>
      %reduce_sum3A_538 = vector.multi_reduction <add>, %mul3A_536, %reduce_sum3A_537 [1] : vector<8x64x64xf32> to vector<8x64xf32>
      %slice3A_539 = vector.extract_strided_slice %reduce_sum3A_538 {offsets = [0, 0], sizes = [8, 1], strides = [1, 1]} : vector<8x64xf32> to vector<8x1xf32>
      %bitcast_convert_type3A_540 = tpu.bitcast %slice3A_539 : vector<8x1xf32> -> vector<8x1xi32>
      %shift_right_arithmetic3A_541 = arith.constant 23 : i32
      %shift_right_arithmetic3A_542 = vector.broadcast %shift_right_arithmetic3A_541 : i32 to vector<8x1xi32>
      %shift_right_arithmetic3A_543 = arith.shrsi %bitcast_convert_type3A_540, %shift_right_arithmetic3A_542 : vector<8x1xi32>
      %and3A_544 = arith.constant 255 : i32
      %and3A_545 = vector.broadcast %and3A_544 : i32 to vector<8x1xi32>
      %and3A_546 = arith.andi %shift_right_arithmetic3A_543, %and3A_545 : vector<8x1xi32>
      %sub3A_547 = arith.constant 254 : i32
      %sub3A_548 = vector.broadcast %sub3A_547 : i32 to vector<8x1xi32>
      %sub3A_549 = arith.subi %sub3A_548, %and3A_546 : vector<8x1xi32>
      %shift_left3A_550 = arith.constant 23 : i32
      %shift_left3A_551 = vector.broadcast %shift_left3A_550 : i32 to vector<8x1xi32>
      %shift_left3A_552 = arith.shli %sub3A_549, %shift_left3A_551 : vector<8x1xi32>
      %bitcast_convert_type3A_553 = tpu.bitcast %shift_left3A_552 : vector<8x1xi32> -> vector<8x1xf32>
      %get3A_554 = arith.constant 0 : index
      %get3A_555 = arith.constant 0 : index
      %get3A_556 = vector.load %arg2[%get3A_554, %get3A_555] : memref<8x64xi32, #tpu.memory_space<vmem>>, vector<8x64xi32>
      %gt3A_557 = vector.broadcast %add3A_521 : i32 to vector<8x64xi32>
      %gt3A_558 = arith.cmpi sgt, %get3A_556, %gt3A_557 : vector<8x64xi32>
      %gt3A_559 = arith.constant 0 : i32
      %gt3A_560 = arith.cmpi sgt, %add3A_521, %gt3A_559 : i32
      %and3A_561 = vector.broadcast %gt3A_560 : i1 to vector<8x64xi1>
      %and3A_562 = arith.andi %gt3A_558, %and3A_561 : vector<8x64xi1>
      %mul3A_563 = vector.broadcast %bitcast_convert_type3A_553 : vector<8x1xf32> to vector<8x64xf32>
      %mul3A_564 = arith.mulf %reduce_sum3A_538, %mul3A_563 : vector<8x64xf32>
      %select_n3A_565 = arith.select %and3A_562, %mul3A_564, %get3A_532 : vector<8x64xi1>, vector<8x64xf32>
      %swap3A_566 = arith.constant 0 : index
      %swap3A_567 = arith.constant 0 : index
      %swap3A_568 = vector.load %arg6[%swap3A_566, %swap3A_567] : memref<8x64xf32, #tpu.memory_space<vmem>>, vector<8x64xf32>
      tpu.vector_store %arg6[%swap3A_566, %swap3A_567], %select_n3A_565 {strides = array<i32>} : memref<8x64xf32, #tpu.memory_space<vmem>>, vector<8x64xf32>,
      %get3A_569 = arith.constant 0 : index
      %get3A_570 = arith.constant 0 : index
      %get3A_571 = vector.load %arg7[%get3A_569, %get3A_570] : memref<8x64xf32, #tpu.memory_space<vmem>>, vector<8x64xf32>
      %sub3A_572 = arith.constant 127 : i32
      %sub3A_573 = vector.broadcast %sub3A_572 : i32 to vector<8x1xi32>
      %sub3A_574 = arith.subi %and3A_546, %sub3A_573 : vector<8x1xi32>
      %convert_element_type3A_575 = arith.sitofp %sub3A_574 : vector<8x1xi32> to vector<8x1xf32>
      %mul3A_576 = arith.constant 0.693147182 : f32
      %mul3A_577 = vector.broadcast %mul3A_576 : f32 to vector<8x1xf32>
      %mul3A_578 = arith.mulf %convert_element_type3A_575, %mul3A_577 : vector<8x1xf32>
      %add3A_579 = vector.broadcast %mul3A_578 : vector<8x1xf32> to vector<8x64xf32>
      %add3A_580 = arith.addf %get3A_571, %add3A_579 : vector<8x64xf32>
      %get3A_581 = arith.constant 0 : index
      %get3A_582 = arith.constant 0 : index
      %get3A_583 = vector.load %arg7[%get3A_581, %get3A_582] : memref<8x64xf32, #tpu.memory_space<vmem>>, vector<8x64xf32>
      %select_n3A_584 = arith.select %and3A_562, %add3A_580, %get3A_583 : vector<8x64xi1>, vector<8x64xf32>
      %swap3A_585 = arith.constant 0 : index
      %swap3A_586 = arith.constant 0 : index
      %swap3A_587 = vector.load %arg7[%swap3A_585, %swap3A_586] : memref<8x64xf32, #tpu.memory_space<vmem>>, vector<8x64xf32>
      tpu.vector_store %arg7[%swap3A_585, %swap3A_586], %select_n3A_584 {strides = array<i32>} : memref<8x64xf32, #tpu.memory_space<vmem>>, vector<8x64xf32>,
      %mul3A_588 = arith.constant 8 : i32
      %mul3A_589 = arith.muli %while3A_135, %mul3A_588 : i32
      %add3A_590 = arith.constant 5 : i32
      %add3A_591 = arith.addi %mul3A_589, %add3A_590 : i32
      %get3A_592 = arith.index_cast %rem3A_137 : i32 to index
      %get3A_593 = arith.constant 0 : index
      %get3A_594 = arith.constant 5 : index
      %get3A_595 = arith.constant 0 : index
      %get3A_596 = arith.constant 0 : index
      %get3A_597 = vector.load %arg5[%get3A_592, %get3A_593, %get3A_594, %get3A_595, %get3A_596] : memref<2x8x8x64x64xf32, #tpu.memory_space<vmem>>, vector<1x8x1x64x64xf32>
      %get3A_598 = vector.shape_cast %get3A_597 : vector<1x8x1x64x64xf32> to vector<8x64x64xf32>
      %exp3A_599 = math.exp %get3A_598 : vector<8x64x64xf32>
      %get3A_600 = arith.constant 0 : index
      %get3A_601 = arith.constant 0 : index
      %get3A_602 = vector.load %arg6[%get3A_600, %get3A_601] : memref<8x64xf32, #tpu.memory_space<vmem>>, vector<8x64xf32>
      %broadcast_in_dim3A_603 = vector.shape_cast %get3A_602 : vector<8x64xf32> to vector<8x64x1xf32>
      %broadcast_in_dim3A_604 = vector.shape_cast %broadcast_in_dim3A_603 : vector<8x64x1xf32> to vector<8x64x1xf32>
      %broadcast_in_dim3A_605 = vector.broadcast %broadcast_in_dim3A_604 : vector<8x64x1xf32> to vector<8x64x64xf32>
      %mul3A_606 = arith.mulf %exp3A_599, %broadcast_in_dim3A_605 : vector<8x64x64xf32>
      %reduce_sum3A_607 = arith.constant dense<0.000000e+00> : vector<8x64xf32>
      %reduce_sum3A_608 = vector.multi_reduction <add>, %mul3A_606, %reduce_sum3A_607 [1] : vector<8x64x64xf32> to vector<8x64xf32>
      %slice3A_609 = vector.extract_strided_slice %reduce_sum3A_608 {offsets = [0, 0], sizes = [8, 1], strides = [1, 1]} : vector<8x64xf32> to vector<8x1xf32>
      %bitcast_convert_type3A_610 = tpu.bitcast %slice3A_609 : vector<8x1xf32> -> vector<8x1xi32>
      %shift_right_arithmetic3A_611 = arith.constant 23 : i32
      %shift_right_arithmetic3A_612 = vector.broadcast %shift_right_arithmetic3A_611 : i32 to vector<8x1xi32>
      %shift_right_arithmetic3A_613 = arith.shrsi %bitcast_convert_type3A_610, %shift_right_arithmetic3A_612 : vector<8x1xi32>
      %and3A_614 = arith.constant 255 : i32
      %and3A_615 = vector.broadcast %and3A_614 : i32 to vector<8x1xi32>
      %and3A_616 = arith.andi %shift_right_arithmetic3A_613, %and3A_615 : vector<8x1xi32>
      %sub3A_617 = arith.constant 254 : i32
      %sub3A_618 = vector.broadcast %sub3A_617 : i32 to vector<8x1xi32>
      %sub3A_619 = arith.subi %sub3A_618, %and3A_616 : vector<8x1xi32>
      %shift_left3A_620 = arith.constant 23 : i32
      %shift_left3A_621 = vector.broadcast %shift_left3A_620 : i32 to vector<8x1xi32>
      %shift_left3A_622 = arith.shli %sub3A_619, %shift_left3A_621 : vector<8x1xi32>
      %bitcast_convert_type3A_623 = tpu.bitcast %shift_left3A_622 : vector<8x1xi32> -> vector<8x1xf32>
      %get3A_624 = arith.constant 0 : index
      %get3A_625 = arith.constant 0 : index
      %get3A_626 = vector.load %arg2[%get3A_624, %get3A_625] : memref<8x64xi32, #tpu.memory_space<vmem>>, vector<8x64xi32>
      %gt3A_627 = vector.broadcast %add3A_591 : i32 to vector<8x64xi32>
      %gt3A_628 = arith.cmpi sgt, %get3A_626, %gt3A_627 : vector<8x64xi32>
      %gt3A_629 = arith.constant 0 : i32
      %gt3A_630 = arith.cmpi sgt, %add3A_591, %gt3A_629 : i32
      %and3A_631 = vector.broadcast %gt3A_630 : i1 to vector<8x64xi1>
      %and3A_632 = arith.andi %gt3A_628, %and3A_631 : vector<8x64xi1>
      %mul3A_633 = vector.broadcast %bitcast_convert_type3A_623 : vector<8x1xf32> to vector<8x64xf32>
      %mul3A_634 = arith.mulf %reduce_sum3A_608, %mul3A_633 : vector<8x64xf32>
      %select_n3A_635 = arith.select %and3A_632, %mul3A_634, %get3A_602 : vector<8x64xi1>, vector<8x64xf32>
      %swap3A_636 = arith.constant 0 : index
      %swap3A_637 = arith.constant 0 : index
      %swap3A_638 = vector.load %arg6[%swap3A_636, %swap3A_637] : memref<8x64xf32, #tpu.memory_space<vmem>>, vector<8x64xf32>
      tpu.vector_store %arg6[%swap3A_636, %swap3A_637], %select_n3A_635 {strides = array<i32>} : memref<8x64xf32, #tpu.memory_space<vmem>>, vector<8x64xf32>,
      %get3A_639 = arith.constant 0 : index
      %get3A_640 = arith.constant 0 : index
      %get3A_641 = vector.load %arg7[%get3A_639, %get3A_640] : memref<8x64xf32, #tpu.memory_space<vmem>>, vector<8x64xf32>
      %sub3A_642 = arith.constant 127 : i32
      %sub3A_643 = vector.broadcast %sub3A_642 : i32 to vector<8x1xi32>
      %sub3A_644 = arith.subi %and3A_616, %sub3A_643 : vector<8x1xi32>
      %convert_element_type3A_645 = arith.sitofp %sub3A_644 : vector<8x1xi32> to vector<8x1xf32>
      %mul3A_646 = arith.constant 0.693147182 : f32
      %mul3A_647 = vector.broadcast %mul3A_646 : f32 to vector<8x1xf32>
      %mul3A_648 = arith.mulf %convert_element_type3A_645, %mul3A_647 : vector<8x1xf32>
      %add3A_649 = vector.broadcast %mul3A_648 : vector<8x1xf32> to vector<8x64xf32>
      %add3A_650 = arith.addf %get3A_641, %add3A_649 : vector<8x64xf32>
      %get3A_651 = arith.constant 0 : index
      %get3A_652 = arith.constant 0 : index
      %get3A_653 = vector.load %arg7[%get3A_651, %get3A_652] : memref<8x64xf32, #tpu.memory_space<vmem>>, vector<8x64xf32>
      %select_n3A_654 = arith.select %and3A_632, %add3A_650, %get3A_653 : vector<8x64xi1>, vector<8x64xf32>
      %swap3A_655 = arith.constant 0 : index
      %swap3A_656 = arith.constant 0 : index
      %swap3A_657 = vector.load %arg7[%swap3A_655, %swap3A_656] : memref<8x64xf32, #tpu.memory_space<vmem>>, vector<8x64xf32>
      tpu.vector_store %arg7[%swap3A_655, %swap3A_656], %select_n3A_654 {strides = array<i32>} : memref<8x64xf32, #tpu.memory_space<vmem>>, vector<8x64xf32>,
      %mul3A_658 = arith.constant 8 : i32
      %mul3A_659 = arith.muli %while3A_135, %mul3A_658 : i32
      %add3A_660 = arith.constant 6 : i32
      %add3A_661 = arith.addi %mul3A_659, %add3A_660 : i32
      %get3A_662 = arith.index_cast %rem3A_137 : i32 to index
      %get3A_663 = arith.constant 0 : index
      %get3A_664 = arith.constant 6 : index
      %get3A_665 = arith.constant 0 : index
      %get3A_666 = arith.constant 0 : index
      %get3A_667 = vector.load %arg5[%get3A_662, %get3A_663, %get3A_664, %get3A_665, %get3A_666] : memref<2x8x8x64x64xf32, #tpu.memory_space<vmem>>, vector<1x8x1x64x64xf32>
      %get3A_668 = vector.shape_cast %get3A_667 : vector<1x8x1x64x64xf32> to vector<8x64x64xf32>
      %exp3A_669 = math.exp %get3A_668 : vector<8x64x64xf32>
      %get3A_670 = arith.constant 0 : index
      %get3A_671 = arith.constant 0 : index
      %get3A_672 = vector.load %arg6[%get3A_670, %get3A_671] : memref<8x64xf32, #tpu.memory_space<vmem>>, vector<8x64xf32>
      %broadcast_in_dim3A_673 = vector.shape_cast %get3A_672 : vector<8x64xf32> to vector<8x64x1xf32>
      %broadcast_in_dim3A_674 = vector.shape_cast %broadcast_in_dim3A_673 : vector<8x64x1xf32> to vector<8x64x1xf32>
      %broadcast_in_dim3A_675 = vector.broadcast %broadcast_in_dim3A_674 : vector<8x64x1xf32> to vector<8x64x64xf32>
      %mul3A_676 = arith.mulf %exp3A_669, %broadcast_in_dim3A_675 : vector<8x64x64xf32>
      %reduce_sum3A_677 = arith.constant dense<0.000000e+00> : vector<8x64xf32>
      %reduce_sum3A_678 = vector.multi_reduction <add>, %mul3A_676, %reduce_sum3A_677 [1] : vector<8x64x64xf32> to vector<8x64xf32>
      %slice3A_679 = vector.extract_strided_slice %reduce_sum3A_678 {offsets = [0, 0], sizes = [8, 1], strides = [1, 1]} : vector<8x64xf32> to vector<8x1xf32>
      %bitcast_convert_type3A_680 = tpu.bitcast %slice3A_679 : vector<8x1xf32> -> vector<8x1xi32>
      %shift_right_arithmetic3A_681 = arith.constant 23 : i32
      %shift_right_arithmetic3A_682 = vector.broadcast %shift_right_arithmetic3A_681 : i32 to vector<8x1xi32>
      %shift_right_arithmetic3A_683 = arith.shrsi %bitcast_convert_type3A_680, %shift_right_arithmetic3A_682 : vector<8x1xi32>
      %and3A_684 = arith.constant 255 : i32
      %and3A_685 = vector.broadcast %and3A_684 : i32 to vector<8x1xi32>
      %and3A_686 = arith.andi %shift_right_arithmetic3A_683, %and3A_685 : vector<8x1xi32>
      %sub3A_687 = arith.constant 254 : i32
      %sub3A_688 = vector.broadcast %sub3A_687 : i32 to vector<8x1xi32>
      %sub3A_689 = arith.subi %sub3A_688, %and3A_686 : vector<8x1xi32>
      %shift_left3A_690 = arith.constant 23 : i32
      %shift_left3A_691 = vector.broadcast %shift_left3A_690 : i32 to vector<8x1xi32>
      %shift_left3A_692 = arith.shli %sub3A_689, %shift_left3A_691 : vector<8x1xi32>
      %bitcast_convert_type3A_693 = tpu.bitcast %shift_left3A_692 : vector<8x1xi32> -> vector<8x1xf32>
      %get3A_694 = arith.constant 0 : index
      %get3A_695 = arith.constant 0 : index
      %get3A_696 = vector.load %arg2[%get3A_694, %get3A_695] : memref<8x64xi32, #tpu.memory_space<vmem>>, vector<8x64xi32>
      %gt3A_697 = vector.broadcast %add3A_661 : i32 to vector<8x64xi32>
      %gt3A_698 = arith.cmpi sgt, %get3A_696, %gt3A_697 : vector<8x64xi32>
      %gt3A_699 = arith.constant 0 : i32
      %gt3A_700 = arith.cmpi sgt, %add3A_661, %gt3A_699 : i32
      %and3A_701 = vector.broadcast %gt3A_700 : i1 to vector<8x64xi1>
      %and3A_702 = arith.andi %gt3A_698, %and3A_701 : vector<8x64xi1>
      %mul3A_703 = vector.broadcast %bitcast_convert_type3A_693 : vector<8x1xf32> to vector<8x64xf32>
      %mul3A_704 = arith.mulf %reduce_sum3A_678, %mul3A_703 : vector<8x64xf32>
      %select_n3A_705 = arith.select %and3A_702, %mul3A_704, %get3A_672 : vector<8x64xi1>, vector<8x64xf32>
      %swap3A_706 = arith.constant 0 : index
      %swap3A_707 = arith.constant 0 : index
      %swap3A_708 = vector.load %arg6[%swap3A_706, %swap3A_707] : memref<8x64xf32, #tpu.memory_space<vmem>>, vector<8x64xf32>
      tpu.vector_store %arg6[%swap3A_706, %swap3A_707], %select_n3A_705 {strides = array<i32>} : memref<8x64xf32, #tpu.memory_space<vmem>>, vector<8x64xf32>,
      %get3A_709 = arith.constant 0 : index
      %get3A_710 = arith.constant 0 : index
      %get3A_711 = vector.load %arg7[%get3A_709, %get3A_710] : memref<8x64xf32, #tpu.memory_space<vmem>>, vector<8x64xf32>
      %sub3A_712 = arith.constant 127 : i32
      %sub3A_713 = vector.broadcast %sub3A_712 : i32 to vector<8x1xi32>
      %sub3A_714 = arith.subi %and3A_686, %sub3A_713 : vector<8x1xi32>
      %convert_element_type3A_715 = arith.sitofp %sub3A_714 : vector<8x1xi32> to vector<8x1xf32>
      %mul3A_716 = arith.constant 0.693147182 : f32
      %mul3A_717 = vector.broadcast %mul3A_716 : f32 to vector<8x1xf32>
      %mul3A_718 = arith.mulf %convert_element_type3A_715, %mul3A_717 : vector<8x1xf32>
      %add3A_719 = vector.broadcast %mul3A_718 : vector<8x1xf32> to vector<8x64xf32>
      %add3A_720 = arith.addf %get3A_711, %add3A_719 : vector<8x64xf32>
      %get3A_721 = arith.constant 0 : index
      %get3A_722 = arith.constant 0 : index
      %get3A_723 = vector.load %arg7[%get3A_721, %get3A_722] : memref<8x64xf32, #tpu.memory_space<vmem>>, vector<8x64xf32>
      %select_n3A_724 = arith.select %and3A_702, %add3A_720, %get3A_723 : vector<8x64xi1>, vector<8x64xf32>
      %swap3A_725 = arith.constant 0 : index
      %swap3A_726 = arith.constant 0 : index
      %swap3A_727 = vector.load %arg7[%swap3A_725, %swap3A_726] : memref<8x64xf32, #tpu.memory_space<vmem>>, vector<8x64xf32>
      tpu.vector_store %arg7[%swap3A_725, %swap3A_726], %select_n3A_724 {strides = array<i32>} : memref<8x64xf32, #tpu.memory_space<vmem>>, vector<8x64xf32>,
      %mul3A_728 = arith.constant 8 : i32
      %mul3A_729 = arith.muli %while3A_135, %mul3A_728 : i32
      %add3A_730 = arith.constant 7 : i32
      %add3A_731 = arith.addi %mul3A_729, %add3A_730 : i32
      %get3A_732 = arith.index_cast %rem3A_137 : i32 to index
      %get3A_733 = arith.constant 0 : index
      %get3A_734 = arith.constant 7 : index
      %get3A_735 = arith.constant 0 : index
      %get3A_736 = arith.constant 0 : index
      %get3A_737 = vector.load %arg5[%get3A_732, %get3A_733, %get3A_734, %get3A_735, %get3A_736] : memref<2x8x8x64x64xf32, #tpu.memory_space<vmem>>, vector<1x8x1x64x64xf32>
      %get3A_738 = vector.shape_cast %get3A_737 : vector<1x8x1x64x64xf32> to vector<8x64x64xf32>
      %exp3A_739 = math.exp %get3A_738 : vector<8x64x64xf32>
      %get3A_740 = arith.constant 0 : index
      %get3A_741 = arith.constant 0 : index
      %get3A_742 = vector.load %arg6[%get3A_740, %get3A_741] : memref<8x64xf32, #tpu.memory_space<vmem>>, vector<8x64xf32>
      %broadcast_in_dim3A_743 = vector.shape_cast %get3A_742 : vector<8x64xf32> to vector<8x64x1xf32>
      %broadcast_in_dim3A_744 = vector.shape_cast %broadcast_in_dim3A_743 : vector<8x64x1xf32> to vector<8x64x1xf32>
      %broadcast_in_dim3A_745 = vector.broadcast %broadcast_in_dim3A_744 : vector<8x64x1xf32> to vector<8x64x64xf32>
      %mul3A_746 = arith.mulf %exp3A_739, %broadcast_in_dim3A_745 : vector<8x64x64xf32>
      %reduce_sum3A_747 = arith.constant dense<0.000000e+00> : vector<8x64xf32>
      %reduce_sum3A_748 = vector.multi_reduction <add>, %mul3A_746, %reduce_sum3A_747 [1] : vector<8x64x64xf32> to vector<8x64xf32>
      %slice3A_749 = vector.extract_strided_slice %reduce_sum3A_748 {offsets = [0, 0], sizes = [8, 1], strides = [1, 1]} : vector<8x64xf32> to vector<8x1xf32>
      %bitcast_convert_type3A_750 = tpu.bitcast %slice3A_749 : vector<8x1xf32> -> vector<8x1xi32>
      %shift_right_arithmetic3A_751 = arith.constant 23 : i32
      %shift_right_arithmetic3A_752 = vector.broadcast %shift_right_arithmetic3A_751 : i32 to vector<8x1xi32>
      %shift_right_arithmetic3A_753 = arith.shrsi %bitcast_convert_type3A_750, %shift_right_arithmetic3A_752 : vector<8x1xi32>
      %and3A_754 = arith.constant 255 : i32
      %and3A_755 = vector.broadcast %and3A_754 : i32 to vector<8x1xi32>
      %and3A_756 = arith.andi %shift_right_arithmetic3A_753, %and3A_755 : vector<8x1xi32>
      %sub3A_757 = arith.constant 254 : i32
      %sub3A_758 = vector.broadcast %sub3A_757 : i32 to vector<8x1xi32>
      %sub3A_759 = arith.subi %sub3A_758, %and3A_756 : vector<8x1xi32>
      %shift_left3A_760 = arith.constant 23 : i32
      %shift_left3A_761 = vector.broadcast %shift_left3A_760 : i32 to vector<8x1xi32>
      %shift_left3A_762 = arith.shli %sub3A_759, %shift_left3A_761 : vector<8x1xi32>
      %bitcast_convert_type3A_763 = tpu.bitcast %shift_left3A_762 : vector<8x1xi32> -> vector<8x1xf32>
      %get3A_764 = arith.constant 0 : index
      %get3A_765 = arith.constant 0 : index
      %get3A_766 = vector.load %arg2[%get3A_764, %get3A_765] : memref<8x64xi32, #tpu.memory_space<vmem>>, vector<8x64xi32>
      %gt3A_767 = vector.broadcast %add3A_731 : i32 to vector<8x64xi32>
      %gt3A_768 = arith.cmpi sgt, %get3A_766, %gt3A_767 : vector<8x64xi32>
      %gt3A_769 = arith.constant 0 : i32
      %gt3A_770 = arith.cmpi sgt, %add3A_731, %gt3A_769 : i32
      %and3A_771 = vector.broadcast %gt3A_770 : i1 to vector<8x64xi1>
      %and3A_772 = arith.andi %gt3A_768, %and3A_771 : vector<8x64xi1>
      %mul3A_773 = vector.broadcast %bitcast_convert_type3A_763 : vector<8x1xf32> to vector<8x64xf32>
      %mul3A_774 = arith.mulf %reduce_sum3A_748, %mul3A_773 : vector<8x64xf32>
      %select_n3A_775 = arith.select %and3A_772, %mul3A_774, %get3A_742 : vector<8x64xi1>, vector<8x64xf32>
      %swap3A_776 = arith.constant 0 : index
      %swap3A_777 = arith.constant 0 : index
      %swap3A_778 = vector.load %arg6[%swap3A_776, %swap3A_777] : memref<8x64xf32, #tpu.memory_space<vmem>>, vector<8x64xf32>
      tpu.vector_store %arg6[%swap3A_776, %swap3A_777], %select_n3A_775 {strides = array<i32>} : memref<8x64xf32, #tpu.memory_space<vmem>>, vector<8x64xf32>,
      %get3A_779 = arith.constant 0 : index
      %get3A_780 = arith.constant 0 : index
      %get3A_781 = vector.load %arg7[%get3A_779, %get3A_780] : memref<8x64xf32, #tpu.memory_space<vmem>>, vector<8x64xf32>
      %sub3A_782 = arith.constant 127 : i32
      %sub3A_783 = vector.broadcast %sub3A_782 : i32 to vector<8x1xi32>
      %sub3A_784 = arith.subi %and3A_756, %sub3A_783 : vector<8x1xi32>
      %convert_element_type3A_785 = arith.sitofp %sub3A_784 : vector<8x1xi32> to vector<8x1xf32>
      %mul3A_786 = arith.constant 0.693147182 : f32
      %mul3A_787 = vector.broadcast %mul3A_786 : f32 to vector<8x1xf32>
      %mul3A_788 = arith.mulf %convert_element_type3A_785, %mul3A_787 : vector<8x1xf32>
      %add3A_789 = vector.broadcast %mul3A_788 : vector<8x1xf32> to vector<8x64xf32>
      %add3A_790 = arith.addf %get3A_781, %add3A_789 : vector<8x64xf32>
      %get3A_791 = arith.constant 0 : index
      %get3A_792 = arith.constant 0 : index
      %get3A_793 = vector.load %arg7[%get3A_791, %get3A_792] : memref<8x64xf32, #tpu.memory_space<vmem>>, vector<8x64xf32>
      %select_n3A_794 = arith.select %and3A_772, %add3A_790, %get3A_793 : vector<8x64xi1>, vector<8x64xf32>
      %swap3A_795 = arith.constant 0 : index
      %swap3A_796 = arith.constant 0 : index
      %swap3A_797 = vector.load %arg7[%swap3A_795, %swap3A_796] : memref<8x64xf32, #tpu.memory_space<vmem>>, vector<8x64xf32>
      tpu.vector_store %arg7[%swap3A_795, %swap3A_796], %select_n3A_794 {strides = array<i32>} : memref<8x64xf32, #tpu.memory_space<vmem>>, vector<8x64xf32>,
    }
    %while3A_114 = arith.constant 1 : i32
    scf.for %while3A_135 = %while3A_112 to %while3A_108 step %while3A_114  : i32 {
      %rem3A_136 = arith.constant 2 : i32
      %rem3A_137 = arith.remsi %while3A_135, %rem3A_136 : i32
      %add3A_138 = arith.constant 1 : i32
      %add3A_139 = arith.addi %while3A_135, %add3A_138 : i32
      %lt3A = arith.cmpi slt, %add3A_139, %select_n3A : i32
      %convert_element_type3A_140 = arith.extui %lt3A : i1 to i32
      %cond3A_141 = arith.constant 0 : i32
      %cond3A_142 = arith.cmpi ne, %convert_element_type3A_140, %cond3A_141 : i32
      scf.if %cond3A_142 {
        %add3A_798 = arith.constant 1 : i32
        %add3A_799 = arith.addi %while3A_135, %add3A_798 : i32
        %add3A_800 = arith.constant 1 : i32
        %add3A_801 = arith.addi %while3A_135, %add3A_800 : i32
        %rem3A_802 = arith.constant 2 : i32
        %rem3A_803 = arith.remsi %add3A_801, %rem3A_802 : i32
        %mul3A_804 = arith.constant 8 : i32
        %mul3A_805 = arith.muli %add3A_799, %mul3A_804 : i32
        %mul3A_806 = arith.constant 8 : i32
        %mul3A_807 = arith.muli %arg0, %mul3A_806 : i32
        %add3A_808 = arith.constant 0 : i32
        %add3A_809 = arith.addi %mul3A_807, %add3A_808 : i32
        %get3A_810 = arith.index_cast %add3A_809 : i32 to index
        %get3A_811 = memref.load %arg1[%get3A_810] : memref<32xi32, #tpu.memory_space<smem>>
        %lt3A_812 = arith.cmpi slt, %mul3A_805, %get3A_811 : i32
        %convert_element_type3A_813 = arith.extui %lt3A_812 : i1 to i32
        %cond3A_814 = arith.constant 0 : i32
        %cond3A_815 = arith.cmpi ne, %convert_element_type3A_813, %cond3A_814 : i32
        scf.if %cond3A_815 {
          %mul3A_900 = arith.constant 8 : i32
          %mul3A_901 = arith.muli %arg0, %mul3A_900 : i32
          %add3A_902 = arith.constant 0 : i32
          %add3A_903 = arith.addi %mul3A_901, %add3A_902 : i32
          %mul3A_904 = arith.constant 8 : i32
          %mul3A_905 = arith.muli %add3A_799, %mul3A_904 : i32
          %dma_start3A = tpu.memref_slice %arg8[%rem3A_803] : memref<2x!tpu.dma_semaphore, #tpu.memory_space<semaphore_mem>> -> memref<1x!tpu.dma_semaphore, #tpu.memory_space<semaphore_mem>>
          %dma_start3A_906 = tpu.memref_squeeze %dma_start3A : memref<1x!tpu.dma_semaphore, #tpu.memory_space<semaphore_mem>> -> memref<!tpu.dma_semaphore, #tpu.memory_space<semaphore_mem>>
          %dma_start3A_907 = arith.constant 0 : i32
          %dma_start3A_908 = arith.constant 0 : i32
          %dma_start3A_909 = arith.constant 0 : i32
          %dma_start3A_910 = arith.constant 0 : i32
          %dma_start3A_911 = tpu.memref_slice %arg5[%rem3A_803, %dma_start3A_907, %dma_start3A_908, %dma_start3A_909, %dma_start3A_910] : memref<2x8x8x64x64xf32, #tpu.memory_space<vmem>> -> memref<1x1x8x64x64xf32, #tpu.memory_space<vmem>>
          %dma_start3A_912 = tpu.memref_squeeze %dma_start3A_911 : memref<1x1x8x64x64xf32, #tpu.memory_space<vmem>> -> memref<1x8x64x64xf32, #tpu.memory_space<vmem>>
          %dma_start3A_913 = arith.constant 0 : i32
          %dma_start3A_914 = arith.constant 0 : i32
          %dma_start3A_915 = tpu.memref_slice %arg3[%add3A_903, %mul3A_905, %dma_start3A_913, %dma_start3A_914] : memref<32x512x64x64xf32, #tpu.memory_space<any>> -> memref<1x8x64x64xf32, #tpu.memory_space<any>>
          tpu.enqueue_dma source(%dma_start3A_915 : memref<1x8x64x64xf32, #tpu.memory_space<any>>) target(%dma_start3A_912 : memref<1x8x64x64xf32, #tpu.memory_space<vmem>>) target_semaphore(%dma_start3A_906 : memref<!tpu.dma_semaphore, #tpu.memory_space<semaphore_mem>>)
        } else {
        }
        %mul3A_816 = arith.constant 8 : i32
        %mul3A_817 = arith.muli %add3A_799, %mul3A_816 : i32
        %mul3A_818 = arith.constant 8 : i32
        %mul3A_819 = arith.muli %arg0, %mul3A_818 : i32
        %add3A_820 = arith.constant 1 : i32
        %add3A_821 = arith.addi %mul3A_819, %add3A_820 : i32
        %get3A_822 = arith.index_cast %add3A_821 : i32 to index
        %get3A_823 = memref.load %arg1[%get3A_822] : memref<32xi32, #tpu.memory_space<smem>>
        %lt3A_824 = arith.cmpi slt, %mul3A_817, %get3A_823 : i32
        %convert_element_type3A_825 = arith.extui %lt3A_824 : i1 to i32
        %cond3A_826 = arith.constant 0 : i32
        %cond3A_827 = arith.cmpi ne, %convert_element_type3A_825, %cond3A_826 : i32
        scf.if %cond3A_827 {
          %mul3A_900 = arith.constant 8 : i32
          %mul3A_901 = arith.muli %arg0, %mul3A_900 : i32
          %add3A_902 = arith.constant 1 : i32
          %add3A_903 = arith.addi %mul3A_901, %add3A_902 : i32
          %mul3A_904 = arith.constant 8 : i32
          %mul3A_905 = arith.muli %add3A_799, %mul3A_904 : i32
          %dma_start3A = tpu.memref_slice %arg8[%rem3A_803] : memref<2x!tpu.dma_semaphore, #tpu.memory_space<semaphore_mem>> -> memref<1x!tpu.dma_semaphore, #tpu.memory_space<semaphore_mem>>
          %dma_start3A_906 = tpu.memref_squeeze %dma_start3A : memref<1x!tpu.dma_semaphore, #tpu.memory_space<semaphore_mem>> -> memref<!tpu.dma_semaphore, #tpu.memory_space<semaphore_mem>>
          %dma_start3A_907 = arith.constant 1 : i32
          %dma_start3A_908 = arith.constant 0 : i32
          %dma_start3A_909 = arith.constant 0 : i32
          %dma_start3A_910 = arith.constant 0 : i32
          %dma_start3A_911 = tpu.memref_slice %arg5[%rem3A_803, %dma_start3A_907, %dma_start3A_908, %dma_start3A_909, %dma_start3A_910] : memref<2x8x8x64x64xf32, #tpu.memory_space<vmem>> -> memref<1x1x8x64x64xf32, #tpu.memory_space<vmem>>
          %dma_start3A_912 = tpu.memref_squeeze %dma_start3A_911 : memref<1x1x8x64x64xf32, #tpu.memory_space<vmem>> -> memref<1x8x64x64xf32, #tpu.memory_space<vmem>>
          %dma_start3A_913 = arith.constant 0 : i32
          %dma_start3A_914 = arith.constant 0 : i32
          %dma_start3A_915 = tpu.memref_slice %arg3[%add3A_903, %mul3A_905, %dma_start3A_913, %dma_start3A_914] : memref<32x512x64x64xf32, #tpu.memory_space<any>> -> memref<1x8x64x64xf32, #tpu.memory_space<any>>
          tpu.enqueue_dma source(%dma_start3A_915 : memref<1x8x64x64xf32, #tpu.memory_space<any>>) target(%dma_start3A_912 : memref<1x8x64x64xf32, #tpu.memory_space<vmem>>) target_semaphore(%dma_start3A_906 : memref<!tpu.dma_semaphore, #tpu.memory_space<semaphore_mem>>)
        } else {
        }
        %mul3A_828 = arith.constant 8 : i32
        %mul3A_829 = arith.muli %add3A_799, %mul3A_828 : i32
        %mul3A_830 = arith.constant 8 : i32
        %mul3A_831 = arith.muli %arg0, %mul3A_830 : i32
        %add3A_832 = arith.constant 2 : i32
        %add3A_833 = arith.addi %mul3A_831, %add3A_832 : i32
        %get3A_834 = arith.index_cast %add3A_833 : i32 to index
        %get3A_835 = memref.load %arg1[%get3A_834] : memref<32xi32, #tpu.memory_space<smem>>
        %lt3A_836 = arith.cmpi slt, %mul3A_829, %get3A_835 : i32
        %convert_element_type3A_837 = arith.extui %lt3A_836 : i1 to i32
        %cond3A_838 = arith.constant 0 : i32
        %cond3A_839 = arith.cmpi ne, %convert_element_type3A_837, %cond3A_838 : i32
        scf.if %cond3A_839 {
          %mul3A_900 = arith.constant 8 : i32
          %mul3A_901 = arith.muli %arg0, %mul3A_900 : i32
          %add3A_902 = arith.constant 2 : i32
          %add3A_903 = arith.addi %mul3A_901, %add3A_902 : i32
          %mul3A_904 = arith.constant 8 : i32
          %mul3A_905 = arith.muli %add3A_799, %mul3A_904 : i32
          %dma_start3A = tpu.memref_slice %arg8[%rem3A_803] : memref<2x!tpu.dma_semaphore, #tpu.memory_space<semaphore_mem>> -> memref<1x!tpu.dma_semaphore, #tpu.memory_space<semaphore_mem>>
          %dma_start3A_906 = tpu.memref_squeeze %dma_start3A : memref<1x!tpu.dma_semaphore, #tpu.memory_space<semaphore_mem>> -> memref<!tpu.dma_semaphore, #tpu.memory_space<semaphore_mem>>
          %dma_start3A_907 = arith.constant 2 : i32
          %dma_start3A_908 = arith.constant 0 : i32
          %dma_start3A_909 = arith.constant 0 : i32
          %dma_start3A_910 = arith.constant 0 : i32
          %dma_start3A_911 = tpu.memref_slice %arg5[%rem3A_803, %dma_start3A_907, %dma_start3A_908, %dma_start3A_909, %dma_start3A_910] : memref<2x8x8x64x64xf32, #tpu.memory_space<vmem>> -> memref<1x1x8x64x64xf32, #tpu.memory_space<vmem>>
          %dma_start3A_912 = tpu.memref_squeeze %dma_start3A_911 : memref<1x1x8x64x64xf32, #tpu.memory_space<vmem>> -> memref<1x8x64x64xf32, #tpu.memory_space<vmem>>
          %dma_start3A_913 = arith.constant 0 : i32
          %dma_start3A_914 = arith.constant 0 : i32
          %dma_start3A_915 = tpu.memref_slice %arg3[%add3A_903, %mul3A_905, %dma_start3A_913, %dma_start3A_914] : memref<32x512x64x64xf32, #tpu.memory_space<any>> -> memref<1x8x64x64xf32, #tpu.memory_space<any>>
          tpu.enqueue_dma source(%dma_start3A_915 : memref<1x8x64x64xf32, #tpu.memory_space<any>>) target(%dma_start3A_912 : memref<1x8x64x64xf32, #tpu.memory_space<vmem>>) target_semaphore(%dma_start3A_906 : memref<!tpu.dma_semaphore, #tpu.memory_space<semaphore_mem>>)
        } else {
        }
        %mul3A_840 = arith.constant 8 : i32
        %mul3A_841 = arith.muli %add3A_799, %mul3A_840 : i32
        %mul3A_842 = arith.constant 8 : i32
        %mul3A_843 = arith.muli %arg0, %mul3A_842 : i32
        %add3A_844 = arith.constant 3 : i32
        %add3A_845 = arith.addi %mul3A_843, %add3A_844 : i32
        %get3A_846 = arith.index_cast %add3A_845 : i32 to index
        %get3A_847 = memref.load %arg1[%get3A_846] : memref<32xi32, #tpu.memory_space<smem>>
        %lt3A_848 = arith.cmpi slt, %mul3A_841, %get3A_847 : i32
        %convert_element_type3A_849 = arith.extui %lt3A_848 : i1 to i32
        %cond3A_850 = arith.constant 0 : i32
        %cond3A_851 = arith.cmpi ne, %convert_element_type3A_849, %cond3A_850 : i32
        scf.if %cond3A_851 {
          %mul3A_900 = arith.constant 8 : i32
          %mul3A_901 = arith.muli %arg0, %mul3A_900 : i32
          %add3A_902 = arith.constant 3 : i32
          %add3A_903 = arith.addi %mul3A_901, %add3A_902 : i32
          %mul3A_904 = arith.constant 8 : i32
          %mul3A_905 = arith.muli %add3A_799, %mul3A_904 : i32
          %dma_start3A = tpu.memref_slice %arg8[%rem3A_803] : memref<2x!tpu.dma_semaphore, #tpu.memory_space<semaphore_mem>> -> memref<1x!tpu.dma_semaphore, #tpu.memory_space<semaphore_mem>>
          %dma_start3A_906 = tpu.memref_squeeze %dma_start3A : memref<1x!tpu.dma_semaphore, #tpu.memory_space<semaphore_mem>> -> memref<!tpu.dma_semaphore, #tpu.memory_space<semaphore_mem>>
          %dma_start3A_907 = arith.constant 3 : i32
          %dma_start3A_908 = arith.constant 0 : i32
          %dma_start3A_909 = arith.constant 0 : i32
          %dma_start3A_910 = arith.constant 0 : i32
          %dma_start3A_911 = tpu.memref_slice %arg5[%rem3A_803, %dma_start3A_907, %dma_start3A_908, %dma_start3A_909, %dma_start3A_910] : memref<2x8x8x64x64xf32, #tpu.memory_space<vmem>> -> memref<1x1x8x64x64xf32, #tpu.memory_space<vmem>>
          %dma_start3A_912 = tpu.memref_squeeze %dma_start3A_911 : memref<1x1x8x64x64xf32, #tpu.memory_space<vmem>> -> memref<1x8x64x64xf32, #tpu.memory_space<vmem>>
          %dma_start3A_913 = arith.constant 0 : i32
          %dma_start3A_914 = arith.constant 0 : i32
          %dma_start3A_915 = tpu.memref_slice %arg3[%add3A_903, %mul3A_905, %dma_start3A_913, %dma_start3A_914] : memref<32x512x64x64xf32, #tpu.memory_space<any>> -> memref<1x8x64x64xf32, #tpu.memory_space<any>>
          tpu.enqueue_dma source(%dma_start3A_915 : memref<1x8x64x64xf32, #tpu.memory_space<any>>) target(%dma_start3A_912 : memref<1x8x64x64xf32, #tpu.memory_space<vmem>>) target_semaphore(%dma_start3A_906 : memref<!tpu.dma_semaphore, #tpu.memory_space<semaphore_mem>>)
        } else {
        }
        %mul3A_852 = arith.constant 8 : i32
        %mul3A_853 = arith.muli %add3A_799, %mul3A_852 : i32
        %mul3A_854 = arith.constant 8 : i32
        %mul3A_855 = arith.muli %arg0, %mul3A_854 : i32
        %add3A_856 = arith.constant 4 : i32
        %add3A_857 = arith.addi %mul3A_855, %add3A_856 : i32
        %get3A_858 = arith.index_cast %add3A_857 : i32 to index
        %get3A_859 = memref.load %arg1[%get3A_858] : memref<32xi32, #tpu.memory_space<smem>>
        %lt3A_860 = arith.cmpi slt, %mul3A_853, %get3A_859 : i32
        %convert_element_type3A_861 = arith.extui %lt3A_860 : i1 to i32
        %cond3A_862 = arith.constant 0 : i32
        %cond3A_863 = arith.cmpi ne, %convert_element_type3A_861, %cond3A_862 : i32
        scf.if %cond3A_863 {
          %mul3A_900 = arith.constant 8 : i32
          %mul3A_901 = arith.muli %arg0, %mul3A_900 : i32
          %add3A_902 = arith.constant 4 : i32
          %add3A_903 = arith.addi %mul3A_901, %add3A_902 : i32
          %mul3A_904 = arith.constant 8 : i32
          %mul3A_905 = arith.muli %add3A_799, %mul3A_904 : i32
          %dma_start3A = tpu.memref_slice %arg8[%rem3A_803] : memref<2x!tpu.dma_semaphore, #tpu.memory_space<semaphore_mem>> -> memref<1x!tpu.dma_semaphore, #tpu.memory_space<semaphore_mem>>
          %dma_start3A_906 = tpu.memref_squeeze %dma_start3A : memref<1x!tpu.dma_semaphore, #tpu.memory_space<semaphore_mem>> -> memref<!tpu.dma_semaphore, #tpu.memory_space<semaphore_mem>>
          %dma_start3A_907 = arith.constant 4 : i32
          %dma_start3A_908 = arith.constant 0 : i32
          %dma_start3A_909 = arith.constant 0 : i32
          %dma_start3A_910 = arith.constant 0 : i32
          %dma_start3A_911 = tpu.memref_slice %arg5[%rem3A_803, %dma_start3A_907, %dma_start3A_908, %dma_start3A_909, %dma_start3A_910] : memref<2x8x8x64x64xf32, #tpu.memory_space<vmem>> -> memref<1x1x8x64x64xf32, #tpu.memory_space<vmem>>
          %dma_start3A_912 = tpu.memref_squeeze %dma_start3A_911 : memref<1x1x8x64x64xf32, #tpu.memory_space<vmem>> -> memref<1x8x64x64xf32, #tpu.memory_space<vmem>>
          %dma_start3A_913 = arith.constant 0 : i32
          %dma_start3A_914 = arith.constant 0 : i32
          %dma_start3A_915 = tpu.memref_slice %arg3[%add3A_903, %mul3A_905, %dma_start3A_913, %dma_start3A_914] : memref<32x512x64x64xf32, #tpu.memory_space<any>> -> memref<1x8x64x64xf32, #tpu.memory_space<any>>
          tpu.enqueue_dma source(%dma_start3A_915 : memref<1x8x64x64xf32, #tpu.memory_space<any>>) target(%dma_start3A_912 : memref<1x8x64x64xf32, #tpu.memory_space<vmem>>) target_semaphore(%dma_start3A_906 : memref<!tpu.dma_semaphore, #tpu.memory_space<semaphore_mem>>)
        } else {
        }
        %mul3A_864 = arith.constant 8 : i32
        %mul3A_865 = arith.muli %add3A_799, %mul3A_864 : i32
        %mul3A_866 = arith.constant 8 : i32
        %mul3A_867 = arith.muli %arg0, %mul3A_866 : i32
        %add3A_868 = arith.constant 5 : i32
        %add3A_869 = arith.addi %mul3A_867, %add3A_868 : i32
        %get3A_870 = arith.index_cast %add3A_869 : i32 to index
        %get3A_871 = memref.load %arg1[%get3A_870] : memref<32xi32, #tpu.memory_space<smem>>
        %lt3A_872 = arith.cmpi slt, %mul3A_865, %get3A_871 : i32
        %convert_element_type3A_873 = arith.extui %lt3A_872 : i1 to i32
        %cond3A_874 = arith.constant 0 : i32
        %cond3A_875 = arith.cmpi ne, %convert_element_type3A_873, %cond3A_874 : i32
        scf.if %cond3A_875 {
          %mul3A_900 = arith.constant 8 : i32
          %mul3A_901 = arith.muli %arg0, %mul3A_900 : i32
          %add3A_902 = arith.constant 5 : i32
          %add3A_903 = arith.addi %mul3A_901, %add3A_902 : i32
          %mul3A_904 = arith.constant 8 : i32
          %mul3A_905 = arith.muli %add3A_799, %mul3A_904 : i32
          %dma_start3A = tpu.memref_slice %arg8[%rem3A_803] : memref<2x!tpu.dma_semaphore, #tpu.memory_space<semaphore_mem>> -> memref<1x!tpu.dma_semaphore, #tpu.memory_space<semaphore_mem>>
          %dma_start3A_906 = tpu.memref_squeeze %dma_start3A : memref<1x!tpu.dma_semaphore, #tpu.memory_space<semaphore_mem>> -> memref<!tpu.dma_semaphore, #tpu.memory_space<semaphore_mem>>
          %dma_start3A_907 = arith.constant 5 : i32
          %dma_start3A_908 = arith.constant 0 : i32
          %dma_start3A_909 = arith.constant 0 : i32
          %dma_start3A_910 = arith.constant 0 : i32
          %dma_start3A_911 = tpu.memref_slice %arg5[%rem3A_803, %dma_start3A_907, %dma_start3A_908, %dma_start3A_909, %dma_start3A_910] : memref<2x8x8x64x64xf32, #tpu.memory_space<vmem>> -> memref<1x1x8x64x64xf32, #tpu.memory_space<vmem>>
          %dma_start3A_912 = tpu.memref_squeeze %dma_start3A_911 : memref<1x1x8x64x64xf32, #tpu.memory_space<vmem>> -> memref<1x8x64x64xf32, #tpu.memory_space<vmem>>
          %dma_start3A_913 = arith.constant 0 : i32
          %dma_start3A_914 = arith.constant 0 : i32
          %dma_start3A_915 = tpu.memref_slice %arg3[%add3A_903, %mul3A_905, %dma_start3A_913, %dma_start3A_914] : memref<32x512x64x64xf32, #tpu.memory_space<any>> -> memref<1x8x64x64xf32, #tpu.memory_space<any>>
          tpu.enqueue_dma source(%dma_start3A_915 : memref<1x8x64x64xf32, #tpu.memory_space<any>>) target(%dma_start3A_912 : memref<1x8x64x64xf32, #tpu.memory_space<vmem>>) target_semaphore(%dma_start3A_906 : memref<!tpu.dma_semaphore, #tpu.memory_space<semaphore_mem>>)
        } else {
        }
        %mul3A_876 = arith.constant 8 : i32
        %mul3A_877 = arith.muli %add3A_799, %mul3A_876 : i32
        %mul3A_878 = arith.constant 8 : i32
        %mul3A_879 = arith.muli %arg0, %mul3A_878 : i32
        %add3A_880 = arith.constant 6 : i32
        %add3A_881 = arith.addi %mul3A_879, %add3A_880 : i32
        %get3A_882 = arith.index_cast %add3A_881 : i32 to index
        %get3A_883 = memref.load %arg1[%get3A_882] : memref<32xi32, #tpu.memory_space<smem>>
        %lt3A_884 = arith.cmpi slt, %mul3A_877, %get3A_883 : i32
        %convert_element_type3A_885 = arith.extui %lt3A_884 : i1 to i32
        %cond3A_886 = arith.constant 0 : i32
        %cond3A_887 = arith.cmpi ne, %convert_element_type3A_885, %cond3A_886 : i32
        scf.if %cond3A_887 {
          %mul3A_900 = arith.constant 8 : i32
          %mul3A_901 = arith.muli %arg0, %mul3A_900 : i32
          %add3A_902 = arith.constant 6 : i32
          %add3A_903 = arith.addi %mul3A_901, %add3A_902 : i32
          %mul3A_904 = arith.constant 8 : i32
          %mul3A_905 = arith.muli %add3A_799, %mul3A_904 : i32
          %dma_start3A = tpu.memref_slice %arg8[%rem3A_803] : memref<2x!tpu.dma_semaphore, #tpu.memory_space<semaphore_mem>> -> memref<1x!tpu.dma_semaphore, #tpu.memory_space<semaphore_mem>>
          %dma_start3A_906 = tpu.memref_squeeze %dma_start3A : memref<1x!tpu.dma_semaphore, #tpu.memory_space<semaphore_mem>> -> memref<!tpu.dma_semaphore, #tpu.memory_space<semaphore_mem>>
          %dma_start3A_907 = arith.constant 6 : i32
          %dma_start3A_908 = arith.constant 0 : i32
          %dma_start3A_909 = arith.constant 0 : i32
          %dma_start3A_910 = arith.constant 0 : i32
          %dma_start3A_911 = tpu.memref_slice %arg5[%rem3A_803, %dma_start3A_907, %dma_start3A_908, %dma_start3A_909, %dma_start3A_910] : memref<2x8x8x64x64xf32, #tpu.memory_space<vmem>> -> memref<1x1x8x64x64xf32, #tpu.memory_space<vmem>>
          %dma_start3A_912 = tpu.memref_squeeze %dma_start3A_911 : memref<1x1x8x64x64xf32, #tpu.memory_space<vmem>> -> memref<1x8x64x64xf32, #tpu.memory_space<vmem>>
          %dma_start3A_913 = arith.constant 0 : i32
          %dma_start3A_914 = arith.constant 0 : i32
          %dma_start3A_915 = tpu.memref_slice %arg3[%add3A_903, %mul3A_905, %dma_start3A_913, %dma_start3A_914] : memref<32x512x64x64xf32, #tpu.memory_space<any>> -> memref<1x8x64x64xf32, #tpu.memory_space<any>>
          tpu.enqueue_dma source(%dma_start3A_915 : memref<1x8x64x64xf32, #tpu.memory_space<any>>) target(%dma_start3A_912 : memref<1x8x64x64xf32, #tpu.memory_space<vmem>>) target_semaphore(%dma_start3A_906 : memref<!tpu.dma_semaphore, #tpu.memory_space<semaphore_mem>>)
        } else {
        }
        %mul3A_888 = arith.constant 8 : i32
        %mul3A_889 = arith.muli %add3A_799, %mul3A_888 : i32
        %mul3A_890 = arith.constant 8 : i32
        %mul3A_891 = arith.muli %arg0, %mul3A_890 : i32
        %add3A_892 = arith.constant 7 : i32
        %add3A_893 = arith.addi %mul3A_891, %add3A_892 : i32
        %get3A_894 = arith.index_cast %add3A_893 : i32 to index
        %get3A_895 = memref.load %arg1[%get3A_894] : memref<32xi32, #tpu.memory_space<smem>>
        %lt3A_896 = arith.cmpi slt, %mul3A_889, %get3A_895 : i32
        %convert_element_type3A_897 = arith.extui %lt3A_896 : i1 to i32
        %cond3A_898 = arith.constant 0 : i32
        %cond3A_899 = arith.cmpi ne, %convert_element_type3A_897, %cond3A_898 : i32
        scf.if %cond3A_899 {
          %mul3A_900 = arith.constant 8 : i32
          %mul3A_901 = arith.muli %arg0, %mul3A_900 : i32
          %add3A_902 = arith.constant 7 : i32
          %add3A_903 = arith.addi %mul3A_901, %add3A_902 : i32
          %mul3A_904 = arith.constant 8 : i32
          %mul3A_905 = arith.muli %add3A_799, %mul3A_904 : i32
          %dma_start3A = tpu.memref_slice %arg8[%rem3A_803] : memref<2x!tpu.dma_semaphore, #tpu.memory_space<semaphore_mem>> -> memref<1x!tpu.dma_semaphore, #tpu.memory_space<semaphore_mem>>
          %dma_start3A_906 = tpu.memref_squeeze %dma_start3A : memref<1x!tpu.dma_semaphore, #tpu.memory_space<semaphore_mem>> -> memref<!tpu.dma_semaphore, #tpu.memory_space<semaphore_mem>>
          %dma_start3A_907 = arith.constant 7 : i32
          %dma_start3A_908 = arith.constant 0 : i32
          %dma_start3A_909 = arith.constant 0 : i32
          %dma_start3A_910 = arith.constant 0 : i32
          %dma_start3A_911 = tpu.memref_slice %arg5[%rem3A_803, %dma_start3A_907, %dma_start3A_908, %dma_start3A_909, %dma_start3A_910] : memref<2x8x8x64x64xf32, #tpu.memory_space<vmem>> -> memref<1x1x8x64x64xf32, #tpu.memory_space<vmem>>
          %dma_start3A_912 = tpu.memref_squeeze %dma_start3A_911 : memref<1x1x8x64x64xf32, #tpu.memory_space<vmem>> -> memref<1x8x64x64xf32, #tpu.memory_space<vmem>>
          %dma_start3A_913 = arith.constant 0 : i32
          %dma_start3A_914 = arith.constant 0 : i32
          %dma_start3A_915 = tpu.memref_slice %arg3[%add3A_903, %mul3A_905, %dma_start3A_913, %dma_start3A_914] : memref<32x512x64x64xf32, #tpu.memory_space<any>> -> memref<1x8x64x64xf32, #tpu.memory_space<any>>
          tpu.enqueue_dma source(%dma_start3A_915 : memref<1x8x64x64xf32, #tpu.memory_space<any>>) target(%dma_start3A_912 : memref<1x8x64x64xf32, #tpu.memory_space<vmem>>) target_semaphore(%dma_start3A_906 : memref<!tpu.dma_semaphore, #tpu.memory_space<semaphore_mem>>)
        } else {
        }
      } else {
      }
      %mul3A_143 = arith.constant 8 : i32
      %mul3A_144 = arith.muli %while3A_135, %mul3A_143 : i32
      %mul3A_145 = arith.constant 8 : i32
      %mul3A_146 = arith.muli %arg0, %mul3A_145 : i32
      %add3A_147 = arith.constant 0 : i32
      %add3A_148 = arith.addi %mul3A_146, %add3A_147 : i32
      %get3A_149 = arith.index_cast %add3A_148 : i32 to index
      %get3A_150 = memref.load %arg1[%get3A_149] : memref<32xi32, #tpu.memory_space<smem>>
      %lt3A_151 = arith.cmpi slt, %mul3A_144, %get3A_150 : i32
      %convert_element_type3A_152 = arith.extui %lt3A_151 : i1 to i32
      %cond3A_153 = arith.constant 0 : i32
      %cond3A_154 = arith.cmpi ne, %convert_element_type3A_152, %cond3A_153 : i32
      scf.if %cond3A_154 {
        %mul3A_798 = arith.constant 8 : i32
        %mul3A_799 = arith.muli %arg0, %mul3A_798 : i32
        %add3A_800 = arith.constant 0 : i32
        %add3A_801 = arith.addi %mul3A_799, %add3A_800 : i32
        %mul3A_802 = arith.constant 8 : i32
        %mul3A_803 = arith.muli %while3A_135, %mul3A_802 : i32
        %dma_wait3A = tpu.memref_slice %arg8[%rem3A_137] : memref<2x!tpu.dma_semaphore, #tpu.memory_space<semaphore_mem>> -> memref<1x!tpu.dma_semaphore, #tpu.memory_space<semaphore_mem>>
        %dma_wait3A_804 = tpu.memref_squeeze %dma_wait3A : memref<1x!tpu.dma_semaphore, #tpu.memory_space<semaphore_mem>> -> memref<!tpu.dma_semaphore, #tpu.memory_space<semaphore_mem>>
        %dma_wait3A_805 = arith.constant 0 : i32
        %dma_wait3A_806 = arith.constant 0 : i32
        %dma_wait3A_807 = arith.constant 0 : i32
        %dma_wait3A_808 = arith.constant 0 : i32
        %dma_wait3A_809 = tpu.memref_slice %arg5[%rem3A_137, %dma_wait3A_805, %dma_wait3A_806, %dma_wait3A_807, %dma_wait3A_808] : memref<2x8x8x64x64xf32, #tpu.memory_space<vmem>> -> memref<1x1x8x64x64xf32, #tpu.memory_space<vmem>>
        %dma_wait3A_810 = tpu.memref_squeeze %dma_wait3A_809 : memref<1x1x8x64x64xf32, #tpu.memory_space<vmem>> -> memref<1x8x64x64xf32, #tpu.memory_space<vmem>>
        %dma_wait3A_811 = arith.constant 0 : i32
        %dma_wait3A_812 = arith.constant 0 : i32
        %dma_wait3A_813 = tpu.memref_slice %arg3[%add3A_801, %mul3A_803, %dma_wait3A_811, %dma_wait3A_812] : memref<32x512x64x64xf32, #tpu.memory_space<any>> -> memref<1x8x64x64xf32, #tpu.memory_space<any>>
        tpu.wait_dma2 semaphore(%dma_wait3A_804 : memref<!tpu.dma_semaphore, #tpu.memory_space<semaphore_mem>>) src(%dma_wait3A_813 : memref<1x8x64x64xf32, #tpu.memory_space<any>>) dst(%dma_wait3A_810 : memref<1x8x64x64xf32, #tpu.memory_space<vmem>>)
      } else {
      }
      %mul3A_155 = arith.constant 8 : i32
      %mul3A_156 = arith.muli %while3A_135, %mul3A_155 : i32
      %mul3A_157 = arith.constant 8 : i32
      %mul3A_158 = arith.muli %arg0, %mul3A_157 : i32
      %add3A_159 = arith.constant 1 : i32
      %add3A_160 = arith.addi %mul3A_158, %add3A_159 : i32
      %get3A_161 = arith.index_cast %add3A_160 : i32 to index
      %get3A_162 = memref.load %arg1[%get3A_161] : memref<32xi32, #tpu.memory_space<smem>>
      %lt3A_163 = arith.cmpi slt, %mul3A_156, %get3A_162 : i32
      %convert_element_type3A_164 = arith.extui %lt3A_163 : i1 to i32
      %cond3A_165 = arith.constant 0 : i32
      %cond3A_166 = arith.cmpi ne, %convert_element_type3A_164, %cond3A_165 : i32
      scf.if %cond3A_166 {
        %mul3A_798 = arith.constant 8 : i32
        %mul3A_799 = arith.muli %arg0, %mul3A_798 : i32
        %add3A_800 = arith.constant 1 : i32
        %add3A_801 = arith.addi %mul3A_799, %add3A_800 : i32
        %mul3A_802 = arith.constant 8 : i32
        %mul3A_803 = arith.muli %while3A_135, %mul3A_802 : i32
        %dma_wait3A = tpu.memref_slice %arg8[%rem3A_137] : memref<2x!tpu.dma_semaphore, #tpu.memory_space<semaphore_mem>> -> memref<1x!tpu.dma_semaphore, #tpu.memory_space<semaphore_mem>>
        %dma_wait3A_804 = tpu.memref_squeeze %dma_wait3A : memref<1x!tpu.dma_semaphore, #tpu.memory_space<semaphore_mem>> -> memref<!tpu.dma_semaphore, #tpu.memory_space<semaphore_mem>>
        %dma_wait3A_805 = arith.constant 1 : i32
        %dma_wait3A_806 = arith.constant 0 : i32
        %dma_wait3A_807 = arith.constant 0 : i32
        %dma_wait3A_808 = arith.constant 0 : i32
        %dma_wait3A_809 = tpu.memref_slice %arg5[%rem3A_137, %dma_wait3A_805, %dma_wait3A_806, %dma_wait3A_807, %dma_wait3A_808] : memref<2x8x8x64x64xf32, #tpu.memory_space<vmem>> -> memref<1x1x8x64x64xf32, #tpu.memory_space<vmem>>
        %dma_wait3A_810 = tpu.memref_squeeze %dma_wait3A_809 : memref<1x1x8x64x64xf32, #tpu.memory_space<vmem>> -> memref<1x8x64x64xf32, #tpu.memory_space<vmem>>
        %dma_wait3A_811 = arith.constant 0 : i32
        %dma_wait3A_812 = arith.constant 0 : i32
        %dma_wait3A_813 = tpu.memref_slice %arg3[%add3A_801, %mul3A_803, %dma_wait3A_811, %dma_wait3A_812] : memref<32x512x64x64xf32, #tpu.memory_space<any>> -> memref<1x8x64x64xf32, #tpu.memory_space<any>>
        tpu.wait_dma2 semaphore(%dma_wait3A_804 : memref<!tpu.dma_semaphore, #tpu.memory_space<semaphore_mem>>) src(%dma_wait3A_813 : memref<1x8x64x64xf32, #tpu.memory_space<any>>) dst(%dma_wait3A_810 : memref<1x8x64x64xf32, #tpu.memory_space<vmem>>)
      } else {
      }
      %mul3A_167 = arith.constant 8 : i32
      %mul3A_168 = arith.muli %while3A_135, %mul3A_167 : i32
      %mul3A_169 = arith.constant 8 : i32
      %mul3A_170 = arith.muli %arg0, %mul3A_169 : i32
      %add3A_171 = arith.constant 2 : i32
      %add3A_172 = arith.addi %mul3A_170, %add3A_171 : i32
      %get3A_173 = arith.index_cast %add3A_172 : i32 to index
      %get3A_174 = memref.load %arg1[%get3A_173] : memref<32xi32, #tpu.memory_space<smem>>
      %lt3A_175 = arith.cmpi slt, %mul3A_168, %get3A_174 : i32
      %convert_element_type3A_176 = arith.extui %lt3A_175 : i1 to i32
      %cond3A_177 = arith.constant 0 : i32
      %cond3A_178 = arith.cmpi ne, %convert_element_type3A_176, %cond3A_177 : i32
      scf.if %cond3A_178 {
        %mul3A_798 = arith.constant 8 : i32
        %mul3A_799 = arith.muli %arg0, %mul3A_798 : i32
        %add3A_800 = arith.constant 2 : i32
        %add3A_801 = arith.addi %mul3A_799, %add3A_800 : i32
        %mul3A_802 = arith.constant 8 : i32
        %mul3A_803 = arith.muli %while3A_135, %mul3A_802 : i32
        %dma_wait3A = tpu.memref_slice %arg8[%rem3A_137] : memref<2x!tpu.dma_semaphore, #tpu.memory_space<semaphore_mem>> -> memref<1x!tpu.dma_semaphore, #tpu.memory_space<semaphore_mem>>
        %dma_wait3A_804 = tpu.memref_squeeze %dma_wait3A : memref<1x!tpu.dma_semaphore, #tpu.memory_space<semaphore_mem>> -> memref<!tpu.dma_semaphore, #tpu.memory_space<semaphore_mem>>
        %dma_wait3A_805 = arith.constant 2 : i32
        %dma_wait3A_806 = arith.constant 0 : i32
        %dma_wait3A_807 = arith.constant 0 : i32
        %dma_wait3A_808 = arith.constant 0 : i32
        %dma_wait3A_809 = tpu.memref_slice %arg5[%rem3A_137, %dma_wait3A_805, %dma_wait3A_806, %dma_wait3A_807, %dma_wait3A_808] : memref<2x8x8x64x64xf32, #tpu.memory_space<vmem>> -> memref<1x1x8x64x64xf32, #tpu.memory_space<vmem>>
        %dma_wait3A_810 = tpu.memref_squeeze %dma_wait3A_809 : memref<1x1x8x64x64xf32, #tpu.memory_space<vmem>> -> memref<1x8x64x64xf32, #tpu.memory_space<vmem>>
        %dma_wait3A_811 = arith.constant 0 : i32
        %dma_wait3A_812 = arith.constant 0 : i32
        %dma_wait3A_813 = tpu.memref_slice %arg3[%add3A_801, %mul3A_803, %dma_wait3A_811, %dma_wait3A_812] : memref<32x512x64x64xf32, #tpu.memory_space<any>> -> memref<1x8x64x64xf32, #tpu.memory_space<any>>
        tpu.wait_dma2 semaphore(%dma_wait3A_804 : memref<!tpu.dma_semaphore, #tpu.memory_space<semaphore_mem>>) src(%dma_wait3A_813 : memref<1x8x64x64xf32, #tpu.memory_space<any>>) dst(%dma_wait3A_810 : memref<1x8x64x64xf32, #tpu.memory_space<vmem>>)
      } else {
      }
      %mul3A_179 = arith.constant 8 : i32
      %mul3A_180 = arith.muli %while3A_135, %mul3A_179 : i32
      %mul3A_181 = arith.constant 8 : i32
      %mul3A_182 = arith.muli %arg0, %mul3A_181 : i32
      %add3A_183 = arith.constant 3 : i32
      %add3A_184 = arith.addi %mul3A_182, %add3A_183 : i32
      %get3A_185 = arith.index_cast %add3A_184 : i32 to index
      %get3A_186 = memref.load %arg1[%get3A_185] : memref<32xi32, #tpu.memory_space<smem>>
      %lt3A_187 = arith.cmpi slt, %mul3A_180, %get3A_186 : i32
      %convert_element_type3A_188 = arith.extui %lt3A_187 : i1 to i32
      %cond3A_189 = arith.constant 0 : i32
      %cond3A_190 = arith.cmpi ne, %convert_element_type3A_188, %cond3A_189 : i32
      scf.if %cond3A_190 {
        %mul3A_798 = arith.constant 8 : i32
        %mul3A_799 = arith.muli %arg0, %mul3A_798 : i32
        %add3A_800 = arith.constant 3 : i32
        %add3A_801 = arith.addi %mul3A_799, %add3A_800 : i32
        %mul3A_802 = arith.constant 8 : i32
        %mul3A_803 = arith.muli %while3A_135, %mul3A_802 : i32
        %dma_wait3A = tpu.memref_slice %arg8[%rem3A_137] : memref<2x!tpu.dma_semaphore, #tpu.memory_space<semaphore_mem>> -> memref<1x!tpu.dma_semaphore, #tpu.memory_space<semaphore_mem>>
        %dma_wait3A_804 = tpu.memref_squeeze %dma_wait3A : memref<1x!tpu.dma_semaphore, #tpu.memory_space<semaphore_mem>> -> memref<!tpu.dma_semaphore, #tpu.memory_space<semaphore_mem>>
        %dma_wait3A_805 = arith.constant 3 : i32
        %dma_wait3A_806 = arith.constant 0 : i32
        %dma_wait3A_807 = arith.constant 0 : i32
        %dma_wait3A_808 = arith.constant 0 : i32
        %dma_wait3A_809 = tpu.memref_slice %arg5[%rem3A_137, %dma_wait3A_805, %dma_wait3A_806, %dma_wait3A_807, %dma_wait3A_808] : memref<2x8x8x64x64xf32, #tpu.memory_space<vmem>> -> memref<1x1x8x64x64xf32, #tpu.memory_space<vmem>>
        %dma_wait3A_810 = tpu.memref_squeeze %dma_wait3A_809 : memref<1x1x8x64x64xf32, #tpu.memory_space<vmem>> -> memref<1x8x64x64xf32, #tpu.memory_space<vmem>>
        %dma_wait3A_811 = arith.constant 0 : i32
        %dma_wait3A_812 = arith.constant 0 : i32
        %dma_wait3A_813 = tpu.memref_slice %arg3[%add3A_801, %mul3A_803, %dma_wait3A_811, %dma_wait3A_812] : memref<32x512x64x64xf32, #tpu.memory_space<any>> -> memref<1x8x64x64xf32, #tpu.memory_space<any>>
        tpu.wait_dma2 semaphore(%dma_wait3A_804 : memref<!tpu.dma_semaphore, #tpu.memory_space<semaphore_mem>>) src(%dma_wait3A_813 : memref<1x8x64x64xf32, #tpu.memory_space<any>>) dst(%dma_wait3A_810 : memref<1x8x64x64xf32, #tpu.memory_space<vmem>>)
      } else {
      }
      %mul3A_191 = arith.constant 8 : i32
      %mul3A_192 = arith.muli %while3A_135, %mul3A_191 : i32
      %mul3A_193 = arith.constant 8 : i32
      %mul3A_194 = arith.muli %arg0, %mul3A_193 : i32
      %add3A_195 = arith.constant 4 : i32
      %add3A_196 = arith.addi %mul3A_194, %add3A_195 : i32
      %get3A_197 = arith.index_cast %add3A_196 : i32 to index
      %get3A_198 = memref.load %arg1[%get3A_197] : memref<32xi32, #tpu.memory_space<smem>>
      %lt3A_199 = arith.cmpi slt, %mul3A_192, %get3A_198 : i32
      %convert_element_type3A_200 = arith.extui %lt3A_199 : i1 to i32
      %cond3A_201 = arith.constant 0 : i32
      %cond3A_202 = arith.cmpi ne, %convert_element_type3A_200, %cond3A_201 : i32
      scf.if %cond3A_202 {
        %mul3A_798 = arith.constant 8 : i32
        %mul3A_799 = arith.muli %arg0, %mul3A_798 : i32
        %add3A_800 = arith.constant 4 : i32
        %add3A_801 = arith.addi %mul3A_799, %add3A_800 : i32
        %mul3A_802 = arith.constant 8 : i32
        %mul3A_803 = arith.muli %while3A_135, %mul3A_802 : i32
        %dma_wait3A = tpu.memref_slice %arg8[%rem3A_137] : memref<2x!tpu.dma_semaphore, #tpu.memory_space<semaphore_mem>> -> memref<1x!tpu.dma_semaphore, #tpu.memory_space<semaphore_mem>>
        %dma_wait3A_804 = tpu.memref_squeeze %dma_wait3A : memref<1x!tpu.dma_semaphore, #tpu.memory_space<semaphore_mem>> -> memref<!tpu.dma_semaphore, #tpu.memory_space<semaphore_mem>>
        %dma_wait3A_805 = arith.constant 4 : i32
        %dma_wait3A_806 = arith.constant 0 : i32
        %dma_wait3A_807 = arith.constant 0 : i32
        %dma_wait3A_808 = arith.constant 0 : i32
        %dma_wait3A_809 = tpu.memref_slice %arg5[%rem3A_137, %dma_wait3A_805, %dma_wait3A_806, %dma_wait3A_807, %dma_wait3A_808] : memref<2x8x8x64x64xf32, #tpu.memory_space<vmem>> -> memref<1x1x8x64x64xf32, #tpu.memory_space<vmem>>
        %dma_wait3A_810 = tpu.memref_squeeze %dma_wait3A_809 : memref<1x1x8x64x64xf32, #tpu.memory_space<vmem>> -> memref<1x8x64x64xf32, #tpu.memory_space<vmem>>
        %dma_wait3A_811 = arith.constant 0 : i32
        %dma_wait3A_812 = arith.constant 0 : i32
        %dma_wait3A_813 = tpu.memref_slice %arg3[%add3A_801, %mul3A_803, %dma_wait3A_811, %dma_wait3A_812] : memref<32x512x64x64xf32, #tpu.memory_space<any>> -> memref<1x8x64x64xf32, #tpu.memory_space<any>>
        tpu.wait_dma2 semaphore(%dma_wait3A_804 : memref<!tpu.dma_semaphore, #tpu.memory_space<semaphore_mem>>) src(%dma_wait3A_813 : memref<1x8x64x64xf32, #tpu.memory_space<any>>) dst(%dma_wait3A_810 : memref<1x8x64x64xf32, #tpu.memory_space<vmem>>)
      } else {
      }
      %mul3A_203 = arith.constant 8 : i32
      %mul3A_204 = arith.muli %while3A_135, %mul3A_203 : i32
      %mul3A_205 = arith.constant 8 : i32
      %mul3A_206 = arith.muli %arg0, %mul3A_205 : i32
      %add3A_207 = arith.constant 5 : i32
      %add3A_208 = arith.addi %mul3A_206, %add3A_207 : i32
      %get3A_209 = arith.index_cast %add3A_208 : i32 to index
      %get3A_210 = memref.load %arg1[%get3A_209] : memref<32xi32, #tpu.memory_space<smem>>
      %lt3A_211 = arith.cmpi slt, %mul3A_204, %get3A_210 : i32
      %convert_element_type3A_212 = arith.extui %lt3A_211 : i1 to i32
      %cond3A_213 = arith.constant 0 : i32
      %cond3A_214 = arith.cmpi ne, %convert_element_type3A_212, %cond3A_213 : i32
      scf.if %cond3A_214 {
        %mul3A_798 = arith.constant 8 : i32
        %mul3A_799 = arith.muli %arg0, %mul3A_798 : i32
        %add3A_800 = arith.constant 5 : i32
        %add3A_801 = arith.addi %mul3A_799, %add3A_800 : i32
        %mul3A_802 = arith.constant 8 : i32
        %mul3A_803 = arith.muli %while3A_135, %mul3A_802 : i32
        %dma_wait3A = tpu.memref_slice %arg8[%rem3A_137] : memref<2x!tpu.dma_semaphore, #tpu.memory_space<semaphore_mem>> -> memref<1x!tpu.dma_semaphore, #tpu.memory_space<semaphore_mem>>
        %dma_wait3A_804 = tpu.memref_squeeze %dma_wait3A : memref<1x!tpu.dma_semaphore, #tpu.memory_space<semaphore_mem>> -> memref<!tpu.dma_semaphore, #tpu.memory_space<semaphore_mem>>
        %dma_wait3A_805 = arith.constant 5 : i32
        %dma_wait3A_806 = arith.constant 0 : i32
        %dma_wait3A_807 = arith.constant 0 : i32
        %dma_wait3A_808 = arith.constant 0 : i32
        %dma_wait3A_809 = tpu.memref_slice %arg5[%rem3A_137, %dma_wait3A_805, %dma_wait3A_806, %dma_wait3A_807, %dma_wait3A_808] : memref<2x8x8x64x64xf32, #tpu.memory_space<vmem>> -> memref<1x1x8x64x64xf32, #tpu.memory_space<vmem>>
        %dma_wait3A_810 = tpu.memref_squeeze %dma_wait3A_809 : memref<1x1x8x64x64xf32, #tpu.memory_space<vmem>> -> memref<1x8x64x64xf32, #tpu.memory_space<vmem>>
        %dma_wait3A_811 = arith.constant 0 : i32
        %dma_wait3A_812 = arith.constant 0 : i32
        %dma_wait3A_813 = tpu.memref_slice %arg3[%add3A_801, %mul3A_803, %dma_wait3A_811, %dma_wait3A_812] : memref<32x512x64x64xf32, #tpu.memory_space<any>> -> memref<1x8x64x64xf32, #tpu.memory_space<any>>
        tpu.wait_dma2 semaphore(%dma_wait3A_804 : memref<!tpu.dma_semaphore, #tpu.memory_space<semaphore_mem>>) src(%dma_wait3A_813 : memref<1x8x64x64xf32, #tpu.memory_space<any>>) dst(%dma_wait3A_810 : memref<1x8x64x64xf32, #tpu.memory_space<vmem>>)
      } else {
      }
      %mul3A_215 = arith.constant 8 : i32
      %mul3A_216 = arith.muli %while3A_135, %mul3A_215 : i32
      %mul3A_217 = arith.constant 8 : i32
      %mul3A_218 = arith.muli %arg0, %mul3A_217 : i32
      %add3A_219 = arith.constant 6 : i32
      %add3A_220 = arith.addi %mul3A_218, %add3A_219 : i32
      %get3A_221 = arith.index_cast %add3A_220 : i32 to index
      %get3A_222 = memref.load %arg1[%get3A_221] : memref<32xi32, #tpu.memory_space<smem>>
      %lt3A_223 = arith.cmpi slt, %mul3A_216, %get3A_222 : i32
      %convert_element_type3A_224 = arith.extui %lt3A_223 : i1 to i32
      %cond3A_225 = arith.constant 0 : i32
      %cond3A_226 = arith.cmpi ne, %convert_element_type3A_224, %cond3A_225 : i32
      scf.if %cond3A_226 {
        %mul3A_798 = arith.constant 8 : i32
        %mul3A_799 = arith.muli %arg0, %mul3A_798 : i32
        %add3A_800 = arith.constant 6 : i32
        %add3A_801 = arith.addi %mul3A_799, %add3A_800 : i32
        %mul3A_802 = arith.constant 8 : i32
        %mul3A_803 = arith.muli %while3A_135, %mul3A_802 : i32
        %dma_wait3A = tpu.memref_slice %arg8[%rem3A_137] : memref<2x!tpu.dma_semaphore, #tpu.memory_space<semaphore_mem>> -> memref<1x!tpu.dma_semaphore, #tpu.memory_space<semaphore_mem>>
        %dma_wait3A_804 = tpu.memref_squeeze %dma_wait3A : memref<1x!tpu.dma_semaphore, #tpu.memory_space<semaphore_mem>> -> memref<!tpu.dma_semaphore, #tpu.memory_space<semaphore_mem>>
        %dma_wait3A_805 = arith.constant 6 : i32
        %dma_wait3A_806 = arith.constant 0 : i32
        %dma_wait3A_807 = arith.constant 0 : i32
        %dma_wait3A_808 = arith.constant 0 : i32
        %dma_wait3A_809 = tpu.memref_slice %arg5[%rem3A_137, %dma_wait3A_805, %dma_wait3A_806, %dma_wait3A_807, %dma_wait3A_808] : memref<2x8x8x64x64xf32, #tpu.memory_space<vmem>> -> memref<1x1x8x64x64xf32, #tpu.memory_space<vmem>>
        %dma_wait3A_810 = tpu.memref_squeeze %dma_wait3A_809 : memref<1x1x8x64x64xf32, #tpu.memory_space<vmem>> -> memref<1x8x64x64xf32, #tpu.memory_space<vmem>>
        %dma_wait3A_811 = arith.constant 0 : i32
        %dma_wait3A_812 = arith.constant 0 : i32
        %dma_wait3A_813 = tpu.memref_slice %arg3[%add3A_801, %mul3A_803, %dma_wait3A_811, %dma_wait3A_812] : memref<32x512x64x64xf32, #tpu.memory_space<any>> -> memref<1x8x64x64xf32, #tpu.memory_space<any>>
        tpu.wait_dma2 semaphore(%dma_wait3A_804 : memref<!tpu.dma_semaphore, #tpu.memory_space<semaphore_mem>>) src(%dma_wait3A_813 : memref<1x8x64x64xf32, #tpu.memory_space<any>>) dst(%dma_wait3A_810 : memref<1x8x64x64xf32, #tpu.memory_space<vmem>>)
      } else {
      }
      %mul3A_227 = arith.constant 8 : i32
      %mul3A_228 = arith.muli %while3A_135, %mul3A_227 : i32
      %mul3A_229 = arith.constant 8 : i32
      %mul3A_230 = arith.muli %arg0, %mul3A_229 : i32
      %add3A_231 = arith.constant 7 : i32
      %add3A_232 = arith.addi %mul3A_230, %add3A_231 : i32
      %get3A_233 = arith.index_cast %add3A_232 : i32 to index
      %get3A_234 = memref.load %arg1[%get3A_233] : memref<32xi32, #tpu.memory_space<smem>>
      %lt3A_235 = arith.cmpi slt, %mul3A_228, %get3A_234 : i32
      %convert_element_type3A_236 = arith.extui %lt3A_235 : i1 to i32
      %cond3A_237 = arith.constant 0 : i32
      %cond3A_238 = arith.cmpi ne, %convert_element_type3A_236, %cond3A_237 : i32
      scf.if %cond3A_238 {
        %mul3A_798 = arith.constant 8 : i32
        %mul3A_799 = arith.muli %arg0, %mul3A_798 : i32
        %add3A_800 = arith.constant 7 : i32
        %add3A_801 = arith.addi %mul3A_799, %add3A_800 : i32
        %mul3A_802 = arith.constant 8 : i32
        %mul3A_803 = arith.muli %while3A_135, %mul3A_802 : i32
        %dma_wait3A = tpu.memref_slice %arg8[%rem3A_137] : memref<2x!tpu.dma_semaphore, #tpu.memory_space<semaphore_mem>> -> memref<1x!tpu.dma_semaphore, #tpu.memory_space<semaphore_mem>>
        %dma_wait3A_804 = tpu.memref_squeeze %dma_wait3A : memref<1x!tpu.dma_semaphore, #tpu.memory_space<semaphore_mem>> -> memref<!tpu.dma_semaphore, #tpu.memory_space<semaphore_mem>>
        %dma_wait3A_805 = arith.constant 7 : i32
        %dma_wait3A_806 = arith.constant 0 : i32
        %dma_wait3A_807 = arith.constant 0 : i32
        %dma_wait3A_808 = arith.constant 0 : i32
        %dma_wait3A_809 = tpu.memref_slice %arg5[%rem3A_137, %dma_wait3A_805, %dma_wait3A_806, %dma_wait3A_807, %dma_wait3A_808] : memref<2x8x8x64x64xf32, #tpu.memory_space<vmem>> -> memref<1x1x8x64x64xf32, #tpu.memory_space<vmem>>
        %dma_wait3A_810 = tpu.memref_squeeze %dma_wait3A_809 : memref<1x1x8x64x64xf32, #tpu.memory_space<vmem>> -> memref<1x8x64x64xf32, #tpu.memory_space<vmem>>
        %dma_wait3A_811 = arith.constant 0 : i32
        %dma_wait3A_812 = arith.constant 0 : i32
        %dma_wait3A_813 = tpu.memref_slice %arg3[%add3A_801, %mul3A_803, %dma_wait3A_811, %dma_wait3A_812] : memref<32x512x64x64xf32, #tpu.memory_space<any>> -> memref<1x8x64x64xf32, #tpu.memory_space<any>>
        tpu.wait_dma2 semaphore(%dma_wait3A_804 : memref<!tpu.dma_semaphore, #tpu.memory_space<semaphore_mem>>) src(%dma_wait3A_813 : memref<1x8x64x64xf32, #tpu.memory_space<any>>) dst(%dma_wait3A_810 : memref<1x8x64x64xf32, #tpu.memory_space<vmem>>)
      } else {
      }
      %eq3A_239 = arith.constant 0 : i32
      %eq3A_240 = arith.cmpi eq, %while3A_135, %eq3A_239 : i32
      %convert_element_type3A_241 = arith.extui %eq3A_240 : i1 to i32
      %cond3A_242 = arith.constant 0 : i32
      %cond3A_243 = arith.cmpi ne, %convert_element_type3A_241, %cond3A_242 : i32
      scf.if %cond3A_243 {
        %get3A_798 = arith.index_cast %rem3A_137 : i32 to index
        %get3A_799 = arith.constant 0 : index
        %get3A_800 = arith.constant 0 : index
        %get3A_801 = arith.constant 62 : index
        %get3A_802 = arith.constant 0 : index
        %get3A_803 = vector.load %arg5[%get3A_798, %get3A_799, %get3A_800, %get3A_801, %get3A_802] : memref<2x8x8x64x64xf32, #tpu.memory_space<vmem>>, vector<1x8x1x1x64xf32>
        %get3A_804 = vector.shape_cast %get3A_803 : vector<1x8x1x1x64xf32> to vector<8x64xf32>
        %exp3A_805 = math.exp %get3A_804 : vector<8x64xf32>
        %swap3A_806 = arith.constant 0 : index
        %swap3A_807 = arith.constant 0 : index
        %swap3A_808 = vector.load %arg6[%swap3A_806, %swap3A_807] : memref<8x64xf32, #tpu.memory_space<vmem>>, vector<8x64xf32>
        tpu.vector_store %arg6[%swap3A_806, %swap3A_807], %exp3A_805 {strides = array<i32>} : memref<8x64xf32, #tpu.memory_space<vmem>>, vector<8x64xf32>,
        %broadcast_in_dim3A_809 = arith.constant 0.000000e+00 : f32
        %broadcast_in_dim3A_810 = vector.broadcast %broadcast_in_dim3A_809 : f32 to vector<8x64xf32>
        %swap3A_811 = arith.constant 0 : index
        %swap3A_812 = arith.constant 0 : index
        %swap3A_813 = vector.load %arg7[%swap3A_811, %swap3A_812] : memref<8x64xf32, #tpu.memory_space<vmem>>, vector<8x64xf32>
        tpu.vector_store %arg7[%swap3A_811, %swap3A_812], %broadcast_in_dim3A_810 {strides = array<i32>} : memref<8x64xf32, #tpu.memory_space<vmem>>, vector<8x64xf32>,
      } else {
      }
      %mul3A_244 = arith.constant 8 : i32
      %mul3A_245 = arith.muli %while3A_135, %mul3A_244 : i32
      %add3A_246 = arith.constant 0 : i32
      %add3A_247 = arith.addi %mul3A_245, %add3A_246 : i32
      %get3A_248 = arith.index_cast %rem3A_137 : i32 to index
      %get3A_249 = arith.constant 0 : index
      %get3A_250 = arith.constant 0 : index
      %get3A_251 = arith.constant 0 : index
      %get3A_252 = arith.constant 0 : index
      %get3A_253 = vector.load %arg5[%get3A_248, %get3A_249, %get3A_250, %get3A_251, %get3A_252] : memref<2x8x8x64x64xf32, #tpu.memory_space<vmem>>, vector<1x8x1x64x64xf32>
      %get3A_254 = vector.shape_cast %get3A_253 : vector<1x8x1x64x64xf32> to vector<8x64x64xf32>
      %exp3A = math.exp %get3A_254 : vector<8x64x64xf32>
      %get3A_255 = arith.constant 0 : index
      %get3A_256 = arith.constant 0 : index
      %get3A_257 = vector.load %arg6[%get3A_255, %get3A_256] : memref<8x64xf32, #tpu.memory_space<vmem>>, vector<8x64xf32>
      %broadcast_in_dim3A = vector.shape_cast %get3A_257 : vector<8x64xf32> to vector<8x64x1xf32>
      %broadcast_in_dim3A_258 = vector.shape_cast %broadcast_in_dim3A : vector<8x64x1xf32> to vector<8x64x1xf32>
      %broadcast_in_dim3A_259 = vector.broadcast %broadcast_in_dim3A_258 : vector<8x64x1xf32> to vector<8x64x64xf32>
      %mul3A_260 = arith.mulf %exp3A, %broadcast_in_dim3A_259 : vector<8x64x64xf32>
      %reduce_sum3A_261 = arith.constant dense<0.000000e+00> : vector<8x64xf32>
      %reduce_sum3A_262 = vector.multi_reduction <add>, %mul3A_260, %reduce_sum3A_261 [1] : vector<8x64x64xf32> to vector<8x64xf32>
      %slice3A_263 = vector.extract_strided_slice %reduce_sum3A_262 {offsets = [0, 0], sizes = [8, 1], strides = [1, 1]} : vector<8x64xf32> to vector<8x1xf32>
      %bitcast_convert_type3A = tpu.bitcast %slice3A_263 : vector<8x1xf32> -> vector<8x1xi32>
      %shift_right_arithmetic3A = arith.constant 23 : i32
      %shift_right_arithmetic3A_264 = vector.broadcast %shift_right_arithmetic3A : i32 to vector<8x1xi32>
      %shift_right_arithmetic3A_265 = arith.shrsi %bitcast_convert_type3A, %shift_right_arithmetic3A_264 : vector<8x1xi32>
      %and3A_266 = arith.constant 255 : i32
      %and3A_267 = vector.broadcast %and3A_266 : i32 to vector<8x1xi32>
      %and3A_268 = arith.andi %shift_right_arithmetic3A_265, %and3A_267 : vector<8x1xi32>
      %sub3A_269 = arith.constant 254 : i32
      %sub3A_270 = vector.broadcast %sub3A_269 : i32 to vector<8x1xi32>
      %sub3A_271 = arith.subi %sub3A_270, %and3A_268 : vector<8x1xi32>
      %shift_left3A = arith.constant 23 : i32
      %shift_left3A_272 = vector.broadcast %shift_left3A : i32 to vector<8x1xi32>
      %shift_left3A_273 = arith.shli %sub3A_271, %shift_left3A_272 : vector<8x1xi32>
      %bitcast_convert_type3A_274 = tpu.bitcast %shift_left3A_273 : vector<8x1xi32> -> vector<8x1xf32>
      %get3A_275 = arith.constant 0 : index
      %get3A_276 = arith.constant 0 : index
      %get3A_277 = vector.load %arg2[%get3A_275, %get3A_276] : memref<8x64xi32, #tpu.memory_space<vmem>>, vector<8x64xi32>
      %gt3A_278 = vector.broadcast %add3A_247 : i32 to vector<8x64xi32>
      %gt3A_279 = arith.cmpi sgt, %get3A_277, %gt3A_278 : vector<8x64xi32>
      %gt3A_280 = arith.constant 0 : i32
      %gt3A_281 = arith.cmpi sgt, %add3A_247, %gt3A_280 : i32
      %and3A_282 = vector.broadcast %gt3A_281 : i1 to vector<8x64xi1>
      %and3A_283 = arith.andi %gt3A_279, %and3A_282 : vector<8x64xi1>
      %mul3A_284 = vector.broadcast %bitcast_convert_type3A_274 : vector<8x1xf32> to vector<8x64xf32>
      %mul3A_285 = arith.mulf %reduce_sum3A_262, %mul3A_284 : vector<8x64xf32>
      %select_n3A_286 = arith.select %and3A_283, %mul3A_285, %get3A_257 : vector<8x64xi1>, vector<8x64xf32>
      %swap3A = arith.constant 0 : index
      %swap3A_287 = arith.constant 0 : index
      %swap3A_288 = vector.load %arg6[%swap3A, %swap3A_287] : memref<8x64xf32, #tpu.memory_space<vmem>>, vector<8x64xf32>
      tpu.vector_store %arg6[%swap3A, %swap3A_287], %select_n3A_286 {strides = array<i32>} : memref<8x64xf32, #tpu.memory_space<vmem>>, vector<8x64xf32>,
      %get3A_289 = arith.constant 0 : index
      %get3A_290 = arith.constant 0 : index
      %get3A_291 = vector.load %arg7[%get3A_289, %get3A_290] : memref<8x64xf32, #tpu.memory_space<vmem>>, vector<8x64xf32>
      %sub3A_292 = arith.constant 127 : i32
      %sub3A_293 = vector.broadcast %sub3A_292 : i32 to vector<8x1xi32>
      %sub3A_294 = arith.subi %and3A_268, %sub3A_293 : vector<8x1xi32>
      %convert_element_type3A_295 = arith.sitofp %sub3A_294 : vector<8x1xi32> to vector<8x1xf32>
      %mul3A_296 = arith.constant 0.693147182 : f32
      %mul3A_297 = vector.broadcast %mul3A_296 : f32 to vector<8x1xf32>
      %mul3A_298 = arith.mulf %convert_element_type3A_295, %mul3A_297 : vector<8x1xf32>
      %add3A_299 = vector.broadcast %mul3A_298 : vector<8x1xf32> to vector<8x64xf32>
      %add3A_300 = arith.addf %get3A_291, %add3A_299 : vector<8x64xf32>
      %get3A_301 = arith.constant 0 : index
      %get3A_302 = arith.constant 0 : index
      %get3A_303 = vector.load %arg7[%get3A_301, %get3A_302] : memref<8x64xf32, #tpu.memory_space<vmem>>, vector<8x64xf32>
      %select_n3A_304 = arith.select %and3A_283, %add3A_300, %get3A_303 : vector<8x64xi1>, vector<8x64xf32>
      %swap3A_305 = arith.constant 0 : index
      %swap3A_306 = arith.constant 0 : index
      %swap3A_307 = vector.load %arg7[%swap3A_305, %swap3A_306] : memref<8x64xf32, #tpu.memory_space<vmem>>, vector<8x64xf32>
      tpu.vector_store %arg7[%swap3A_305, %swap3A_306], %select_n3A_304 {strides = array<i32>} : memref<8x64xf32, #tpu.memory_space<vmem>>, vector<8x64xf32>,
      %mul3A_308 = arith.constant 8 : i32
      %mul3A_309 = arith.muli %while3A_135, %mul3A_308 : i32
      %add3A_310 = arith.constant 1 : i32
      %add3A_311 = arith.addi %mul3A_309, %add3A_310 : i32
      %get3A_312 = arith.index_cast %rem3A_137 : i32 to index
      %get3A_313 = arith.constant 0 : index
      %get3A_314 = arith.constant 1 : index
      %get3A_315 = arith.constant 0 : index
      %get3A_316 = arith.constant 0 : index
      %get3A_317 = vector.load %arg5[%get3A_312, %get3A_313, %get3A_314, %get3A_315, %get3A_316] : memref<2x8x8x64x64xf32, #tpu.memory_space<vmem>>, vector<1x8x1x64x64xf32>
      %get3A_318 = vector.shape_cast %get3A_317 : vector<1x8x1x64x64xf32> to vector<8x64x64xf32>
      %exp3A_319 = math.exp %get3A_318 : vector<8x64x64xf32>
      %get3A_320 = arith.constant 0 : index
      %get3A_321 = arith.constant 0 : index
      %get3A_322 = vector.load %arg6[%get3A_320, %get3A_321] : memref<8x64xf32, #tpu.memory_space<vmem>>, vector<8x64xf32>
      %broadcast_in_dim3A_323 = vector.shape_cast %get3A_322 : vector<8x64xf32> to vector<8x64x1xf32>
      %broadcast_in_dim3A_324 = vector.shape_cast %broadcast_in_dim3A_323 : vector<8x64x1xf32> to vector<8x64x1xf32>
      %broadcast_in_dim3A_325 = vector.broadcast %broadcast_in_dim3A_324 : vector<8x64x1xf32> to vector<8x64x64xf32>
      %mul3A_326 = arith.mulf %exp3A_319, %broadcast_in_dim3A_325 : vector<8x64x64xf32>
      %reduce_sum3A_327 = arith.constant dense<0.000000e+00> : vector<8x64xf32>
      %reduce_sum3A_328 = vector.multi_reduction <add>, %mul3A_326, %reduce_sum3A_327 [1] : vector<8x64x64xf32> to vector<8x64xf32>
      %slice3A_329 = vector.extract_strided_slice %reduce_sum3A_328 {offsets = [0, 0], sizes = [8, 1], strides = [1, 1]} : vector<8x64xf32> to vector<8x1xf32>
      %bitcast_convert_type3A_330 = tpu.bitcast %slice3A_329 : vector<8x1xf32> -> vector<8x1xi32>
      %shift_right_arithmetic3A_331 = arith.constant 23 : i32
      %shift_right_arithmetic3A_332 = vector.broadcast %shift_right_arithmetic3A_331 : i32 to vector<8x1xi32>
      %shift_right_arithmetic3A_333 = arith.shrsi %bitcast_convert_type3A_330, %shift_right_arithmetic3A_332 : vector<8x1xi32>
      %and3A_334 = arith.constant 255 : i32
      %and3A_335 = vector.broadcast %and3A_334 : i32 to vector<8x1xi32>
      %and3A_336 = arith.andi %shift_right_arithmetic3A_333, %and3A_335 : vector<8x1xi32>
      %sub3A_337 = arith.constant 254 : i32
      %sub3A_338 = vector.broadcast %sub3A_337 : i32 to vector<8x1xi32>
      %sub3A_339 = arith.subi %sub3A_338, %and3A_336 : vector<8x1xi32>
      %shift_left3A_340 = arith.constant 23 : i32
      %shift_left3A_341 = vector.broadcast %shift_left3A_340 : i32 to vector<8x1xi32>
      %shift_left3A_342 = arith.shli %sub3A_339, %shift_left3A_341 : vector<8x1xi32>
      %bitcast_convert_type3A_343 = tpu.bitcast %shift_left3A_342 : vector<8x1xi32> -> vector<8x1xf32>
      %get3A_344 = arith.constant 0 : index
      %get3A_345 = arith.constant 0 : index
      %get3A_346 = vector.load %arg2[%get3A_344, %get3A_345] : memref<8x64xi32, #tpu.memory_space<vmem>>, vector<8x64xi32>
      %gt3A_347 = vector.broadcast %add3A_311 : i32 to vector<8x64xi32>
      %gt3A_348 = arith.cmpi sgt, %get3A_346, %gt3A_347 : vector<8x64xi32>
      %gt3A_349 = arith.constant 0 : i32
      %gt3A_350 = arith.cmpi sgt, %add3A_311, %gt3A_349 : i32
      %and3A_351 = vector.broadcast %gt3A_350 : i1 to vector<8x64xi1>
      %and3A_352 = arith.andi %gt3A_348, %and3A_351 : vector<8x64xi1>
      %mul3A_353 = vector.broadcast %bitcast_convert_type3A_343 : vector<8x1xf32> to vector<8x64xf32>
      %mul3A_354 = arith.mulf %reduce_sum3A_328, %mul3A_353 : vector<8x64xf32>
      %select_n3A_355 = arith.select %and3A_352, %mul3A_354, %get3A_322 : vector<8x64xi1>, vector<8x64xf32>
      %swap3A_356 = arith.constant 0 : index
      %swap3A_357 = arith.constant 0 : index
      %swap3A_358 = vector.load %arg6[%swap3A_356, %swap3A_357] : memref<8x64xf32, #tpu.memory_space<vmem>>, vector<8x64xf32>
      tpu.vector_store %arg6[%swap3A_356, %swap3A_357], %select_n3A_355 {strides = array<i32>} : memref<8x64xf32, #tpu.memory_space<vmem>>, vector<8x64xf32>,
      %get3A_359 = arith.constant 0 : index
      %get3A_360 = arith.constant 0 : index
      %get3A_361 = vector.load %arg7[%get3A_359, %get3A_360] : memref<8x64xf32, #tpu.memory_space<vmem>>, vector<8x64xf32>
      %sub3A_362 = arith.constant 127 : i32
      %sub3A_363 = vector.broadcast %sub3A_362 : i32 to vector<8x1xi32>
      %sub3A_364 = arith.subi %and3A_336, %sub3A_363 : vector<8x1xi32>
      %convert_element_type3A_365 = arith.sitofp %sub3A_364 : vector<8x1xi32> to vector<8x1xf32>
      %mul3A_366 = arith.constant 0.693147182 : f32
      %mul3A_367 = vector.broadcast %mul3A_366 : f32 to vector<8x1xf32>
      %mul3A_368 = arith.mulf %convert_element_type3A_365, %mul3A_367 : vector<8x1xf32>
      %add3A_369 = vector.broadcast %mul3A_368 : vector<8x1xf32> to vector<8x64xf32>
      %add3A_370 = arith.addf %get3A_361, %add3A_369 : vector<8x64xf32>
      %get3A_371 = arith.constant 0 : index
      %get3A_372 = arith.constant 0 : index
      %get3A_373 = vector.load %arg7[%get3A_371, %get3A_372] : memref<8x64xf32, #tpu.memory_space<vmem>>, vector<8x64xf32>
      %select_n3A_374 = arith.select %and3A_352, %add3A_370, %get3A_373 : vector<8x64xi1>, vector<8x64xf32>
      %swap3A_375 = arith.constant 0 : index
      %swap3A_376 = arith.constant 0 : index
      %swap3A_377 = vector.load %arg7[%swap3A_375, %swap3A_376] : memref<8x64xf32, #tpu.memory_space<vmem>>, vector<8x64xf32>
      tpu.vector_store %arg7[%swap3A_375, %swap3A_376], %select_n3A_374 {strides = array<i32>} : memref<8x64xf32, #tpu.memory_space<vmem>>, vector<8x64xf32>,
      %mul3A_378 = arith.constant 8 : i32
      %mul3A_379 = arith.muli %while3A_135, %mul3A_378 : i32
      %add3A_380 = arith.constant 2 : i32
      %add3A_381 = arith.addi %mul3A_379, %add3A_380 : i32
      %get3A_382 = arith.index_cast %rem3A_137 : i32 to index
      %get3A_383 = arith.constant 0 : index
      %get3A_384 = arith.constant 2 : index
      %get3A_385 = arith.constant 0 : index
      %get3A_386 = arith.constant 0 : index
      %get3A_387 = vector.load %arg5[%get3A_382, %get3A_383, %get3A_384, %get3A_385, %get3A_386] : memref<2x8x8x64x64xf32, #tpu.memory_space<vmem>>, vector<1x8x1x64x64xf32>
      %get3A_388 = vector.shape_cast %get3A_387 : vector<1x8x1x64x64xf32> to vector<8x64x64xf32>
      %exp3A_389 = math.exp %get3A_388 : vector<8x64x64xf32>
      %get3A_390 = arith.constant 0 : index
      %get3A_391 = arith.constant 0 : index
      %get3A_392 = vector.load %arg6[%get3A_390, %get3A_391] : memref<8x64xf32, #tpu.memory_space<vmem>>, vector<8x64xf32>
      %broadcast_in_dim3A_393 = vector.shape_cast %get3A_392 : vector<8x64xf32> to vector<8x64x1xf32>
      %broadcast_in_dim3A_394 = vector.shape_cast %broadcast_in_dim3A_393 : vector<8x64x1xf32> to vector<8x64x1xf32>
      %broadcast_in_dim3A_395 = vector.broadcast %broadcast_in_dim3A_394 : vector<8x64x1xf32> to vector<8x64x64xf32>
      %mul3A_396 = arith.mulf %exp3A_389, %broadcast_in_dim3A_395 : vector<8x64x64xf32>
      %reduce_sum3A_397 = arith.constant dense<0.000000e+00> : vector<8x64xf32>
      %reduce_sum3A_398 = vector.multi_reduction <add>, %mul3A_396, %reduce_sum3A_397 [1] : vector<8x64x64xf32> to vector<8x64xf32>
      %slice3A_399 = vector.extract_strided_slice %reduce_sum3A_398 {offsets = [0, 0], sizes = [8, 1], strides = [1, 1]} : vector<8x64xf32> to vector<8x1xf32>
      %bitcast_convert_type3A_400 = tpu.bitcast %slice3A_399 : vector<8x1xf32> -> vector<8x1xi32>
      %shift_right_arithmetic3A_401 = arith.constant 23 : i32
      %shift_right_arithmetic3A_402 = vector.broadcast %shift_right_arithmetic3A_401 : i32 to vector<8x1xi32>
      %shift_right_arithmetic3A_403 = arith.shrsi %bitcast_convert_type3A_400, %shift_right_arithmetic3A_402 : vector<8x1xi32>
      %and3A_404 = arith.constant 255 : i32
      %and3A_405 = vector.broadcast %and3A_404 : i32 to vector<8x1xi32>
      %and3A_406 = arith.andi %shift_right_arithmetic3A_403, %and3A_405 : vector<8x1xi32>
      %sub3A_407 = arith.constant 254 : i32
      %sub3A_408 = vector.broadcast %sub3A_407 : i32 to vector<8x1xi32>
      %sub3A_409 = arith.subi %sub3A_408, %and3A_406 : vector<8x1xi32>
      %shift_left3A_410 = arith.constant 23 : i32
      %shift_left3A_411 = vector.broadcast %shift_left3A_410 : i32 to vector<8x1xi32>
      %shift_left3A_412 = arith.shli %sub3A_409, %shift_left3A_411 : vector<8x1xi32>
      %bitcast_convert_type3A_413 = tpu.bitcast %shift_left3A_412 : vector<8x1xi32> -> vector<8x1xf32>
      %get3A_414 = arith.constant 0 : index
      %get3A_415 = arith.constant 0 : index
      %get3A_416 = vector.load %arg2[%get3A_414, %get3A_415] : memref<8x64xi32, #tpu.memory_space<vmem>>, vector<8x64xi32>
      %gt3A_417 = vector.broadcast %add3A_381 : i32 to vector<8x64xi32>
      %gt3A_418 = arith.cmpi sgt, %get3A_416, %gt3A_417 : vector<8x64xi32>
      %gt3A_419 = arith.constant 0 : i32
      %gt3A_420 = arith.cmpi sgt, %add3A_381, %gt3A_419 : i32
      %and3A_421 = vector.broadcast %gt3A_420 : i1 to vector<8x64xi1>
      %and3A_422 = arith.andi %gt3A_418, %and3A_421 : vector<8x64xi1>
      %mul3A_423 = vector.broadcast %bitcast_convert_type3A_413 : vector<8x1xf32> to vector<8x64xf32>
      %mul3A_424 = arith.mulf %reduce_sum3A_398, %mul3A_423 : vector<8x64xf32>
      %select_n3A_425 = arith.select %and3A_422, %mul3A_424, %get3A_392 : vector<8x64xi1>, vector<8x64xf32>
      %swap3A_426 = arith.constant 0 : index
      %swap3A_427 = arith.constant 0 : index
      %swap3A_428 = vector.load %arg6[%swap3A_426, %swap3A_427] : memref<8x64xf32, #tpu.memory_space<vmem>>, vector<8x64xf32>
      tpu.vector_store %arg6[%swap3A_426, %swap3A_427], %select_n3A_425 {strides = array<i32>} : memref<8x64xf32, #tpu.memory_space<vmem>>, vector<8x64xf32>,
      %get3A_429 = arith.constant 0 : index
      %get3A_430 = arith.constant 0 : index
      %get3A_431 = vector.load %arg7[%get3A_429, %get3A_430] : memref<8x64xf32, #tpu.memory_space<vmem>>, vector<8x64xf32>
      %sub3A_432 = arith.constant 127 : i32
      %sub3A_433 = vector.broadcast %sub3A_432 : i32 to vector<8x1xi32>
      %sub3A_434 = arith.subi %and3A_406, %sub3A_433 : vector<8x1xi32>
      %convert_element_type3A_435 = arith.sitofp %sub3A_434 : vector<8x1xi32> to vector<8x1xf32>
      %mul3A_436 = arith.constant 0.693147182 : f32
      %mul3A_437 = vector.broadcast %mul3A_436 : f32 to vector<8x1xf32>
      %mul3A_438 = arith.mulf %convert_element_type3A_435, %mul3A_437 : vector<8x1xf32>
      %add3A_439 = vector.broadcast %mul3A_438 : vector<8x1xf32> to vector<8x64xf32>
      %add3A_440 = arith.addf %get3A_431, %add3A_439 : vector<8x64xf32>
      %get3A_441 = arith.constant 0 : index
      %get3A_442 = arith.constant 0 : index
      %get3A_443 = vector.load %arg7[%get3A_441, %get3A_442] : memref<8x64xf32, #tpu.memory_space<vmem>>, vector<8x64xf32>
      %select_n3A_444 = arith.select %and3A_422, %add3A_440, %get3A_443 : vector<8x64xi1>, vector<8x64xf32>
      %swap3A_445 = arith.constant 0 : index
      %swap3A_446 = arith.constant 0 : index
      %swap3A_447 = vector.load %arg7[%swap3A_445, %swap3A_446] : memref<8x64xf32, #tpu.memory_space<vmem>>, vector<8x64xf32>
      tpu.vector_store %arg7[%swap3A_445, %swap3A_446], %select_n3A_444 {strides = array<i32>} : memref<8x64xf32, #tpu.memory_space<vmem>>, vector<8x64xf32>,
      %mul3A_448 = arith.constant 8 : i32
      %mul3A_449 = arith.muli %while3A_135, %mul3A_448 : i32
      %add3A_450 = arith.constant 3 : i32
      %add3A_451 = arith.addi %mul3A_449, %add3A_450 : i32
      %get3A_452 = arith.index_cast %rem3A_137 : i32 to index
      %get3A_453 = arith.constant 0 : index
      %get3A_454 = arith.constant 3 : index
      %get3A_455 = arith.constant 0 : index
      %get3A_456 = arith.constant 0 : index
      %get3A_457 = vector.load %arg5[%get3A_452, %get3A_453, %get3A_454, %get3A_455, %get3A_456] : memref<2x8x8x64x64xf32, #tpu.memory_space<vmem>>, vector<1x8x1x64x64xf32>
      %get3A_458 = vector.shape_cast %get3A_457 : vector<1x8x1x64x64xf32> to vector<8x64x64xf32>
      %exp3A_459 = math.exp %get3A_458 : vector<8x64x64xf32>
      %get3A_460 = arith.constant 0 : index
      %get3A_461 = arith.constant 0 : index
      %get3A_462 = vector.load %arg6[%get3A_460, %get3A_461] : memref<8x64xf32, #tpu.memory_space<vmem>>, vector<8x64xf32>
      %broadcast_in_dim3A_463 = vector.shape_cast %get3A_462 : vector<8x64xf32> to vector<8x64x1xf32>
      %broadcast_in_dim3A_464 = vector.shape_cast %broadcast_in_dim3A_463 : vector<8x64x1xf32> to vector<8x64x1xf32>
      %broadcast_in_dim3A_465 = vector.broadcast %broadcast_in_dim3A_464 : vector<8x64x1xf32> to vector<8x64x64xf32>
      %mul3A_466 = arith.mulf %exp3A_459, %broadcast_in_dim3A_465 : vector<8x64x64xf32>
      %reduce_sum3A_467 = arith.constant dense<0.000000e+00> : vector<8x64xf32>
      %reduce_sum3A_468 = vector.multi_reduction <add>, %mul3A_466, %reduce_sum3A_467 [1] : vector<8x64x64xf32> to vector<8x64xf32>
      %slice3A_469 = vector.extract_strided_slice %reduce_sum3A_468 {offsets = [0, 0], sizes = [8, 1], strides = [1, 1]} : vector<8x64xf32> to vector<8x1xf32>
      %bitcast_convert_type3A_470 = tpu.bitcast %slice3A_469 : vector<8x1xf32> -> vector<8x1xi32>
      %shift_right_arithmetic3A_471 = arith.constant 23 : i32
      %shift_right_arithmetic3A_472 = vector.broadcast %shift_right_arithmetic3A_471 : i32 to vector<8x1xi32>
      %shift_right_arithmetic3A_473 = arith.shrsi %bitcast_convert_type3A_470, %shift_right_arithmetic3A_472 : vector<8x1xi32>
      %and3A_474 = arith.constant 255 : i32
      %and3A_475 = vector.broadcast %and3A_474 : i32 to vector<8x1xi32>
      %and3A_476 = arith.andi %shift_right_arithmetic3A_473, %and3A_475 : vector<8x1xi32>
      %sub3A_477 = arith.constant 254 : i32
      %sub3A_478 = vector.broadcast %sub3A_477 : i32 to vector<8x1xi32>
      %sub3A_479 = arith.subi %sub3A_478, %and3A_476 : vector<8x1xi32>
      %shift_left3A_480 = arith.constant 23 : i32
      %shift_left3A_481 = vector.broadcast %shift_left3A_480 : i32 to vector<8x1xi32>
      %shift_left3A_482 = arith.shli %sub3A_479, %shift_left3A_481 : vector<8x1xi32>
      %bitcast_convert_type3A_483 = tpu.bitcast %shift_left3A_482 : vector<8x1xi32> -> vector<8x1xf32>
      %get3A_484 = arith.constant 0 : index
      %get3A_485 = arith.constant 0 : index
      %get3A_486 = vector.load %arg2[%get3A_484, %get3A_485] : memref<8x64xi32, #tpu.memory_space<vmem>>, vector<8x64xi32>
      %gt3A_487 = vector.broadcast %add3A_451 : i32 to vector<8x64xi32>
      %gt3A_488 = arith.cmpi sgt, %get3A_486, %gt3A_487 : vector<8x64xi32>
      %gt3A_489 = arith.constant 0 : i32
      %gt3A_490 = arith.cmpi sgt, %add3A_451, %gt3A_489 : i32
      %and3A_491 = vector.broadcast %gt3A_490 : i1 to vector<8x64xi1>
      %and3A_492 = arith.andi %gt3A_488, %and3A_491 : vector<8x64xi1>
      %mul3A_493 = vector.broadcast %bitcast_convert_type3A_483 : vector<8x1xf32> to vector<8x64xf32>
      %mul3A_494 = arith.mulf %reduce_sum3A_468, %mul3A_493 : vector<8x64xf32>
      %select_n3A_495 = arith.select %and3A_492, %mul3A_494, %get3A_462 : vector<8x64xi1>, vector<8x64xf32>
      %swap3A_496 = arith.constant 0 : index
      %swap3A_497 = arith.constant 0 : index
      %swap3A_498 = vector.load %arg6[%swap3A_496, %swap3A_497] : memref<8x64xf32, #tpu.memory_space<vmem>>, vector<8x64xf32>
      tpu.vector_store %arg6[%swap3A_496, %swap3A_497], %select_n3A_495 {strides = array<i32>} : memref<8x64xf32, #tpu.memory_space<vmem>>, vector<8x64xf32>,
      %get3A_499 = arith.constant 0 : index
      %get3A_500 = arith.constant 0 : index
      %get3A_501 = vector.load %arg7[%get3A_499, %get3A_500] : memref<8x64xf32, #tpu.memory_space<vmem>>, vector<8x64xf32>
      %sub3A_502 = arith.constant 127 : i32
      %sub3A_503 = vector.broadcast %sub3A_502 : i32 to vector<8x1xi32>
      %sub3A_504 = arith.subi %and3A_476, %sub3A_503 : vector<8x1xi32>
      %convert_element_type3A_505 = arith.sitofp %sub3A_504 : vector<8x1xi32> to vector<8x1xf32>
      %mul3A_506 = arith.constant 0.693147182 : f32
      %mul3A_507 = vector.broadcast %mul3A_506 : f32 to vector<8x1xf32>
      %mul3A_508 = arith.mulf %convert_element_type3A_505, %mul3A_507 : vector<8x1xf32>
      %add3A_509 = vector.broadcast %mul3A_508 : vector<8x1xf32> to vector<8x64xf32>
      %add3A_510 = arith.addf %get3A_501, %add3A_509 : vector<8x64xf32>
      %get3A_511 = arith.constant 0 : index
      %get3A_512 = arith.constant 0 : index
      %get3A_513 = vector.load %arg7[%get3A_511, %get3A_512] : memref<8x64xf32, #tpu.memory_space<vmem>>, vector<8x64xf32>
      %select_n3A_514 = arith.select %and3A_492, %add3A_510, %get3A_513 : vector<8x64xi1>, vector<8x64xf32>
      %swap3A_515 = arith.constant 0 : index
      %swap3A_516 = arith.constant 0 : index
      %swap3A_517 = vector.load %arg7[%swap3A_515, %swap3A_516] : memref<8x64xf32, #tpu.memory_space<vmem>>, vector<8x64xf32>
      tpu.vector_store %arg7[%swap3A_515, %swap3A_516], %select_n3A_514 {strides = array<i32>} : memref<8x64xf32, #tpu.memory_space<vmem>>, vector<8x64xf32>,
      %mul3A_518 = arith.constant 8 : i32
      %mul3A_519 = arith.muli %while3A_135, %mul3A_518 : i32
      %add3A_520 = arith.constant 4 : i32
      %add3A_521 = arith.addi %mul3A_519, %add3A_520 : i32
      %get3A_522 = arith.index_cast %rem3A_137 : i32 to index
      %get3A_523 = arith.constant 0 : index
      %get3A_524 = arith.constant 4 : index
      %get3A_525 = arith.constant 0 : index
      %get3A_526 = arith.constant 0 : index
      %get3A_527 = vector.load %arg5[%get3A_522, %get3A_523, %get3A_524, %get3A_525, %get3A_526] : memref<2x8x8x64x64xf32, #tpu.memory_space<vmem>>, vector<1x8x1x64x64xf32>
      %get3A_528 = vector.shape_cast %get3A_527 : vector<1x8x1x64x64xf32> to vector<8x64x64xf32>
      %exp3A_529 = math.exp %get3A_528 : vector<8x64x64xf32>
      %get3A_530 = arith.constant 0 : index
      %get3A_531 = arith.constant 0 : index
      %get3A_532 = vector.load %arg6[%get3A_530, %get3A_531] : memref<8x64xf32, #tpu.memory_space<vmem>>, vector<8x64xf32>
      %broadcast_in_dim3A_533 = vector.shape_cast %get3A_532 : vector<8x64xf32> to vector<8x64x1xf32>
      %broadcast_in_dim3A_534 = vector.shape_cast %broadcast_in_dim3A_533 : vector<8x64x1xf32> to vector<8x64x1xf32>
      %broadcast_in_dim3A_535 = vector.broadcast %broadcast_in_dim3A_534 : vector<8x64x1xf32> to vector<8x64x64xf32>
      %mul3A_536 = arith.mulf %exp3A_529, %broadcast_in_dim3A_535 : vector<8x64x64xf32>
      %reduce_sum3A_537 = arith.constant dense<0.000000e+00> : vector<8x64xf32>
      %reduce_sum3A_538 = vector.multi_reduction <add>, %mul3A_536, %reduce_sum3A_537 [1] : vector<8x64x64xf32> to vector<8x64xf32>
      %slice3A_539 = vector.extract_strided_slice %reduce_sum3A_538 {offsets = [0, 0], sizes = [8, 1], strides = [1, 1]} : vector<8x64xf32> to vector<8x1xf32>
      %bitcast_convert_type3A_540 = tpu.bitcast %slice3A_539 : vector<8x1xf32> -> vector<8x1xi32>
      %shift_right_arithmetic3A_541 = arith.constant 23 : i32
      %shift_right_arithmetic3A_542 = vector.broadcast %shift_right_arithmetic3A_541 : i32 to vector<8x1xi32>
      %shift_right_arithmetic3A_543 = arith.shrsi %bitcast_convert_type3A_540, %shift_right_arithmetic3A_542 : vector<8x1xi32>
      %and3A_544 = arith.constant 255 : i32
      %and3A_545 = vector.broadcast %and3A_544 : i32 to vector<8x1xi32>
      %and3A_546 = arith.andi %shift_right_arithmetic3A_543, %and3A_545 : vector<8x1xi32>
      %sub3A_547 = arith.constant 254 : i32
      %sub3A_548 = vector.broadcast %sub3A_547 : i32 to vector<8x1xi32>
      %sub3A_549 = arith.subi %sub3A_548, %and3A_546 : vector<8x1xi32>
      %shift_left3A_550 = arith.constant 23 : i32
      %shift_left3A_551 = vector.broadcast %shift_left3A_550 : i32 to vector<8x1xi32>
      %shift_left3A_552 = arith.shli %sub3A_549, %shift_left3A_551 : vector<8x1xi32>
      %bitcast_convert_type3A_553 = tpu.bitcast %shift_left3A_552 : vector<8x1xi32> -> vector<8x1xf32>
      %get3A_554 = arith.constant 0 : index
      %get3A_555 = arith.constant 0 : index
      %get3A_556 = vector.load %arg2[%get3A_554, %get3A_555] : memref<8x64xi32, #tpu.memory_space<vmem>>, vector<8x64xi32>
      %gt3A_557 = vector.broadcast %add3A_521 : i32 to vector<8x64xi32>
      %gt3A_558 = arith.cmpi sgt, %get3A_556, %gt3A_557 : vector<8x64xi32>
      %gt3A_559 = arith.constant 0 : i32
      %gt3A_560 = arith.cmpi sgt, %add3A_521, %gt3A_559 : i32
      %and3A_561 = vector.broadcast %gt3A_560 : i1 to vector<8x64xi1>
      %and3A_562 = arith.andi %gt3A_558, %and3A_561 : vector<8x64xi1>
      %mul3A_563 = vector.broadcast %bitcast_convert_type3A_553 : vector<8x1xf32> to vector<8x64xf32>
      %mul3A_564 = arith.mulf %reduce_sum3A_538, %mul3A_563 : vector<8x64xf32>
      %select_n3A_565 = arith.select %and3A_562, %mul3A_564, %get3A_532 : vector<8x64xi1>, vector<8x64xf32>
      %swap3A_566 = arith.constant 0 : index
      %swap3A_567 = arith.constant 0 : index
      %swap3A_568 = vector.load %arg6[%swap3A_566, %swap3A_567] : memref<8x64xf32, #tpu.memory_space<vmem>>, vector<8x64xf32>
      tpu.vector_store %arg6[%swap3A_566, %swap3A_567], %select_n3A_565 {strides = array<i32>} : memref<8x64xf32, #tpu.memory_space<vmem>>, vector<8x64xf32>,
      %get3A_569 = arith.constant 0 : index
      %get3A_570 = arith.constant 0 : index
      %get3A_571 = vector.load %arg7[%get3A_569, %get3A_570] : memref<8x64xf32, #tpu.memory_space<vmem>>, vector<8x64xf32>
      %sub3A_572 = arith.constant 127 : i32
      %sub3A_573 = vector.broadcast %sub3A_572 : i32 to vector<8x1xi32>
      %sub3A_574 = arith.subi %and3A_546, %sub3A_573 : vector<8x1xi32>
      %convert_element_type3A_575 = arith.sitofp %sub3A_574 : vector<8x1xi32> to vector<8x1xf32>
      %mul3A_576 = arith.constant 0.693147182 : f32
      %mul3A_577 = vector.broadcast %mul3A_576 : f32 to vector<8x1xf32>
      %mul3A_578 = arith.mulf %convert_element_type3A_575, %mul3A_577 : vector<8x1xf32>
      %add3A_579 = vector.broadcast %mul3A_578 : vector<8x1xf32> to vector<8x64xf32>
      %add3A_580 = arith.addf %get3A_571, %add3A_579 : vector<8x64xf32>
      %get3A_581 = arith.constant 0 : index
      %get3A_582 = arith.constant 0 : index
      %get3A_583 = vector.load %arg7[%get3A_581, %get3A_582] : memref<8x64xf32, #tpu.memory_space<vmem>>, vector<8x64xf32>
      %select_n3A_584 = arith.select %and3A_562, %add3A_580, %get3A_583 : vector<8x64xi1>, vector<8x64xf32>
      %swap3A_585 = arith.constant 0 : index
      %swap3A_586 = arith.constant 0 : index
      %swap3A_587 = vector.load %arg7[%swap3A_585, %swap3A_586] : memref<8x64xf32, #tpu.memory_space<vmem>>, vector<8x64xf32>
      tpu.vector_store %arg7[%swap3A_585, %swap3A_586], %select_n3A_584 {strides = array<i32>} : memref<8x64xf32, #tpu.memory_space<vmem>>, vector<8x64xf32>,
      %mul3A_588 = arith.constant 8 : i32
      %mul3A_589 = arith.muli %while3A_135, %mul3A_588 : i32
      %add3A_590 = arith.constant 5 : i32
      %add3A_591 = arith.addi %mul3A_589, %add3A_590 : i32
      %get3A_592 = arith.index_cast %rem3A_137 : i32 to index
      %get3A_593 = arith.constant 0 : index
      %get3A_594 = arith.constant 5 : index
      %get3A_595 = arith.constant 0 : index
      %get3A_596 = arith.constant 0 : index
      %get3A_597 = vector.load %arg5[%get3A_592, %get3A_593, %get3A_594, %get3A_595, %get3A_596] : memref<2x8x8x64x64xf32, #tpu.memory_space<vmem>>, vector<1x8x1x64x64xf32>
      %get3A_598 = vector.shape_cast %get3A_597 : vector<1x8x1x64x64xf32> to vector<8x64x64xf32>
      %exp3A_599 = math.exp %get3A_598 : vector<8x64x64xf32>
      %get3A_600 = arith.constant 0 : index
      %get3A_601 = arith.constant 0 : index
      %get3A_602 = vector.load %arg6[%get3A_600, %get3A_601] : memref<8x64xf32, #tpu.memory_space<vmem>>, vector<8x64xf32>
      %broadcast_in_dim3A_603 = vector.shape_cast %get3A_602 : vector<8x64xf32> to vector<8x64x1xf32>
      %broadcast_in_dim3A_604 = vector.shape_cast %broadcast_in_dim3A_603 : vector<8x64x1xf32> to vector<8x64x1xf32>
      %broadcast_in_dim3A_605 = vector.broadcast %broadcast_in_dim3A_604 : vector<8x64x1xf32> to vector<8x64x64xf32>
      %mul3A_606 = arith.mulf %exp3A_599, %broadcast_in_dim3A_605 : vector<8x64x64xf32>
      %reduce_sum3A_607 = arith.constant dense<0.000000e+00> : vector<8x64xf32>
      %reduce_sum3A_608 = vector.multi_reduction <add>, %mul3A_606, %reduce_sum3A_607 [1] : vector<8x64x64xf32> to vector<8x64xf32>
      %slice3A_609 = vector.extract_strided_slice %reduce_sum3A_608 {offsets = [0, 0], sizes = [8, 1], strides = [1, 1]} : vector<8x64xf32> to vector<8x1xf32>
      %bitcast_convert_type3A_610 = tpu.bitcast %slice3A_609 : vector<8x1xf32> -> vector<8x1xi32>
      %shift_right_arithmetic3A_611 = arith.constant 23 : i32
      %shift_right_arithmetic3A_612 = vector.broadcast %shift_right_arithmetic3A_611 : i32 to vector<8x1xi32>
      %shift_right_arithmetic3A_613 = arith.shrsi %bitcast_convert_type3A_610, %shift_right_arithmetic3A_612 : vector<8x1xi32>
      %and3A_614 = arith.constant 255 : i32
      %and3A_615 = vector.broadcast %and3A_614 : i32 to vector<8x1xi32>
      %and3A_616 = arith.andi %shift_right_arithmetic3A_613, %and3A_615 : vector<8x1xi32>
      %sub3A_617 = arith.constant 254 : i32
      %sub3A_618 = vector.broadcast %sub3A_617 : i32 to vector<8x1xi32>
      %sub3A_619 = arith.subi %sub3A_618, %and3A_616 : vector<8x1xi32>
      %shift_left3A_620 = arith.constant 23 : i32
      %shift_left3A_621 = vector.broadcast %shift_left3A_620 : i32 to vector<8x1xi32>
      %shift_left3A_622 = arith.shli %sub3A_619, %shift_left3A_621 : vector<8x1xi32>
      %bitcast_convert_type3A_623 = tpu.bitcast %shift_left3A_622 : vector<8x1xi32> -> vector<8x1xf32>
      %get3A_624 = arith.constant 0 : index
      %get3A_625 = arith.constant 0 : index
      %get3A_626 = vector.load %arg2[%get3A_624, %get3A_625] : memref<8x64xi32, #tpu.memory_space<vmem>>, vector<8x64xi32>
      %gt3A_627 = vector.broadcast %add3A_591 : i32 to vector<8x64xi32>
      %gt3A_628 = arith.cmpi sgt, %get3A_626, %gt3A_627 : vector<8x64xi32>
      %gt3A_629 = arith.constant 0 : i32
      %gt3A_630 = arith.cmpi sgt, %add3A_591, %gt3A_629 : i32
      %and3A_631 = vector.broadcast %gt3A_630 : i1 to vector<8x64xi1>
      %and3A_632 = arith.andi %gt3A_628, %and3A_631 : vector<8x64xi1>
      %mul3A_633 = vector.broadcast %bitcast_convert_type3A_623 : vector<8x1xf32> to vector<8x64xf32>
      %mul3A_634 = arith.mulf %reduce_sum3A_608, %mul3A_633 : vector<8x64xf32>
      %select_n3A_635 = arith.select %and3A_632, %mul3A_634, %get3A_602 : vector<8x64xi1>, vector<8x64xf32>
      %swap3A_636 = arith.constant 0 : index
      %swap3A_637 = arith.constant 0 : index
      %swap3A_638 = vector.load %arg6[%swap3A_636, %swap3A_637] : memref<8x64xf32, #tpu.memory_space<vmem>>, vector<8x64xf32>
      tpu.vector_store %arg6[%swap3A_636, %swap3A_637], %select_n3A_635 {strides = array<i32>} : memref<8x64xf32, #tpu.memory_space<vmem>>, vector<8x64xf32>,
      %get3A_639 = arith.constant 0 : index
      %get3A_640 = arith.constant 0 : index
      %get3A_641 = vector.load %arg7[%get3A_639, %get3A_640] : memref<8x64xf32, #tpu.memory_space<vmem>>, vector<8x64xf32>
      %sub3A_642 = arith.constant 127 : i32
      %sub3A_643 = vector.broadcast %sub3A_642 : i32 to vector<8x1xi32>
      %sub3A_644 = arith.subi %and3A_616, %sub3A_643 : vector<8x1xi32>
      %convert_element_type3A_645 = arith.sitofp %sub3A_644 : vector<8x1xi32> to vector<8x1xf32>
      %mul3A_646 = arith.constant 0.693147182 : f32
      %mul3A_647 = vector.broadcast %mul3A_646 : f32 to vector<8x1xf32>
      %mul3A_648 = arith.mulf %convert_element_type3A_645, %mul3A_647 : vector<8x1xf32>
      %add3A_649 = vector.broadcast %mul3A_648 : vector<8x1xf32> to vector<8x64xf32>
      %add3A_650 = arith.addf %get3A_641, %add3A_649 : vector<8x64xf32>
      %get3A_651 = arith.constant 0 : index
      %get3A_652 = arith.constant 0 : index
      %get3A_653 = vector.load %arg7[%get3A_651, %get3A_652] : memref<8x64xf32, #tpu.memory_space<vmem>>, vector<8x64xf32>
      %select_n3A_654 = arith.select %and3A_632, %add3A_650, %get3A_653 : vector<8x64xi1>, vector<8x64xf32>
      %swap3A_655 = arith.constant 0 : index
      %swap3A_656 = arith.constant 0 : index
      %swap3A_657 = vector.load %arg7[%swap3A_655, %swap3A_656] : memref<8x64xf32, #tpu.memory_space<vmem>>, vector<8x64xf32>
      tpu.vector_store %arg7[%swap3A_655, %swap3A_656], %select_n3A_654 {strides = array<i32>} : memref<8x64xf32, #tpu.memory_space<vmem>>, vector<8x64xf32>,
      %mul3A_658 = arith.constant 8 : i32
      %mul3A_659 = arith.muli %while3A_135, %mul3A_658 : i32
      %add3A_660 = arith.constant 6 : i32
      %add3A_661 = arith.addi %mul3A_659, %add3A_660 : i32
      %get3A_662 = arith.index_cast %rem3A_137 : i32 to index
      %get3A_663 = arith.constant 0 : index
      %get3A_664 = arith.constant 6 : index
      %get3A_665 = arith.constant 0 : index
      %get3A_666 = arith.constant 0 : index
      %get3A_667 = vector.load %arg5[%get3A_662, %get3A_663, %get3A_664, %get3A_665, %get3A_666] : memref<2x8x8x64x64xf32, #tpu.memory_space<vmem>>, vector<1x8x1x64x64xf32>
      %get3A_668 = vector.shape_cast %get3A_667 : vector<1x8x1x64x64xf32> to vector<8x64x64xf32>
      %exp3A_669 = math.exp %get3A_668 : vector<8x64x64xf32>
      %get3A_670 = arith.constant 0 : index
      %get3A_671 = arith.constant 0 : index
      %get3A_672 = vector.load %arg6[%get3A_670, %get3A_671] : memref<8x64xf32, #tpu.memory_space<vmem>>, vector<8x64xf32>
      %broadcast_in_dim3A_673 = vector.shape_cast %get3A_672 : vector<8x64xf32> to vector<8x64x1xf32>
      %broadcast_in_dim3A_674 = vector.shape_cast %broadcast_in_dim3A_673 : vector<8x64x1xf32> to vector<8x64x1xf32>
      %broadcast_in_dim3A_675 = vector.broadcast %broadcast_in_dim3A_674 : vector<8x64x1xf32> to vector<8x64x64xf32>
      %mul3A_676 = arith.mulf %exp3A_669, %broadcast_in_dim3A_675 : vector<8x64x64xf32>
      %reduce_sum3A_677 = arith.constant dense<0.000000e+00> : vector<8x64xf32>
      %reduce_sum3A_678 = vector.multi_reduction <add>, %mul3A_676, %reduce_sum3A_677 [1] : vector<8x64x64xf32> to vector<8x64xf32>
      %slice3A_679 = vector.extract_strided_slice %reduce_sum3A_678 {offsets = [0, 0], sizes = [8, 1], strides = [1, 1]} : vector<8x64xf32> to vector<8x1xf32>
      %bitcast_convert_type3A_680 = tpu.bitcast %slice3A_679 : vector<8x1xf32> -> vector<8x1xi32>
      %shift_right_arithmetic3A_681 = arith.constant 23 : i32
      %shift_right_arithmetic3A_682 = vector.broadcast %shift_right_arithmetic3A_681 : i32 to vector<8x1xi32>
      %shift_right_arithmetic3A_683 = arith.shrsi %bitcast_convert_type3A_680, %shift_right_arithmetic3A_682 : vector<8x1xi32>
      %and3A_684 = arith.constant 255 : i32
      %and3A_685 = vector.broadcast %and3A_684 : i32 to vector<8x1xi32>
      %and3A_686 = arith.andi %shift_right_arithmetic3A_683, %and3A_685 : vector<8x1xi32>
      %sub3A_687 = arith.constant 254 : i32
      %sub3A_688 = vector.broadcast %sub3A_687 : i32 to vector<8x1xi32>
      %sub3A_689 = arith.subi %sub3A_688, %and3A_686 : vector<8x1xi32>
      %shift_left3A_690 = arith.constant 23 : i32
      %shift_left3A_691 = vector.broadcast %shift_left3A_690 : i32 to vector<8x1xi32>
      %shift_left3A_692 = arith.shli %sub3A_689, %shift_left3A_691 : vector<8x1xi32>
      %bitcast_convert_type3A_693 = tpu.bitcast %shift_left3A_692 : vector<8x1xi32> -> vector<8x1xf32>
      %get3A_694 = arith.constant 0 : index
      %get3A_695 = arith.constant 0 : index
      %get3A_696 = vector.load %arg2[%get3A_694, %get3A_695] : memref<8x64xi32, #tpu.memory_space<vmem>>, vector<8x64xi32>
      %gt3A_697 = vector.broadcast %add3A_661 : i32 to vector<8x64xi32>
      %gt3A_698 = arith.cmpi sgt, %get3A_696, %gt3A_697 : vector<8x64xi32>
      %gt3A_699 = arith.constant 0 : i32
      %gt3A_700 = arith.cmpi sgt, %add3A_661, %gt3A_699 : i32
      %and3A_701 = vector.broadcast %gt3A_700 : i1 to vector<8x64xi1>
      %and3A_702 = arith.andi %gt3A_698, %and3A_701 : vector<8x64xi1>
      %mul3A_703 = vector.broadcast %bitcast_convert_type3A_693 : vector<8x1xf32> to vector<8x64xf32>
      %mul3A_704 = arith.mulf %reduce_sum3A_678, %mul3A_703 : vector<8x64xf32>
      %select_n3A_705 = arith.select %and3A_702, %mul3A_704, %get3A_672 : vector<8x64xi1>, vector<8x64xf32>
      %swap3A_706 = arith.constant 0 : index
      %swap3A_707 = arith.constant 0 : index
      %swap3A_708 = vector.load %arg6[%swap3A_706, %swap3A_707] : memref<8x64xf32, #tpu.memory_space<vmem>>, vector<8x64xf32>
      tpu.vector_store %arg6[%swap3A_706, %swap3A_707], %select_n3A_705 {strides = array<i32>} : memref<8x64xf32, #tpu.memory_space<vmem>>, vector<8x64xf32>,
      %get3A_709 = arith.constant 0 : index
      %get3A_710 = arith.constant 0 : index
      %get3A_711 = vector.load %arg7[%get3A_709, %get3A_710] : memref<8x64xf32, #tpu.memory_space<vmem>>, vector<8x64xf32>
      %sub3A_712 = arith.constant 127 : i32
      %sub3A_713 = vector.broadcast %sub3A_712 : i32 to vector<8x1xi32>
      %sub3A_714 = arith.subi %and3A_686, %sub3A_713 : vector<8x1xi32>
      %convert_element_type3A_715 = arith.sitofp %sub3A_714 : vector<8x1xi32> to vector<8x1xf32>
      %mul3A_716 = arith.constant 0.693147182 : f32
      %mul3A_717 = vector.broadcast %mul3A_716 : f32 to vector<8x1xf32>
      %mul3A_718 = arith.mulf %convert_element_type3A_715, %mul3A_717 : vector<8x1xf32>
      %add3A_719 = vector.broadcast %mul3A_718 : vector<8x1xf32> to vector<8x64xf32>
      %add3A_720 = arith.addf %get3A_711, %add3A_719 : vector<8x64xf32>
      %get3A_721 = arith.constant 0 : index
      %get3A_722 = arith.constant 0 : index
      %get3A_723 = vector.load %arg7[%get3A_721, %get3A_722] : memref<8x64xf32, #tpu.memory_space<vmem>>, vector<8x64xf32>
      %select_n3A_724 = arith.select %and3A_702, %add3A_720, %get3A_723 : vector<8x64xi1>, vector<8x64xf32>
      %swap3A_725 = arith.constant 0 : index
      %swap3A_726 = arith.constant 0 : index
      %swap3A_727 = vector.load %arg7[%swap3A_725, %swap3A_726] : memref<8x64xf32, #tpu.memory_space<vmem>>, vector<8x64xf32>
      tpu.vector_store %arg7[%swap3A_725, %swap3A_726], %select_n3A_724 {strides = array<i32>} : memref<8x64xf32, #tpu.memory_space<vmem>>, vector<8x64xf32>,
      %mul3A_728 = arith.constant 8 : i32
      %mul3A_729 = arith.muli %while3A_135, %mul3A_728 : i32
      %add3A_730 = arith.constant 7 : i32
      %add3A_731 = arith.addi %mul3A_729, %add3A_730 : i32
      %get3A_732 = arith.index_cast %rem3A_137 : i32 to index
      %get3A_733 = arith.constant 0 : index
      %get3A_734 = arith.constant 7 : index
      %get3A_735 = arith.constant 0 : index
      %get3A_736 = arith.constant 0 : index
      %get3A_737 = vector.load %arg5[%get3A_732, %get3A_733, %get3A_734, %get3A_735, %get3A_736] : memref<2x8x8x64x64xf32, #tpu.memory_space<vmem>>, vector<1x8x1x64x64xf32>
      %get3A_738 = vector.shape_cast %get3A_737 : vector<1x8x1x64x64xf32> to vector<8x64x64xf32>
      %exp3A_739 = math.exp %get3A_738 : vector<8x64x64xf32>
      %get3A_740 = arith.constant 0 : index
      %get3A_741 = arith.constant 0 : index
      %get3A_742 = vector.load %arg6[%get3A_740, %get3A_741] : memref<8x64xf32, #tpu.memory_space<vmem>>, vector<8x64xf32>
      %broadcast_in_dim3A_743 = vector.shape_cast %get3A_742 : vector<8x64xf32> to vector<8x64x1xf32>
      %broadcast_in_dim3A_744 = vector.shape_cast %broadcast_in_dim3A_743 : vector<8x64x1xf32> to vector<8x64x1xf32>
      %broadcast_in_dim3A_745 = vector.broadcast %broadcast_in_dim3A_744 : vector<8x64x1xf32> to vector<8x64x64xf32>
      %mul3A_746 = arith.mulf %exp3A_739, %broadcast_in_dim3A_745 : vector<8x64x64xf32>
      %reduce_sum3A_747 = arith.constant dense<0.000000e+00> : vector<8x64xf32>
      %reduce_sum3A_748 = vector.multi_reduction <add>, %mul3A_746, %reduce_sum3A_747 [1] : vector<8x64x64xf32> to vector<8x64xf32>
      %slice3A_749 = vector.extract_strided_slice %reduce_sum3A_748 {offsets = [0, 0], sizes = [8, 1], strides = [1, 1]} : vector<8x64xf32> to vector<8x1xf32>
      %bitcast_convert_type3A_750 = tpu.bitcast %slice3A_749 : vector<8x1xf32> -> vector<8x1xi32>
      %shift_right_arithmetic3A_751 = arith.constant 23 : i32
      %shift_right_arithmetic3A_752 = vector.broadcast %shift_right_arithmetic3A_751 : i32 to vector<8x1xi32>
      %shift_right_arithmetic3A_753 = arith.shrsi %bitcast_convert_type3A_750, %shift_right_arithmetic3A_752 : vector<8x1xi32>
      %and3A_754 = arith.constant 255 : i32
      %and3A_755 = vector.broadcast %and3A_754 : i32 to vector<8x1xi32>
      %and3A_756 = arith.andi %shift_right_arithmetic3A_753, %and3A_755 : vector<8x1xi32>
      %sub3A_757 = arith.constant 254 : i32
      %sub3A_758 = vector.broadcast %sub3A_757 : i32 to vector<8x1xi32>
      %sub3A_759 = arith.subi %sub3A_758, %and3A_756 : vector<8x1xi32>
      %shift_left3A_760 = arith.constant 23 : i32
      %shift_left3A_761 = vector.broadcast %shift_left3A_760 : i32 to vector<8x1xi32>
      %shift_left3A_762 = arith.shli %sub3A_759, %shift_left3A_761 : vector<8x1xi32>
      %bitcast_convert_type3A_763 = tpu.bitcast %shift_left3A_762 : vector<8x1xi32> -> vector<8x1xf32>
      %get3A_764 = arith.constant 0 : index
      %get3A_765 = arith.constant 0 : index
      %get3A_766 = vector.load %arg2[%get3A_764, %get3A_765] : memref<8x64xi32, #tpu.memory_space<vmem>>, vector<8x64xi32>
      %gt3A_767 = vector.broadcast %add3A_731 : i32 to vector<8x64xi32>
      %gt3A_768 = arith.cmpi sgt, %get3A_766, %gt3A_767 : vector<8x64xi32>
      %gt3A_769 = arith.constant 0 : i32
      %gt3A_770 = arith.cmpi sgt, %add3A_731, %gt3A_769 : i32
      %and3A_771 = vector.broadcast %gt3A_770 : i1 to vector<8x64xi1>
      %and3A_772 = arith.andi %gt3A_768, %and3A_771 : vector<8x64xi1>
      %mul3A_773 = vector.broadcast %bitcast_convert_type3A_763 : vector<8x1xf32> to vector<8x64xf32>
      %mul3A_774 = arith.mulf %reduce_sum3A_748, %mul3A_773 : vector<8x64xf32>
      %select_n3A_775 = arith.select %and3A_772, %mul3A_774, %get3A_742 : vector<8x64xi1>, vector<8x64xf32>
      %swap3A_776 = arith.constant 0 : index
      %swap3A_777 = arith.constant 0 : index
      %swap3A_778 = vector.load %arg6[%swap3A_776, %swap3A_777] : memref<8x64xf32, #tpu.memory_space<vmem>>, vector<8x64xf32>
      tpu.vector_store %arg6[%swap3A_776, %swap3A_777], %select_n3A_775 {strides = array<i32>} : memref<8x64xf32, #tpu.memory_space<vmem>>, vector<8x64xf32>,
      %get3A_779 = arith.constant 0 : index
      %get3A_780 = arith.constant 0 : index
      %get3A_781 = vector.load %arg7[%get3A_779, %get3A_780] : memref<8x64xf32, #tpu.memory_space<vmem>>, vector<8x64xf32>
      %sub3A_782 = arith.constant 127 : i32
      %sub3A_783 = vector.broadcast %sub3A_782 : i32 to vector<8x1xi32>
      %sub3A_784 = arith.subi %and3A_756, %sub3A_783 : vector<8x1xi32>
      %convert_element_type3A_785 = arith.sitofp %sub3A_784 : vector<8x1xi32> to vector<8x1xf32>
      %mul3A_786 = arith.constant 0.693147182 : f32
      %mul3A_787 = vector.broadcast %mul3A_786 : f32 to vector<8x1xf32>
      %mul3A_788 = arith.mulf %convert_element_type3A_785, %mul3A_787 : vector<8x1xf32>
      %add3A_789 = vector.broadcast %mul3A_788 : vector<8x1xf32> to vector<8x64xf32>
      %add3A_790 = arith.addf %get3A_781, %add3A_789 : vector<8x64xf32>
      %get3A_791 = arith.constant 0 : index
      %get3A_792 = arith.constant 0 : index
      %get3A_793 = vector.load %arg7[%get3A_791, %get3A_792] : memref<8x64xf32, #tpu.memory_space<vmem>>, vector<8x64xf32>
      %select_n3A_794 = arith.select %and3A_772, %add3A_790, %get3A_793 : vector<8x64xi1>, vector<8x64xf32>
      %swap3A_795 = arith.constant 0 : index
      %swap3A_796 = arith.constant 0 : index
      %swap3A_797 = vector.load %arg7[%swap3A_795, %swap3A_796] : memref<8x64xf32, #tpu.memory_space<vmem>>, vector<8x64xf32>
      tpu.vector_store %arg7[%swap3A_795, %swap3A_796], %select_n3A_794 {strides = array<i32>} : memref<8x64xf32, #tpu.memory_space<vmem>>, vector<8x64xf32>,
    }
    %get3A_115 = arith.constant 0 : index
    %get3A_116 = arith.constant 0 : index
    %get3A_117 = vector.load %arg6[%get3A_115, %get3A_116] : memref<8x64xf32, #tpu.memory_space<vmem>>, vector<8x64xf32>
    %log3A = math.log %get3A_117 : vector<8x64xf32>
    %get3A_118 = arith.constant 0 : index
    %get3A_119 = arith.constant 0 : index
    %get3A_120 = vector.load %arg7[%get3A_118, %get3A_119] : memref<8x64xf32, #tpu.memory_space<vmem>>, vector<8x64xf32>
    %add3A_121 = arith.addf %log3A, %get3A_120 : vector<8x64xf32>
    %slice3A = vector.extract_strided_slice %add3A_121 {offsets = [0, 63], sizes = [8, 1], strides = [1, 1]} : vector<8x64xf32> to vector<8x1xf32>
    %squeeze3A = vector.shape_cast %slice3A : vector<8x1xf32> to vector<8xf32>
    %reduce_sum3A = vector.shape_cast %squeeze3A : vector<8xf32> to vector<1x8xf32>
    %reduce_sum3A_122 = arith.constant dense<0.000000e+00> : vector<1xf32>
    %reduce_sum3A_123 = vector.multi_reduction <add>, %reduce_sum3A, %reduce_sum3A_122 [1] : vector<1x8xf32> to vector<1xf32>
    %reduce_sum3A_124 = vector.shape_cast %reduce_sum3A_123 : vector<1xf32> to vector<1x1xf32>
    %reduce_sum3A_125 = vector.extract %reduce_sum3A_124[0, 0] : f32 from vector<1x1xf32>
    %eq3A = arith.constant 0 : i32
    %eq3A_126 = arith.cmpi eq, %arg0, %eq3A : i32
    %convert_element_type3A_127 = arith.extui %eq3A_126 : i1 to i32
    %cond3A_128 = arith.constant 0 : i32
    %cond3A_129 = arith.cmpi ne, %convert_element_type3A_127, %cond3A_128 : i32
    scf.if %cond3A_129 {
      %swap3A = arith.constant 0 : index
      %swap3A_135 = arith.constant 0 : index
      %swap3A_136 = memref.load %arg4[%swap3A, %swap3A_135] : memref<1x1xf32, #tpu.memory_space<smem>>
      memref.store %reduce_sum3A_125, %arg4[%swap3A, %swap3A_135] : memref<1x1xf32, #tpu.memory_space<smem>>
    } else {
    }
    %gt3A_130 = arith.constant 0 : i32
    %gt3A_131 = arith.cmpi sgt, %arg0, %gt3A_130 : i32
    %convert_element_type3A_132 = arith.extui %gt3A_131 : i1 to i32
    %cond3A_133 = arith.constant 0 : i32
    %cond3A_134 = arith.cmpi ne, %convert_element_type3A_132, %cond3A_133 : i32
    scf.if %cond3A_134 {
      %get3A_135 = arith.constant 0 : index
      %get3A_136 = arith.constant 0 : index
      %get3A_137 = memref.load %arg4[%get3A_135, %get3A_136] : memref<1x1xf32, #tpu.memory_space<smem>>
      %add3A_138 = arith.addf %get3A_137, %reduce_sum3A_125 : f32
      %swap3A = arith.constant 0 : index
      %swap3A_139 = arith.constant 0 : index
      %swap3A_140 = memref.load %arg4[%swap3A, %swap3A_139] : memref<1x1xf32, #tpu.memory_space<smem>>
      memref.store %add3A_138, %arg4[%swap3A, %swap3A_139] : memref<1x1xf32, #tpu.memory_space<smem>>
    } else {
    }
    return
  }
  func.func @transform_0(%arg0: i32) -> i32 {
    %c0_i32 = arith.constant 0 : i32
    %c0_i32_0 = arith.constant 0 : i32
    return %c0_i32 : i32
  }
  func.func @transform_1(%arg0: i32) -> (i32, i32) {
    %c0_i32 = arith.constant 0 : i32
    %c0_i32_0 = arith.constant 0 : i32
    return %arg0, %c0_i32 : i32, i32
  }
  func.func @transform_3(%arg0: i32) -> (i32, i32) {
    %c0_i32 = arith.constant 0 : i32
    %c0_i32_0 = arith.constant 0 : i32
    %c0_i32_1 = arith.constant 0 : i32
    return %c0_i32, %c0_i32_0 : i32, i32
  }
}

</mosaic_0001>

<sc_bundles>
// kernel: kernel.4.cloned.1.call-start
scs
__scs_entry_jumppad:
0x0: {  	(pc) =	sbr.rel $0x88, $3  }
0x1: {  	(tag) =	ssettag $0x0;
	lr =	simm.s32 $0x1  }
0x2: {  	[smem:$0x3F9E] =	sst lr;
	_ =	strace $0xD0000000  }
0x3: {  	_ = 	snop  }
0x4: {  	_ = 	snop  }
0x5: {  	_ = 	snop  }
0x6: {  	_ = 	snop  }
0x7: {  	_ = 	snop  }
__scs_overlays_trampoline_lowered:
0x8: {  	[smem:$0x3FAD] =	sst s0  }
0x9: {  	[smem:$0x3FAE] =	sst s1  }
0xa: {  	[smem:$0x3FAF] =	sst s2  }
0xb: {  	[smem:$0x3FB0] =	sst s3  }
0xc: {  	[smem:$0x3FB1] =	sst s4  }
0xd: {  	[smem:$0x3FB2] =	sst s5  }
0xe: {  	[smem:$0x3FB3] =	sst s6  }
0xf: {  	[smem:$0x3FB4] =	sst s7  }
0x10: {  	[smem:$0x3FB5] =	sst s8  }
0x11: {  	[smem:$0x3FB6] =	sst s9;
	s0 =	simm.s32 @!p0 $0x0  }
0x12: {  	s1 =	sld [smem:$0x3F9C];
	s0 =	simm.s32 @p0 $0x1  }
0x13: {  	[smem:$0x3FB7] =	sst s0;
	s0 =	simm.s32 @!p1 $0x0  }
0x14: {  	s2 =	sld [smem:$0x3F9B];
	s0 =	simm.s32 @p1 $0x1  }
0x15: {  	[smem:$0x3FB8] =	sst s0;
	s0 =	simm.s32 @!p2 $0x0  }
0x16: {  	s3 =	sld [smem:$0x3FDB];
	s0 =	simm.s32 @p2 $0x1  }
0x17: {  	s4 =	simm.s32 $0x1BF5;
	[smem:$0x3FBA] =	sst s0  }
0x18: {  	s0 =	sld [smem:$0x3F9D];
	_ =	swait.ge [sflag:s4], $0x0  }
0x19: {  	s7 =	sld [smem:$0x3F9E]  }
0x1a: {  	s8 =	sadd.s32 $0xFFFFE003, lr  }
0x1b: {  	s9 =	sadd.s32 $0xFFFFFEF7, lr;
	s5 =	simm.s32 $0xFFFFFFFF;
	p2 =	slt.u32 s8, $0xFFFFF086  }
0x1c: {  	p1 =	slt.u32 s9, $0xF7A;
	s5 =	simm.s32 @!p2 $0x0  }
0x1d: {  	s5 =	simm.s32 @p1 $0x1;
	p0 =	seq.s32 s7, s2  }
0x1e: {  	s7 =	smul.u32 @!p0 $0xF7A, s2;
	p2 =	seq.s32 @!p0 s5, $0x0  }
0x1f: {  	s9 =	smul.u32 $0xF7A, s1;
	s8 =	simm.s32 @!p0 $0x1BF5;
	p2 =	por !p2, p0  }
0x20: {  	[sflag:s8] =	ssyncset.s32 @!p0 $0xFFFFF086;
	s6 =	sadd.s32 @!p0 s3, s7;
	s7 =	simm.s32 @!p0 $0x108  }
0x21: {  	s3 =	sadd.s32 s3, s9;
	s6 =	sadd.s32 @!p0 $0x88, s6;
	s7 =	simm.s32 @p2 $0x1082  }
0x22: {  	[simem:s7], [sflag:s8] =	dma.local @!p0 [hbm:s6], $0xF7A  }
0x23: {  	s9 =	sor.u32 $0xD0000000, s2;
	s6 =	simm.s32 $0x108;
	_ =	swait.ge @!p0 [sflag:s8], $0x0  }
0x24: {  	s3 =	sadd.s32 $0x88, s3;
	s6 =	simm.s32 @!p1 $0x1082;
	[sflag:s4] =	ssyncset.s32 $0xFFFFF086  }
0x25: {  	[simem:s6], [sflag:s4] =	dma.local [hbm:s3], $0xF7A  }
0x26: {  	[smem:$0x3F9E] =	sst s1;
	(tag) =	ssettag s2;
	_ =	strace s9  }
0x27: {  	s1 =	sld [smem:$0x3FAE]  }
0x28: {  	s2 =	sld [smem:$0x3FAF]  }
0x29: {  	s4 =	sld [smem:$0x3FB1]  }
0x2a: {  	p0 =	seq.s32 s5, $0x0;
	s5 =	sld [smem:$0x3FB2]  }
0x2b: {  	s6 =	sld [smem:$0x3FB3]  }
0x2c: {  	s7 =	sld [smem:$0x3FB4]  }
0x2d: {  	s3 =	simm.s32 $0x108;
	s8 =	sld [smem:$0x3FB5]  }
0x2e: {  	s3 =	simm.s32 @!p0 $0x1082;
	s9 =	sld [smem:$0x3FB6]  }
0x2f: {  	lr =	sadd.s32 s0, s3;
	s0 =	sld [smem:$0x3FAD]  }
0x30: {  	s3 =	sld [smem:$0x3FB0]  }
0x31: {  	[smem:$0x3FB9] =	sst s10  }
0x32: {  	s10 =	sld [smem:$0x3FB7];
	_ =	sdelay $0x3  }
0x33: {  	p0 =	seq.s32 s10, $0x1;
	s10 =	sld [smem:$0x3FB9];
	_ =	sdelay $0x3  }
0x34: {  	[smem:$0x3FB9] =	sst s10  }
0x35: {  	s10 =	sld [smem:$0x3FB8];
	_ =	sdelay $0x3  }
0x36: {  	p1 =	seq.s32 s10, $0x1;
	s10 =	sld [smem:$0x3FB9];
	_ =	sdelay $0x3  }
0x37: {  	[smem:$0x3FB9] =	sst s10  }
0x38: {  	s10 =	sld [smem:$0x3FBA]  }
0x39: {  	_ = 	snop;
	(pc) =	sbr.ind lr, $3  }
0x3a: {  	_ = 	snop  }
0x3b: {  	_ = 	snop  }
0x3c: {  	p2 =	seq.s32 s10, $0x1;
	s10 =	sld [smem:$0x3FB9]  }
0x3d: {  	_ =	shalt  }
0x3e: {  	_ =	shalt  }
0x3f: {  	_ =	shalt  }
0x40: {  	_ =	shalt  }
0x41: {  	_ =	shalt  }
0x42: {  	_ =	shalt  }
0x43: {  	_ =	shalt  }
0x44: {  	_ =	shalt  }
0x45: {  	_ =	shalt  }
0x46: {  	_ =	shalt  }
0x47: {  	_ =	shalt  }
0x48: {  	_ =	shalt  }
0x49: {  	_ =	shalt  }
0x4a: {  	_ =	shalt  }
0x4b: {  	_ =	shalt  }
0x4c: {  	_ =	shalt  }
0x4d: {  	_ =	shalt  }
0x4e: {  	_ =	shalt  }
0x4f: {  	_ =	shalt  }
0x50: {  	_ =	shalt  }
0x51: {  	_ =	shalt  }
0x52: {  	_ =	shalt  }
0x53: {  	_ =	shalt  }
0x54: {  	_ =	shalt  }
0x55: {  	_ =	shalt  }
0x56: {  	_ =	shalt  }
0x57: {  	_ =	shalt  }
0x58: {  	_ =	shalt  }
0x59: {  	_ =	shalt  }
0x5a: {  	_ =	shalt  }
0x5b: {  	_ =	shalt  }
0x5c: {  	_ =	shalt  }
0x5d: {  	_ =	shalt  }
0x5e: {  	_ =	shalt  }
0x5f: {  	_ =	shalt  }
0x60: {  	_ =	shalt  }
0x61: {  	_ =	shalt  }
0x62: {  	_ =	shalt  }
0x63: {  	_ =	shalt  }
0x64: {  	_ =	shalt  }
0x65: {  	_ =	shalt  }
0x66: {  	_ =	shalt  }
0x67: {  	_ =	shalt  }
0x68: {  	_ =	shalt  }
0x69: {  	_ =	shalt  }
0x6a: {  	_ =	shalt  }
0x6b: {  	_ =	shalt  }
0x6c: {  	_ =	shalt  }
0x6d: {  	_ =	shalt  }
0x6e: {  	_ =	shalt  }
0x6f: {  	_ =	shalt  }
0x70: {  	_ =	shalt  }
0x71: {  	_ =	shalt  }
0x72: {  	_ =	shalt  }
0x73: {  	_ =	shalt  }
0x74: {  	_ =	shalt  }
0x75: {  	_ =	shalt  }
0x76: {  	_ =	shalt  }
0x77: {  	_ =	shalt  }
0x78: {  	_ =	shalt  }
0x79: {  	_ =	shalt  }
0x7a: {  	_ =	shalt  }
0x7b: {  	_ =	shalt  }
0x7c: {  	_ =	shalt  }
0x7d: {  	_ =	shalt  }
0x7e: {  	_ =	shalt  }
0x7f: {  	_ =	shalt  }
0x80: {  	_ =	shalt  }
0x81: {  	_ =	shalt  }
0x82: {  	_ =	shalt  }
0x83: {  	_ =	shalt  }
0x84: {  	_ =	shalt  }
0x85: {  	_ =	shalt  }
0x86: {  	_ =	shalt  }
0x87: {  	_ =	shalt  }
.Lfunc_end0:
.L_simem_size_0:
called_computation_lowered:
.L_overlay_start_0:
0x88: {  	s2 =	sld [smem:$0x3FD9]  }
0x89: {  	s3 =	sld [smem:$0x3FFE];
	_ =	sdelay $0x1  }
0x8a: {  	s1 =	srdreg.scid  }
0x8b: {  	s0 =	sand.u32 $0x1, s1  }
0x8c: {  	s17 =	sshll.u32 s0, $0xA;
	s2 =	sadd.s32 s3, s2  }
0x8d: {  	s2 =	sadd.s32 s2, s17  }
0x8e: {  	[smem:$0x3FC5] =	sst s2  }
0x8f: {  	_ = 	snop  }
0x90: {  	s2 =	sld [smem:$0x3FC8];
	(tm) =	ssettm $0x1  }
0x91: {  	s18 =	sld [smem:$0x3FFB];
	_ =	sdelay $0x3  }
0x92: {  	_ =	strace s18  }
0x93: {  	s3 =	sld [smem:$0x3FFC];
	_ =	sdelay $0x3  }
0x94: {  	_ =	strace s3  }
0x95: {  	s3 =	sld [smem:$0x3FFD];
	_ =	sdelay $0x3  }
0x96: {  	_ =	strace s3  }
0x97: {  	_ =	strace $0x8FFFFFFF  }
0x98: {  	s19 =	sld [smem:$0x3FDB];
	_ =	sdelay $0x1  }
0x99: {  	s4 =	simm.s32 $_scs_section_size  }
0x9a: {  	s5 =	simm.s32 $_size__tile_overlayer_lowered;
	s6 =	simm.s32 $_tile_overlayer_lowered  }
0x9b: {  	s22 =	simm.s32 $0x1BFF;
	s21 =	sshll.u32 s6, $0x1;
	s3 =	sadd.s32 s4, s19  }
0x9c: {  	s7 =	simm.s32 $0x0;
	s20 =	sshll.u32 s5, $0x1;
	s5 =	sadd.s32 s21, s3  }
0x9d: {  	[timem:s7], [sflag:s22] =	dma.local [hbm:s5], s20  }
0x9e: {  	_ =	swait.ge [sflag:s22], s20  }
0x9f: {  	s4 =	ssub.s32 $0x0, s20;
	[sflag:s22] =	ssyncset.done $0x0  }
0xa0: {  	[sflag:s22] =	ssyncadd.s32 s4;
	_ =	sdelay $0x1  }
0xa1: {  	s23 =	simm.s32 $0x1B8B  }
0xa2: {  	_ =	swait.ge [sflag:s23], $0x1  }
0xa3: {  	[sflag:s23] =	ssyncset.done $0x0  }
0xa4: {  	s25 =	simm.s32 $0x1B8E;
	s24 =	sld [smem:$0x3FFE];
	[sflag:s23] =	ssyncadd.s32 $0xFFFFFFFF  }
0xa5: {  	s26 =	simm.s32 $execute0_lowered;
	[smem:$0x3FD2] =	sst s25  }
0xa6: {  	s5 =	sshll.u32 s26, $0x1;
	_ =	strace $0x80000046;
	[dreg:$0x1] =	wrdreg $0xFFFFFFFF  }
0xa7: {  	s28 =	simm.s32 $_size_execute0_lowered;
	s3 =	sadd.s32 s3, s5;
	[dreg:$0x0] =	wrdreg $0x0  }
0xa8: {  	s5 =	sshll.u32 s28, $0x1;
	[dreg:$0x2] =	wrdreg s3  }
0xa9: {  	[dreg:$0x3] =	wrdreg s5  }
0xaa: {  	[dreg:$0x4] =	wrdreg $0xC0  }
0xab: {  	_ =	task [dreg:s7], $0x5FFFF  }
0xac: {  	[dreg:$0x1] =	wrdreg $0xFFFFFFFF  }
0xad: {  	[dreg:$0x0] =	wrdreg $0x60  }
0xae: {  	[dreg:$0x2] =	wrdreg s24  }
0xaf: {  	[dreg:$0x3] =	wrdreg s2  }
0xb0: {  	[dreg:$0x4] =	wrdreg $0x9  }
0xb1: {  	_ =	task.clear_ibuf [dreg:s7], $0x5FFFF;
	_ =	strace $0x90000046  }
0xb2: {  	s29 =	simm.s32 $0x9;
	_ =	strace $0x80000048  }
0xb3: {  	_ =	swait.ge [sflag:s29], $0x1  }
0xb4: {  	[sflag:s29] =	ssyncadd.s32 $0xFFFFFFFF  }
0xb5: {  	_ =	strace $0x90000048  }
0xb6: {  	_ =	sfence  }
0xb7: {  	s30 =	sld [smem:$0x0];
	_ =	sdelay $0x2  }
0xb8: {  	s31 =	sshll.u32 s1, $0xD;
	s1 =	sshrl.u32 s1, $0x2  }
0xb9: {  	s3 =	sand.u32 $0x4000, s31;
	s1 =	sadd.s32 s1, s30  }
0xba: {  	s0 =	sor.u32 s3, s0;
	s1 =	sshll.u32 s1, $0x11  }
0xbb: {  	s0 =	sor.u32 s1, s0  }
0xbc: {  	s0 =	sadd.s32 $0x8F2B, s0  }
0xbd: {  	[sflag:s0] =	ssyncadd.remote.s32 $0x1  }
0xbe: {  	_ =	sfence.sel $0xFFFF  }
0xbf: {  	[dreg:$0x0] =	wrdreg $0xFFFFFFFF;
	(pc) =	sbr.abs _section_cstart, $3  }
0xc0: {  	[dreg:$0x1] =	wrdreg $0xFFFFFFFF  }
0xc1: {  	_ =	task.clear_ibuf [dreg:s7], $0x2FFFF;
	_ =	strace $0x9FFFFFFF  }
0xc2: {  	(tm) =	ssettm $0x7FFFFFFF  }
0xc3: {  	_ =	shalt  }
tec
execute0_lowered:
.L_overlay_start_1:
0x0: {  	(tag) =	ssettag $0x1  }
0x1: {  	s1 =	srdreg.scid;
	s0 =	stileid.u32  }
0x2: {  	s9 =	rddreg [dreg:$0x0];
	s18 =	sand.u32 $0x1, s1;
	s31 =	sshll.u32 s0, $0x1  }
0x3: {  	s4 =	rddreg [dreg:$0x1];
	s2 =	simm.s32 $0x0;
	s10 =	sor.u32 s18, s31  }
0x4: {  	s3 =	sshrl.u32 s0, $0x2;
	[smem:$0x7FF] =	sst s2;
	s1 =	sshll.u32 s10, $0x7  }
0x5: {  	s6 =	sshll.u32 s3, $0xC;
	s3 =	sshll.u32 s3, $0xA;
	s5 =	sand.u32 $0x380, s1  }
0x6: {  	s1 =	rddreg [dreg:$0x2];
	_ =	strace $0x80000047;
	s6 =	sor.u32 s6, s5  }
0x7: {  	s7 =	sor.u32 s3, s5;
	s5 =	simm.s32 $0x80;
	s6 =	sshrl.u32 s6, $0x3  }
0x8: {  	s3 =	simm.s32 $0x2;
	s4 =	sadd.s32 s4, s6;
	s6 =	simm.s32 $0x400  }
0x9: {  	[tilespmem:s2], [sflag:$0x2] =	stream.strided.gather [hbm4b:s4+s5], $0x200, s6, s5, $0x38;
	[tilespmem:$0x700] =	vst v63  }
0xa: {  	s7 =	sshrl.u32 s7, $0x3;
	_ =	swait.ge [sflag:s3], $0x200  }
0xb: {  	s19 =	sadd.s32 s7, s9;
	[sflag:s3] =	ssyncset.done $0x0  }
0xc: {  	s8 =	simm.s32 $0x600;
	s7 =	sadd.s32 $0x1800400, s19;
	[sflag:s3] =	ssyncadd.s32 $0xFFFFFE00  }
0xd: {  	[tilespmem:s8], [sflag:$0x2] =	stream.linear.gather [hbm4b:s7+s2], $0x80, $0x38;
	[tilespmem:$0x700] =	vst v63  }
0xe: {  	_ =	swait.ge [sflag:s3], $0x80  }
0xf: {  	v11 =	vlaneseq.u32;
	[sflag:s3] =	ssyncset.done $0x0  }
0x10: {  	v0 =	vmul.u32 $0x1000, v11;
	[sflag:s3] =	ssyncadd.s32 $0xFFFFFF80  }
0x11: {  	v1 =	vld [tilespmem:$0x1F0]  }
0x12: {  	s10 =	sshll.u32 s10, $0x15;
	v4 =	vor.u32 $0x1F0000, v0;
	v2 =	vld [tilespmem:$0x1B0]  }
0x13: {  	v6 =	vor.u32 $0x1B0000, v0;
	v8 =	vor.u32 s10, v4  }
0x14: {  	v9 =	vor.u32 s10, v6;
	v6 =	vor.u32 $0x1E0000, v0;
	[tilespmem:$0x1FEC0] =	vst v8;
	v3 =	vld [tilespmem:$0x1E0]  }
0x15: {  	v10 =	vor.u32 s10, v6;
	[tilespmem:$0x1FED0] =	vst v9  }
0x16: {  	[tilespmem:$0x1FEE0] =	vst v10;
	v5 =	vld [tilespmem:$0x1D0];
	v1 =	vadd.s32 v1, v8  }
0x17: {  	v8 =	vor.u32 $0x1D0000, v0;
	v2 =	vadd.s32 v2, v9;
	[tilespmem:$0x3F0] =	vst v1  }
0x18: {  	v4 =	vld [tilespmem:$0x1C0];
	v9 =	vor.u32 s10, v8;
	[tilespmem:$0x3B0] =	vst v2  }
0x19: {  	v7 =	vld [tilespmem:$0x130];
	v1 =	vor.u32 $0x1C0000, v0;
	v2 =	vadd.s32 v3, v10;
	[tilespmem:$0x1FEF0] =	vst v9  }
0x1a: {  	v10 =	vor.u32 s10, v1;
	[tilespmem:$0x3E0] =	vst v2  }
0x1b: {  	v3 =	vor.u32 $0x130000, v0;
	v5 =	vadd.s32 v5, v9;
	[tilespmem:$0x1FF00] =	vst v10  }
0x1c: {  	v6 =	vld [tilespmem:$0x1A0];
	v9 =	vor.u32 s10, v3;
	[tilespmem:$0x3D0] =	vst v5  }
0x1d: {  	v2 =	vor.u32 $0x1A0000, v0;
	v4 =	vadd.s32 v4, v10;
	[tilespmem:$0x1FF10] =	vst v9  }
0x1e: {  	v8 =	vld [tilespmem:$0x190];
	v10 =	vor.u32 s10, v2;
	v2 =	vadd.s32 v7, v9;
	[tilespmem:$0x3C0] =	vst v4  }
0x1f: {  	v5 =	vor.u32 $0x190000, v0;
	[tilespmem:$0x330] =	vst v2  }
0x20: {  	v1 =	vld [tilespmem:$0x180];
	v9 =	vor.u32 s10, v5;
	[tilespmem:$0x1FF20] =	vst v10  }
0x21: {  	v4 =	vor.u32 $0x180000, v0;
	v5 =	vadd.s32 v6, v10;
	[tilespmem:$0x1FF30] =	vst v9  }
0x22: {  	v3 =	vld [tilespmem:$0x160];
	v10 =	vor.u32 s10, v4;
	[tilespmem:$0x3A0] =	vst v5  }
0x23: {  	v6 =	vor.u32 $0x160000, v0;
	v8 =	vadd.s32 v8, v9;
	[tilespmem:$0x1FF40] =	vst v10  }
0x24: {  	v7 =	vld [tilespmem:$0x150];
	v9 =	vor.u32 s10, v6;
	[tilespmem:$0x390] =	vst v8  }
0x25: {  	v5 =	vor.u32 $0x150000, v0;
	v1 =	vadd.s32 v1, v10;
	[tilespmem:$0x1FF50] =	vst v9  }
0x26: {  	v2 =	vld [tilespmem:$0x140];
	v10 =	vor.u32 s10, v5;
	[tilespmem:$0x380] =	vst v1  }
0x27: {  	v4 =	vld [tilespmem:$0xB0];
	v8 =	vor.u32 $0x140000, v0;
	v3 =	vadd.s32 v3, v9;
	[tilespmem:$0x1FF60] =	vst v10  }
0x28: {  	v9 =	vor.u32 s10, v8;
	[tilespmem:$0x360] =	vst v3  }
0x29: {  	v1 =	vor.u32 $0xB0000, v0;
	v7 =	vadd.s32 v7, v10;
	[tilespmem:$0x1FF70] =	vst v9  }
0x2a: {  	v6 =	vld [tilespmem:$0x120];
	v10 =	vor.u32 s10, v1;
	[tilespmem:$0x350] =	vst v7  }
0x2b: {  	v1 =	vor.u32 $0x120000, v0;
	v2 =	vadd.s32 v2, v9;
	[tilespmem:$0x1FF80] =	vst v10  }
0x2c: {  	v5 =	vld [tilespmem:$0x110];
	v9 =	vor.u32 s10, v1;
	v1 =	vadd.s32 v4, v10;
	[tilespmem:$0x340] =	vst v2  }
0x2d: {  	v7 =	vor.u32 $0x110000, v0;
	[tilespmem:$0x2B0] =	vst v1  }
0x2e: {  	v8 =	vld [tilespmem:$0x100];
	v10 =	vor.u32 s10, v7;
	[tilespmem:$0x1FF90] =	vst v9  }
0x2f: {  	v2 =	vor.u32 $0x100000, v0;
	v6 =	vadd.s32 v6, v9;
	[tilespmem:$0x1FFA0] =	vst v10  }
0x30: {  	v3 =	vld [tilespmem:$0xE0];
	v9 =	vor.u32 s10, v2;
	[tilespmem:$0x320] =	vst v6  }
0x31: {  	v7 =	vor.u32 $0xE0000, v0;
	v5 =	vadd.s32 v5, v10;
	[tilespmem:$0x1FFB0] =	vst v9  }
0x32: {  	v4 =	vld [tilespmem:$0xD0];
	v10 =	vor.u32 s10, v7;
	[tilespmem:$0x310] =	vst v5  }
0x33: {  	v6 =	vor.u32 $0xD0000, v0;
	v8 =	vadd.s32 v8, v9;
	[tilespmem:$0x1FFC0] =	vst v10  }
0x34: {  	v1 =	vld [tilespmem:$0xC0];
	v9 =	vor.u32 s10, v6;
	[tilespmem:$0x300] =	vst v8  }
0x35: {  	v2 =	vld [tilespmem:$0x30];
	v5 =	vor.u32 $0xC0000, v0;
	v3 =	vadd.s32 v3, v10;
	[tilespmem:$0x1FFD0] =	vst v9  }
0x36: {  	v7 =	vld [tilespmem:$0xA0];
	v10 =	vor.u32 s10, v5;
	[tilespmem:$0x2E0] =	vst v3  }
0x37: {  	v6 =	vld [tilespmem:$0x90];
	v8 =	vor.u32 $0x30000, v0;
	v4 =	vadd.s32 v4, v9;
	[tilespmem:$0x1FFE0] =	vst v10  }
0x38: {  	v5 =	vld [tilespmem:$0x80];
	v9 =	vor.u32 s10, v8;
	[tilespmem:$0x2D0] =	vst v4  }
0x39: {  	v3 =	vor.u32 $0xA0000, v0;
	v8 =	vld [tilespmem:$0x70];
	v1 =	vadd.s32 v1, v10;
	[tilespmem:$0x1FFF0] =	vst v9  }
0x3a: {  	v4 =	vor.u32 $0x90000, v0;
	v10 =	vor.u32 s10, v3;
	v2 =	vadd.s32 v2, v9;
	v3 =	vld [tilespmem:$0x60];
	[tilespmem:$0x2C0] =	vst v1  }
0x3b: {  	v1 =	vor.u32 $0x80000, v0;
	v9 =	vor.u32 s10, v4;
	[tilespmem:$0x230] =	vst v2;
	v2 =	vld [tilespmem:$0x50];
	v4 =	vadd.s32 v7, v10  }
0x3c: {  	v7 =	vor.u32 $0x70000, v0;
	v23 =	vor.u32 s10, v1;
	v1 =	vld [tilespmem:$0x40];
	v6 =	vadd.s32 v6, v9;
	[tilespmem:$0x2A0] =	vst v4  }
0x3d: {  	v4 =	vor.u32 $0x60000, v0;
	v24 =	vor.u32 s10, v7;
	v5 =	vadd.s32 v5, v23;
	[tilespmem:$0x290] =	vst v6;
	v6 =	vld [tilespmem:$0x170]  }
0x3e: {  	v7 =	vor.u32 $0x50000, v0;
	v25 =	vor.u32 s10, v4;
	v4 =	vld [tilespmem:$0x20];
	v8 =	vadd.s32 v8, v24;
	[tilespmem:$0x280] =	vst v5  }
0x3f: {  	v26 =	vor.u32 s10, v7;
	v7 =	vld [tilespmem:$0x10];
	v5 =	vor.u32 $0x40000, v0;
	v3 =	vadd.s32 v3, v25;
	[tilespmem:$0x270] =	vst v8  }
0x40: {  	v27 =	vor.u32 s10, v5;
	v5 =	vor.u32 $0x170000, v0;
	v2 =	vadd.s32 v2, v26;
	[tilespmem:$0x260] =	vst v3;
	v3 =	vld [tilespmem:$0xF0]  }
0x41: {  	v8 =	vor.u32 $0x20000, v0;
	v28 =	vor.u32 s10, v5;
	v5 =	vld [tilespmem:$0x0];
	v1 =	vadd.s32 v1, v27;
	[tilespmem:$0x250] =	vst v2  }
0x42: {  	v29 =	vor.u32 s10, v8;
	v2 =	vor.u32 $0x10000, v0;
	[tilespmem:$0x240] =	vst v1;
	v1 =	vadd.s32 v6, v28  }
0x43: {  	v30 =	vor.u32 s10, v2;
	v2 =	vor.u32 $0xF0000, v0;
	v4 =	vadd.s32 v4, v29;
	[tilespmem:$0x370] =	vst v1  }
0x44: {  	v31 =	vor.u32 s10, v2;
	v1 =	vadd.s32 v7, v30;
	[tilespmem:$0x220] =	vst v4  }
0x45: {  	v32 =	vor.u32 s10, v0;
	[tilespmem:$0x210] =	vst v1;
	v0 =	vadd.s32 v3, v31  }
0x46: {  	v1 =	vadd.s32 v5, v32;
	[tilespmem:$0x2F0] =	vst v0  }
0x47: {  	s9 =	sadd.s32 $0x1000400, s9;
	s10 =	simm.s32 $0x200;
	[tilespmem:$0x200] =	vst v1  }
0x48: {  	v0 =	vld [tilespmem:$0x600];
	[tilespmem:s6], [sflag:$0x1] =	stream.indirect.gather [hbm4b:s9+s5], $0x1, s10, s5, $0xb8  }
0x49: {  	s11 =	simm.s32 $0x280;
	s12 =	simm.s32 $0x480  }
0x4a: {  	[tilespmem:s12], [sflag:$0x1] =	stream.indirect.gather [hbm4b:s9+s5], $0x1, s11, s5, $0xb8;
	[tilespmem:$0x700] =	vst v63  }
0x4b: {  	s13 =	simm.s32 $0x300;
	s14 =	simm.s32 $0x500  }
0x4c: {  	[tilespmem:s14], [sflag:$0x1] =	stream.indirect.gather [hbm4b:s9+s5], $0x1, s13, s5, $0xb8;
	[tilespmem:$0x700] =	vst v63  }
0x4d: {  	s15 =	simm.s32 $0x380;
	s16 =	simm.s32 $0x580;
	s17 =	simm.s32 $0x1  }
0x4e: {  	[tilespmem:s16], [sflag:$0x1] =	stream.indirect.gather [hbm4b:s9+s5], $0x1, s15, s5, $0xb8;
	[tilespmem:$0x700] =	vst v63  }
0x4f: {  	_ =	swait.ge [sflag:s17], $0x80  }
0x50: {  	[sflag:s17] =	ssyncset.done $0x0  }
0x51: {  	[sflag:s17] =	ssyncadd.s32 $0xFFFFFF80  }
0x52: {  	_ =	swait.ge [sflag:s17], $0x80  }
0x53: {  	[sflag:s17] =	ssyncset.done $0x0  }
0x54: {  	[sflag:s17] =	ssyncadd.s32 $0xFFFFFF80  }
0x55: {  	_ =	swait.ge [sflag:s17], $0x80  }
0x56: {  	[sflag:s17] =	ssyncset.done $0x0  }
0x57: {  	[sflag:s17] =	ssyncadd.s32 $0xFFFFFF80  }
0x58: {  	_ =	swait.ge [sflag:s17], $0x80  }
0x59: {  	[sflag:s17] =	ssyncset.done $0x0  }
0x5a: {  	[sflag:s17] =	ssyncadd.s32 $0xFFFFFF80  }
0x5b: {  	v1 =	vld [tilespmem:$0x400];
	_ =	sdelay $0x1  }
0x5c: {  	v2 =	vld [tilespmem:$0x410];
	_ =	sdelay $0x1  }
0x5d: {  	v3 =	vld [tilespmem:$0x420]  }
0x5e: {  	v33 =	vor.u32 $0x10, v11;
	v1 =	vadd.f32 $0.0e+00, v1  }
0x5f: {  	vm0 =	vgt.s32 v0, v11;
	vm1 =	vgt.s32 v0, v33;
	v4 =	vld [tilespmem:$0x430]  }
0x60: {  	v34 =	vor.u32 $0x20, v11;
	v2 =	vnsel vm1, $0x0, v2;
	v1 =	vnsel vm0, $0x0, v1  }
0x61: {  	vm10 =	vgt.s32 v0, v34;
	v5 =	vld [tilespmem:$0x440];
	v1 =	vadd.f32 v2, v1  }
0x62: {  	v35 =	vor.u32 $0x30, v11;
	v2 =	vnsel vm10, $0x0, v3  }
0x63: {  	vm11 =	vgt.s32 v0, v35;
	v3 =	vld [tilespmem:$0x450];
	v1 =	vadd.f32 v2, v1  }
0x64: {  	v36 =	vor.u32 $0x40, v11;
	v2 =	vnsel vm11, $0x0, v4  }
0x65: {  	vm12 =	vgt.s32 v0, v36;
	v4 =	vld [tilespmem:$0x460];
	v1 =	vadd.f32 v2, v1  }
0x66: {  	v37 =	vor.u32 $0x50, v11;
	v2 =	vnsel vm12, $0x0, v5  }
0x67: {  	vm13 =	vgt.s32 v0, v37;
	v5 =	vld [tilespmem:$0x470];
	v1 =	vadd.f32 v2, v1  }
0x68: {  	v38 =	vor.u32 $0x60, v11;
	v2 =	vnsel vm13, $0x0, v3  }
0x69: {  	vm14 =	vgt.s32 v0, v38;
	v3 =	vld [tilespmem:$0x480];
	v1 =	vadd.f32 v2, v1  }
0x6a: {  	v39 =	vor.u32 $0x70, v11;
	v2 =	vnsel vm14, $0x0, v4  }
0x6b: {  	vm15 =	vgt.s32 v0, v39;
	v4 =	vld [tilespmem:$0x490];
	v1 =	vadd.f32 v2, v1  }
0x6c: {  	v40 =	vor.u32 $0x80, v11;
	v2 =	vnsel vm15, $0x0, v5  }
0x6d: {  	v41 =	vor.u32 $0x90, v11;
	vm4 =	vgt.s32 v0, v40;
	v5 =	vld [tilespmem:$0x4A0];
	v1 =	vadd.f32 v2, v1  }
0x6e: {  	v42 =	vor.u32 $0xA0, v11;
	v43 =	vor.u32 $0xB0, v11;
	v2 =	vnsel vm4, $0x0, v3  }
0x6f: {  	v44 =	vor.u32 $0xC0, v11;
	vm5 =	vgt.s32 v0, v41;
	v3 =	vld [tilespmem:$0x4B0];
	v1 =	vadd.f32 v2, v1  }
0x70: {  	v45 =	vor.u32 $0xD0, v11;
	v46 =	vor.u32 $0xE0, v11;
	v2 =	vnsel vm5, $0x0, v4  }
0x71: {  	v47 =	vor.u32 $0xF0, v11;
	vm6 =	vgt.s32 v0, v42;
	v4 =	vld [tilespmem:$0x4C0];
	v1 =	vadd.f32 v2, v1  }
0x72: {  	v48 =	vor.u32 $0x100, v11;
	v49 =	vor.u32 $0x110, v11;
	v6 =	vld [tilespmem:$0x510];
	v2 =	vnsel vm6, $0x0, v5  }
0x73: {  	v51 =	vor.u32 $0x120, v11;
	vm7 =	vgt.s32 v0, v43;
	v5 =	vld [tilespmem:$0x4D0];
	v1 =	vadd.f32 v2, v1  }
0x74: {  	v58 =	vor.u32 $0x130, v11;
	v60 =	vor.u32 $0x140, v11;
	v7 =	vld [tilespmem:$0x520];
	v2 =	vnsel vm7, $0x0, v3  }
0x75: {  	v63 =	vor.u32 $0x150, v11;
	vm8 =	vgt.s32 v0, v44;
	v3 =	vld [tilespmem:$0x4E0];
	v1 =	vadd.f32 v2, v1  }
0x76: {  	v61 =	vor.u32 $0x160, v11;
	v62 =	vor.u32 $0x170, v11;
	v22 =	vmovc v10;
	v10 =	vld [tilespmem:$0x530];
	v2 =	vnsel vm8, $0x0, v4  }
0x77: {  	v59 =	vor.u32 $0x180, v11;
	vm9 =	vgt.s32 v0, v45;
	v4 =	vld [tilespmem:$0x4F0];
	v1 =	vadd.f32 v2, v1  }
0x78: {  	v56 =	vor.u32 $0x190, v11;
	v57 =	vor.u32 $0x1A0, v11;
	v12 =	vld [tilespmem:$0x540];
	v5 =	vnsel vm9, $0x0, v5  }
0x79: {  	v55 =	vor.u32 $0x1B0, v11;
	vm10 =	vgt.s32 v0, v46;
	v2 =	vld [tilespmem:$0x500];
	v1 =	vadd.f32 v5, v1  }
0x7a: {  	v53 =	vor.u32 $0x1C0, v11;
	v54 =	vor.u32 $0x1D0, v11;
	v8 =	vld [tilespmem:$0x550];
	v3 =	vnsel vm10, $0x0, v3  }
0x7b: {  	v52 =	vor.u32 $0x1E0, v11;
	s18 =	ssub.s32 $0x2, s18;
	v21 =	vmovc v9;
	v9 =	vld [tilespmem:$0x560];
	vm11 =	vgt.s32 v0, v47;
	v1 =	vadd.f32 v3, v1  }
0x7c: {  	v50 =	vor.u32 $0x1F0, v11;
	s20 =	sshrl.u32 s18, $0x1;
	v11 =	vld [tilespmem:$0x5F0];
	vm15 =	vgt.s32 v0, v58;
	v3 =	vnsel vm11, $0x0, v4  }
0x7d: {  	s18 =	ssub.s32 s18, s20;
	vm12 =	vgt.s32 v0, v48;
	v13 =	vnsel vm15, $0x0, v10;
	v10 =	vld [tilespmem:$0x5E0];
	v1 =	vadd.f32 v3, v1  }
0x7e: {  	s20 =	smax.u32 s18, $0x1;
	vm13 =	vgt.s32 v0, v49;
	vm14 =	vgt.s32 v0, v51;
	v5 =	vld [tilespmem:$0x580];
	v2 =	vnsel vm12, $0x0, v2  }
0x7f: {  	p0 =	sne.s32 s20, $0x1;
	v4 =	vnsel vm13, $0x0, v6;
	v6 =	vnsel vm14, $0x0, v7;
	v7 =	vld [tilespmem:$0x5D0];
	v2 =	vadd.f32 v2, v1  }
.Ltmp0:
0x80: {  	v3 =	vld [tilespmem:$0x570];
	(pc) =	sbr.rel @!p0 .LBB2_2-.Ltmp0, $4  }
0x81: {  	v1 =	vld [tilespmem:$0x590];
	v4 =	vadd.f32 v4, v2  }
0x82: {  	v2 =	vld [tilespmem:$0x5A0]  }
0x83: {  	v14 =	vadd.f32 v6, v4;
	v4 =	vld [tilespmem:$0x5B0]  }
0x84: {  	s20 =	sadd.s32 $0xFFFFFFFF, s20;
	s18 =	sadd.s32 $0x1800600, s19;
	s19 =	simm.s32 $0x680;
	v6 =	vld [tilespmem:$0x5C0]  }
.LBB2_1:
0x85: {  	_ = 	snop  }
0x86: {  	vm0 =	vgt.s32 v0, v60;
	v13 =	vadd.f32 v13, v14  }
0x87: {  	v12 =	vnsel vm0, $0x0, v12  }
0x88: {  	vm10 =	vgt.s32 v0, v63;
	v12 =	vadd.f32 v12, v13  }
0x89: {  	v8 =	vnsel vm10, $0x0, v8  }
0x8a: {  	vm11 =	vgt.s32 v0, v61;
	v8 =	vadd.f32 v8, v12  }
0x8b: {  	v9 =	vnsel vm11, $0x0, v9  }
0x8c: {  	vm12 =	vgt.s32 v0, v62;
	v8 =	vadd.f32 v9, v8  }
0x8d: {  	v3 =	vnsel vm12, $0x0, v3  }
0x8e: {  	vm13 =	vgt.s32 v0, v59;
	v3 =	vadd.f32 v3, v8  }
0x8f: {  	v5 =	vnsel vm13, $0x0, v5  }
0x90: {  	vm14 =	vgt.s32 v0, v56;
	v3 =	vadd.f32 v5, v3  }
0x91: {  	v1 =	vnsel vm14, $0x0, v1  }
0x92: {  	vm15 =	vgt.s32 v0, v57;
	v1 =	vadd.f32 v1, v3  }
0x93: {  	v2 =	vnsel vm15, $0x0, v2  }
0x94: {  	vm4 =	vgt.s32 v0, v55;
	v1 =	vadd.f32 v2, v1  }
0x95: {  	v2 =	vnsel vm4, $0x0, v4  }
0x96: {  	vm5 =	vgt.s32 v0, v53;
	v1 =	vadd.f32 v2, v1  }
0x97: {  	v2 =	vnsel vm5, $0x0, v6  }
0x98: {  	vm6 =	vgt.s32 v0, v54;
	v1 =	vadd.f32 v2, v1  }
0x99: {  	v2 =	vnsel vm6, $0x0, v7  }
0x9a: {  	vm7 =	vgt.s32 v0, v52;
	v1 =	vadd.f32 v2, v1  }
0x9b: {  	v2 =	vnsel vm7, $0x0, v10  }
0x9c: {  	vm8 =	vgt.s32 v0, v50;
	v1 =	vadd.f32 v2, v1  }
0x9d: {  	v0 =	vnsel vm8, $0x0, v11  }
0x9e: {  	v0 =	vadd.f32 v0, v1;
	_ =	sdelay $0x1  }
0x9f: {  	[tilespmem:$0x680] =	vst v0  }
0xa0: {  	[hbm4b:s18+s2] =	stream.linear.scatter [tilespmem:s19], [sflag:$0x2], $0x80, $0x38;
	[tilespmem:$0x700] =	vst v63  }
0xa1: {  	_ =	swait.ge [sflag:s3], $0x80  }
0xa2: {  	[sflag:s3] =	ssyncset.done $0x0  }
0xa3: {  	[sflag:s3] =	ssyncadd.s32 $0xFFFFFF80  }
0xa4: {  	[tilespmem:s2], [sflag:$0x2] =	stream.strided.gather [hbm4b:s4+s5], $0x200, s6, s5, $0x38;
	[tilespmem:$0x700] =	vst v63  }
0xa5: {  	_ =	swait.ge [sflag:s3], $0x200  }
0xa6: {  	[sflag:s3] =	ssyncset.done $0x0  }
0xa7: {  	[sflag:s3] =	ssyncadd.s32 $0xFFFFFE00  }
0xa8: {  	[tilespmem:s8], [sflag:$0x2] =	stream.linear.gather [hbm4b:s7+s2], $0x80, $0x38;
	[tilespmem:$0x700] =	vst v63  }
0xa9: {  	_ =	swait.ge [sflag:s3], $0x80  }
0xaa: {  	[sflag:s3] =	ssyncset.done $0x0  }
0xab: {  	v7 =	vld [tilespmem:$0x1FED0];
	[sflag:s3] =	ssyncadd.s32 $0xFFFFFF80  }
0xac: {  	v1 =	vld [tilespmem:$0x1B0];
	_ =	sdelay $0x3  }
0xad: {  	v3 =	vld [tilespmem:$0x1D0]  }
0xae: {  	v1 =	vadd.s32 v1, v7;
	v7 =	vld [tilespmem:$0x1FEF0]  }
0xaf: {  	v6 =	vld [tilespmem:$0x1FEC0]  }
0xb0: {  	v0 =	vld [tilespmem:$0x1F0];
	_ =	sdelay $0x1  }
0xb1: {  	v4 =	vld [tilespmem:$0x1C0]  }
0xb2: {  	v3 =	vadd.s32 v3, v7;
	v7 =	vld [tilespmem:$0x1FF00];
	_ =	sdelay $0x1  }
0xb3: {  	v2 =	vld [tilespmem:$0x1E0];
	v0 =	vadd.s32 v0, v6  }
0xb4: {  	[tilespmem:$0x3F0] =	vst v0;
	v0 =	vld [tilespmem:$0x190]  }
0xb5: {  	[tilespmem:$0x3B0] =	vst v1;
	v1 =	vld [tilespmem:$0x1FEE0]  }
0xb6: {  	v4 =	vadd.s32 v4, v7;
	v7 =	vld [tilespmem:$0x1FF30];
	_ =	sdelay $0x3  }
0xb7: {  	v1 =	vadd.s32 v2, v1;
	v2 =	vld [tilespmem:$0x180]  }
0xb8: {  	v0 =	vadd.s32 v0, v7;
	v7 =	vld [tilespmem:$0x1FF40];
	_ =	sdelay $0x1  }
0xb9: {  	v5 =	vld [tilespmem:$0x130]  }
0xba: {  	[tilespmem:$0x3D0] =	vst v3;
	v3 =	vld [tilespmem:$0x1FF10]  }
0xbb: {  	[tilespmem:$0x3E0] =	vst v1;
	v1 =	vld [tilespmem:$0x160]  }
0xbc: {  	v2 =	vadd.s32 v2, v7;
	v7 =	vld [tilespmem:$0x1FF50];
	_ =	sdelay $0x3  }
0xbd: {  	v3 =	vadd.s32 v5, v3;
	v5 =	vld [tilespmem:$0x150]  }
0xbe: {  	v1 =	vadd.s32 v1, v7;
	v7 =	vld [tilespmem:$0x1FF60];
	_ =	sdelay $0x3  }
0xbf: {  	[tilespmem:$0x330] =	vst v3;
	v3 =	vld [tilespmem:$0x140]  }
0xc0: {  	v5 =	vadd.s32 v5, v7;
	v7 =	vld [tilespmem:$0x1FF70];
	_ =	sdelay $0x3  }
0xc1: {  	[tilespmem:$0x390] =	vst v0;
	v0 =	vld [tilespmem:$0x110]  }
0xc2: {  	v3 =	vadd.s32 v3, v7;
	v7 =	vld [tilespmem:$0x1FFA0]  }
0xc3: {  	v6 =	vld [tilespmem:$0x1A0]  }
0xc4: {  	[tilespmem:$0x3C0] =	vst v4;
	v4 =	vld [tilespmem:$0x1FF20];
	_ =	sdelay $0x1  }
0xc5: {  	[tilespmem:$0x380] =	vst v2;
	v2 =	vld [tilespmem:$0x100]  }
0xc6: {  	v0 =	vadd.s32 v0, v7;
	v7 =	vld [tilespmem:$0x1FFB0];
	_ =	sdelay $0x1  }
0xc7: {  	v4 =	vadd.s32 v6, v4;
	v6 =	vld [tilespmem:$0xB0]  }
0xc8: {  	[tilespmem:$0x350] =	vst v5;
	v5 =	vld [tilespmem:$0x1FF80]  }
0xc9: {  	[tilespmem:$0x360] =	vst v1;
	v1 =	vld [tilespmem:$0xE0]  }
0xca: {  	v2 =	vadd.s32 v2, v7;
	v7 =	vld [tilespmem:$0x1FFC0];
	_ =	sdelay $0x1  }
0xcb: {  	[tilespmem:$0x3A0] =	vst v4;
	v4 =	vld [tilespmem:$0x120]  }
0xcc: {  	v5 =	vadd.s32 v6, v5;
	v6 =	vld [tilespmem:$0xD0]  }
0xcd: {  	[tilespmem:$0x2B0] =	vst v5;
	v5 =	vld [tilespmem:$0x1FF90]  }
0xce: {  	v1 =	vadd.s32 v1, v7;
	v7 =	vld [tilespmem:$0x1FFD0];
	_ =	sdelay $0x1  }
0xcf: {  	[tilespmem:$0x340] =	vst v3;
	v3 =	vld [tilespmem:$0xC0]  }
0xd0: {  	[tilespmem:$0x310] =	vst v0;
	v0 =	vld [tilespmem:$0x90]  }
0xd1: {  	v4 =	vadd.s32 v4, v5;
	v5 =	vld [tilespmem:$0x30]  }
0xd2: {  	v6 =	vadd.s32 v6, v7;
	v7 =	vld [tilespmem:$0x1FFE0]  }
0xd3: {  	[tilespmem:$0x2D0] =	vst v6;
	v6 =	vld [tilespmem:$0x1FFF0]  }
0xd4: {  	[tilespmem:$0x300] =	vst v2;
	v2 =	vld [tilespmem:$0x80]  }
0xd5: {  	[tilespmem:$0x320] =	vst v4;
	v4 =	vld [tilespmem:$0xA0];
	v0 =	vadd.s32 v0, v21  }
0xd6: {  	[tilespmem:$0x290] =	vst v0;
	v0 =	vld [tilespmem:$0x170]  }
0xd7: {  	[tilespmem:$0x2E0] =	vst v1;
	v1 =	vld [tilespmem:$0x70]  }
0xd8: {  	v3 =	vadd.s32 v3, v7;
	v5 =	vadd.s32 v5, v6;
	v6 =	vld [tilespmem:$0x60]  }
0xd9: {  	v2 =	vadd.s32 v2, v23;
	[tilespmem:$0x2C0] =	vst v3;
	v3 =	vld [tilespmem:$0x50]  }
0xda: {  	v4 =	vadd.s32 v4, v22;
	[tilespmem:$0x280] =	vst v2;
	v2 =	vld [tilespmem:$0x10]  }
0xdb: {  	[tilespmem:$0x2A0] =	vst v4  }
0xdc: {  	v0 =	vadd.s32 v0, v28;
	[tilespmem:$0x230] =	vst v5;
	v5 =	vld [tilespmem:$0x40]  }
0xdd: {  	v4 =	vld [tilespmem:$0x20];
	[tilespmem:$0x370] =	vst v0;
	v1 =	vadd.s32 v1, v24  }
0xde: {  	[tilespmem:$0x270] =	vst v1;
	v6 =	vadd.s32 v6, v25;
	v1 =	vadd.s32 v3, v26;
	v3 =	vld [tilespmem:$0xF0]  }
0xdf: {  	v0 =	vadd.s32 v2, v30;
	[tilespmem:$0x260] =	vst v6;
	v6 =	vld [tilespmem:$0x0]  }
0xe0: {  	[tilespmem:$0x210] =	vst v0  }
0xe1: {  	v5 =	vadd.s32 v5, v27;
	[tilespmem:$0x250] =	vst v1  }
0xe2: {  	v1 =	vadd.s32 v4, v29;
	[tilespmem:$0x240] =	vst v5  }
0xe3: {  	[tilespmem:$0x220] =	vst v1;
	v0 =	vadd.s32 v3, v31  }
0xe4: {  	v1 =	vadd.s32 v6, v32;
	[tilespmem:$0x2F0] =	vst v0  }
0xe5: {  	[tilespmem:$0x200] =	vst v1  }
0xe6: {  	v0 =	vld [tilespmem:$0x600];
	[tilespmem:s6], [sflag:$0x1] =	stream.indirect.gather [hbm4b:s9+s5], $0x1, s10, s5, $0xb8  }
0xe7: {  	_ = 	snop  }
0xe8: {  	[tilespmem:s12], [sflag:$0x1] =	stream.indirect.gather [hbm4b:s9+s5], $0x1, s11, s5, $0xb8;
	[tilespmem:$0x700] =	vst v63  }
0xe9: {  	_ = 	snop  }
0xea: {  	[tilespmem:s14], [sflag:$0x1] =	stream.indirect.gather [hbm4b:s9+s5], $0x1, s13, s5, $0xb8;
	[tilespmem:$0x700] =	vst v63  }
0xeb: {  	_ = 	snop  }
0xec: {  	[tilespmem:s16], [sflag:$0x1] =	stream.indirect.gather [hbm4b:s9+s5], $0x1, s15, s5, $0xb8;
	[tilespmem:$0x700] =	vst v63  }
0xed: {  	_ =	swait.ge [sflag:s17], $0x80  }
0xee: {  	[sflag:s17] =	ssyncset.done $0x0  }
0xef: {  	[sflag:s17] =	ssyncadd.s32 $0xFFFFFF80  }
0xf0: {  	_ =	swait.ge [sflag:s17], $0x80  }
0xf1: {  	[sflag:s17] =	ssyncset.done $0x0  }
0xf2: {  	[sflag:s17] =	ssyncadd.s32 $0xFFFFFF80  }
0xf3: {  	_ =	swait.ge [sflag:s17], $0x80  }
0xf4: {  	[sflag:s17] =	ssyncset.done $0x0  }
0xf5: {  	[sflag:s17] =	ssyncadd.s32 $0xFFFFFF80  }
0xf6: {  	_ =	swait.ge [sflag:s17], $0x80  }
0xf7: {  	[sflag:s17] =	ssyncset.done $0x0  }
0xf8: {  	[sflag:s17] =	ssyncadd.s32 $0xFFFFFF80  }
0xf9: {  	v1 =	vld [tilespmem:$0x400];
	_ =	sdelay $0x1  }
0xfa: {  	v2 =	vld [tilespmem:$0x410];
	_ =	sdelay $0x1  }
0xfb: {  	v3 =	vld [tilespmem:$0x420]  }
0xfc: {  	v7 =	vlaneseq.u32;
	v1 =	vadd.f32 $0.0e+00, v1  }
0xfd: {  	vm9 =	vgt.s32 v0, v7;
	vm1 =	vgt.s32 v0, v33;
	v4 =	vld [tilespmem:$0x430]  }
0xfe: {  	v2 =	vnsel vm1, $0x0, v2;
	v1 =	vnsel vm9, $0x0, v1  }
0xff: {  	vm10 =	vgt.s32 v0, v34;
	v5 =	vld [tilespmem:$0x440];
	v1 =	vadd.f32 v2, v1  }
0x100: {  	v3 =	vnsel vm10, $0x0, v3  }
0x101: {  	vm11 =	vgt.s32 v0, v35;
	v6 =	vld [tilespmem:$0x450];
	v1 =	vadd.f32 v3, v1  }
0x102: {  	v3 =	vnsel vm11, $0x0, v4  }
0x103: {  	vm12 =	vgt.s32 v0, v36;
	v7 =	vld [tilespmem:$0x460];
	v1 =	vadd.f32 v3, v1  }
0x104: {  	v3 =	vnsel vm12, $0x0, v5  }
0x105: {  	vm13 =	vgt.s32 v0, v37;
	v8 =	vld [tilespmem:$0x470];
	v1 =	vadd.f32 v3, v1  }
0x106: {  	v3 =	vnsel vm13, $0x0, v6  }
0x107: {  	vm14 =	vgt.s32 v0, v38;
	v2 =	vld [tilespmem:$0x480];
	v1 =	vadd.f32 v3, v1  }
0x108: {  	v3 =	vnsel vm14, $0x0, v7  }
0x109: {  	vm15 =	vgt.s32 v0, v39;
	v10 =	vld [tilespmem:$0x490];
	v1 =	vadd.f32 v3, v1  }
0x10a: {  	v3 =	vnsel vm15, $0x0, v8  }
0x10b: {  	vm4 =	vgt.s32 v0, v40;
	v11 =	vld [tilespmem:$0x4A0];
	v1 =	vadd.f32 v3, v1  }
0x10c: {  	v2 =	vnsel vm4, $0x0, v2  }
0x10d: {  	vm5 =	vgt.s32 v0, v41;
	v4 =	vld [tilespmem:$0x4B0];
	v1 =	vadd.f32 v2, v1  }
0x10e: {  	v14 =	vld [tilespmem:$0x4C0];
	v2 =	vnsel vm5, $0x0, v10  }
0x10f: {  	vm7 =	vgt.s32 v0, v42;
	v15 =	vld [tilespmem:$0x4D0];
	v2 =	vadd.f32 v2, v1  }
0x110: {  	v16 =	vld [tilespmem:$0x4E0];
	v6 =	vnsel vm7, $0x0, v11  }
0x111: {  	vm8 =	vgt.s32 v0, v43;
	v17 =	vld [tilespmem:$0x4F0];
	v6 =	vadd.f32 v6, v2  }
0x112: {  	v18 =	vld [tilespmem:$0x500];
	v7 =	vnsel vm8, $0x0, v4  }
0x113: {  	v19 =	vld [tilespmem:$0x510];
	vm9 =	vgt.s32 v0, v44;
	v10 =	vadd.f32 v7, v6  }
0x114: {  	v5 =	vld [tilespmem:$0x530];
	v11 =	vnsel vm9, $0x0, v14  }
0x115: {  	v20 =	vld [tilespmem:$0x520];
	vm10 =	vgt.s32 v0, v45;
	v14 =	vadd.f32 v11, v10  }
0x116: {  	v12 =	vld [tilespmem:$0x540];
	v15 =	vnsel vm10, $0x0, v15  }
0x117: {  	v9 =	vld [tilespmem:$0x560];
	vm11 =	vgt.s32 v0, v46;
	v14 =	vadd.f32 v15, v14  }
0x118: {  	vm6 =	vgt.s32 v0, v58;
	v4 =	vld [tilespmem:$0x5B0];
	v15 =	vnsel vm11, $0x0, v16  }
0x119: {  	vm12 =	vgt.s32 v0, v47;
	v13 =	vnsel vm6, $0x0, v5;
	v5 =	vld [tilespmem:$0x580];
	v14 =	vadd.f32 v15, v14  }
0x11a: {  	v8 =	vld [tilespmem:$0x550];
	v15 =	vnsel vm12, $0x0, v17  }
0x11b: {  	vm13 =	vgt.s32 v0, v48;
	v3 =	vld [tilespmem:$0x570];
	v14 =	vadd.f32 v15, v14  }
0x11c: {  	p0 =	sne.s32 s20, $0x1;
	v1 =	vld [tilespmem:$0x590];
	v15 =	vnsel vm13, $0x0, v18  }
.Ltmp1:
0x11d: {  	vm14 =	vgt.s32 v0, v49;
	v2 =	vld [tilespmem:$0x5A0];
	v14 =	vadd.f32 v15, v14;
	(pc) =	sbr.rel @p0 .LBB2_1-.Ltmp1, $4  }
0x11e: {  	v6 =	vld [tilespmem:$0x5C0];
	v15 =	vnsel vm14, $0x0, v19  }
0x11f: {  	vm15 =	vgt.s32 v0, v51;
	v7 =	vld [tilespmem:$0x5D0];
	v14 =	vadd.f32 v15, v14  }
0x120: {  	v10 =	vld [tilespmem:$0x5E0];
	v15 =	vnsel vm15, $0x0, v20  }
0x121: {  	s20 =	sadd.s32 $0xFFFFFFFF, s20;
	v11 =	vld [tilespmem:$0x5F0];
	v14 =	vadd.f32 v15, v14  }
.LBB2_2:
0x122: {  	_ = 	snop  }
0x123: {  	vm0 =	vgt.s32 v0, v60;
	v13 =	vadd.f32 v13, v14  }
0x124: {  	v12 =	vnsel vm0, $0x0, v12  }
0x125: {  	vm5 =	vgt.s32 v0, v63;
	v12 =	vadd.f32 v12, v13  }
0x126: {  	v8 =	vnsel vm5, $0x0, v8  }
0x127: {  	vm6 =	vgt.s32 v0, v61;
	v8 =	vadd.f32 v8, v12  }
0x128: {  	v9 =	vnsel vm6, $0x0, v9  }
0x129: {  	vm7 =	vgt.s32 v0, v62;
	v8 =	vadd.f32 v9, v8  }
0x12a: {  	v3 =	vnsel vm7, $0x0, v3  }
0x12b: {  	vm8 =	vgt.s32 v0, v59;
	v3 =	vadd.f32 v3, v8  }
0x12c: {  	v5 =	vnsel vm8, $0x0, v5  }
0x12d: {  	vm9 =	vgt.s32 v0, v56;
	v3 =	vadd.f32 v5, v3  }
0x12e: {  	v1 =	vnsel vm9, $0x0, v1  }
0x12f: {  	vm10 =	vgt.s32 v0, v57;
	v1 =	vadd.f32 v1, v3  }
0x130: {  	v2 =	vnsel vm10, $0x0, v2  }
0x131: {  	vm11 =	vgt.s32 v0, v55;
	v1 =	vadd.f32 v2, v1  }
0x132: {  	v60 =	vnsel vm11, $0x0, v4  }
0x133: {  	vm12 =	vgt.s32 v0, v53;
	v1 =	vadd.f32 v60, v1  }
0x134: {  	v61 =	vnsel vm12, $0x0, v6  }
0x135: {  	vm13 =	vgt.s32 v0, v54;
	v1 =	vadd.f32 v61, v1  }
0x136: {  	v62 =	vnsel vm13, $0x0, v7  }
0x137: {  	vm14 =	vgt.s32 v0, v52;
	v1 =	vadd.f32 v62, v1  }
0x138: {  	v63 =	vnsel vm14, $0x0, v10  }
0x139: {  	vm15 =	vgt.s32 v0, v50;
	v1 =	vadd.f32 v63, v1  }
0x13a: {  	v0 =	vnsel vm15, $0x0, v11  }
0x13b: {  	v0 =	vadd.f32 v0, v1;
	_ =	sdelay $0x1  }
0x13c: {  	[tilespmem:$0x680] =	vst v0  }
0x13d: {  	[hbm4b:s18+s2] =	stream.linear.scatter [tilespmem:s19], [sflag:$0x2], $0x80, $0x38;
	[tilespmem:$0x700] =	vst v63  }
0x13e: {  	_ =	swait.ge [sflag:s3], $0x80  }
0x13f: {  	[sflag:s3] =	ssyncset.done $0x0  }
0x140: {  	[sflag:s3] =	ssyncadd.s32 $0xFFFFFF80  }
0x141: {  	_ =	sfence.sel $0x180000  }
0x142: {  	[bflag:$0x0] =	sbarrier.arrive $0xFFFF  }
0x143: {  	p0 =	sne.s32 s0, $0x0;
	_ =	strace $0x90000047  }
0x144: {  	s0 =	sadd.s32 @!p0 $0x100000, s1;
	[bflag:$0x2] =	sbarrier.arrive $0xFFFF  }
0x145: {  	[sflag:s0] =	ssyncadd.tile.s32 @!p0 $0x1;
	_ =	shalt  }
.Lfunc_end2:
_tile_overlayer_lowered:
.L_overlay_start_2:
0x146: {  	(tag) =	ssettag $0x2  }
0x147: {  	s0 =	rddreg [dreg:$0x0];
	s2 =	stileid.u32  }
0x148: {  	s1 =	rddreg [dreg:$0x1];
	p0 =	sne.s32 s2, $0x0  }
0x149: {  	s3 =	rddreg [dreg:$0x2];
	[bflag:$0x3] =	sbarrier.arrive $0xFFFF;
	s2 =	simm.s32 @!p0 $0x1C02  }
0x14a: {  	[timem:s3], [sflag:s2] =	dma.local @!p0 [hbm:s0], s1  }
0x14b: {  	s0 =	simm.s32 @!p0 $0x2  }
0x14c: {  	_ =	swait.ge @!p0 [sflag:s0], s1  }
0x14d: {  	s1 =	ssub.s32 @!p0 $0x0, s1;
	[sflag:s0] =	ssyncset.done @!p0 $0x0  }
0x14e: {  	[sflag:s0] =	ssyncadd.s32 @!p0 s1  }
0x14f: {  	[bflag:$0x3] =	sbarrier.arrive $0xFFFF  }
0x150: {  	_ =	shalt  }

</sc_bundles>
